<compile_context>
chip_gen: v7x
topology: tpu7x:2x2x1
jax: 0.10.2.dev20260603
libtpu: 0.0.44.dev20260713+nightly
codegen_flags: <defaults>
</compile_context>

<pallas_src>
import functools

import jax
import jax.numpy as jnp
from jax import lax
from jax.experimental import pallas as pl
from jax.experimental.pallas import tpu as pltpu
from jax.experimental.pallas import tpu_sc as plsc

N = 10000
E = 320000
D = 128
L = 16
PK = 8
NP = N // PK
EP = E // PK
EBLK = 4000
NC = 2
NS = 16
NW = NC * NS
EPW = E // NW
CH = 80
NCHUNK = EPW // CH
NPAD = 10240
NPS = NPAD // NS

_f32 = jnp.float32


def _bd(w):
    return jnp.kron(jnp.eye(PK, dtype=w.dtype), w)


def _bt(b):
    return jnp.tile(b, PK)[None, :]



def _enc_node_body(x_ref, w1_ref, b1_ref, w2_ref, b2_ref, wa_ref, wb_ref,
                   hn_ref, a_ref, b_ref):
    h = jnp.maximum(jnp.dot(x_ref[...], w1_ref[...],
                            preferred_element_type=_f32) + b1_ref[...], 0.0)
    hn = jnp.dot(h, w2_ref[...], preferred_element_type=_f32) + b2_ref[...]
    hn_ref[...] = hn
    a_ref[...] = jnp.dot(hn, wa_ref[...], preferred_element_type=_f32)
    b_ref[...] = jnp.dot(hn, wb_ref[...], preferred_element_type=_f32)


def _enc_edge_step_body(x_ref, g_ref, we1_ref, be1_ref, we2_ref, be2_ref,
                        w1e_ref, b1_ref, w2_ref, b2_ref, ne_ref, heo_ref):
    xp = jnp.concatenate(
        [x_ref[:, q * EBLK:(q + 1) * EBLK].T for q in range(PK)], axis=1)
    h0 = jnp.maximum(jnp.dot(xp, we1_ref[...],
                             preferred_element_type=_f32) + be1_ref[...], 0.0)
    he = jnp.dot(h0, we2_ref[...], preferred_element_type=_f32) + be2_ref[...]
    h = jnp.maximum(
        g_ref[...]
        + jnp.dot(he, w1e_ref[...], preferred_element_type=_f32)
        + b1_ref[...], 0.0)
    ne = jnp.dot(h, w2_ref[...], preferred_element_type=_f32) + b2_ref[...]
    ne_ref[...] = ne
    heo_ref[...] = he + ne


def _edge_last_body(g_ref, he_ref, w1e_ref, b1_ref, w2_ref, b2_ref, ne_ref):
    h = jnp.maximum(
        g_ref[...]
        + jnp.dot(he_ref[...], w1e_ref[...], preferred_element_type=_f32)
        + b1_ref[...], 0.0)
    ne_ref[...] = jnp.dot(h, w2_ref[...], preferred_element_type=_f32) \
        + b2_ref[...]


def _node_step_body(hn_ref, s_ref, r_ref, w1n_ref, w1s_ref, w1r_ref, b1_ref,
                    w2_ref, b2_ref, wa_ref, wb_ref,
                    hno_ref, a_ref, b_ref):
    aggs = s_ref[0, :NP] + s_ref[1, :NP]
    aggr = r_ref[0, :NP] + r_ref[1, :NP]
    h = jnp.maximum(
        jnp.dot(hn_ref[...], w1n_ref[...], preferred_element_type=_f32)
        + jnp.dot(aggs, w1s_ref[...], preferred_element_type=_f32)
        + jnp.dot(aggr, w1r_ref[...], preferred_element_type=_f32)
        + b1_ref[...], 0.0)
    hn1 = hn_ref[...] + jnp.dot(h, w2_ref[...],
                                preferred_element_type=_f32) + b2_ref[...]
    hno_ref[...] = hn1
    a_ref[...] = jnp.dot(hn1, wa_ref[...], preferred_element_type=_f32)
    b_ref[...] = jnp.dot(hn1, wb_ref[...], preferred_element_type=_f32)


def _node_dec_body(hn_ref, s_ref, r_ref, w1n_ref, w1s_ref, w1r_ref, b1_ref,
                   w2_ref, b2_ref, wd1_ref, bd1_ref, wd2_ref, bd2_ref,
                   aux_ref, out_ref):
    aggs = s_ref[0, :NP] + s_ref[1, :NP]
    aggr = r_ref[0, :NP] + r_ref[1, :NP]
    h = jnp.maximum(
        jnp.dot(hn_ref[...], w1n_ref[...], preferred_element_type=_f32)
        + jnp.dot(aggs, w1s_ref[...], preferred_element_type=_f32)
        + jnp.dot(aggr, w1r_ref[...], preferred_element_type=_f32)
        + b1_ref[...], 0.0)
    hn2 = hn_ref[...] + jnp.dot(h, w2_ref[...],
                                preferred_element_type=_f32) + b2_ref[...]
    hd = jnp.maximum(jnp.dot(hn2, wd1_ref[...],
                             preferred_element_type=_f32) + bd1_ref[...], 0.0)
    out_ref[...] = jnp.dot(hd, wd2_ref[...], preferred_element_type=_f32) \
        + bd2_ref[...] + aux_ref[...]


def _full(shape):
    return pl.BlockSpec(shape, lambda: tuple(0 for _ in shape))


def _single(body, out_shapes, args):
    return pl.pallas_call(
        body,
        grid=(),
        in_specs=[_full(a.shape) for a in args],
        out_specs=[_full(s.shape) for s in out_shapes],
        out_shape=out_shapes,
    )(*args)


def _edge_grid(body, n_out, rows_args, wb_args, first_spec=None):
    row = pl.BlockSpec((EBLK, 128), lambda i: (i, 0))
    row_specs = [row] * len(rows_args)
    if first_spec is not None:
        row_specs[0] = first_spec

    def wb_spec(a):
        return pl.BlockSpec(a.shape, lambda i: tuple(0 for _ in a.shape))

    out_shape = [jax.ShapeDtypeStruct((EP, 128), _f32)] * n_out
    return pl.pallas_call(
        body,
        grid=(EP // EBLK,),
        in_specs=row_specs + [wb_spec(a) for a in wb_args],
        out_specs=[row] * n_out,
        out_shape=out_shape,
        compiler_params=pltpu.CompilerParams(
            dimension_semantics=("parallel",)),
    )(*rows_args, *wb_args)



NTS = N // NS


def _sc_gather(a, b, s2, r2):
    mesh = plsc.VectorSubcoreMesh(core_axis_name="c", subcore_axis_name="s")

    @functools.partial(
        pl.kernel,
        out_type=jax.ShapeDtypeStruct((EP, 128), _f32),
        mesh=mesh,
        scratch_types=[
            pltpu.VMEM((NCHUNK, CH), jnp.int32),
            pltpu.VMEM((NCHUNK, CH), jnp.int32),
            pltpu.VMEM((CH, 16), _f32),
            pltpu.VMEM((CH, 16), _f32),
            pltpu.VMEM((CH, 16), _f32),
            pltpu.VMEM((CH, 16), _f32),
            pltpu.VMEM((CH // PK, 128), _f32),
            pltpu.VMEM_SHARED((N, 16), _f32),
            pltpu.VMEM_SHARED((N, 16), _f32),
            pltpu.SemaphoreType.DMA,
            pltpu.SemaphoreType.DMA,
            pltpu.SemaphoreType.DMA,
            pltpu.SemaphoreType.DMA,
        ],
        compiler_params=pltpu.CompilerParams(use_tc_tiling_on_sc=False),
    )
    def k(a_hbm, b_hbm, s_hbm, r_hbm, g_hbm, sidx, ridx,
          ra0, rb0, ra1, rb1, ro, a_sp, b_sp, sa0, sb0, sa1, sb1):
        sid = lax.axis_index("s")
        wid = sid * NC + lax.axis_index("c")
        pltpu.sync_copy(a_hbm.at[pl.ds(sid * NTS, NTS)],
                        a_sp.at[pl.ds(sid * NTS, NTS)])
        pltpu.sync_copy(b_hbm.at[pl.ds(sid * NTS, NTS)],
                        b_sp.at[pl.ds(sid * NTS, NTS)])
        pltpu.sync_copy(s_hbm.at[wid], sidx)
        pltpu.sync_copy(r_hbm.at[wid], ridx)
        plsc.subcore_barrier()
        pbase = wid * (EPW // PK)
        cp = CH // PK
        slots = ((ra0, rb0, sa0, sb0), (ra1, rb1, sa1, sb1))

        def issue(j, slot):
            ra, rb, sa, sb = slot
            pltpu.async_copy(a_sp.at[sidx.at[j]], ra, sa)
            pltpu.async_copy(b_sp.at[ridx.at[j]], rb, sb)

        def drain_store(j, slot):
            ra, rb, sa, sb = slot
            pltpu.make_async_copy(a_sp.at[sidx.at[j]], ra, sa).wait()
            pltpu.make_async_copy(b_sp.at[ridx.at[j]], rb, sb).wait()

            @pl.loop(0, cp)
            def _(i2):
                for kk in range(PK):
                    ro[i2, pl.ds(16 * kk, 16)] = (
                        ra[i2 * PK + kk, :] + rb[i2 * PK + kk, :])

            pltpu.sync_copy(ro, g_hbm.at[pl.ds(pbase + j * cp, cp)])

        issue(0, slots[0])

        @pl.loop(0, (NCHUNK - 1) // 2)
        def _(t):
            issue(2 * t + 1, slots[1])
            drain_store(2 * t, slots[0])
            issue(2 * t + 2, slots[0])
            drain_store(2 * t + 1, slots[1])

        drain_store(NCHUNK - 1, slots[0])

    return k(a, b, s2, r2)


def _sc_scatter(ne, s2, r2):
    mesh = plsc.VectorSubcoreMesh(core_axis_name="c", subcore_axis_name="s")

    @functools.partial(
        pl.kernel,
        out_type=(jax.ShapeDtypeStruct((NC, NPAD, 16), _f32),
                  jax.ShapeDtypeStruct((NC, NPAD, 16), _f32)),
        mesh=mesh,
        scratch_types=[
            pltpu.VMEM((NCHUNK, CH), jnp.int32),
            pltpu.VMEM((NCHUNK, CH), jnp.int32),
            pltpu.VMEM((CH, 16), _f32),
            pltpu.VMEM((CH, 16), _f32),
            pltpu.VMEM((128, 16), _f32),
            pltpu.VMEM_SHARED((NPAD, 16), _f32),
            pltpu.VMEM_SHARED((NPAD, 16), _f32),
            pltpu.SemaphoreType.DMA,
            pltpu.SemaphoreType.DMA,
            pltpu.SemaphoreType.DMA,
            pltpu.SemaphoreType.DMA,
        ],
        compiler_params=pltpu.CompilerParams(use_tc_tiling_on_sc=False),
    )
    def k(ne_hbm, s_hbm, r_hbm, outs_hbm, outr_hbm, sidx, ridx, rows0, rows1,
          zbuf, accs, accr, sl0, sl1, sadd_s, sadd_r):
        cid = lax.axis_index("c")
        sid = lax.axis_index("s")
        wid = sid * NC + cid

        @pl.loop(0, 128)
        def _(i):
            zbuf[i, :] = jnp.zeros((16,), _f32)

        @pl.loop(0, NPS // 128)
        def _(t):
            pltpu.sync_copy(zbuf, accs.at[pl.ds(sid * NPS + t * 128, 128)])
            pltpu.sync_copy(zbuf, accr.at[pl.ds(sid * NPS + t * 128, 128)])

        pltpu.sync_copy(s_hbm.at[pl.ds(wid * NCHUNK, NCHUNK)], sidx)
        pltpu.sync_copy(r_hbm.at[pl.ds(wid * NCHUNK, NCHUNK)], ridx)
        plsc.subcore_barrier()
        base = wid * EPW
        slots = ((rows0, sl0), (rows1, sl1))

        def issue(j, slot):
            rows, sl = slot
            pltpu.async_copy(ne_hbm.at[pl.ds(base + j * CH, CH)], rows, sl)

        def drain_add(j, slot):
            rows, sl = slot
            pltpu.make_async_copy(
                ne_hbm.at[pl.ds(base + j * CH, CH)], rows, sl).wait()
            ca = pltpu.async_copy(rows, accs.at[sidx.at[j]], sadd_s, add=True)
            cb = pltpu.async_copy(rows, accr.at[ridx.at[j]], sadd_r, add=True)
            ca.wait()
            cb.wait()

        issue(0, slots[0])

        @pl.loop(0, (NCHUNK - 1) // 2)
        def _(t):
            issue(2 * t + 1, slots[1])
            drain_add(2 * t, slots[0])
            issue(2 * t + 2, slots[0])
            drain_add(2 * t + 1, slots[1])

        drain_add(NCHUNK - 1, slots[0])

        plsc.subcore_barrier()
        pltpu.sync_copy(accs.at[pl.ds(sid * NPS, NPS)],
                        outs_hbm.at[cid, pl.ds(sid * NPS, NPS)])
        pltpu.sync_copy(accr.at[pl.ds(sid * NPS, NPS)],
                        outr_hbm.at[cid, pl.ds(sid * NPS, NPS)])

    return k(ne, s2, r2)



def kernel(nodes, edges, senders, receivers, aux_data, params):
    (we1, be1), (we2, be2) = params['enc_node']
    (wee1, bee1), (wee2, bee2) = params['enc_edge']
    pe = [params['proc_edge_0'], params['proc_edge_1']]
    pn = [params['proc_node_0'], params['proc_node_1']]
    (wd1, bd1), (wd2, bd2) = params['dec_node']

    pe_e = [p[0][0][0:L] for p in pe]
    pe_s = [p[0][0][L:2 * L] for p in pe]
    pe_r = [p[0][0][2 * L:] for p in pe]
    pn_n = [p[0][0][0:L] for p in pn]
    pn_s = [p[0][0][L:2 * L] for p in pn]
    pn_r = [p[0][0][2 * L:] for p in pn]

    sp = senders.reshape(EP // EBLK, PK, EBLK).transpose(0, 2, 1).reshape(-1)
    rp = receivers.reshape(
        EP // EBLK, PK, EBLK).transpose(0, 2, 1).reshape(-1)
    s2 = sp.reshape(E // CH, CH)
    r2 = rp.reshape(E // CH, CH)
    s3 = sp.reshape(NW, NCHUNK, CH)
    r3 = rp.reshape(NW, NCHUNK, CH)
    nodes_p = nodes.reshape(NP, PK * D)
    edges_t = edges.T
    aux_p = aux_data.reshape(NP, PK * D)

    hn_p, a0_p, b0_p = _single(
        _enc_node_body,
        [jax.ShapeDtypeStruct((NP, 128), _f32)] * 3,
        (nodes_p, _bd(we1), _bt(be1), _bd(we2), _bt(be2),
         _bd(pe_s[0]), _bd(pe_r[0])),
    )
    a_p, b_p = a0_p, b0_p
    he_p = None
    for step in range(2):
        g = _sc_gather(a_p.reshape(N, 16), b_p.reshape(N, 16), s3, r3)
        (w1, b1), (w2, b2) = pe[step]
        wb = (_bd(pe_e[step]), _bt(b1), _bd(w2), _bt(b2))
        if step == 0:
            ne_p, he_p = _edge_grid(
                _enc_edge_step_body, 2, (edges_t, g),
                (_bd(wee1), _bt(bee1), _bd(wee2), _bt(bee2)) + wb,
                first_spec=pl.BlockSpec((16, PK * EBLK), lambda i: (0, i)))
        else:
            (ne_p,) = _edge_grid(_edge_last_body, 1, (g, he_p), wb)
        aggs, aggr = _sc_scatter(ne_p.reshape(E, 16), s2, r2)
        (nw1, nb1), (nw2, nb2) = pn[step]
        s_parts = aggs.reshape(NC, NPAD // PK, 128)
        r_parts = aggr.reshape(NC, NPAD // PK, 128)
        if step == 0:
            hn_p, a_p, b_p = _single(
                _node_step_body,
                [jax.ShapeDtypeStruct((NP, 128), _f32)] * 3,
                (hn_p, s_parts, r_parts,
                 _bd(pn_n[0]), _bd(pn_s[0]), _bd(pn_r[0]), _bt(nb1),
                 _bd(nw2), _bt(nb2), _bd(pe_s[1]), _bd(pe_r[1])),
            )
        else:
            (out_p,) = _single(
                _node_dec_body,
                [jax.ShapeDtypeStruct((NP, PK * D), _f32)],
                (hn_p, s_parts, r_parts,
                 _bd(pn_n[1]), _bd(pn_s[1]), _bd(pn_r[1]), _bt(nb1),
                 _bd(nw2), _bt(nb2),
                 _bd(wd1), _bt(bd1), _bd(wd2), _bt(bd2), aux_p),
            )
    return out_p.reshape(N, D)

# --- scband reference (transcript-rebuilt; emitter-appended) ---
"""Pipeline reference for scband-graph-network-simulator-45672682226304 (READ-ONLY COPY).

The authoritative reference and input builder live on the scoring server;
editing this copy changes nothing except your own understanding.
"""

import jax, jax.numpy as jnp
import numpy as np

N = 10000
E = 320000
D = 128
DE = 16
L = 16
NUM_MP_STEPS = 2


def _dense(key, din, dout):
    k1, _ = jax.random.split(key)
    W = jax.random.normal(k1, (din, dout), dtype=jnp.float32) / jnp.sqrt(din)
    b = jnp.zeros((dout,), dtype=jnp.float32)
    return (W, b)


def _mlp_params(key, sizes):
    ks = jax.random.split(key, len(sizes) - 1)
    return [_dense(ks[i], sizes[i], sizes[i + 1]) for i in range(len(sizes) - 1)]


def setup_inputs(seed: int = 0):
    key = jax.random.key(seed)
    ks = jax.random.split(key, 16)
    nodes = jax.random.normal(ks[0], (N, D), dtype=jnp.float32)
    edges = jax.random.normal(ks[1], (E, DE), dtype=jnp.float32)
    senders = jax.random.randint(ks[2], (E,), 0, N, dtype=jnp.int32)
    receivers = jax.random.randint(ks[3], (E,), 0, N, dtype=jnp.int32)
    aux_data = jax.random.normal(ks[4], (N, D), dtype=jnp.float32)
    params = {
        'enc_node': _mlp_params(ks[5], [D, L, L]),
        'enc_edge': _mlp_params(ks[6], [DE, L, L]),
        'proc_edge_0': _mlp_params(ks[7], [3 * L, L, L]),
        'proc_node_0': _mlp_params(ks[8], [3 * L, L, L]),
        'proc_edge_1': _mlp_params(ks[9], [3 * L, L, L]),
        'proc_node_1': _mlp_params(ks[10], [3 * L, L, L]),
        'dec_node': _mlp_params(ks[11], [L, L, D]),
    }
    return {'nodes': nodes, 'edges': edges, 'senders': senders,
            'receivers': receivers, 'aux_data': aux_data, 'params': params}


def _mlp(ps, x):
    n = len(ps)
    for i, (W, b) in enumerate(ps):
        x = x @ W + b
        if i != n - 1:
            x = jax.nn.relu(x)
    return x


def reference(nodes, edges, senders, receivers, aux_data, params):
    n_node = nodes.shape[0]
    # encoder (GraphMapFeatures): embed nodes and edges independently
    h_n = _mlp(params['enc_node'], nodes)
    h_e = _mlp(params['enc_edge'], edges)
    for step in range(NUM_MP_STEPS):
        # jraph GraphNetwork edge update: concat(edges, sender-node feats, receiver-node feats)
        sent = jnp.take(h_n, senders, axis=0)
        recv = jnp.take(h_n, receivers, axis=0)
        e_in = jnp.concatenate((h_e, sent, recv), axis=1)
        new_e = _mlp(params['proc_edge_%d' % step], e_in)
        # jraph GraphNetwork node update: concat(nodes, segment_sum over sent edges, segment_sum over received edges)
        agg_sent = jax.ops.segment_sum(new_e, senders, num_segments=n_node)
        agg_recv = jax.ops.segment_sum(new_e, receivers, num_segments=n_node)
        n_in = jnp.concatenate((h_n, agg_sent, agg_recv), axis=1)
        new_n = _mlp(params['proc_node_%d' % step], n_in)
        # residual connections (the _replace(... + prev_graph...) in the original)
        h_n = new_n + h_n
        h_e = new_e + h_e
    # decoder + postprocessor (add aux_data to decoded node features)
    out_nodes = _mlp(params['dec_node'], h_n)
    out_nodes = out_nodes + aux_data
    return out_nodes

if __name__ == "__main__":
    import jax
    _d = setup_inputs()
    print(jax.jit(kernel)(*tuple(_d.values())))

</pallas_src>

<mosaic_0001>
#map = affine_map<(d0, d1) -> (0, 0)>
#map1 = affine_map<(d0, d1) -> (0, 0, 0)>
module attributes {stable_mosaic.version = 14 : i64} {
  func.func @k(%arg0: i32, %arg1: i32, %arg2: memref<10000x16xf32, #tpu.memory_space<hbm>>, %arg3: memref<10000x16xf32, #tpu.memory_space<hbm>>, %arg4: memref<32x125x80xi32, #tpu.memory_space<hbm>>, %arg5: memref<32x125x80xi32, #tpu.memory_space<hbm>>, %arg6: memref<40000x128xf32, #tpu.memory_space<hbm>>, %arg7: memref<125x80xi32, #tpu.memory_space<vmem>>, %arg8: memref<125x80xi32, #tpu.memory_space<vmem>>, %arg9: memref<80x16xf32, #tpu.memory_space<vmem>>, %arg10: memref<80x16xf32, #tpu.memory_space<vmem>>, %arg11: memref<80x16xf32, #tpu.memory_space<vmem>>, %arg12: memref<80x16xf32, #tpu.memory_space<vmem>>, %arg13: memref<10x128xf32, #tpu.memory_space<vmem>>, %arg14: memref<10000x16xf32, #tpu.memory_space<vmem_shared>>, %arg15: memref<10000x16xf32, #tpu.memory_space<vmem_shared>>, %arg16: memref<!tpu.dma_semaphore, #tpu.memory_space<semaphore_mem>>, %arg17: memref<!tpu.dma_semaphore, #tpu.memory_space<semaphore_mem>>, %arg18: memref<!tpu.dma_semaphore, #tpu.memory_space<semaphore_mem>>, %arg19: memref<!tpu.dma_semaphore, #tpu.memory_space<semaphore_mem>>) attributes {dimension_semantics = [#tpu.dimension_semantics<core_parallel>, #tpu.dimension_semantics<subcore_parallel>], iteration_bounds = array<i64: 2, 16>, scalar_prefetch = 0 : i64, scratch_operands = 13 : i64, tpu.core_type = #tpu.core_type<sc_vector_subcore>, window_params = [{transform_indices = #map}, {transform_indices = #map}, {transform_indices = #map1}, {transform_indices = #map1}, {transform_indices = #map}]} {
    %mul3A = arith.constant 2 : i32
    %mul3A_0 = arith.muli %arg1, %mul3A : i32
    %add3A = arith.addi %mul3A_0, %arg0 : i32
    %mul3A_1 = arith.constant 625 : i32
    %mul3A_2 = arith.muli %arg1, %mul3A_1 : i32
    %mul3A_3 = arith.constant 625 : i32
    %mul3A_4 = arith.muli %arg1, %mul3A_3 : i32
    "tpu.region"() ({
      %run_scoped3A = tpu.sem_alloc : memref<!tpu.dma_semaphore, #tpu.memory_space<semaphore_mem>>
      %dma_start3A_48 = arith.constant 0 : i32
      %dma_start3A_49 = tpu.memref_slice %arg14[%mul3A_4, %dma_start3A_48] : memref<10000x16xf32, #tpu.memory_space<vmem_shared>> -> memref<625x16xf32, #tpu.memory_space<vmem_shared>>
      %dma_start3A_50 = arith.constant 0 : i32
      %dma_start3A_51 = tpu.memref_slice %arg2[%mul3A_2, %dma_start3A_50] : memref<10000x16xf32, #tpu.memory_space<hbm>> -> memref<625x16xf32, #tpu.memory_space<hbm>>
      tpu.enqueue_dma source(%dma_start3A_51 : memref<625x16xf32, #tpu.memory_space<hbm>>) target(%dma_start3A_49 : memref<625x16xf32, #tpu.memory_space<vmem_shared>>) target_semaphore(%run_scoped3A : memref<!tpu.dma_semaphore, #tpu.memory_space<semaphore_mem>>)
      %dma_wait3A_52 = arith.constant 0 : i32
      %dma_wait3A_53 = tpu.memref_slice %arg14[%mul3A_4, %dma_wait3A_52] : memref<10000x16xf32, #tpu.memory_space<vmem_shared>> -> memref<625x16xf32, #tpu.memory_space<vmem_shared>>
      %dma_wait3A_54 = arith.constant 0 : i32
      %dma_wait3A_55 = tpu.memref_slice %arg2[%mul3A_2, %dma_wait3A_54] : memref<10000x16xf32, #tpu.memory_space<hbm>> -> memref<625x16xf32, #tpu.memory_space<hbm>>
      tpu.wait_dma2 semaphore(%run_scoped3A : memref<!tpu.dma_semaphore, #tpu.memory_space<semaphore_mem>>) src(%dma_wait3A_55 : memref<625x16xf32, #tpu.memory_space<hbm>>) dst(%dma_wait3A_53 : memref<625x16xf32, #tpu.memory_space<vmem_shared>>)
      tpu.yield
    }) : () -> ()
    %mul3A_5 = arith.constant 625 : i32
    %mul3A_6 = arith.muli %arg1, %mul3A_5 : i32
    %mul3A_7 = arith.constant 625 : i32
    %mul3A_8 = arith.muli %arg1, %mul3A_7 : i32
    "tpu.region"() ({
      %run_scoped3A = tpu.sem_alloc : memref<!tpu.dma_semaphore, #tpu.memory_space<semaphore_mem>>
      %dma_start3A_48 = arith.constant 0 : i32
      %dma_start3A_49 = tpu.memref_slice %arg15[%mul3A_8, %dma_start3A_48] : memref<10000x16xf32, #tpu.memory_space<vmem_shared>> -> memref<625x16xf32, #tpu.memory_space<vmem_shared>>
      %dma_start3A_50 = arith.constant 0 : i32
      %dma_start3A_51 = tpu.memref_slice %arg3[%mul3A_6, %dma_start3A_50] : memref<10000x16xf32, #tpu.memory_space<hbm>> -> memref<625x16xf32, #tpu.memory_space<hbm>>
      tpu.enqueue_dma source(%dma_start3A_51 : memref<625x16xf32, #tpu.memory_space<hbm>>) target(%dma_start3A_49 : memref<625x16xf32, #tpu.memory_space<vmem_shared>>) target_semaphore(%run_scoped3A : memref<!tpu.dma_semaphore, #tpu.memory_space<semaphore_mem>>)
      %dma_wait3A_52 = arith.constant 0 : i32
      %dma_wait3A_53 = tpu.memref_slice %arg15[%mul3A_8, %dma_wait3A_52] : memref<10000x16xf32, #tpu.memory_space<vmem_shared>> -> memref<625x16xf32, #tpu.memory_space<vmem_shared>>
      %dma_wait3A_54 = arith.constant 0 : i32
      %dma_wait3A_55 = tpu.memref_slice %arg3[%mul3A_6, %dma_wait3A_54] : memref<10000x16xf32, #tpu.memory_space<hbm>> -> memref<625x16xf32, #tpu.memory_space<hbm>>
      tpu.wait_dma2 semaphore(%run_scoped3A : memref<!tpu.dma_semaphore, #tpu.memory_space<semaphore_mem>>) src(%dma_wait3A_55 : memref<625x16xf32, #tpu.memory_space<hbm>>) dst(%dma_wait3A_53 : memref<625x16xf32, #tpu.memory_space<vmem_shared>>)
      tpu.yield
    }) : () -> ()
    "tpu.region"() ({
      %run_scoped3A = tpu.sem_alloc : memref<!tpu.dma_semaphore, #tpu.memory_space<semaphore_mem>>
      %dma_start3A_48 = arith.constant 0 : i32
      %dma_start3A_49 = arith.constant 0 : i32
      %dma_start3A_50 = tpu.memref_slice %arg4[%add3A, %dma_start3A_48, %dma_start3A_49] : memref<32x125x80xi32, #tpu.memory_space<hbm>> -> memref<1x125x80xi32, #tpu.memory_space<hbm>>
      %dma_start3A_51 = tpu.memref_squeeze %dma_start3A_50 : memref<1x125x80xi32, #tpu.memory_space<hbm>> -> memref<125x80xi32, #tpu.memory_space<hbm>>
      %dma_start3A_52 = arith.constant 0 : i32
      %dma_start3A_53 = arith.constant 0 : i32
      %dma_start3A_54 = tpu.memref_slice %arg4[%add3A, %dma_start3A_52, %dma_start3A_53] : memref<32x125x80xi32, #tpu.memory_space<hbm>> -> memref<1x125x80xi32, #tpu.memory_space<hbm>>
      %dma_start3A_55 = tpu.memref_squeeze %dma_start3A_54 : memref<1x125x80xi32, #tpu.memory_space<hbm>> -> memref<125x80xi32, #tpu.memory_space<hbm>>
      tpu.enqueue_dma source(%dma_start3A_55 : memref<125x80xi32, #tpu.memory_space<hbm>>) target(%arg7 : memref<125x80xi32, #tpu.memory_space<vmem>>) target_semaphore(%run_scoped3A : memref<!tpu.dma_semaphore, #tpu.memory_space<semaphore_mem>>)
      %dma_wait3A_56 = arith.constant 0 : i32
      %dma_wait3A_57 = arith.constant 0 : i32
      %dma_wait3A_58 = tpu.memref_slice %arg4[%add3A, %dma_wait3A_56, %dma_wait3A_57] : memref<32x125x80xi32, #tpu.memory_space<hbm>> -> memref<1x125x80xi32, #tpu.memory_space<hbm>>
      %dma_wait3A_59 = tpu.memref_squeeze %dma_wait3A_58 : memref<1x125x80xi32, #tpu.memory_space<hbm>> -> memref<125x80xi32, #tpu.memory_space<hbm>>
      %dma_wait3A_60 = arith.constant 0 : i32
      %dma_wait3A_61 = arith.constant 0 : i32
      %dma_wait3A_62 = tpu.memref_slice %arg4[%add3A, %dma_wait3A_60, %dma_wait3A_61] : memref<32x125x80xi32, #tpu.memory_space<hbm>> -> memref<1x125x80xi32, #tpu.memory_space<hbm>>
      %dma_wait3A_63 = tpu.memref_squeeze %dma_wait3A_62 : memref<1x125x80xi32, #tpu.memory_space<hbm>> -> memref<125x80xi32, #tpu.memory_space<hbm>>
      tpu.wait_dma2 semaphore(%run_scoped3A : memref<!tpu.dma_semaphore, #tpu.memory_space<semaphore_mem>>) src(%dma_wait3A_63 : memref<125x80xi32, #tpu.memory_space<hbm>>) dst(%arg7 : memref<125x80xi32, #tpu.memory_space<vmem>>)
      tpu.yield
    }) : () -> ()
    "tpu.region"() ({
      %run_scoped3A = tpu.sem_alloc : memref<!tpu.dma_semaphore, #tpu.memory_space<semaphore_mem>>
      %dma_start3A_48 = arith.constant 0 : i32
      %dma_start3A_49 = arith.constant 0 : i32
      %dma_start3A_50 = tpu.memref_slice %arg5[%add3A, %dma_start3A_48, %dma_start3A_49] : memref<32x125x80xi32, #tpu.memory_space<hbm>> -> memref<1x125x80xi32, #tpu.memory_space<hbm>>
      %dma_start3A_51 = tpu.memref_squeeze %dma_start3A_50 : memref<1x125x80xi32, #tpu.memory_space<hbm>> -> memref<125x80xi32, #tpu.memory_space<hbm>>
      %dma_start3A_52 = arith.constant 0 : i32
      %dma_start3A_53 = arith.constant 0 : i32
      %dma_start3A_54 = tpu.memref_slice %arg5[%add3A, %dma_start3A_52, %dma_start3A_53] : memref<32x125x80xi32, #tpu.memory_space<hbm>> -> memref<1x125x80xi32, #tpu.memory_space<hbm>>
      %dma_start3A_55 = tpu.memref_squeeze %dma_start3A_54 : memref<1x125x80xi32, #tpu.memory_space<hbm>> -> memref<125x80xi32, #tpu.memory_space<hbm>>
      tpu.enqueue_dma source(%dma_start3A_55 : memref<125x80xi32, #tpu.memory_space<hbm>>) target(%arg8 : memref<125x80xi32, #tpu.memory_space<vmem>>) target_semaphore(%run_scoped3A : memref<!tpu.dma_semaphore, #tpu.memory_space<semaphore_mem>>)
      %dma_wait3A_56 = arith.constant 0 : i32
      %dma_wait3A_57 = arith.constant 0 : i32
      %dma_wait3A_58 = tpu.memref_slice %arg5[%add3A, %dma_wait3A_56, %dma_wait3A_57] : memref<32x125x80xi32, #tpu.memory_space<hbm>> -> memref<1x125x80xi32, #tpu.memory_space<hbm>>
      %dma_wait3A_59 = tpu.memref_squeeze %dma_wait3A_58 : memref<1x125x80xi32, #tpu.memory_space<hbm>> -> memref<125x80xi32, #tpu.memory_space<hbm>>
      %dma_wait3A_60 = arith.constant 0 : i32
      %dma_wait3A_61 = arith.constant 0 : i32
      %dma_wait3A_62 = tpu.memref_slice %arg5[%add3A, %dma_wait3A_60, %dma_wait3A_61] : memref<32x125x80xi32, #tpu.memory_space<hbm>> -> memref<1x125x80xi32, #tpu.memory_space<hbm>>
      %dma_wait3A_63 = tpu.memref_squeeze %dma_wait3A_62 : memref<1x125x80xi32, #tpu.memory_space<hbm>> -> memref<125x80xi32, #tpu.memory_space<hbm>>
      tpu.wait_dma2 semaphore(%run_scoped3A : memref<!tpu.dma_semaphore, #tpu.memory_space<semaphore_mem>>) src(%dma_wait3A_63 : memref<125x80xi32, #tpu.memory_space<hbm>>) dst(%arg8 : memref<125x80xi32, #tpu.memory_space<vmem>>)
      tpu.yield
    }) : () -> ()
    %barrier3A = arith.constant 0 : index
    tpu.barrier barrier_id(%barrier3A)
    %mul3A_9 = arith.constant 1250 : i32
    %mul3A_10 = arith.muli %add3A, %mul3A_9 : i32
    %dma_start3A = arith.constant 0 : i32
    %dma_start3A_11 = arith.constant 0 : i32
    %dma_start3A_12 = tpu.memref_slice %arg7[%dma_start3A, %dma_start3A_11] : memref<125x80xi32, #tpu.memory_space<vmem>> -> memref<1x80xi32, #tpu.memory_space<vmem>>
    %dma_start3A_13 = tpu.memref_squeeze %dma_start3A_12 : memref<1x80xi32, #tpu.memory_space<vmem>> -> memref<80xi32, #tpu.memory_space<vmem>>
    %dma_start3A_14 = arith.constant 0 : i32
    %dma_start3A_15 = arith.constant 0 : i32
    %dma_start3A_16 = tpu.memref_slice %arg14[%dma_start3A_14, %dma_start3A_15] : memref<10000x16xf32, #tpu.memory_space<vmem_shared>> -> memref<10000x16xf32, #tpu.memory_space<vmem_shared>>
    tpu.enqueue_indirect_dma source(%dma_start3A_16 : memref<10000x16xf32, #tpu.memory_space<vmem_shared>>) target(%arg9 : memref<80x16xf32, #tpu.memory_space<vmem>>) offsets(%dma_start3A_13 : memref<80xi32, #tpu.memory_space<vmem>>) semaphore(%arg16 : memref<!tpu.dma_semaphore, #tpu.memory_space<semaphore_mem>>)
    %dma_start3A_17 = arith.constant 0 : i32
    %dma_start3A_18 = arith.constant 0 : i32
    %dma_start3A_19 = tpu.memref_slice %arg8[%dma_start3A_17, %dma_start3A_18] : memref<125x80xi32, #tpu.memory_space<vmem>> -> memref<1x80xi32, #tpu.memory_space<vmem>>
    %dma_start3A_20 = tpu.memref_squeeze %dma_start3A_19 : memref<1x80xi32, #tpu.memory_space<vmem>> -> memref<80xi32, #tpu.memory_space<vmem>>
    %dma_start3A_21 = arith.constant 0 : i32
    %dma_start3A_22 = arith.constant 0 : i32
    %dma_start3A_23 = tpu.memref_slice %arg15[%dma_start3A_21, %dma_start3A_22] : memref<10000x16xf32, #tpu.memory_space<vmem_shared>> -> memref<10000x16xf32, #tpu.memory_space<vmem_shared>>
    tpu.enqueue_indirect_dma source(%dma_start3A_23 : memref<10000x16xf32, #tpu.memory_space<vmem_shared>>) target(%arg10 : memref<80x16xf32, #tpu.memory_space<vmem>>) offsets(%dma_start3A_20 : memref<80xi32, #tpu.memory_space<vmem>>) semaphore(%arg17 : memref<!tpu.dma_semaphore, #tpu.memory_space<semaphore_mem>>)
    %scan3A = arith.constant 0 : i32
    %scan3A_24 = arith.constant 62 : i32
    %scan3A_25 = arith.addi %scan3A, %scan3A_24 : i32
    %scan3A_26 = arith.constant 1 : i32
    scf.for %scan3A_48 = %scan3A to %scan3A_25 step %scan3A_26  : i32 {
      %mul3A_49 = arith.constant 1 : i32
      %mul3A_50 = arith.muli %scan3A_48, %mul3A_49 : i32
      %add3A_51 = arith.constant 0 : i32
      %add3A_52 = arith.addi %add3A_51, %mul3A_50 : i32
      %mul3A_53 = arith.constant 2 : i32
      %mul3A_54 = arith.muli %mul3A_53, %add3A_52 : i32
      %add3A_55 = arith.constant 1 : i32
      %add3A_56 = arith.addi %mul3A_54, %add3A_55 : i32
      %dma_start3A_57 = arith.constant 0 : i32
      %dma_start3A_58 = tpu.memref_slice %arg7[%add3A_56, %dma_start3A_57] : memref<125x80xi32, #tpu.memory_space<vmem>> -> memref<1x80xi32, #tpu.memory_space<vmem>>
      %dma_start3A_59 = tpu.memref_squeeze %dma_start3A_58 : memref<1x80xi32, #tpu.memory_space<vmem>> -> memref<80xi32, #tpu.memory_space<vmem>>
      %dma_start3A_60 = arith.constant 0 : i32
      %dma_start3A_61 = arith.constant 0 : i32
      %dma_start3A_62 = tpu.memref_slice %arg14[%dma_start3A_60, %dma_start3A_61] : memref<10000x16xf32, #tpu.memory_space<vmem_shared>> -> memref<10000x16xf32, #tpu.memory_space<vmem_shared>>
      tpu.enqueue_indirect_dma source(%dma_start3A_62 : memref<10000x16xf32, #tpu.memory_space<vmem_shared>>) target(%arg11 : memref<80x16xf32, #tpu.memory_space<vmem>>) offsets(%dma_start3A_59 : memref<80xi32, #tpu.memory_space<vmem>>) semaphore(%arg18 : memref<!tpu.dma_semaphore, #tpu.memory_space<semaphore_mem>>)
      %dma_start3A_63 = arith.constant 0 : i32
      %dma_start3A_64 = tpu.memref_slice %arg8[%add3A_56, %dma_start3A_63] : memref<125x80xi32, #tpu.memory_space<vmem>> -> memref<1x80xi32, #tpu.memory_space<vmem>>
      %dma_start3A_65 = tpu.memref_squeeze %dma_start3A_64 : memref<1x80xi32, #tpu.memory_space<vmem>> -> memref<80xi32, #tpu.memory_space<vmem>>
      %dma_start3A_66 = arith.constant 0 : i32
      %dma_start3A_67 = arith.constant 0 : i32
      %dma_start3A_68 = tpu.memref_slice %arg15[%dma_start3A_66, %dma_start3A_67] : memref<10000x16xf32, #tpu.memory_space<vmem_shared>> -> memref<10000x16xf32, #tpu.memory_space<vmem_shared>>
      tpu.enqueue_indirect_dma source(%dma_start3A_68 : memref<10000x16xf32, #tpu.memory_space<vmem_shared>>) target(%arg12 : memref<80x16xf32, #tpu.memory_space<vmem>>) offsets(%dma_start3A_65 : memref<80xi32, #tpu.memory_space<vmem>>) semaphore(%arg19 : memref<!tpu.dma_semaphore, #tpu.memory_space<semaphore_mem>>)
      %mul3A_69 = arith.constant 2 : i32
      %mul3A_70 = arith.muli %mul3A_69, %add3A_52 : i32
      %dma_wait3A_71 = arith.constant 0 : i32
      %dma_wait3A_72 = tpu.memref_slice %arg7[%mul3A_70, %dma_wait3A_71] : memref<125x80xi32, #tpu.memory_space<vmem>> -> memref<1x80xi32, #tpu.memory_space<vmem>>
      %dma_wait3A_73 = tpu.memref_squeeze %dma_wait3A_72 : memref<1x80xi32, #tpu.memory_space<vmem>> -> memref<80xi32, #tpu.memory_space<vmem>>
      %dma_wait3A_74 = arith.constant 0 : i32
      %dma_wait3A_75 = arith.constant 0 : i32
      %dma_wait3A_76 = tpu.memref_slice %arg14[%dma_wait3A_74, %dma_wait3A_75] : memref<10000x16xf32, #tpu.memory_space<vmem_shared>> -> memref<10000x16xf32, #tpu.memory_space<vmem_shared>>
      tpu.wait_indirect_dma semaphore(%arg16 : memref<!tpu.dma_semaphore, #tpu.memory_space<semaphore_mem>>) src(%dma_wait3A_76 : memref<10000x16xf32, #tpu.memory_space<vmem_shared>>) dst(%arg9 : memref<80x16xf32, #tpu.memory_space<vmem>>)
      %dma_wait3A_77 = arith.constant 0 : i32
      %dma_wait3A_78 = tpu.memref_slice %arg8[%mul3A_70, %dma_wait3A_77] : memref<125x80xi32, #tpu.memory_space<vmem>> -> memref<1x80xi32, #tpu.memory_space<vmem>>
      %dma_wait3A_79 = tpu.memref_squeeze %dma_wait3A_78 : memref<1x80xi32, #tpu.memory_space<vmem>> -> memref<80xi32, #tpu.memory_space<vmem>>
      %dma_wait3A_80 = arith.constant 0 : i32
      %dma_wait3A_81 = arith.constant 0 : i32
      %dma_wait3A_82 = tpu.memref_slice %arg15[%dma_wait3A_80, %dma_wait3A_81] : memref<10000x16xf32, #tpu.memory_space<vmem_shared>> -> memref<10000x16xf32, #tpu.memory_space<vmem_shared>>
      tpu.wait_indirect_dma semaphore(%arg17 : memref<!tpu.dma_semaphore, #tpu.memory_space<semaphore_mem>>) src(%dma_wait3A_82 : memref<10000x16xf32, #tpu.memory_space<vmem_shared>>) dst(%arg10 : memref<80x16xf32, #tpu.memory_space<vmem>>)
      %scan3A_83 = arith.constant 0 : i32
      %scan3A_84 = arith.constant 10 : i32
      %scan3A_85 = arith.addi %scan3A_83, %scan3A_84 : i32
      %scan3A_86 = arith.constant 1 : i32
      scf.for %scan3A_131 = %scan3A_83 to %scan3A_85 step %scan3A_86  : i32 {
        %mul3A_132 = arith.constant 1 : i32
        %mul3A_133 = arith.muli %scan3A_131, %mul3A_132 : i32
        %add3A_134 = arith.constant 0 : i32
        %add3A_135 = arith.addi %add3A_134, %mul3A_133 : i32
        %mul3A_136 = arith.constant 8 : i32
        %mul3A_137 = arith.muli %add3A_135, %mul3A_136 : i32
        %add3A_138 = arith.constant 0 : i32
        %add3A_139 = arith.addi %mul3A_137, %add3A_138 : i32
        %get3A = arith.index_cast %add3A_139 : i32 to index
        %get3A_140 = arith.constant 0 : index
        %get3A_141 = tpu.vector_load %arg9[%get3A, %get3A_140] {strides = array<i32>} : memref<80x16xf32, #tpu.memory_space<vmem>>, vector<1x16xf32>,
        %get3A_142 = vector.shape_cast %get3A_141 : vector<1x16xf32> to vector<16xf32>
        %mul3A_143 = arith.constant 8 : i32
        %mul3A_144 = arith.muli %add3A_135, %mul3A_143 : i32
        %add3A_145 = arith.constant 0 : i32
        %add3A_146 = arith.addi %mul3A_144, %add3A_145 : i32
        %get3A_147 = arith.index_cast %add3A_146 : i32 to index
        %get3A_148 = arith.constant 0 : index
        %get3A_149 = tpu.vector_load %arg10[%get3A_147, %get3A_148] {strides = array<i32>} : memref<80x16xf32, #tpu.memory_space<vmem>>, vector<1x16xf32>,
        %get3A_150 = vector.shape_cast %get3A_149 : vector<1x16xf32> to vector<16xf32>
        %add3A_151 = arith.addf %get3A_142, %get3A_150 : vector<16xf32>
        %swap3A = arith.index_cast %add3A_135 : i32 to index
        %swap3A_152 = arith.constant 0 : index
        %swap3A_153 = tpu.vector_load %arg13[%swap3A, %swap3A_152] {strides = array<i32>} : memref<10x128xf32, #tpu.memory_space<vmem>>, vector<1x16xf32>,
        %swap3A_154 = vector.shape_cast %swap3A_153 : vector<1x16xf32> to vector<16xf32>
        %swap3A_155 = vector.shape_cast %add3A_151 : vector<16xf32> to vector<1x16xf32>
        tpu.vector_store %arg13[%swap3A, %swap3A_152], %swap3A_155 {strides = array<i32>} : memref<10x128xf32, #tpu.memory_space<vmem>>, vector<1x16xf32>,
        %mul3A_156 = arith.constant 8 : i32
        %mul3A_157 = arith.muli %add3A_135, %mul3A_156 : i32
        %add3A_158 = arith.constant 1 : i32
        %add3A_159 = arith.addi %mul3A_157, %add3A_158 : i32
        %get3A_160 = arith.index_cast %add3A_159 : i32 to index
        %get3A_161 = arith.constant 0 : index
        %get3A_162 = tpu.vector_load %arg9[%get3A_160, %get3A_161] {strides = array<i32>} : memref<80x16xf32, #tpu.memory_space<vmem>>, vector<1x16xf32>,
        %get3A_163 = vector.shape_cast %get3A_162 : vector<1x16xf32> to vector<16xf32>
        %mul3A_164 = arith.constant 8 : i32
        %mul3A_165 = arith.muli %add3A_135, %mul3A_164 : i32
        %add3A_166 = arith.constant 1 : i32
        %add3A_167 = arith.addi %mul3A_165, %add3A_166 : i32
        %get3A_168 = arith.index_cast %add3A_167 : i32 to index
        %get3A_169 = arith.constant 0 : index
        %get3A_170 = tpu.vector_load %arg10[%get3A_168, %get3A_169] {strides = array<i32>} : memref<80x16xf32, #tpu.memory_space<vmem>>, vector<1x16xf32>,
        %get3A_171 = vector.shape_cast %get3A_170 : vector<1x16xf32> to vector<16xf32>
        %add3A_172 = arith.addf %get3A_163, %get3A_171 : vector<16xf32>
        %swap3A_173 = arith.index_cast %add3A_135 : i32 to index
        %swap3A_174 = arith.constant 16 : index
        %swap3A_175 = tpu.vector_load %arg13[%swap3A_173, %swap3A_174] {strides = array<i32>} : memref<10x128xf32, #tpu.memory_space<vmem>>, vector<1x16xf32>,
        %swap3A_176 = vector.shape_cast %swap3A_175 : vector<1x16xf32> to vector<16xf32>
        %swap3A_177 = vector.shape_cast %add3A_172 : vector<16xf32> to vector<1x16xf32>
        tpu.vector_store %arg13[%swap3A_173, %swap3A_174], %swap3A_177 {strides = array<i32>} : memref<10x128xf32, #tpu.memory_space<vmem>>, vector<1x16xf32>,
        %mul3A_178 = arith.constant 8 : i32
        %mul3A_179 = arith.muli %add3A_135, %mul3A_178 : i32
        %add3A_180 = arith.constant 2 : i32
        %add3A_181 = arith.addi %mul3A_179, %add3A_180 : i32
        %get3A_182 = arith.index_cast %add3A_181 : i32 to index
        %get3A_183 = arith.constant 0 : index
        %get3A_184 = tpu.vector_load %arg9[%get3A_182, %get3A_183] {strides = array<i32>} : memref<80x16xf32, #tpu.memory_space<vmem>>, vector<1x16xf32>,
        %get3A_185 = vector.shape_cast %get3A_184 : vector<1x16xf32> to vector<16xf32>
        %mul3A_186 = arith.constant 8 : i32
        %mul3A_187 = arith.muli %add3A_135, %mul3A_186 : i32
        %add3A_188 = arith.constant 2 : i32
        %add3A_189 = arith.addi %mul3A_187, %add3A_188 : i32
        %get3A_190 = arith.index_cast %add3A_189 : i32 to index
        %get3A_191 = arith.constant 0 : index
        %get3A_192 = tpu.vector_load %arg10[%get3A_190, %get3A_191] {strides = array<i32>} : memref<80x16xf32, #tpu.memory_space<vmem>>, vector<1x16xf32>,
        %get3A_193 = vector.shape_cast %get3A_192 : vector<1x16xf32> to vector<16xf32>
        %add3A_194 = arith.addf %get3A_185, %get3A_193 : vector<16xf32>
        %swap3A_195 = arith.index_cast %add3A_135 : i32 to index
        %swap3A_196 = arith.constant 32 : index
        %swap3A_197 = tpu.vector_load %arg13[%swap3A_195, %swap3A_196] {strides = array<i32>} : memref<10x128xf32, #tpu.memory_space<vmem>>, vector<1x16xf32>,
        %swap3A_198 = vector.shape_cast %swap3A_197 : vector<1x16xf32> to vector<16xf32>
        %swap3A_199 = vector.shape_cast %add3A_194 : vector<16xf32> to vector<1x16xf32>
        tpu.vector_store %arg13[%swap3A_195, %swap3A_196], %swap3A_199 {strides = array<i32>} : memref<10x128xf32, #tpu.memory_space<vmem>>, vector<1x16xf32>,
        %mul3A_200 = arith.constant 8 : i32
        %mul3A_201 = arith.muli %add3A_135, %mul3A_200 : i32
        %add3A_202 = arith.constant 3 : i32
        %add3A_203 = arith.addi %mul3A_201, %add3A_202 : i32
        %get3A_204 = arith.index_cast %add3A_203 : i32 to index
        %get3A_205 = arith.constant 0 : index
        %get3A_206 = tpu.vector_load %arg9[%get3A_204, %get3A_205] {strides = array<i32>} : memref<80x16xf32, #tpu.memory_space<vmem>>, vector<1x16xf32>,
        %get3A_207 = vector.shape_cast %get3A_206 : vector<1x16xf32> to vector<16xf32>
        %mul3A_208 = arith.constant 8 : i32
        %mul3A_209 = arith.muli %add3A_135, %mul3A_208 : i32
        %add3A_210 = arith.constant 3 : i32
        %add3A_211 = arith.addi %mul3A_209, %add3A_210 : i32
        %get3A_212 = arith.index_cast %add3A_211 : i32 to index
        %get3A_213 = arith.constant 0 : index
        %get3A_214 = tpu.vector_load %arg10[%get3A_212, %get3A_213] {strides = array<i32>} : memref<80x16xf32, #tpu.memory_space<vmem>>, vector<1x16xf32>,
        %get3A_215 = vector.shape_cast %get3A_214 : vector<1x16xf32> to vector<16xf32>
        %add3A_216 = arith.addf %get3A_207, %get3A_215 : vector<16xf32>
        %swap3A_217 = arith.index_cast %add3A_135 : i32 to index
        %swap3A_218 = arith.constant 48 : index
        %swap3A_219 = tpu.vector_load %arg13[%swap3A_217, %swap3A_218] {strides = array<i32>} : memref<10x128xf32, #tpu.memory_space<vmem>>, vector<1x16xf32>,
        %swap3A_220 = vector.shape_cast %swap3A_219 : vector<1x16xf32> to vector<16xf32>
        %swap3A_221 = vector.shape_cast %add3A_216 : vector<16xf32> to vector<1x16xf32>
        tpu.vector_store %arg13[%swap3A_217, %swap3A_218], %swap3A_221 {strides = array<i32>} : memref<10x128xf32, #tpu.memory_space<vmem>>, vector<1x16xf32>,
        %mul3A_222 = arith.constant 8 : i32
        %mul3A_223 = arith.muli %add3A_135, %mul3A_222 : i32
        %add3A_224 = arith.constant 4 : i32
        %add3A_225 = arith.addi %mul3A_223, %add3A_224 : i32
        %get3A_226 = arith.index_cast %add3A_225 : i32 to index
        %get3A_227 = arith.constant 0 : index
        %get3A_228 = tpu.vector_load %arg9[%get3A_226, %get3A_227] {strides = array<i32>} : memref<80x16xf32, #tpu.memory_space<vmem>>, vector<1x16xf32>,
        %get3A_229 = vector.shape_cast %get3A_228 : vector<1x16xf32> to vector<16xf32>
        %mul3A_230 = arith.constant 8 : i32
        %mul3A_231 = arith.muli %add3A_135, %mul3A_230 : i32
        %add3A_232 = arith.constant 4 : i32
        %add3A_233 = arith.addi %mul3A_231, %add3A_232 : i32
        %get3A_234 = arith.index_cast %add3A_233 : i32 to index
        %get3A_235 = arith.constant 0 : index
        %get3A_236 = tpu.vector_load %arg10[%get3A_234, %get3A_235] {strides = array<i32>} : memref<80x16xf32, #tpu.memory_space<vmem>>, vector<1x16xf32>,
        %get3A_237 = vector.shape_cast %get3A_236 : vector<1x16xf32> to vector<16xf32>
        %add3A_238 = arith.addf %get3A_229, %get3A_237 : vector<16xf32>
        %swap3A_239 = arith.index_cast %add3A_135 : i32 to index
        %swap3A_240 = arith.constant 64 : index
        %swap3A_241 = tpu.vector_load %arg13[%swap3A_239, %swap3A_240] {strides = array<i32>} : memref<10x128xf32, #tpu.memory_space<vmem>>, vector<1x16xf32>,
        %swap3A_242 = vector.shape_cast %swap3A_241 : vector<1x16xf32> to vector<16xf32>
        %swap3A_243 = vector.shape_cast %add3A_238 : vector<16xf32> to vector<1x16xf32>
        tpu.vector_store %arg13[%swap3A_239, %swap3A_240], %swap3A_243 {strides = array<i32>} : memref<10x128xf32, #tpu.memory_space<vmem>>, vector<1x16xf32>,
        %mul3A_244 = arith.constant 8 : i32
        %mul3A_245 = arith.muli %add3A_135, %mul3A_244 : i32
        %add3A_246 = arith.constant 5 : i32
        %add3A_247 = arith.addi %mul3A_245, %add3A_246 : i32
        %get3A_248 = arith.index_cast %add3A_247 : i32 to index
        %get3A_249 = arith.constant 0 : index
        %get3A_250 = tpu.vector_load %arg9[%get3A_248, %get3A_249] {strides = array<i32>} : memref<80x16xf32, #tpu.memory_space<vmem>>, vector<1x16xf32>,
        %get3A_251 = vector.shape_cast %get3A_250 : vector<1x16xf32> to vector<16xf32>
        %mul3A_252 = arith.constant 8 : i32
        %mul3A_253 = arith.muli %add3A_135, %mul3A_252 : i32
        %add3A_254 = arith.constant 5 : i32
        %add3A_255 = arith.addi %mul3A_253, %add3A_254 : i32
        %get3A_256 = arith.index_cast %add3A_255 : i32 to index
        %get3A_257 = arith.constant 0 : index
        %get3A_258 = tpu.vector_load %arg10[%get3A_256, %get3A_257] {strides = array<i32>} : memref<80x16xf32, #tpu.memory_space<vmem>>, vector<1x16xf32>,
        %get3A_259 = vector.shape_cast %get3A_258 : vector<1x16xf32> to vector<16xf32>
        %add3A_260 = arith.addf %get3A_251, %get3A_259 : vector<16xf32>
        %swap3A_261 = arith.index_cast %add3A_135 : i32 to index
        %swap3A_262 = arith.constant 80 : index
        %swap3A_263 = tpu.vector_load %arg13[%swap3A_261, %swap3A_262] {strides = array<i32>} : memref<10x128xf32, #tpu.memory_space<vmem>>, vector<1x16xf32>,
        %swap3A_264 = vector.shape_cast %swap3A_263 : vector<1x16xf32> to vector<16xf32>
        %swap3A_265 = vector.shape_cast %add3A_260 : vector<16xf32> to vector<1x16xf32>
        tpu.vector_store %arg13[%swap3A_261, %swap3A_262], %swap3A_265 {strides = array<i32>} : memref<10x128xf32, #tpu.memory_space<vmem>>, vector<1x16xf32>,
        %mul3A_266 = arith.constant 8 : i32
        %mul3A_267 = arith.muli %add3A_135, %mul3A_266 : i32
        %add3A_268 = arith.constant 6 : i32
        %add3A_269 = arith.addi %mul3A_267, %add3A_268 : i32
        %get3A_270 = arith.index_cast %add3A_269 : i32 to index
        %get3A_271 = arith.constant 0 : index
        %get3A_272 = tpu.vector_load %arg9[%get3A_270, %get3A_271] {strides = array<i32>} : memref<80x16xf32, #tpu.memory_space<vmem>>, vector<1x16xf32>,
        %get3A_273 = vector.shape_cast %get3A_272 : vector<1x16xf32> to vector<16xf32>
        %mul3A_274 = arith.constant 8 : i32
        %mul3A_275 = arith.muli %add3A_135, %mul3A_274 : i32
        %add3A_276 = arith.constant 6 : i32
        %add3A_277 = arith.addi %mul3A_275, %add3A_276 : i32
        %get3A_278 = arith.index_cast %add3A_277 : i32 to index
        %get3A_279 = arith.constant 0 : index
        %get3A_280 = tpu.vector_load %arg10[%get3A_278, %get3A_279] {strides = array<i32>} : memref<80x16xf32, #tpu.memory_space<vmem>>, vector<1x16xf32>,
        %get3A_281 = vector.shape_cast %get3A_280 : vector<1x16xf32> to vector<16xf32>
        %add3A_282 = arith.addf %get3A_273, %get3A_281 : vector<16xf32>
        %swap3A_283 = arith.index_cast %add3A_135 : i32 to index
        %swap3A_284 = arith.constant 96 : index
        %swap3A_285 = tpu.vector_load %arg13[%swap3A_283, %swap3A_284] {strides = array<i32>} : memref<10x128xf32, #tpu.memory_space<vmem>>, vector<1x16xf32>,
        %swap3A_286 = vector.shape_cast %swap3A_285 : vector<1x16xf32> to vector<16xf32>
        %swap3A_287 = vector.shape_cast %add3A_282 : vector<16xf32> to vector<1x16xf32>
        tpu.vector_store %arg13[%swap3A_283, %swap3A_284], %swap3A_287 {strides = array<i32>} : memref<10x128xf32, #tpu.memory_space<vmem>>, vector<1x16xf32>,
        %mul3A_288 = arith.constant 8 : i32
        %mul3A_289 = arith.muli %add3A_135, %mul3A_288 : i32
        %add3A_290 = arith.constant 7 : i32
        %add3A_291 = arith.addi %mul3A_289, %add3A_290 : i32
        %get3A_292 = arith.index_cast %add3A_291 : i32 to index
        %get3A_293 = arith.constant 0 : index
        %get3A_294 = tpu.vector_load %arg9[%get3A_292, %get3A_293] {strides = array<i32>} : memref<80x16xf32, #tpu.memory_space<vmem>>, vector<1x16xf32>,
        %get3A_295 = vector.shape_cast %get3A_294 : vector<1x16xf32> to vector<16xf32>
        %mul3A_296 = arith.constant 8 : i32
        %mul3A_297 = arith.muli %add3A_135, %mul3A_296 : i32
        %add3A_298 = arith.constant 7 : i32
        %add3A_299 = arith.addi %mul3A_297, %add3A_298 : i32
        %get3A_300 = arith.index_cast %add3A_299 : i32 to index
        %get3A_301 = arith.constant 0 : index
        %get3A_302 = tpu.vector_load %arg10[%get3A_300, %get3A_301] {strides = array<i32>} : memref<80x16xf32, #tpu.memory_space<vmem>>, vector<1x16xf32>,
        %get3A_303 = vector.shape_cast %get3A_302 : vector<1x16xf32> to vector<16xf32>
        %add3A_304 = arith.addf %get3A_295, %get3A_303 : vector<16xf32>
        %swap3A_305 = arith.index_cast %add3A_135 : i32 to index
        %swap3A_306 = arith.constant 112 : index
        %swap3A_307 = tpu.vector_load %arg13[%swap3A_305, %swap3A_306] {strides = array<i32>} : memref<10x128xf32, #tpu.memory_space<vmem>>, vector<1x16xf32>,
        %swap3A_308 = vector.shape_cast %swap3A_307 : vector<1x16xf32> to vector<16xf32>
        %swap3A_309 = vector.shape_cast %add3A_304 : vector<16xf32> to vector<1x16xf32>
        tpu.vector_store %arg13[%swap3A_305, %swap3A_306], %swap3A_309 {strides = array<i32>} : memref<10x128xf32, #tpu.memory_space<vmem>>, vector<1x16xf32>,
      }
      %scan3A_87 = arith.constant 10 : i32
      %mul3A_88 = arith.constant 10 : i32
      %mul3A_89 = arith.muli %mul3A_70, %mul3A_88 : i32
      %add3A_90 = arith.addi %mul3A_10, %mul3A_89 : i32
      "tpu.region"() ({
        %run_scoped3A = tpu.sem_alloc : memref<!tpu.dma_semaphore, #tpu.memory_space<semaphore_mem>>
        %dma_start3A_131 = arith.constant 0 : i32
        %dma_start3A_132 = tpu.memref_slice %arg6[%add3A_90, %dma_start3A_131] : memref<40000x128xf32, #tpu.memory_space<hbm>> -> memref<10x128xf32, #tpu.memory_space<hbm>>
        %dma_start3A_133 = arith.constant 0 : i32
        %dma_start3A_134 = tpu.memref_slice %arg6[%add3A_90, %dma_start3A_133] : memref<40000x128xf32, #tpu.memory_space<hbm>> -> memref<10x128xf32, #tpu.memory_space<hbm>>
        tpu.enqueue_dma source(%arg13 : memref<10x128xf32, #tpu.memory_space<vmem>>) target(%dma_start3A_134 : memref<10x128xf32, #tpu.memory_space<hbm>>) target_semaphore(%run_scoped3A : memref<!tpu.dma_semaphore, #tpu.memory_space<semaphore_mem>>)
        %dma_wait3A_135 = arith.constant 0 : i32
        %dma_wait3A_136 = tpu.memref_slice %arg6[%add3A_90, %dma_wait3A_135] : memref<40000x128xf32, #tpu.memory_space<hbm>> -> memref<10x128xf32, #tpu.memory_space<hbm>>
        %dma_wait3A_137 = arith.constant 0 : i32
        %dma_wait3A_138 = tpu.memref_slice %arg6[%add3A_90, %dma_wait3A_137] : memref<40000x128xf32, #tpu.memory_space<hbm>> -> memref<10x128xf32, #tpu.memory_space<hbm>>
        tpu.wait_dma2 semaphore(%run_scoped3A : memref<!tpu.dma_semaphore, #tpu.memory_space<semaphore_mem>>) src(%arg13 : memref<10x128xf32, #tpu.memory_space<vmem>>) dst(%dma_wait3A_138 : memref<10x128xf32, #tpu.memory_space<hbm>>)
        tpu.yield
      }) : () -> ()
      %mul3A_91 = arith.constant 2 : i32
      %mul3A_92 = arith.muli %mul3A_91, %add3A_52 : i32
      %add3A_93 = arith.constant 2 : i32
      %add3A_94 = arith.addi %mul3A_92, %add3A_93 : i32
      %dma_start3A_95 = arith.constant 0 : i32
      %dma_start3A_96 = tpu.memref_slice %arg7[%add3A_94, %dma_start3A_95] : memref<125x80xi32, #tpu.memory_space<vmem>> -> memref<1x80xi32, #tpu.memory_space<vmem>>
      %dma_start3A_97 = tpu.memref_squeeze %dma_start3A_96 : memref<1x80xi32, #tpu.memory_space<vmem>> -> memref<80xi32, #tpu.memory_space<vmem>>
      %dma_start3A_98 = arith.constant 0 : i32
      %dma_start3A_99 = arith.constant 0 : i32
      %dma_start3A_100 = tpu.memref_slice %arg14[%dma_start3A_98, %dma_start3A_99] : memref<10000x16xf32, #tpu.memory_space<vmem_shared>> -> memref<10000x16xf32, #tpu.memory_space<vmem_shared>>
      tpu.enqueue_indirect_dma source(%dma_start3A_100 : memref<10000x16xf32, #tpu.memory_space<vmem_shared>>) target(%arg9 : memref<80x16xf32, #tpu.memory_space<vmem>>) offsets(%dma_start3A_97 : memref<80xi32, #tpu.memory_space<vmem>>) semaphore(%arg16 : memref<!tpu.dma_semaphore, #tpu.memory_space<semaphore_mem>>)
      %dma_start3A_101 = arith.constant 0 : i32
      %dma_start3A_102 = tpu.memref_slice %arg8[%add3A_94, %dma_start3A_101] : memref<125x80xi32, #tpu.memory_space<vmem>> -> memref<1x80xi32, #tpu.memory_space<vmem>>
      %dma_start3A_103 = tpu.memref_squeeze %dma_start3A_102 : memref<1x80xi32, #tpu.memory_space<vmem>> -> memref<80xi32, #tpu.memory_space<vmem>>
      %dma_start3A_104 = arith.constant 0 : i32
      %dma_start3A_105 = arith.constant 0 : i32
      %dma_start3A_106 = tpu.memref_slice %arg15[%dma_start3A_104, %dma_start3A_105] : memref<10000x16xf32, #tpu.memory_space<vmem_shared>> -> memref<10000x16xf32, #tpu.memory_space<vmem_shared>>
      tpu.enqueue_indirect_dma source(%dma_start3A_106 : memref<10000x16xf32, #tpu.memory_space<vmem_shared>>) target(%arg10 : memref<80x16xf32, #tpu.memory_space<vmem>>) offsets(%dma_start3A_103 : memref<80xi32, #tpu.memory_space<vmem>>) semaphore(%arg17 : memref<!tpu.dma_semaphore, #tpu.memory_space<semaphore_mem>>)
      %mul3A_107 = arith.constant 2 : i32
      %mul3A_108 = arith.muli %mul3A_107, %add3A_52 : i32
      %add3A_109 = arith.constant 1 : i32
      %add3A_110 = arith.addi %mul3A_108, %add3A_109 : i32
      %dma_wait3A_111 = arith.constant 0 : i32
      %dma_wait3A_112 = tpu.memref_slice %arg7[%add3A_110, %dma_wait3A_111] : memref<125x80xi32, #tpu.memory_space<vmem>> -> memref<1x80xi32, #tpu.memory_space<vmem>>
      %dma_wait3A_113 = tpu.memref_squeeze %dma_wait3A_112 : memref<1x80xi32, #tpu.memory_space<vmem>> -> memref<80xi32, #tpu.memory_space<vmem>>
      %dma_wait3A_114 = arith.constant 0 : i32
      %dma_wait3A_115 = arith.constant 0 : i32
      %dma_wait3A_116 = tpu.memref_slice %arg14[%dma_wait3A_114, %dma_wait3A_115] : memref<10000x16xf32, #tpu.memory_space<vmem_shared>> -> memref<10000x16xf32, #tpu.memory_space<vmem_shared>>
      tpu.wait_indirect_dma semaphore(%arg18 : memref<!tpu.dma_semaphore, #tpu.memory_space<semaphore_mem>>) src(%dma_wait3A_116 : memref<10000x16xf32, #tpu.memory_space<vmem_shared>>) dst(%arg11 : memref<80x16xf32, #tpu.memory_space<vmem>>)
      %dma_wait3A_117 = arith.constant 0 : i32
      %dma_wait3A_118 = tpu.memref_slice %arg8[%add3A_110, %dma_wait3A_117] : memref<125x80xi32, #tpu.memory_space<vmem>> -> memref<1x80xi32, #tpu.memory_space<vmem>>
      %dma_wait3A_119 = tpu.memref_squeeze %dma_wait3A_118 : memref<1x80xi32, #tpu.memory_space<vmem>> -> memref<80xi32, #tpu.memory_space<vmem>>
      %dma_wait3A_120 = arith.constant 0 : i32
      %dma_wait3A_121 = arith.constant 0 : i32
      %dma_wait3A_122 = tpu.memref_slice %arg15[%dma_wait3A_120, %dma_wait3A_121] : memref<10000x16xf32, #tpu.memory_space<vmem_shared>> -> memref<10000x16xf32, #tpu.memory_space<vmem_shared>>
      tpu.wait_indirect_dma semaphore(%arg19 : memref<!tpu.dma_semaphore, #tpu.memory_space<semaphore_mem>>) src(%dma_wait3A_122 : memref<10000x16xf32, #tpu.memory_space<vmem_shared>>) dst(%arg12 : memref<80x16xf32, #tpu.memory_space<vmem>>)
      %scan3A_123 = arith.constant 0 : i32
      %scan3A_124 = arith.constant 10 : i32
      %scan3A_125 = arith.addi %scan3A_123, %scan3A_124 : i32
      %scan3A_126 = arith.constant 1 : i32
      scf.for %scan3A_131 = %scan3A_123 to %scan3A_125 step %scan3A_126  : i32 {
        %mul3A_132 = arith.constant 1 : i32
        %mul3A_133 = arith.muli %scan3A_131, %mul3A_132 : i32
        %add3A_134 = arith.constant 0 : i32
        %add3A_135 = arith.addi %add3A_134, %mul3A_133 : i32
        %mul3A_136 = arith.constant 8 : i32
        %mul3A_137 = arith.muli %add3A_135, %mul3A_136 : i32
        %add3A_138 = arith.constant 0 : i32
        %add3A_139 = arith.addi %mul3A_137, %add3A_138 : i32
        %get3A = arith.index_cast %add3A_139 : i32 to index
        %get3A_140 = arith.constant 0 : index
        %get3A_141 = tpu.vector_load %arg11[%get3A, %get3A_140] {strides = array<i32>} : memref<80x16xf32, #tpu.memory_space<vmem>>, vector<1x16xf32>,
        %get3A_142 = vector.shape_cast %get3A_141 : vector<1x16xf32> to vector<16xf32>
        %mul3A_143 = arith.constant 8 : i32
        %mul3A_144 = arith.muli %add3A_135, %mul3A_143 : i32
        %add3A_145 = arith.constant 0 : i32
        %add3A_146 = arith.addi %mul3A_144, %add3A_145 : i32
        %get3A_147 = arith.index_cast %add3A_146 : i32 to index
        %get3A_148 = arith.constant 0 : index
        %get3A_149 = tpu.vector_load %arg12[%get3A_147, %get3A_148] {strides = array<i32>} : memref<80x16xf32, #tpu.memory_space<vmem>>, vector<1x16xf32>,
        %get3A_150 = vector.shape_cast %get3A_149 : vector<1x16xf32> to vector<16xf32>
        %add3A_151 = arith.addf %get3A_142, %get3A_150 : vector<16xf32>
        %swap3A = arith.index_cast %add3A_135 : i32 to index
        %swap3A_152 = arith.constant 0 : index
        %swap3A_153 = tpu.vector_load %arg13[%swap3A, %swap3A_152] {strides = array<i32>} : memref<10x128xf32, #tpu.memory_space<vmem>>, vector<1x16xf32>,
        %swap3A_154 = vector.shape_cast %swap3A_153 : vector<1x16xf32> to vector<16xf32>
        %swap3A_155 = vector.shape_cast %add3A_151 : vector<16xf32> to vector<1x16xf32>
        tpu.vector_store %arg13[%swap3A, %swap3A_152], %swap3A_155 {strides = array<i32>} : memref<10x128xf32, #tpu.memory_space<vmem>>, vector<1x16xf32>,
        %mul3A_156 = arith.constant 8 : i32
        %mul3A_157 = arith.muli %add3A_135, %mul3A_156 : i32
        %add3A_158 = arith.constant 1 : i32
        %add3A_159 = arith.addi %mul3A_157, %add3A_158 : i32
        %get3A_160 = arith.index_cast %add3A_159 : i32 to index
        %get3A_161 = arith.constant 0 : index
        %get3A_162 = tpu.vector_load %arg11[%get3A_160, %get3A_161] {strides = array<i32>} : memref<80x16xf32, #tpu.memory_space<vmem>>, vector<1x16xf32>,
        %get3A_163 = vector.shape_cast %get3A_162 : vector<1x16xf32> to vector<16xf32>
        %mul3A_164 = arith.constant 8 : i32
        %mul3A_165 = arith.muli %add3A_135, %mul3A_164 : i32
        %add3A_166 = arith.constant 1 : i32
        %add3A_167 = arith.addi %mul3A_165, %add3A_166 : i32
        %get3A_168 = arith.index_cast %add3A_167 : i32 to index
        %get3A_169 = arith.constant 0 : index
        %get3A_170 = tpu.vector_load %arg12[%get3A_168, %get3A_169] {strides = array<i32>} : memref<80x16xf32, #tpu.memory_space<vmem>>, vector<1x16xf32>,
        %get3A_171 = vector.shape_cast %get3A_170 : vector<1x16xf32> to vector<16xf32>
        %add3A_172 = arith.addf %get3A_163, %get3A_171 : vector<16xf32>
        %swap3A_173 = arith.index_cast %add3A_135 : i32 to index
        %swap3A_174 = arith.constant 16 : index
        %swap3A_175 = tpu.vector_load %arg13[%swap3A_173, %swap3A_174] {strides = array<i32>} : memref<10x128xf32, #tpu.memory_space<vmem>>, vector<1x16xf32>,
        %swap3A_176 = vector.shape_cast %swap3A_175 : vector<1x16xf32> to vector<16xf32>
        %swap3A_177 = vector.shape_cast %add3A_172 : vector<16xf32> to vector<1x16xf32>
        tpu.vector_store %arg13[%swap3A_173, %swap3A_174], %swap3A_177 {strides = array<i32>} : memref<10x128xf32, #tpu.memory_space<vmem>>, vector<1x16xf32>,
        %mul3A_178 = arith.constant 8 : i32
        %mul3A_179 = arith.muli %add3A_135, %mul3A_178 : i32
        %add3A_180 = arith.constant 2 : i32
        %add3A_181 = arith.addi %mul3A_179, %add3A_180 : i32
        %get3A_182 = arith.index_cast %add3A_181 : i32 to index
        %get3A_183 = arith.constant 0 : index
        %get3A_184 = tpu.vector_load %arg11[%get3A_182, %get3A_183] {strides = array<i32>} : memref<80x16xf32, #tpu.memory_space<vmem>>, vector<1x16xf32>,
        %get3A_185 = vector.shape_cast %get3A_184 : vector<1x16xf32> to vector<16xf32>
        %mul3A_186 = arith.constant 8 : i32
        %mul3A_187 = arith.muli %add3A_135, %mul3A_186 : i32
        %add3A_188 = arith.constant 2 : i32
        %add3A_189 = arith.addi %mul3A_187, %add3A_188 : i32
        %get3A_190 = arith.index_cast %add3A_189 : i32 to index
        %get3A_191 = arith.constant 0 : index
        %get3A_192 = tpu.vector_load %arg12[%get3A_190, %get3A_191] {strides = array<i32>} : memref<80x16xf32, #tpu.memory_space<vmem>>, vector<1x16xf32>,
        %get3A_193 = vector.shape_cast %get3A_192 : vector<1x16xf32> to vector<16xf32>
        %add3A_194 = arith.addf %get3A_185, %get3A_193 : vector<16xf32>
        %swap3A_195 = arith.index_cast %add3A_135 : i32 to index
        %swap3A_196 = arith.constant 32 : index
        %swap3A_197 = tpu.vector_load %arg13[%swap3A_195, %swap3A_196] {strides = array<i32>} : memref<10x128xf32, #tpu.memory_space<vmem>>, vector<1x16xf32>,
        %swap3A_198 = vector.shape_cast %swap3A_197 : vector<1x16xf32> to vector<16xf32>
        %swap3A_199 = vector.shape_cast %add3A_194 : vector<16xf32> to vector<1x16xf32>
        tpu.vector_store %arg13[%swap3A_195, %swap3A_196], %swap3A_199 {strides = array<i32>} : memref<10x128xf32, #tpu.memory_space<vmem>>, vector<1x16xf32>,
        %mul3A_200 = arith.constant 8 : i32
        %mul3A_201 = arith.muli %add3A_135, %mul3A_200 : i32
        %add3A_202 = arith.constant 3 : i32
        %add3A_203 = arith.addi %mul3A_201, %add3A_202 : i32
        %get3A_204 = arith.index_cast %add3A_203 : i32 to index
        %get3A_205 = arith.constant 0 : index
        %get3A_206 = tpu.vector_load %arg11[%get3A_204, %get3A_205] {strides = array<i32>} : memref<80x16xf32, #tpu.memory_space<vmem>>, vector<1x16xf32>,
        %get3A_207 = vector.shape_cast %get3A_206 : vector<1x16xf32> to vector<16xf32>
        %mul3A_208 = arith.constant 8 : i32
        %mul3A_209 = arith.muli %add3A_135, %mul3A_208 : i32
        %add3A_210 = arith.constant 3 : i32
        %add3A_211 = arith.addi %mul3A_209, %add3A_210 : i32
        %get3A_212 = arith.index_cast %add3A_211 : i32 to index
        %get3A_213 = arith.constant 0 : index
        %get3A_214 = tpu.vector_load %arg12[%get3A_212, %get3A_213] {strides = array<i32>} : memref<80x16xf32, #tpu.memory_space<vmem>>, vector<1x16xf32>,
        %get3A_215 = vector.shape_cast %get3A_214 : vector<1x16xf32> to vector<16xf32>
        %add3A_216 = arith.addf %get3A_207, %get3A_215 : vector<16xf32>
        %swap3A_217 = arith.index_cast %add3A_135 : i32 to index
        %swap3A_218 = arith.constant 48 : index
        %swap3A_219 = tpu.vector_load %arg13[%swap3A_217, %swap3A_218] {strides = array<i32>} : memref<10x128xf32, #tpu.memory_space<vmem>>, vector<1x16xf32>,
        %swap3A_220 = vector.shape_cast %swap3A_219 : vector<1x16xf32> to vector<16xf32>
        %swap3A_221 = vector.shape_cast %add3A_216 : vector<16xf32> to vector<1x16xf32>
        tpu.vector_store %arg13[%swap3A_217, %swap3A_218], %swap3A_221 {strides = array<i32>} : memref<10x128xf32, #tpu.memory_space<vmem>>, vector<1x16xf32>,
        %mul3A_222 = arith.constant 8 : i32
        %mul3A_223 = arith.muli %add3A_135, %mul3A_222 : i32
        %add3A_224 = arith.constant 4 : i32
        %add3A_225 = arith.addi %mul3A_223, %add3A_224 : i32
        %get3A_226 = arith.index_cast %add3A_225 : i32 to index
        %get3A_227 = arith.constant 0 : index
        %get3A_228 = tpu.vector_load %arg11[%get3A_226, %get3A_227] {strides = array<i32>} : memref<80x16xf32, #tpu.memory_space<vmem>>, vector<1x16xf32>,
        %get3A_229 = vector.shape_cast %get3A_228 : vector<1x16xf32> to vector<16xf32>
        %mul3A_230 = arith.constant 8 : i32
        %mul3A_231 = arith.muli %add3A_135, %mul3A_230 : i32
        %add3A_232 = arith.constant 4 : i32
        %add3A_233 = arith.addi %mul3A_231, %add3A_232 : i32
        %get3A_234 = arith.index_cast %add3A_233 : i32 to index
        %get3A_235 = arith.constant 0 : index
        %get3A_236 = tpu.vector_load %arg12[%get3A_234, %get3A_235] {strides = array<i32>} : memref<80x16xf32, #tpu.memory_space<vmem>>, vector<1x16xf32>,
        %get3A_237 = vector.shape_cast %get3A_236 : vector<1x16xf32> to vector<16xf32>
        %add3A_238 = arith.addf %get3A_229, %get3A_237 : vector<16xf32>
        %swap3A_239 = arith.index_cast %add3A_135 : i32 to index
        %swap3A_240 = arith.constant 64 : index
        %swap3A_241 = tpu.vector_load %arg13[%swap3A_239, %swap3A_240] {strides = array<i32>} : memref<10x128xf32, #tpu.memory_space<vmem>>, vector<1x16xf32>,
        %swap3A_242 = vector.shape_cast %swap3A_241 : vector<1x16xf32> to vector<16xf32>
        %swap3A_243 = vector.shape_cast %add3A_238 : vector<16xf32> to vector<1x16xf32>
        tpu.vector_store %arg13[%swap3A_239, %swap3A_240], %swap3A_243 {strides = array<i32>} : memref<10x128xf32, #tpu.memory_space<vmem>>, vector<1x16xf32>,
        %mul3A_244 = arith.constant 8 : i32
        %mul3A_245 = arith.muli %add3A_135, %mul3A_244 : i32
        %add3A_246 = arith.constant 5 : i32
        %add3A_247 = arith.addi %mul3A_245, %add3A_246 : i32
        %get3A_248 = arith.index_cast %add3A_247 : i32 to index
        %get3A_249 = arith.constant 0 : index
        %get3A_250 = tpu.vector_load %arg11[%get3A_248, %get3A_249] {strides = array<i32>} : memref<80x16xf32, #tpu.memory_space<vmem>>, vector<1x16xf32>,
        %get3A_251 = vector.shape_cast %get3A_250 : vector<1x16xf32> to vector<16xf32>
        %mul3A_252 = arith.constant 8 : i32
        %mul3A_253 = arith.muli %add3A_135, %mul3A_252 : i32
        %add3A_254 = arith.constant 5 : i32
        %add3A_255 = arith.addi %mul3A_253, %add3A_254 : i32
        %get3A_256 = arith.index_cast %add3A_255 : i32 to index
        %get3A_257 = arith.constant 0 : index
        %get3A_258 = tpu.vector_load %arg12[%get3A_256, %get3A_257] {strides = array<i32>} : memref<80x16xf32, #tpu.memory_space<vmem>>, vector<1x16xf32>,
        %get3A_259 = vector.shape_cast %get3A_258 : vector<1x16xf32> to vector<16xf32>
        %add3A_260 = arith.addf %get3A_251, %get3A_259 : vector<16xf32>
        %swap3A_261 = arith.index_cast %add3A_135 : i32 to index
        %swap3A_262 = arith.constant 80 : index
        %swap3A_263 = tpu.vector_load %arg13[%swap3A_261, %swap3A_262] {strides = array<i32>} : memref<10x128xf32, #tpu.memory_space<vmem>>, vector<1x16xf32>,
        %swap3A_264 = vector.shape_cast %swap3A_263 : vector<1x16xf32> to vector<16xf32>
        %swap3A_265 = vector.shape_cast %add3A_260 : vector<16xf32> to vector<1x16xf32>
        tpu.vector_store %arg13[%swap3A_261, %swap3A_262], %swap3A_265 {strides = array<i32>} : memref<10x128xf32, #tpu.memory_space<vmem>>, vector<1x16xf32>,
        %mul3A_266 = arith.constant 8 : i32
        %mul3A_267 = arith.muli %add3A_135, %mul3A_266 : i32
        %add3A_268 = arith.constant 6 : i32
        %add3A_269 = arith.addi %mul3A_267, %add3A_268 : i32
        %get3A_270 = arith.index_cast %add3A_269 : i32 to index
        %get3A_271 = arith.constant 0 : index
        %get3A_272 = tpu.vector_load %arg11[%get3A_270, %get3A_271] {strides = array<i32>} : memref<80x16xf32, #tpu.memory_space<vmem>>, vector<1x16xf32>,
        %get3A_273 = vector.shape_cast %get3A_272 : vector<1x16xf32> to vector<16xf32>
        %mul3A_274 = arith.constant 8 : i32
        %mul3A_275 = arith.muli %add3A_135, %mul3A_274 : i32
        %add3A_276 = arith.constant 6 : i32
        %add3A_277 = arith.addi %mul3A_275, %add3A_276 : i32
        %get3A_278 = arith.index_cast %add3A_277 : i32 to index
        %get3A_279 = arith.constant 0 : index
        %get3A_280 = tpu.vector_load %arg12[%get3A_278, %get3A_279] {strides = array<i32>} : memref<80x16xf32, #tpu.memory_space<vmem>>, vector<1x16xf32>,
        %get3A_281 = vector.shape_cast %get3A_280 : vector<1x16xf32> to vector<16xf32>
        %add3A_282 = arith.addf %get3A_273, %get3A_281 : vector<16xf32>
        %swap3A_283 = arith.index_cast %add3A_135 : i32 to index
        %swap3A_284 = arith.constant 96 : index
        %swap3A_285 = tpu.vector_load %arg13[%swap3A_283, %swap3A_284] {strides = array<i32>} : memref<10x128xf32, #tpu.memory_space<vmem>>, vector<1x16xf32>,
        %swap3A_286 = vector.shape_cast %swap3A_285 : vector<1x16xf32> to vector<16xf32>
        %swap3A_287 = vector.shape_cast %add3A_282 : vector<16xf32> to vector<1x16xf32>
        tpu.vector_store %arg13[%swap3A_283, %swap3A_284], %swap3A_287 {strides = array<i32>} : memref<10x128xf32, #tpu.memory_space<vmem>>, vector<1x16xf32>,
        %mul3A_288 = arith.constant 8 : i32
        %mul3A_289 = arith.muli %add3A_135, %mul3A_288 : i32
        %add3A_290 = arith.constant 7 : i32
        %add3A_291 = arith.addi %mul3A_289, %add3A_290 : i32
        %get3A_292 = arith.index_cast %add3A_291 : i32 to index
        %get3A_293 = arith.constant 0 : index
        %get3A_294 = tpu.vector_load %arg11[%get3A_292, %get3A_293] {strides = array<i32>} : memref<80x16xf32, #tpu.memory_space<vmem>>, vector<1x16xf32>,
        %get3A_295 = vector.shape_cast %get3A_294 : vector<1x16xf32> to vector<16xf32>
        %mul3A_296 = arith.constant 8 : i32
        %mul3A_297 = arith.muli %add3A_135, %mul3A_296 : i32
        %add3A_298 = arith.constant 7 : i32
        %add3A_299 = arith.addi %mul3A_297, %add3A_298 : i32
        %get3A_300 = arith.index_cast %add3A_299 : i32 to index
        %get3A_301 = arith.constant 0 : index
        %get3A_302 = tpu.vector_load %arg12[%get3A_300, %get3A_301] {strides = array<i32>} : memref<80x16xf32, #tpu.memory_space<vmem>>, vector<1x16xf32>,
        %get3A_303 = vector.shape_cast %get3A_302 : vector<1x16xf32> to vector<16xf32>
        %add3A_304 = arith.addf %get3A_295, %get3A_303 : vector<16xf32>
        %swap3A_305 = arith.index_cast %add3A_135 : i32 to index
        %swap3A_306 = arith.constant 112 : index
        %swap3A_307 = tpu.vector_load %arg13[%swap3A_305, %swap3A_306] {strides = array<i32>} : memref<10x128xf32, #tpu.memory_space<vmem>>, vector<1x16xf32>,
        %swap3A_308 = vector.shape_cast %swap3A_307 : vector<1x16xf32> to vector<16xf32>
        %swap3A_309 = vector.shape_cast %add3A_304 : vector<16xf32> to vector<1x16xf32>
        tpu.vector_store %arg13[%swap3A_305, %swap3A_306], %swap3A_309 {strides = array<i32>} : memref<10x128xf32, #tpu.memory_space<vmem>>, vector<1x16xf32>,
      }
      %scan3A_127 = arith.constant 10 : i32
      %mul3A_128 = arith.constant 10 : i32
      %mul3A_129 = arith.muli %add3A_110, %mul3A_128 : i32
      %add3A_130 = arith.addi %mul3A_10, %mul3A_129 : i32
      "tpu.region"() ({
        %run_scoped3A = tpu.sem_alloc : memref<!tpu.dma_semaphore, #tpu.memory_space<semaphore_mem>>
        %dma_start3A_131 = arith.constant 0 : i32
        %dma_start3A_132 = tpu.memref_slice %arg6[%add3A_130, %dma_start3A_131] : memref<40000x128xf32, #tpu.memory_space<hbm>> -> memref<10x128xf32, #tpu.memory_space<hbm>>
        %dma_start3A_133 = arith.constant 0 : i32
        %dma_start3A_134 = tpu.memref_slice %arg6[%add3A_130, %dma_start3A_133] : memref<40000x128xf32, #tpu.memory_space<hbm>> -> memref<10x128xf32, #tpu.memory_space<hbm>>
        tpu.enqueue_dma source(%arg13 : memref<10x128xf32, #tpu.memory_space<vmem>>) target(%dma_start3A_134 : memref<10x128xf32, #tpu.memory_space<hbm>>) target_semaphore(%run_scoped3A : memref<!tpu.dma_semaphore, #tpu.memory_space<semaphore_mem>>)
        %dma_wait3A_135 = arith.constant 0 : i32
        %dma_wait3A_136 = tpu.memref_slice %arg6[%add3A_130, %dma_wait3A_135] : memref<40000x128xf32, #tpu.memory_space<hbm>> -> memref<10x128xf32, #tpu.memory_space<hbm>>
        %dma_wait3A_137 = arith.constant 0 : i32
        %dma_wait3A_138 = tpu.memref_slice %arg6[%add3A_130, %dma_wait3A_137] : memref<40000x128xf32, #tpu.memory_space<hbm>> -> memref<10x128xf32, #tpu.memory_space<hbm>>
        tpu.wait_dma2 semaphore(%run_scoped3A : memref<!tpu.dma_semaphore, #tpu.memory_space<semaphore_mem>>) src(%arg13 : memref<10x128xf32, #tpu.memory_space<vmem>>) dst(%dma_wait3A_138 : memref<10x128xf32, #tpu.memory_space<hbm>>)
        tpu.yield
      }) : () -> ()
    }
    %scan3A_27 = arith.constant 62 : i32
    %dma_wait3A = arith.constant 124 : i32
    %dma_wait3A_28 = arith.constant 0 : i32
    %dma_wait3A_29 = tpu.memref_slice %arg7[%dma_wait3A, %dma_wait3A_28] : memref<125x80xi32, #tpu.memory_space<vmem>> -> memref<1x80xi32, #tpu.memory_space<vmem>>
    %dma_wait3A_30 = tpu.memref_squeeze %dma_wait3A_29 : memref<1x80xi32, #tpu.memory_space<vmem>> -> memref<80xi32, #tpu.memory_space<vmem>>
    %dma_wait3A_31 = arith.constant 0 : i32
    %dma_wait3A_32 = arith.constant 0 : i32
    %dma_wait3A_33 = tpu.memref_slice %arg14[%dma_wait3A_31, %dma_wait3A_32] : memref<10000x16xf32, #tpu.memory_space<vmem_shared>> -> memref<10000x16xf32, #tpu.memory_space<vmem_shared>>
    tpu.wait_indirect_dma semaphore(%arg16 : memref<!tpu.dma_semaphore, #tpu.memory_space<semaphore_mem>>) src(%dma_wait3A_33 : memref<10000x16xf32, #tpu.memory_space<vmem_shared>>) dst(%arg9 : memref<80x16xf32, #tpu.memory_space<vmem>>)
    %dma_wait3A_34 = arith.constant 124 : i32
    %dma_wait3A_35 = arith.constant 0 : i32
    %dma_wait3A_36 = tpu.memref_slice %arg8[%dma_wait3A_34, %dma_wait3A_35] : memref<125x80xi32, #tpu.memory_space<vmem>> -> memref<1x80xi32, #tpu.memory_space<vmem>>
    %dma_wait3A_37 = tpu.memref_squeeze %dma_wait3A_36 : memref<1x80xi32, #tpu.memory_space<vmem>> -> memref<80xi32, #tpu.memory_space<vmem>>
    %dma_wait3A_38 = arith.constant 0 : i32
    %dma_wait3A_39 = arith.constant 0 : i32
    %dma_wait3A_40 = tpu.memref_slice %arg15[%dma_wait3A_38, %dma_wait3A_39] : memref<10000x16xf32, #tpu.memory_space<vmem_shared>> -> memref<10000x16xf32, #tpu.memory_space<vmem_shared>>
    tpu.wait_indirect_dma semaphore(%arg17 : memref<!tpu.dma_semaphore, #tpu.memory_space<semaphore_mem>>) src(%dma_wait3A_40 : memref<10000x16xf32, #tpu.memory_space<vmem_shared>>) dst(%arg10 : memref<80x16xf32, #tpu.memory_space<vmem>>)
    %scan3A_41 = arith.constant 0 : i32
    %scan3A_42 = arith.constant 10 : i32
    %scan3A_43 = arith.addi %scan3A_41, %scan3A_42 : i32
    %scan3A_44 = arith.constant 1 : i32
    scf.for %scan3A_48 = %scan3A_41 to %scan3A_43 step %scan3A_44  : i32 {
      %mul3A_49 = arith.constant 1 : i32
      %mul3A_50 = arith.muli %scan3A_48, %mul3A_49 : i32
      %add3A_51 = arith.constant 0 : i32
      %add3A_52 = arith.addi %add3A_51, %mul3A_50 : i32
      %mul3A_53 = arith.constant 8 : i32
      %mul3A_54 = arith.muli %add3A_52, %mul3A_53 : i32
      %add3A_55 = arith.constant 0 : i32
      %add3A_56 = arith.addi %mul3A_54, %add3A_55 : i32
      %get3A = arith.index_cast %add3A_56 : i32 to index
      %get3A_57 = arith.constant 0 : index
      %get3A_58 = tpu.vector_load %arg9[%get3A, %get3A_57] {strides = array<i32>} : memref<80x16xf32, #tpu.memory_space<vmem>>, vector<1x16xf32>,
      %get3A_59 = vector.shape_cast %get3A_58 : vector<1x16xf32> to vector<16xf32>
      %mul3A_60 = arith.constant 8 : i32
      %mul3A_61 = arith.muli %add3A_52, %mul3A_60 : i32
      %add3A_62 = arith.constant 0 : i32
      %add3A_63 = arith.addi %mul3A_61, %add3A_62 : i32
      %get3A_64 = arith.index_cast %add3A_63 : i32 to index
      %get3A_65 = arith.constant 0 : index
      %get3A_66 = tpu.vector_load %arg10[%get3A_64, %get3A_65] {strides = array<i32>} : memref<80x16xf32, #tpu.memory_space<vmem>>, vector<1x16xf32>,
      %get3A_67 = vector.shape_cast %get3A_66 : vector<1x16xf32> to vector<16xf32>
      %add3A_68 = arith.addf %get3A_59, %get3A_67 : vector<16xf32>
      %swap3A = arith.index_cast %add3A_52 : i32 to index
      %swap3A_69 = arith.constant 0 : index
      %swap3A_70 = tpu.vector_load %arg13[%swap3A, %swap3A_69] {strides = array<i32>} : memref<10x128xf32, #tpu.memory_space<vmem>>, vector<1x16xf32>,
      %swap3A_71 = vector.shape_cast %swap3A_70 : vector<1x16xf32> to vector<16xf32>
      %swap3A_72 = vector.shape_cast %add3A_68 : vector<16xf32> to vector<1x16xf32>
      tpu.vector_store %arg13[%swap3A, %swap3A_69], %swap3A_72 {strides = array<i32>} : memref<10x128xf32, #tpu.memory_space<vmem>>, vector<1x16xf32>,
      %mul3A_73 = arith.constant 8 : i32
      %mul3A_74 = arith.muli %add3A_52, %mul3A_73 : i32
      %add3A_75 = arith.constant 1 : i32
      %add3A_76 = arith.addi %mul3A_74, %add3A_75 : i32
      %get3A_77 = arith.index_cast %add3A_76 : i32 to index
      %get3A_78 = arith.constant 0 : index
      %get3A_79 = tpu.vector_load %arg9[%get3A_77, %get3A_78] {strides = array<i32>} : memref<80x16xf32, #tpu.memory_space<vmem>>, vector<1x16xf32>,
      %get3A_80 = vector.shape_cast %get3A_79 : vector<1x16xf32> to vector<16xf32>
      %mul3A_81 = arith.constant 8 : i32
      %mul3A_82 = arith.muli %add3A_52, %mul3A_81 : i32
      %add3A_83 = arith.constant 1 : i32
      %add3A_84 = arith.addi %mul3A_82, %add3A_83 : i32
      %get3A_85 = arith.index_cast %add3A_84 : i32 to index
      %get3A_86 = arith.constant 0 : index
      %get3A_87 = tpu.vector_load %arg10[%get3A_85, %get3A_86] {strides = array<i32>} : memref<80x16xf32, #tpu.memory_space<vmem>>, vector<1x16xf32>,
      %get3A_88 = vector.shape_cast %get3A_87 : vector<1x16xf32> to vector<16xf32>
      %add3A_89 = arith.addf %get3A_80, %get3A_88 : vector<16xf32>
      %swap3A_90 = arith.index_cast %add3A_52 : i32 to index
      %swap3A_91 = arith.constant 16 : index
      %swap3A_92 = tpu.vector_load %arg13[%swap3A_90, %swap3A_91] {strides = array<i32>} : memref<10x128xf32, #tpu.memory_space<vmem>>, vector<1x16xf32>,
      %swap3A_93 = vector.shape_cast %swap3A_92 : vector<1x16xf32> to vector<16xf32>
      %swap3A_94 = vector.shape_cast %add3A_89 : vector<16xf32> to vector<1x16xf32>
      tpu.vector_store %arg13[%swap3A_90, %swap3A_91], %swap3A_94 {strides = array<i32>} : memref<10x128xf32, #tpu.memory_space<vmem>>, vector<1x16xf32>,
      %mul3A_95 = arith.constant 8 : i32
      %mul3A_96 = arith.muli %add3A_52, %mul3A_95 : i32
      %add3A_97 = arith.constant 2 : i32
      %add3A_98 = arith.addi %mul3A_96, %add3A_97 : i32
      %get3A_99 = arith.index_cast %add3A_98 : i32 to index
      %get3A_100 = arith.constant 0 : index
      %get3A_101 = tpu.vector_load %arg9[%get3A_99, %get3A_100] {strides = array<i32>} : memref<80x16xf32, #tpu.memory_space<vmem>>, vector<1x16xf32>,
      %get3A_102 = vector.shape_cast %get3A_101 : vector<1x16xf32> to vector<16xf32>
      %mul3A_103 = arith.constant 8 : i32
      %mul3A_104 = arith.muli %add3A_52, %mul3A_103 : i32
      %add3A_105 = arith.constant 2 : i32
      %add3A_106 = arith.addi %mul3A_104, %add3A_105 : i32
      %get3A_107 = arith.index_cast %add3A_106 : i32 to index
      %get3A_108 = arith.constant 0 : index
      %get3A_109 = tpu.vector_load %arg10[%get3A_107, %get3A_108] {strides = array<i32>} : memref<80x16xf32, #tpu.memory_space<vmem>>, vector<1x16xf32>,
      %get3A_110 = vector.shape_cast %get3A_109 : vector<1x16xf32> to vector<16xf32>
      %add3A_111 = arith.addf %get3A_102, %get3A_110 : vector<16xf32>
      %swap3A_112 = arith.index_cast %add3A_52 : i32 to index
      %swap3A_113 = arith.constant 32 : index
      %swap3A_114 = tpu.vector_load %arg13[%swap3A_112, %swap3A_113] {strides = array<i32>} : memref<10x128xf32, #tpu.memory_space<vmem>>, vector<1x16xf32>,
      %swap3A_115 = vector.shape_cast %swap3A_114 : vector<1x16xf32> to vector<16xf32>
      %swap3A_116 = vector.shape_cast %add3A_111 : vector<16xf32> to vector<1x16xf32>
      tpu.vector_store %arg13[%swap3A_112, %swap3A_113], %swap3A_116 {strides = array<i32>} : memref<10x128xf32, #tpu.memory_space<vmem>>, vector<1x16xf32>,
      %mul3A_117 = arith.constant 8 : i32
      %mul3A_118 = arith.muli %add3A_52, %mul3A_117 : i32
      %add3A_119 = arith.constant 3 : i32
      %add3A_120 = arith.addi %mul3A_118, %add3A_119 : i32
      %get3A_121 = arith.index_cast %add3A_120 : i32 to index
      %get3A_122 = arith.constant 0 : index
      %get3A_123 = tpu.vector_load %arg9[%get3A_121, %get3A_122] {strides = array<i32>} : memref<80x16xf32, #tpu.memory_space<vmem>>, vector<1x16xf32>,
      %get3A_124 = vector.shape_cast %get3A_123 : vector<1x16xf32> to vector<16xf32>
      %mul3A_125 = arith.constant 8 : i32
      %mul3A_126 = arith.muli %add3A_52, %mul3A_125 : i32
      %add3A_127 = arith.constant 3 : i32
      %add3A_128 = arith.addi %mul3A_126, %add3A_127 : i32
      %get3A_129 = arith.index_cast %add3A_128 : i32 to index
      %get3A_130 = arith.constant 0 : index
      %get3A_131 = tpu.vector_load %arg10[%get3A_129, %get3A_130] {strides = array<i32>} : memref<80x16xf32, #tpu.memory_space<vmem>>, vector<1x16xf32>,
      %get3A_132 = vector.shape_cast %get3A_131 : vector<1x16xf32> to vector<16xf32>
      %add3A_133 = arith.addf %get3A_124, %get3A_132 : vector<16xf32>
      %swap3A_134 = arith.index_cast %add3A_52 : i32 to index
      %swap3A_135 = arith.constant 48 : index
      %swap3A_136 = tpu.vector_load %arg13[%swap3A_134, %swap3A_135] {strides = array<i32>} : memref<10x128xf32, #tpu.memory_space<vmem>>, vector<1x16xf32>,
      %swap3A_137 = vector.shape_cast %swap3A_136 : vector<1x16xf32> to vector<16xf32>
      %swap3A_138 = vector.shape_cast %add3A_133 : vector<16xf32> to vector<1x16xf32>
      tpu.vector_store %arg13[%swap3A_134, %swap3A_135], %swap3A_138 {strides = array<i32>} : memref<10x128xf32, #tpu.memory_space<vmem>>, vector<1x16xf32>,
      %mul3A_139 = arith.constant 8 : i32
      %mul3A_140 = arith.muli %add3A_52, %mul3A_139 : i32
      %add3A_141 = arith.constant 4 : i32
      %add3A_142 = arith.addi %mul3A_140, %add3A_141 : i32
      %get3A_143 = arith.index_cast %add3A_142 : i32 to index
      %get3A_144 = arith.constant 0 : index
      %get3A_145 = tpu.vector_load %arg9[%get3A_143, %get3A_144] {strides = array<i32>} : memref<80x16xf32, #tpu.memory_space<vmem>>, vector<1x16xf32>,
      %get3A_146 = vector.shape_cast %get3A_145 : vector<1x16xf32> to vector<16xf32>
      %mul3A_147 = arith.constant 8 : i32
      %mul3A_148 = arith.muli %add3A_52, %mul3A_147 : i32
      %add3A_149 = arith.constant 4 : i32
      %add3A_150 = arith.addi %mul3A_148, %add3A_149 : i32
      %get3A_151 = arith.index_cast %add3A_150 : i32 to index
      %get3A_152 = arith.constant 0 : index
      %get3A_153 = tpu.vector_load %arg10[%get3A_151, %get3A_152] {strides = array<i32>} : memref<80x16xf32, #tpu.memory_space<vmem>>, vector<1x16xf32>,
      %get3A_154 = vector.shape_cast %get3A_153 : vector<1x16xf32> to vector<16xf32>
      %add3A_155 = arith.addf %get3A_146, %get3A_154 : vector<16xf32>
      %swap3A_156 = arith.index_cast %add3A_52 : i32 to index
      %swap3A_157 = arith.constant 64 : index
      %swap3A_158 = tpu.vector_load %arg13[%swap3A_156, %swap3A_157] {strides = array<i32>} : memref<10x128xf32, #tpu.memory_space<vmem>>, vector<1x16xf32>,
      %swap3A_159 = vector.shape_cast %swap3A_158 : vector<1x16xf32> to vector<16xf32>
      %swap3A_160 = vector.shape_cast %add3A_155 : vector<16xf32> to vector<1x16xf32>
      tpu.vector_store %arg13[%swap3A_156, %swap3A_157], %swap3A_160 {strides = array<i32>} : memref<10x128xf32, #tpu.memory_space<vmem>>, vector<1x16xf32>,
      %mul3A_161 = arith.constant 8 : i32
      %mul3A_162 = arith.muli %add3A_52, %mul3A_161 : i32
      %add3A_163 = arith.constant 5 : i32
      %add3A_164 = arith.addi %mul3A_162, %add3A_163 : i32
      %get3A_165 = arith.index_cast %add3A_164 : i32 to index
      %get3A_166 = arith.constant 0 : index
      %get3A_167 = tpu.vector_load %arg9[%get3A_165, %get3A_166] {strides = array<i32>} : memref<80x16xf32, #tpu.memory_space<vmem>>, vector<1x16xf32>,
      %get3A_168 = vector.shape_cast %get3A_167 : vector<1x16xf32> to vector<16xf32>
      %mul3A_169 = arith.constant 8 : i32
      %mul3A_170 = arith.muli %add3A_52, %mul3A_169 : i32
      %add3A_171 = arith.constant 5 : i32
      %add3A_172 = arith.addi %mul3A_170, %add3A_171 : i32
      %get3A_173 = arith.index_cast %add3A_172 : i32 to index
      %get3A_174 = arith.constant 0 : index
      %get3A_175 = tpu.vector_load %arg10[%get3A_173, %get3A_174] {strides = array<i32>} : memref<80x16xf32, #tpu.memory_space<vmem>>, vector<1x16xf32>,
      %get3A_176 = vector.shape_cast %get3A_175 : vector<1x16xf32> to vector<16xf32>
      %add3A_177 = arith.addf %get3A_168, %get3A_176 : vector<16xf32>
      %swap3A_178 = arith.index_cast %add3A_52 : i32 to index
      %swap3A_179 = arith.constant 80 : index
      %swap3A_180 = tpu.vector_load %arg13[%swap3A_178, %swap3A_179] {strides = array<i32>} : memref<10x128xf32, #tpu.memory_space<vmem>>, vector<1x16xf32>,
      %swap3A_181 = vector.shape_cast %swap3A_180 : vector<1x16xf32> to vector<16xf32>
      %swap3A_182 = vector.shape_cast %add3A_177 : vector<16xf32> to vector<1x16xf32>
      tpu.vector_store %arg13[%swap3A_178, %swap3A_179], %swap3A_182 {strides = array<i32>} : memref<10x128xf32, #tpu.memory_space<vmem>>, vector<1x16xf32>,
      %mul3A_183 = arith.constant 8 : i32
      %mul3A_184 = arith.muli %add3A_52, %mul3A_183 : i32
      %add3A_185 = arith.constant 6 : i32
      %add3A_186 = arith.addi %mul3A_184, %add3A_185 : i32
      %get3A_187 = arith.index_cast %add3A_186 : i32 to index
      %get3A_188 = arith.constant 0 : index
      %get3A_189 = tpu.vector_load %arg9[%get3A_187, %get3A_188] {strides = array<i32>} : memref<80x16xf32, #tpu.memory_space<vmem>>, vector<1x16xf32>,
      %get3A_190 = vector.shape_cast %get3A_189 : vector<1x16xf32> to vector<16xf32>
      %mul3A_191 = arith.constant 8 : i32
      %mul3A_192 = arith.muli %add3A_52, %mul3A_191 : i32
      %add3A_193 = arith.constant 6 : i32
      %add3A_194 = arith.addi %mul3A_192, %add3A_193 : i32
      %get3A_195 = arith.index_cast %add3A_194 : i32 to index
      %get3A_196 = arith.constant 0 : index
      %get3A_197 = tpu.vector_load %arg10[%get3A_195, %get3A_196] {strides = array<i32>} : memref<80x16xf32, #tpu.memory_space<vmem>>, vector<1x16xf32>,
      %get3A_198 = vector.shape_cast %get3A_197 : vector<1x16xf32> to vector<16xf32>
      %add3A_199 = arith.addf %get3A_190, %get3A_198 : vector<16xf32>
      %swap3A_200 = arith.index_cast %add3A_52 : i32 to index
      %swap3A_201 = arith.constant 96 : index
      %swap3A_202 = tpu.vector_load %arg13[%swap3A_200, %swap3A_201] {strides = array<i32>} : memref<10x128xf32, #tpu.memory_space<vmem>>, vector<1x16xf32>,
      %swap3A_203 = vector.shape_cast %swap3A_202 : vector<1x16xf32> to vector<16xf32>
      %swap3A_204 = vector.shape_cast %add3A_199 : vector<16xf32> to vector<1x16xf32>
      tpu.vector_store %arg13[%swap3A_200, %swap3A_201], %swap3A_204 {strides = array<i32>} : memref<10x128xf32, #tpu.memory_space<vmem>>, vector<1x16xf32>,
      %mul3A_205 = arith.constant 8 : i32
      %mul3A_206 = arith.muli %add3A_52, %mul3A_205 : i32
      %add3A_207 = arith.constant 7 : i32
      %add3A_208 = arith.addi %mul3A_206, %add3A_207 : i32
      %get3A_209 = arith.index_cast %add3A_208 : i32 to index
      %get3A_210 = arith.constant 0 : index
      %get3A_211 = tpu.vector_load %arg9[%get3A_209, %get3A_210] {strides = array<i32>} : memref<80x16xf32, #tpu.memory_space<vmem>>, vector<1x16xf32>,
      %get3A_212 = vector.shape_cast %get3A_211 : vector<1x16xf32> to vector<16xf32>
      %mul3A_213 = arith.constant 8 : i32
      %mul3A_214 = arith.muli %add3A_52, %mul3A_213 : i32
      %add3A_215 = arith.constant 7 : i32
      %add3A_216 = arith.addi %mul3A_214, %add3A_215 : i32
      %get3A_217 = arith.index_cast %add3A_216 : i32 to index
      %get3A_218 = arith.constant 0 : index
      %get3A_219 = tpu.vector_load %arg10[%get3A_217, %get3A_218] {strides = array<i32>} : memref<80x16xf32, #tpu.memory_space<vmem>>, vector<1x16xf32>,
      %get3A_220 = vector.shape_cast %get3A_219 : vector<1x16xf32> to vector<16xf32>
      %add3A_221 = arith.addf %get3A_212, %get3A_220 : vector<16xf32>
      %swap3A_222 = arith.index_cast %add3A_52 : i32 to index
      %swap3A_223 = arith.constant 112 : index
      %swap3A_224 = tpu.vector_load %arg13[%swap3A_222, %swap3A_223] {strides = array<i32>} : memref<10x128xf32, #tpu.memory_space<vmem>>, vector<1x16xf32>,
      %swap3A_225 = vector.shape_cast %swap3A_224 : vector<1x16xf32> to vector<16xf32>
      %swap3A_226 = vector.shape_cast %add3A_221 : vector<16xf32> to vector<1x16xf32>
      tpu.vector_store %arg13[%swap3A_222, %swap3A_223], %swap3A_226 {strides = array<i32>} : memref<10x128xf32, #tpu.memory_space<vmem>>, vector<1x16xf32>,
    }
    %scan3A_45 = arith.constant 10 : i32
    %add3A_46 = arith.constant 1240 : i32
    %add3A_47 = arith.addi %mul3A_10, %add3A_46 : i32
    "tpu.region"() ({
      %run_scoped3A = tpu.sem_alloc : memref<!tpu.dma_semaphore, #tpu.memory_space<semaphore_mem>>
      %dma_start3A_48 = arith.constant 0 : i32
      %dma_start3A_49 = tpu.memref_slice %arg6[%add3A_47, %dma_start3A_48] : memref<40000x128xf32, #tpu.memory_space<hbm>> -> memref<10x128xf32, #tpu.memory_space<hbm>>
      %dma_start3A_50 = arith.constant 0 : i32
      %dma_start3A_51 = tpu.memref_slice %arg6[%add3A_47, %dma_start3A_50] : memref<40000x128xf32, #tpu.memory_space<hbm>> -> memref<10x128xf32, #tpu.memory_space<hbm>>
      tpu.enqueue_dma source(%arg13 : memref<10x128xf32, #tpu.memory_space<vmem>>) target(%dma_start3A_51 : memref<10x128xf32, #tpu.memory_space<hbm>>) target_semaphore(%run_scoped3A : memref<!tpu.dma_semaphore, #tpu.memory_space<semaphore_mem>>)
      %dma_wait3A_52 = arith.constant 0 : i32
      %dma_wait3A_53 = tpu.memref_slice %arg6[%add3A_47, %dma_wait3A_52] : memref<40000x128xf32, #tpu.memory_space<hbm>> -> memref<10x128xf32, #tpu.memory_space<hbm>>
      %dma_wait3A_54 = arith.constant 0 : i32
      %dma_wait3A_55 = tpu.memref_slice %arg6[%add3A_47, %dma_wait3A_54] : memref<40000x128xf32, #tpu.memory_space<hbm>> -> memref<10x128xf32, #tpu.memory_space<hbm>>
      tpu.wait_dma2 semaphore(%run_scoped3A : memref<!tpu.dma_semaphore, #tpu.memory_space<semaphore_mem>>) src(%arg13 : memref<10x128xf32, #tpu.memory_space<vmem>>) dst(%dma_wait3A_55 : memref<10x128xf32, #tpu.memory_space<hbm>>)
      tpu.yield
    }) : () -> ()
    return
  }
}

#map = affine_map<(d0, d1) -> (0, 0)>
#map1 = affine_map<(d0, d1) -> (0, 0, 0)>
module attributes {stable_mosaic.version = 14 : i64} {
  func.func @k(%arg0: i32, %arg1: i32, %arg2: memref<320000x16xf32, #tpu.memory_space<hbm>>, %arg3: memref<4000x80xi32, #tpu.memory_space<hbm>>, %arg4: memref<4000x80xi32, #tpu.memory_space<hbm>>, %arg5: memref<2x10240x16xf32, #tpu.memory_space<hbm>>, %arg6: memref<2x10240x16xf32, #tpu.memory_space<hbm>>, %arg7: memref<125x80xi32, #tpu.memory_space<vmem>>, %arg8: memref<125x80xi32, #tpu.memory_space<vmem>>, %arg9: memref<80x16xf32, #tpu.memory_space<vmem>>, %arg10: memref<80x16xf32, #tpu.memory_space<vmem>>, %arg11: memref<128x16xf32, #tpu.memory_space<vmem>>, %arg12: memref<10240x16xf32, #tpu.memory_space<vmem_shared>>, %arg13: memref<10240x16xf32, #tpu.memory_space<vmem_shared>>, %arg14: memref<!tpu.dma_semaphore, #tpu.memory_space<semaphore_mem>>, %arg15: memref<!tpu.dma_semaphore, #tpu.memory_space<semaphore_mem>>, %arg16: memref<!tpu.dma_semaphore, #tpu.memory_space<semaphore_mem>>, %arg17: memref<!tpu.dma_semaphore, #tpu.memory_space<semaphore_mem>>) attributes {dimension_semantics = [#tpu.dimension_semantics<core_parallel>, #tpu.dimension_semantics<subcore_parallel>], iteration_bounds = array<i64: 2, 16>, scalar_prefetch = 0 : i64, scratch_operands = 11 : i64, tpu.core_type = #tpu.core_type<sc_vector_subcore>, window_params = [{transform_indices = #map}, {transform_indices = #map}, {transform_indices = #map}, {transform_indices = #map1}, {transform_indices = #map1}]} {
    %mul3A = arith.constant 2 : i32
    %mul3A_0 = arith.muli %arg1, %mul3A : i32
    %add3A = arith.addi %mul3A_0, %arg0 : i32
    %scan3A = arith.constant 0 : i32
    %scan3A_1 = arith.constant 128 : i32
    %scan3A_2 = arith.addi %scan3A, %scan3A_1 : i32
    %scan3A_3 = arith.constant 1 : i32
    scf.for %scan3A_68 = %scan3A to %scan3A_2 step %scan3A_3  : i32 {
      %mul3A_69 = arith.constant 1 : i32
      %mul3A_70 = arith.muli %scan3A_68, %mul3A_69 : i32
      %add3A_71 = arith.constant 0 : i32
      %add3A_72 = arith.addi %add3A_71, %mul3A_70 : i32
      %broadcast_in_dim3A = arith.constant 0.000000e+00 : f32
      %broadcast_in_dim3A_73 = vector.broadcast %broadcast_in_dim3A : f32 to vector<16xf32>
      %swap3A = arith.index_cast %add3A_72 : i32 to index
      %swap3A_74 = arith.constant 0 : index
      %swap3A_75 = tpu.vector_load %arg11[%swap3A, %swap3A_74] {strides = array<i32>} : memref<128x16xf32, #tpu.memory_space<vmem>>, vector<1x16xf32>,
      %swap3A_76 = vector.shape_cast %swap3A_75 : vector<1x16xf32> to vector<16xf32>
      %swap3A_77 = vector.shape_cast %broadcast_in_dim3A_73 : vector<16xf32> to vector<1x16xf32>
      tpu.vector_store %arg11[%swap3A, %swap3A_74], %swap3A_77 {strides = array<i32>} : memref<128x16xf32, #tpu.memory_space<vmem>>, vector<1x16xf32>,
    }
    %scan3A_4 = arith.constant 128 : i32
    %scan3A_5 = arith.constant 0 : i32
    %scan3A_6 = arith.constant 5 : i32
    %scan3A_7 = arith.addi %scan3A_5, %scan3A_6 : i32
    %scan3A_8 = arith.constant 1 : i32
    scf.for %scan3A_68 = %scan3A_5 to %scan3A_7 step %scan3A_8  : i32 {
      %mul3A_69 = arith.constant 1 : i32
      %mul3A_70 = arith.muli %scan3A_68, %mul3A_69 : i32
      %add3A_71 = arith.constant 0 : i32
      %add3A_72 = arith.addi %add3A_71, %mul3A_70 : i32
      %mul3A_73 = arith.constant 640 : i32
      %mul3A_74 = arith.muli %arg1, %mul3A_73 : i32
      %mul3A_75 = arith.constant 128 : i32
      %mul3A_76 = arith.muli %add3A_72, %mul3A_75 : i32
      %add3A_77 = arith.addi %mul3A_74, %mul3A_76 : i32
      "tpu.region"() ({
        %run_scoped3A = tpu.sem_alloc : memref<!tpu.dma_semaphore, #tpu.memory_space<semaphore_mem>>
        %dma_start3A_83 = arith.constant 0 : i32
        %dma_start3A_84 = tpu.memref_slice %arg12[%add3A_77, %dma_start3A_83] : memref<10240x16xf32, #tpu.memory_space<vmem_shared>> -> memref<128x16xf32, #tpu.memory_space<vmem_shared>>
        %dma_start3A_85 = arith.constant 0 : i32
        %dma_start3A_86 = tpu.memref_slice %arg12[%add3A_77, %dma_start3A_85] : memref<10240x16xf32, #tpu.memory_space<vmem_shared>> -> memref<128x16xf32, #tpu.memory_space<vmem_shared>>
        tpu.enqueue_dma source(%arg11 : memref<128x16xf32, #tpu.memory_space<vmem>>) target(%dma_start3A_86 : memref<128x16xf32, #tpu.memory_space<vmem_shared>>) target_semaphore(%run_scoped3A : memref<!tpu.dma_semaphore, #tpu.memory_space<semaphore_mem>>)
        %dma_wait3A_87 = arith.constant 0 : i32
        %dma_wait3A_88 = tpu.memref_slice %arg12[%add3A_77, %dma_wait3A_87] : memref<10240x16xf32, #tpu.memory_space<vmem_shared>> -> memref<128x16xf32, #tpu.memory_space<vmem_shared>>
        %dma_wait3A_89 = arith.constant 0 : i32
        %dma_wait3A_90 = tpu.memref_slice %arg12[%add3A_77, %dma_wait3A_89] : memref<10240x16xf32, #tpu.memory_space<vmem_shared>> -> memref<128x16xf32, #tpu.memory_space<vmem_shared>>
        tpu.wait_dma2 semaphore(%run_scoped3A : memref<!tpu.dma_semaphore, #tpu.memory_space<semaphore_mem>>) src(%arg11 : memref<128x16xf32, #tpu.memory_space<vmem>>) dst(%dma_wait3A_90 : memref<128x16xf32, #tpu.memory_space<vmem_shared>>)
        tpu.yield
      }) : () -> ()
      %mul3A_78 = arith.constant 640 : i32
      %mul3A_79 = arith.muli %arg1, %mul3A_78 : i32
      %mul3A_80 = arith.constant 128 : i32
      %mul3A_81 = arith.muli %add3A_72, %mul3A_80 : i32
      %add3A_82 = arith.addi %mul3A_79, %mul3A_81 : i32
      "tpu.region"() ({
        %run_scoped3A = tpu.sem_alloc : memref<!tpu.dma_semaphore, #tpu.memory_space<semaphore_mem>>
        %dma_start3A_83 = arith.constant 0 : i32
        %dma_start3A_84 = tpu.memref_slice %arg13[%add3A_82, %dma_start3A_83] : memref<10240x16xf32, #tpu.memory_space<vmem_shared>> -> memref<128x16xf32, #tpu.memory_space<vmem_shared>>
        %dma_start3A_85 = arith.constant 0 : i32
        %dma_start3A_86 = tpu.memref_slice %arg13[%add3A_82, %dma_start3A_85] : memref<10240x16xf32, #tpu.memory_space<vmem_shared>> -> memref<128x16xf32, #tpu.memory_space<vmem_shared>>
        tpu.enqueue_dma source(%arg11 : memref<128x16xf32, #tpu.memory_space<vmem>>) target(%dma_start3A_86 : memref<128x16xf32, #tpu.memory_space<vmem_shared>>) target_semaphore(%run_scoped3A : memref<!tpu.dma_semaphore, #tpu.memory_space<semaphore_mem>>)
        %dma_wait3A_87 = arith.constant 0 : i32
        %dma_wait3A_88 = tpu.memref_slice %arg13[%add3A_82, %dma_wait3A_87] : memref<10240x16xf32, #tpu.memory_space<vmem_shared>> -> memref<128x16xf32, #tpu.memory_space<vmem_shared>>
        %dma_wait3A_89 = arith.constant 0 : i32
        %dma_wait3A_90 = tpu.memref_slice %arg13[%add3A_82, %dma_wait3A_89] : memref<10240x16xf32, #tpu.memory_space<vmem_shared>> -> memref<128x16xf32, #tpu.memory_space<vmem_shared>>
        tpu.wait_dma2 semaphore(%run_scoped3A : memref<!tpu.dma_semaphore, #tpu.memory_space<semaphore_mem>>) src(%arg11 : memref<128x16xf32, #tpu.memory_space<vmem>>) dst(%dma_wait3A_90 : memref<128x16xf32, #tpu.memory_space<vmem_shared>>)
        tpu.yield
      }) : () -> ()
    }
    %scan3A_9 = arith.constant 5 : i32
    %mul3A_10 = arith.constant 125 : i32
    %mul3A_11 = arith.muli %add3A, %mul3A_10 : i32
    "tpu.region"() ({
      %run_scoped3A = tpu.sem_alloc : memref<!tpu.dma_semaphore, #tpu.memory_space<semaphore_mem>>
      %dma_start3A_68 = arith.constant 0 : i32
      %dma_start3A_69 = tpu.memref_slice %arg3[%mul3A_11, %dma_start3A_68] : memref<4000x80xi32, #tpu.memory_space<hbm>> -> memref<125x80xi32, #tpu.memory_space<hbm>>
      %dma_start3A_70 = arith.constant 0 : i32
      %dma_start3A_71 = tpu.memref_slice %arg3[%mul3A_11, %dma_start3A_70] : memref<4000x80xi32, #tpu.memory_space<hbm>> -> memref<125x80xi32, #tpu.memory_space<hbm>>
      tpu.enqueue_dma source(%dma_start3A_71 : memref<125x80xi32, #tpu.memory_space<hbm>>) target(%arg7 : memref<125x80xi32, #tpu.memory_space<vmem>>) target_semaphore(%run_scoped3A : memref<!tpu.dma_semaphore, #tpu.memory_space<semaphore_mem>>)
      %dma_wait3A_72 = arith.constant 0 : i32
      %dma_wait3A_73 = tpu.memref_slice %arg3[%mul3A_11, %dma_wait3A_72] : memref<4000x80xi32, #tpu.memory_space<hbm>> -> memref<125x80xi32, #tpu.memory_space<hbm>>
      %dma_wait3A_74 = arith.constant 0 : i32
      %dma_wait3A_75 = tpu.memref_slice %arg3[%mul3A_11, %dma_wait3A_74] : memref<4000x80xi32, #tpu.memory_space<hbm>> -> memref<125x80xi32, #tpu.memory_space<hbm>>
      tpu.wait_dma2 semaphore(%run_scoped3A : memref<!tpu.dma_semaphore, #tpu.memory_space<semaphore_mem>>) src(%dma_wait3A_75 : memref<125x80xi32, #tpu.memory_space<hbm>>) dst(%arg7 : memref<125x80xi32, #tpu.memory_space<vmem>>)
      tpu.yield
    }) : () -> ()
    %mul3A_12 = arith.constant 125 : i32
    %mul3A_13 = arith.muli %add3A, %mul3A_12 : i32
    "tpu.region"() ({
      %run_scoped3A = tpu.sem_alloc : memref<!tpu.dma_semaphore, #tpu.memory_space<semaphore_mem>>
      %dma_start3A_68 = arith.constant 0 : i32
      %dma_start3A_69 = tpu.memref_slice %arg4[%mul3A_13, %dma_start3A_68] : memref<4000x80xi32, #tpu.memory_space<hbm>> -> memref<125x80xi32, #tpu.memory_space<hbm>>
      %dma_start3A_70 = arith.constant 0 : i32
      %dma_start3A_71 = tpu.memref_slice %arg4[%mul3A_13, %dma_start3A_70] : memref<4000x80xi32, #tpu.memory_space<hbm>> -> memref<125x80xi32, #tpu.memory_space<hbm>>
      tpu.enqueue_dma source(%dma_start3A_71 : memref<125x80xi32, #tpu.memory_space<hbm>>) target(%arg8 : memref<125x80xi32, #tpu.memory_space<vmem>>) target_semaphore(%run_scoped3A : memref<!tpu.dma_semaphore, #tpu.memory_space<semaphore_mem>>)
      %dma_wait3A_72 = arith.constant 0 : i32
      %dma_wait3A_73 = tpu.memref_slice %arg4[%mul3A_13, %dma_wait3A_72] : memref<4000x80xi32, #tpu.memory_space<hbm>> -> memref<125x80xi32, #tpu.memory_space<hbm>>
      %dma_wait3A_74 = arith.constant 0 : i32
      %dma_wait3A_75 = tpu.memref_slice %arg4[%mul3A_13, %dma_wait3A_74] : memref<4000x80xi32, #tpu.memory_space<hbm>> -> memref<125x80xi32, #tpu.memory_space<hbm>>
      tpu.wait_dma2 semaphore(%run_scoped3A : memref<!tpu.dma_semaphore, #tpu.memory_space<semaphore_mem>>) src(%dma_wait3A_75 : memref<125x80xi32, #tpu.memory_space<hbm>>) dst(%arg8 : memref<125x80xi32, #tpu.memory_space<vmem>>)
      tpu.yield
    }) : () -> ()
    %barrier3A = arith.constant 0 : index
    tpu.barrier barrier_id(%barrier3A)
    %mul3A_14 = arith.constant 10000 : i32
    %mul3A_15 = arith.muli %add3A, %mul3A_14 : i32
    %add3A_16 = arith.constant 0 : i32
    %add3A_17 = arith.addi %mul3A_15, %add3A_16 : i32
    %dma_start3A = arith.constant 0 : i32
    %dma_start3A_18 = tpu.memref_slice %arg2[%add3A_17, %dma_start3A] : memref<320000x16xf32, #tpu.memory_space<hbm>> -> memref<80x16xf32, #tpu.memory_space<hbm>>
    %dma_start3A_19 = arith.constant 0 : i32
    %dma_start3A_20 = tpu.memref_slice %arg2[%add3A_17, %dma_start3A_19] : memref<320000x16xf32, #tpu.memory_space<hbm>> -> memref<80x16xf32, #tpu.memory_space<hbm>>
    tpu.enqueue_dma source(%dma_start3A_20 : memref<80x16xf32, #tpu.memory_space<hbm>>) target(%arg9 : memref<80x16xf32, #tpu.memory_space<vmem>>) target_semaphore(%arg14 : memref<!tpu.dma_semaphore, #tpu.memory_space<semaphore_mem>>)
    %scan3A_21 = arith.constant 0 : i32
    %scan3A_22 = arith.constant 62 : i32
    %scan3A_23 = arith.addi %scan3A_21, %scan3A_22 : i32
    %scan3A_24 = arith.constant 1 : i32
    scf.for %scan3A_68 = %scan3A_21 to %scan3A_23 step %scan3A_24  : i32 {
      %mul3A_69 = arith.constant 1 : i32
      %mul3A_70 = arith.muli %scan3A_68, %mul3A_69 : i32
      %add3A_71 = arith.constant 0 : i32
      %add3A_72 = arith.addi %add3A_71, %mul3A_70 : i32
      %mul3A_73 = arith.constant 2 : i32
      %mul3A_74 = arith.muli %mul3A_73, %add3A_72 : i32
      %add3A_75 = arith.constant 1 : i32
      %add3A_76 = arith.addi %mul3A_74, %add3A_75 : i32
      %mul3A_77 = arith.constant 80 : i32
      %mul3A_78 = arith.muli %add3A_76, %mul3A_77 : i32
      %add3A_79 = arith.addi %mul3A_15, %mul3A_78 : i32
      %dma_start3A_80 = arith.constant 0 : i32
      %dma_start3A_81 = tpu.memref_slice %arg2[%add3A_79, %dma_start3A_80] : memref<320000x16xf32, #tpu.memory_space<hbm>> -> memref<80x16xf32, #tpu.memory_space<hbm>>
      %dma_start3A_82 = arith.constant 0 : i32
      %dma_start3A_83 = tpu.memref_slice %arg2[%add3A_79, %dma_start3A_82] : memref<320000x16xf32, #tpu.memory_space<hbm>> -> memref<80x16xf32, #tpu.memory_space<hbm>>
      tpu.enqueue_dma source(%dma_start3A_83 : memref<80x16xf32, #tpu.memory_space<hbm>>) target(%arg10 : memref<80x16xf32, #tpu.memory_space<vmem>>) target_semaphore(%arg15 : memref<!tpu.dma_semaphore, #tpu.memory_space<semaphore_mem>>)
      %mul3A_84 = arith.constant 2 : i32
      %mul3A_85 = arith.muli %mul3A_84, %add3A_72 : i32
      %mul3A_86 = arith.constant 80 : i32
      %mul3A_87 = arith.muli %mul3A_85, %mul3A_86 : i32
      %add3A_88 = arith.addi %mul3A_15, %mul3A_87 : i32
      %dma_wait3A_89 = arith.constant 0 : i32
      %dma_wait3A_90 = tpu.memref_slice %arg2[%add3A_88, %dma_wait3A_89] : memref<320000x16xf32, #tpu.memory_space<hbm>> -> memref<80x16xf32, #tpu.memory_space<hbm>>
      %dma_wait3A_91 = arith.constant 0 : i32
      %dma_wait3A_92 = tpu.memref_slice %arg2[%add3A_88, %dma_wait3A_91] : memref<320000x16xf32, #tpu.memory_space<hbm>> -> memref<80x16xf32, #tpu.memory_space<hbm>>
      tpu.wait_dma2 semaphore(%arg14 : memref<!tpu.dma_semaphore, #tpu.memory_space<semaphore_mem>>) src(%dma_wait3A_92 : memref<80x16xf32, #tpu.memory_space<hbm>>) dst(%arg9 : memref<80x16xf32, #tpu.memory_space<vmem>>)
      %dma_start3A_93 = arith.constant 0 : i32
      %dma_start3A_94 = tpu.memref_slice %arg7[%mul3A_85, %dma_start3A_93] : memref<125x80xi32, #tpu.memory_space<vmem>> -> memref<1x80xi32, #tpu.memory_space<vmem>>
      %dma_start3A_95 = tpu.memref_squeeze %dma_start3A_94 : memref<1x80xi32, #tpu.memory_space<vmem>> -> memref<80xi32, #tpu.memory_space<vmem>>
      %dma_start3A_96 = arith.constant 0 : i32
      %dma_start3A_97 = arith.constant 0 : i32
      %dma_start3A_98 = tpu.memref_slice %arg12[%dma_start3A_96, %dma_start3A_97] : memref<10240x16xf32, #tpu.memory_space<vmem_shared>> -> memref<10240x16xf32, #tpu.memory_space<vmem_shared>>
      tpu.enqueue_indirect_dma source(%arg9 : memref<80x16xf32, #tpu.memory_space<vmem>>) target(%dma_start3A_98 : memref<10240x16xf32, #tpu.memory_space<vmem_shared>>) offsets(%dma_start3A_95 : memref<80xi32, #tpu.memory_space<vmem>>) semaphore(%arg16 : memref<!tpu.dma_semaphore, #tpu.memory_space<semaphore_mem>>) {add = true}
      %dma_start3A_99 = arith.constant 0 : i32
      %dma_start3A_100 = tpu.memref_slice %arg8[%mul3A_85, %dma_start3A_99] : memref<125x80xi32, #tpu.memory_space<vmem>> -> memref<1x80xi32, #tpu.memory_space<vmem>>
      %dma_start3A_101 = tpu.memref_squeeze %dma_start3A_100 : memref<1x80xi32, #tpu.memory_space<vmem>> -> memref<80xi32, #tpu.memory_space<vmem>>
      %dma_start3A_102 = arith.constant 0 : i32
      %dma_start3A_103 = arith.constant 0 : i32
      %dma_start3A_104 = tpu.memref_slice %arg13[%dma_start3A_102, %dma_start3A_103] : memref<10240x16xf32, #tpu.memory_space<vmem_shared>> -> memref<10240x16xf32, #tpu.memory_space<vmem_shared>>
      tpu.enqueue_indirect_dma source(%arg9 : memref<80x16xf32, #tpu.memory_space<vmem>>) target(%dma_start3A_104 : memref<10240x16xf32, #tpu.memory_space<vmem_shared>>) offsets(%dma_start3A_101 : memref<80xi32, #tpu.memory_space<vmem>>) semaphore(%arg17 : memref<!tpu.dma_semaphore, #tpu.memory_space<semaphore_mem>>) {add = true}
      %dma_wait3A_105 = arith.constant 0 : i32
      %dma_wait3A_106 = tpu.memref_slice %arg7[%mul3A_85, %dma_wait3A_105] : memref<125x80xi32, #tpu.memory_space<vmem>> -> memref<1x80xi32, #tpu.memory_space<vmem>>
      %dma_wait3A_107 = tpu.memref_squeeze %dma_wait3A_106 : memref<1x80xi32, #tpu.memory_space<vmem>> -> memref<80xi32, #tpu.memory_space<vmem>>
      %dma_wait3A_108 = arith.constant 0 : i32
      %dma_wait3A_109 = arith.constant 0 : i32
      %dma_wait3A_110 = tpu.memref_slice %arg12[%dma_wait3A_108, %dma_wait3A_109] : memref<10240x16xf32, #tpu.memory_space<vmem_shared>> -> memref<10240x16xf32, #tpu.memory_space<vmem_shared>>
      tpu.wait_indirect_dma semaphore(%arg16 : memref<!tpu.dma_semaphore, #tpu.memory_space<semaphore_mem>>) src(%arg9 : memref<80x16xf32, #tpu.memory_space<vmem>>) dst(%dma_wait3A_110 : memref<10240x16xf32, #tpu.memory_space<vmem_shared>>)
      %dma_wait3A_111 = arith.constant 0 : i32
      %dma_wait3A_112 = tpu.memref_slice %arg8[%mul3A_85, %dma_wait3A_111] : memref<125x80xi32, #tpu.memory_space<vmem>> -> memref<1x80xi32, #tpu.memory_space<vmem>>
      %dma_wait3A_113 = tpu.memref_squeeze %dma_wait3A_112 : memref<1x80xi32, #tpu.memory_space<vmem>> -> memref<80xi32, #tpu.memory_space<vmem>>
      %dma_wait3A_114 = arith.constant 0 : i32
      %dma_wait3A_115 = arith.constant 0 : i32
      %dma_wait3A_116 = tpu.memref_slice %arg13[%dma_wait3A_114, %dma_wait3A_115] : memref<10240x16xf32, #tpu.memory_space<vmem_shared>> -> memref<10240x16xf32, #tpu.memory_space<vmem_shared>>
      tpu.wait_indirect_dma semaphore(%arg17 : memref<!tpu.dma_semaphore, #tpu.memory_space<semaphore_mem>>) src(%arg9 : memref<80x16xf32, #tpu.memory_space<vmem>>) dst(%dma_wait3A_116 : memref<10240x16xf32, #tpu.memory_space<vmem_shared>>)
      %mul3A_117 = arith.constant 2 : i32
      %mul3A_118 = arith.muli %mul3A_117, %add3A_72 : i32
      %add3A_119 = arith.constant 2 : i32
      %add3A_120 = arith.addi %mul3A_118, %add3A_119 : i32
      %mul3A_121 = arith.constant 80 : i32
      %mul3A_122 = arith.muli %add3A_120, %mul3A_121 : i32
      %add3A_123 = arith.addi %mul3A_15, %mul3A_122 : i32
      %dma_start3A_124 = arith.constant 0 : i32
      %dma_start3A_125 = tpu.memref_slice %arg2[%add3A_123, %dma_start3A_124] : memref<320000x16xf32, #tpu.memory_space<hbm>> -> memref<80x16xf32, #tpu.memory_space<hbm>>
      %dma_start3A_126 = arith.constant 0 : i32
      %dma_start3A_127 = tpu.memref_slice %arg2[%add3A_123, %dma_start3A_126] : memref<320000x16xf32, #tpu.memory_space<hbm>> -> memref<80x16xf32, #tpu.memory_space<hbm>>
      tpu.enqueue_dma source(%dma_start3A_127 : memref<80x16xf32, #tpu.memory_space<hbm>>) target(%arg9 : memref<80x16xf32, #tpu.memory_space<vmem>>) target_semaphore(%arg14 : memref<!tpu.dma_semaphore, #tpu.memory_space<semaphore_mem>>)
      %mul3A_128 = arith.constant 2 : i32
      %mul3A_129 = arith.muli %mul3A_128, %add3A_72 : i32
      %add3A_130 = arith.constant 1 : i32
      %add3A_131 = arith.addi %mul3A_129, %add3A_130 : i32
      %mul3A_132 = arith.constant 80 : i32
      %mul3A_133 = arith.muli %add3A_131, %mul3A_132 : i32
      %add3A_134 = arith.addi %mul3A_15, %mul3A_133 : i32
      %dma_wait3A_135 = arith.constant 0 : i32
      %dma_wait3A_136 = tpu.memref_slice %arg2[%add3A_134, %dma_wait3A_135] : memref<320000x16xf32, #tpu.memory_space<hbm>> -> memref<80x16xf32, #tpu.memory_space<hbm>>
      %dma_wait3A_137 = arith.constant 0 : i32
      %dma_wait3A_138 = tpu.memref_slice %arg2[%add3A_134, %dma_wait3A_137] : memref<320000x16xf32, #tpu.memory_space<hbm>> -> memref<80x16xf32, #tpu.memory_space<hbm>>
      tpu.wait_dma2 semaphore(%arg15 : memref<!tpu.dma_semaphore, #tpu.memory_space<semaphore_mem>>) src(%dma_wait3A_138 : memref<80x16xf32, #tpu.memory_space<hbm>>) dst(%arg10 : memref<80x16xf32, #tpu.memory_space<vmem>>)
      %dma_start3A_139 = arith.constant 0 : i32
      %dma_start3A_140 = tpu.memref_slice %arg7[%add3A_131, %dma_start3A_139] : memref<125x80xi32, #tpu.memory_space<vmem>> -> memref<1x80xi32, #tpu.memory_space<vmem>>
      %dma_start3A_141 = tpu.memref_squeeze %dma_start3A_140 : memref<1x80xi32, #tpu.memory_space<vmem>> -> memref<80xi32, #tpu.memory_space<vmem>>
      %dma_start3A_142 = arith.constant 0 : i32
      %dma_start3A_143 = arith.constant 0 : i32
      %dma_start3A_144 = tpu.memref_slice %arg12[%dma_start3A_142, %dma_start3A_143] : memref<10240x16xf32, #tpu.memory_space<vmem_shared>> -> memref<10240x16xf32, #tpu.memory_space<vmem_shared>>
      tpu.enqueue_indirect_dma source(%arg10 : memref<80x16xf32, #tpu.memory_space<vmem>>) target(%dma_start3A_144 : memref<10240x16xf32, #tpu.memory_space<vmem_shared>>) offsets(%dma_start3A_141 : memref<80xi32, #tpu.memory_space<vmem>>) semaphore(%arg16 : memref<!tpu.dma_semaphore, #tpu.memory_space<semaphore_mem>>) {add = true}
      %dma_start3A_145 = arith.constant 0 : i32
      %dma_start3A_146 = tpu.memref_slice %arg8[%add3A_131, %dma_start3A_145] : memref<125x80xi32, #tpu.memory_space<vmem>> -> memref<1x80xi32, #tpu.memory_space<vmem>>
      %dma_start3A_147 = tpu.memref_squeeze %dma_start3A_146 : memref<1x80xi32, #tpu.memory_space<vmem>> -> memref<80xi32, #tpu.memory_space<vmem>>
      %dma_start3A_148 = arith.constant 0 : i32
      %dma_start3A_149 = arith.constant 0 : i32
      %dma_start3A_150 = tpu.memref_slice %arg13[%dma_start3A_148, %dma_start3A_149] : memref<10240x16xf32, #tpu.memory_space<vmem_shared>> -> memref<10240x16xf32, #tpu.memory_space<vmem_shared>>
      tpu.enqueue_indirect_dma source(%arg10 : memref<80x16xf32, #tpu.memory_space<vmem>>) target(%dma_start3A_150 : memref<10240x16xf32, #tpu.memory_space<vmem_shared>>) offsets(%dma_start3A_147 : memref<80xi32, #tpu.memory_space<vmem>>) semaphore(%arg17 : memref<!tpu.dma_semaphore, #tpu.memory_space<semaphore_mem>>) {add = true}
      %dma_wait3A_151 = arith.constant 0 : i32
      %dma_wait3A_152 = tpu.memref_slice %arg7[%add3A_131, %dma_wait3A_151] : memref<125x80xi32, #tpu.memory_space<vmem>> -> memref<1x80xi32, #tpu.memory_space<vmem>>
      %dma_wait3A_153 = tpu.memref_squeeze %dma_wait3A_152 : memref<1x80xi32, #tpu.memory_space<vmem>> -> memref<80xi32, #tpu.memory_space<vmem>>
      %dma_wait3A_154 = arith.constant 0 : i32
      %dma_wait3A_155 = arith.constant 0 : i32
      %dma_wait3A_156 = tpu.memref_slice %arg12[%dma_wait3A_154, %dma_wait3A_155] : memref<10240x16xf32, #tpu.memory_space<vmem_shared>> -> memref<10240x16xf32, #tpu.memory_space<vmem_shared>>
      tpu.wait_indirect_dma semaphore(%arg16 : memref<!tpu.dma_semaphore, #tpu.memory_space<semaphore_mem>>) src(%arg10 : memref<80x16xf32, #tpu.memory_space<vmem>>) dst(%dma_wait3A_156 : memref<10240x16xf32, #tpu.memory_space<vmem_shared>>)
      %dma_wait3A_157 = arith.constant 0 : i32
      %dma_wait3A_158 = tpu.memref_slice %arg8[%add3A_131, %dma_wait3A_157] : memref<125x80xi32, #tpu.memory_space<vmem>> -> memref<1x80xi32, #tpu.memory_space<vmem>>
      %dma_wait3A_159 = tpu.memref_squeeze %dma_wait3A_158 : memref<1x80xi32, #tpu.memory_space<vmem>> -> memref<80xi32, #tpu.memory_space<vmem>>
      %dma_wait3A_160 = arith.constant 0 : i32
      %dma_wait3A_161 = arith.constant 0 : i32
      %dma_wait3A_162 = tpu.memref_slice %arg13[%dma_wait3A_160, %dma_wait3A_161] : memref<10240x16xf32, #tpu.memory_space<vmem_shared>> -> memref<10240x16xf32, #tpu.memory_space<vmem_shared>>
      tpu.wait_indirect_dma semaphore(%arg17 : memref<!tpu.dma_semaphore, #tpu.memory_space<semaphore_mem>>) src(%arg10 : memref<80x16xf32, #tpu.memory_space<vmem>>) dst(%dma_wait3A_162 : memref<10240x16xf32, #tpu.memory_space<vmem_shared>>)
    }
    %scan3A_25 = arith.constant 62 : i32
    %add3A_26 = arith.constant 9920 : i32
    %add3A_27 = arith.addi %mul3A_15, %add3A_26 : i32
    %dma_wait3A = arith.constant 0 : i32
    %dma_wait3A_28 = tpu.memref_slice %arg2[%add3A_27, %dma_wait3A] : memref<320000x16xf32, #tpu.memory_space<hbm>> -> memref<80x16xf32, #tpu.memory_space<hbm>>
    %dma_wait3A_29 = arith.constant 0 : i32
    %dma_wait3A_30 = tpu.memref_slice %arg2[%add3A_27, %dma_wait3A_29] : memref<320000x16xf32, #tpu.memory_space<hbm>> -> memref<80x16xf32, #tpu.memory_space<hbm>>
    tpu.wait_dma2 semaphore(%arg14 : memref<!tpu.dma_semaphore, #tpu.memory_space<semaphore_mem>>) src(%dma_wait3A_30 : memref<80x16xf32, #tpu.memory_space<hbm>>) dst(%arg9 : memref<80x16xf32, #tpu.memory_space<vmem>>)
    %dma_start3A_31 = arith.constant 124 : i32
    %dma_start3A_32 = arith.constant 0 : i32
    %dma_start3A_33 = tpu.memref_slice %arg7[%dma_start3A_31, %dma_start3A_32] : memref<125x80xi32, #tpu.memory_space<vmem>> -> memref<1x80xi32, #tpu.memory_space<vmem>>
    %dma_start3A_34 = tpu.memref_squeeze %dma_start3A_33 : memref<1x80xi32, #tpu.memory_space<vmem>> -> memref<80xi32, #tpu.memory_space<vmem>>
    %dma_start3A_35 = arith.constant 0 : i32
    %dma_start3A_36 = arith.constant 0 : i32
    %dma_start3A_37 = tpu.memref_slice %arg12[%dma_start3A_35, %dma_start3A_36] : memref<10240x16xf32, #tpu.memory_space<vmem_shared>> -> memref<10240x16xf32, #tpu.memory_space<vmem_shared>>
    tpu.enqueue_indirect_dma source(%arg9 : memref<80x16xf32, #tpu.memory_space<vmem>>) target(%dma_start3A_37 : memref<10240x16xf32, #tpu.memory_space<vmem_shared>>) offsets(%dma_start3A_34 : memref<80xi32, #tpu.memory_space<vmem>>) semaphore(%arg16 : memref<!tpu.dma_semaphore, #tpu.memory_space<semaphore_mem>>) {add = true}
    %dma_start3A_38 = arith.constant 124 : i32
    %dma_start3A_39 = arith.constant 0 : i32
    %dma_start3A_40 = tpu.memref_slice %arg8[%dma_start3A_38, %dma_start3A_39] : memref<125x80xi32, #tpu.memory_space<vmem>> -> memref<1x80xi32, #tpu.memory_space<vmem>>
    %dma_start3A_41 = tpu.memref_squeeze %dma_start3A_40 : memref<1x80xi32, #tpu.memory_space<vmem>> -> memref<80xi32, #tpu.memory_space<vmem>>
    %dma_start3A_42 = arith.constant 0 : i32
    %dma_start3A_43 = arith.constant 0 : i32
    %dma_start3A_44 = tpu.memref_slice %arg13[%dma_start3A_42, %dma_start3A_43] : memref<10240x16xf32, #tpu.memory_space<vmem_shared>> -> memref<10240x16xf32, #tpu.memory_space<vmem_shared>>
    tpu.enqueue_indirect_dma source(%arg9 : memref<80x16xf32, #tpu.memory_space<vmem>>) target(%dma_start3A_44 : memref<10240x16xf32, #tpu.memory_space<vmem_shared>>) offsets(%dma_start3A_41 : memref<80xi32, #tpu.memory_space<vmem>>) semaphore(%arg17 : memref<!tpu.dma_semaphore, #tpu.memory_space<semaphore_mem>>) {add = true}
    %dma_wait3A_45 = arith.constant 124 : i32
    %dma_wait3A_46 = arith.constant 0 : i32
    %dma_wait3A_47 = tpu.memref_slice %arg7[%dma_wait3A_45, %dma_wait3A_46] : memref<125x80xi32, #tpu.memory_space<vmem>> -> memref<1x80xi32, #tpu.memory_space<vmem>>
    %dma_wait3A_48 = tpu.memref_squeeze %dma_wait3A_47 : memref<1x80xi32, #tpu.memory_space<vmem>> -> memref<80xi32, #tpu.memory_space<vmem>>
    %dma_wait3A_49 = arith.constant 0 : i32
    %dma_wait3A_50 = arith.constant 0 : i32
    %dma_wait3A_51 = tpu.memref_slice %arg12[%dma_wait3A_49, %dma_wait3A_50] : memref<10240x16xf32, #tpu.memory_space<vmem_shared>> -> memref<10240x16xf32, #tpu.memory_space<vmem_shared>>
    tpu.wait_indirect_dma semaphore(%arg16 : memref<!tpu.dma_semaphore, #tpu.memory_space<semaphore_mem>>) src(%arg9 : memref<80x16xf32, #tpu.memory_space<vmem>>) dst(%dma_wait3A_51 : memref<10240x16xf32, #tpu.memory_space<vmem_shared>>)
    %dma_wait3A_52 = arith.constant 124 : i32
    %dma_wait3A_53 = arith.constant 0 : i32
    %dma_wait3A_54 = tpu.memref_slice %arg8[%dma_wait3A_52, %dma_wait3A_53] : memref<125x80xi32, #tpu.memory_space<vmem>> -> memref<1x80xi32, #tpu.memory_space<vmem>>
    %dma_wait3A_55 = tpu.memref_squeeze %dma_wait3A_54 : memref<1x80xi32, #tpu.memory_space<vmem>> -> memref<80xi32, #tpu.memory_space<vmem>>
    %dma_wait3A_56 = arith.constant 0 : i32
    %dma_wait3A_57 = arith.constant 0 : i32
    %dma_wait3A_58 = tpu.memref_slice %arg13[%dma_wait3A_56, %dma_wait3A_57] : memref<10240x16xf32, #tpu.memory_space<vmem_shared>> -> memref<10240x16xf32, #tpu.memory_space<vmem_shared>>
    tpu.wait_indirect_dma semaphore(%arg17 : memref<!tpu.dma_semaphore, #tpu.memory_space<semaphore_mem>>) src(%arg9 : memref<80x16xf32, #tpu.memory_space<vmem>>) dst(%dma_wait3A_58 : memref<10240x16xf32, #tpu.memory_space<vmem_shared>>)
    %barrier3A_59 = arith.constant 0 : index
    tpu.barrier barrier_id(%barrier3A_59)
    %mul3A_60 = arith.constant 640 : i32
    %mul3A_61 = arith.muli %arg1, %mul3A_60 : i32
    %mul3A_62 = arith.constant 640 : i32
    %mul3A_63 = arith.muli %arg1, %mul3A_62 : i32
    "tpu.region"() ({
      %run_scoped3A = tpu.sem_alloc : memref<!tpu.dma_semaphore, #tpu.memory_space<semaphore_mem>>
      %dma_start3A_68 = arith.constant 0 : i32
      %dma_start3A_69 = tpu.memref_slice %arg5[%arg0, %mul3A_63, %dma_start3A_68] : memref<2x10240x16xf32, #tpu.memory_space<hbm>> -> memref<1x640x16xf32, #tpu.memory_space<hbm>>
      %dma_start3A_70 = tpu.memref_squeeze %dma_start3A_69 : memref<1x640x16xf32, #tpu.memory_space<hbm>> -> memref<640x16xf32, #tpu.memory_space<hbm>>
      %dma_start3A_71 = arith.constant 0 : i32
      %dma_start3A_72 = tpu.memref_slice %arg12[%mul3A_61, %dma_start3A_71] : memref<10240x16xf32, #tpu.memory_space<vmem_shared>> -> memref<640x16xf32, #tpu.memory_space<vmem_shared>>
      tpu.enqueue_dma source(%dma_start3A_72 : memref<640x16xf32, #tpu.memory_space<vmem_shared>>) target(%dma_start3A_70 : memref<640x16xf32, #tpu.memory_space<hbm>>) target_semaphore(%run_scoped3A : memref<!tpu.dma_semaphore, #tpu.memory_space<semaphore_mem>>)
      %dma_wait3A_73 = arith.constant 0 : i32
      %dma_wait3A_74 = tpu.memref_slice %arg5[%arg0, %mul3A_63, %dma_wait3A_73] : memref<2x10240x16xf32, #tpu.memory_space<hbm>> -> memref<1x640x16xf32, #tpu.memory_space<hbm>>
      %dma_wait3A_75 = tpu.memref_squeeze %dma_wait3A_74 : memref<1x640x16xf32, #tpu.memory_space<hbm>> -> memref<640x16xf32, #tpu.memory_space<hbm>>
      %dma_wait3A_76 = arith.constant 0 : i32
      %dma_wait3A_77 = tpu.memref_slice %arg12[%mul3A_61, %dma_wait3A_76] : memref<10240x16xf32, #tpu.memory_space<vmem_shared>> -> memref<640x16xf32, #tpu.memory_space<vmem_shared>>
      tpu.wait_dma2 semaphore(%run_scoped3A : memref<!tpu.dma_semaphore, #tpu.memory_space<semaphore_mem>>) src(%dma_wait3A_77 : memref<640x16xf32, #tpu.memory_space<vmem_shared>>) dst(%dma_wait3A_75 : memref<640x16xf32, #tpu.memory_space<hbm>>)
      tpu.yield
    }) : () -> ()
    %mul3A_64 = arith.constant 640 : i32
    %mul3A_65 = arith.muli %arg1, %mul3A_64 : i32
    %mul3A_66 = arith.constant 640 : i32
    %mul3A_67 = arith.muli %arg1, %mul3A_66 : i32
    "tpu.region"() ({
      %run_scoped3A = tpu.sem_alloc : memref<!tpu.dma_semaphore, #tpu.memory_space<semaphore_mem>>
      %dma_start3A_68 = arith.constant 0 : i32
      %dma_start3A_69 = tpu.memref_slice %arg6[%arg0, %mul3A_67, %dma_start3A_68] : memref<2x10240x16xf32, #tpu.memory_space<hbm>> -> memref<1x640x16xf32, #tpu.memory_space<hbm>>
      %dma_start3A_70 = tpu.memref_squeeze %dma_start3A_69 : memref<1x640x16xf32, #tpu.memory_space<hbm>> -> memref<640x16xf32, #tpu.memory_space<hbm>>
      %dma_start3A_71 = arith.constant 0 : i32
      %dma_start3A_72 = tpu.memref_slice %arg13[%mul3A_65, %dma_start3A_71] : memref<10240x16xf32, #tpu.memory_space<vmem_shared>> -> memref<640x16xf32, #tpu.memory_space<vmem_shared>>
      tpu.enqueue_dma source(%dma_start3A_72 : memref<640x16xf32, #tpu.memory_space<vmem_shared>>) target(%dma_start3A_70 : memref<640x16xf32, #tpu.memory_space<hbm>>) target_semaphore(%run_scoped3A : memref<!tpu.dma_semaphore, #tpu.memory_space<semaphore_mem>>)
      %dma_wait3A_73 = arith.constant 0 : i32
      %dma_wait3A_74 = tpu.memref_slice %arg6[%arg0, %mul3A_67, %dma_wait3A_73] : memref<2x10240x16xf32, #tpu.memory_space<hbm>> -> memref<1x640x16xf32, #tpu.memory_space<hbm>>
      %dma_wait3A_75 = tpu.memref_squeeze %dma_wait3A_74 : memref<1x640x16xf32, #tpu.memory_space<hbm>> -> memref<640x16xf32, #tpu.memory_space<hbm>>
      %dma_wait3A_76 = arith.constant 0 : i32
      %dma_wait3A_77 = tpu.memref_slice %arg13[%mul3A_65, %dma_wait3A_76] : memref<10240x16xf32, #tpu.memory_space<vmem_shared>> -> memref<640x16xf32, #tpu.memory_space<vmem_shared>>
      tpu.wait_dma2 semaphore(%run_scoped3A : memref<!tpu.dma_semaphore, #tpu.memory_space<semaphore_mem>>) src(%dma_wait3A_77 : memref<640x16xf32, #tpu.memory_space<vmem_shared>>) dst(%dma_wait3A_75 : memref<640x16xf32, #tpu.memory_space<hbm>>)
      tpu.yield
    }) : () -> ()
    return
  }
}

#map = affine_map<(d0, d1) -> (0, 0)>
#map1 = affine_map<(d0, d1) -> (0, 0, 0)>
module attributes {stable_mosaic.version = 14 : i64} {
  func.func @k(%arg0: i32, %arg1: i32, %arg2: memref<10000x16xf32, #tpu.memory_space<hbm>>, %arg3: memref<10000x16xf32, #tpu.memory_space<hbm>>, %arg4: memref<32x125x80xi32, #tpu.memory_space<hbm>>, %arg5: memref<32x125x80xi32, #tpu.memory_space<hbm>>, %arg6: memref<40000x128xf32, #tpu.memory_space<hbm>>, %arg7: memref<125x80xi32, #tpu.memory_space<vmem>>, %arg8: memref<125x80xi32, #tpu.memory_space<vmem>>, %arg9: memref<80x16xf32, #tpu.memory_space<vmem>>, %arg10: memref<80x16xf32, #tpu.memory_space<vmem>>, %arg11: memref<80x16xf32, #tpu.memory_space<vmem>>, %arg12: memref<80x16xf32, #tpu.memory_space<vmem>>, %arg13: memref<10x128xf32, #tpu.memory_space<vmem>>, %arg14: memref<10000x16xf32, #tpu.memory_space<vmem_shared>>, %arg15: memref<10000x16xf32, #tpu.memory_space<vmem_shared>>, %arg16: memref<!tpu.dma_semaphore, #tpu.memory_space<semaphore_mem>>, %arg17: memref<!tpu.dma_semaphore, #tpu.memory_space<semaphore_mem>>, %arg18: memref<!tpu.dma_semaphore, #tpu.memory_space<semaphore_mem>>, %arg19: memref<!tpu.dma_semaphore, #tpu.memory_space<semaphore_mem>>) attributes {dimension_semantics = [#tpu.dimension_semantics<core_parallel>, #tpu.dimension_semantics<subcore_parallel>], iteration_bounds = array<i64: 2, 16>, scalar_prefetch = 0 : i64, scratch_operands = 13 : i64, tpu.core_type = #tpu.core_type<sc_vector_subcore>, window_params = [{transform_indices = #map}, {transform_indices = #map}, {transform_indices = #map1}, {transform_indices = #map1}, {transform_indices = #map}]} {
    %mul3A = arith.constant 2 : i32
    %mul3A_0 = arith.muli %arg1, %mul3A : i32
    %add3A = arith.addi %mul3A_0, %arg0 : i32
    %mul3A_1 = arith.constant 625 : i32
    %mul3A_2 = arith.muli %arg1, %mul3A_1 : i32
    %mul3A_3 = arith.constant 625 : i32
    %mul3A_4 = arith.muli %arg1, %mul3A_3 : i32
    "tpu.region"() ({
      %run_scoped3A = tpu.sem_alloc : memref<!tpu.dma_semaphore, #tpu.memory_space<semaphore_mem>>
      %dma_start3A_48 = arith.constant 0 : i32
      %dma_start3A_49 = tpu.memref_slice %arg14[%mul3A_4, %dma_start3A_48] : memref<10000x16xf32, #tpu.memory_space<vmem_shared>> -> memref<625x16xf32, #tpu.memory_space<vmem_shared>>
      %dma_start3A_50 = arith.constant 0 : i32
      %dma_start3A_51 = tpu.memref_slice %arg2[%mul3A_2, %dma_start3A_50] : memref<10000x16xf32, #tpu.memory_space<hbm>> -> memref<625x16xf32, #tpu.memory_space<hbm>>
      tpu.enqueue_dma source(%dma_start3A_51 : memref<625x16xf32, #tpu.memory_space<hbm>>) target(%dma_start3A_49 : memref<625x16xf32, #tpu.memory_space<vmem_shared>>) target_semaphore(%run_scoped3A : memref<!tpu.dma_semaphore, #tpu.memory_space<semaphore_mem>>)
      %dma_wait3A_52 = arith.constant 0 : i32
      %dma_wait3A_53 = tpu.memref_slice %arg14[%mul3A_4, %dma_wait3A_52] : memref<10000x16xf32, #tpu.memory_space<vmem_shared>> -> memref<625x16xf32, #tpu.memory_space<vmem_shared>>
      %dma_wait3A_54 = arith.constant 0 : i32
      %dma_wait3A_55 = tpu.memref_slice %arg2[%mul3A_2, %dma_wait3A_54] : memref<10000x16xf32, #tpu.memory_space<hbm>> -> memref<625x16xf32, #tpu.memory_space<hbm>>
      tpu.wait_dma2 semaphore(%run_scoped3A : memref<!tpu.dma_semaphore, #tpu.memory_space<semaphore_mem>>) src(%dma_wait3A_55 : memref<625x16xf32, #tpu.memory_space<hbm>>) dst(%dma_wait3A_53 : memref<625x16xf32, #tpu.memory_space<vmem_shared>>)
      tpu.yield
    }) : () -> ()
    %mul3A_5 = arith.constant 625 : i32
    %mul3A_6 = arith.muli %arg1, %mul3A_5 : i32
    %mul3A_7 = arith.constant 625 : i32
    %mul3A_8 = arith.muli %arg1, %mul3A_7 : i32
    "tpu.region"() ({
      %run_scoped3A = tpu.sem_alloc : memref<!tpu.dma_semaphore, #tpu.memory_space<semaphore_mem>>
      %dma_start3A_48 = arith.constant 0 : i32
      %dma_start3A_49 = tpu.memref_slice %arg15[%mul3A_8, %dma_start3A_48] : memref<10000x16xf32, #tpu.memory_space<vmem_shared>> -> memref<625x16xf32, #tpu.memory_space<vmem_shared>>
      %dma_start3A_50 = arith.constant 0 : i32
      %dma_start3A_51 = tpu.memref_slice %arg3[%mul3A_6, %dma_start3A_50] : memref<10000x16xf32, #tpu.memory_space<hbm>> -> memref<625x16xf32, #tpu.memory_space<hbm>>
      tpu.enqueue_dma source(%dma_start3A_51 : memref<625x16xf32, #tpu.memory_space<hbm>>) target(%dma_start3A_49 : memref<625x16xf32, #tpu.memory_space<vmem_shared>>) target_semaphore(%run_scoped3A : memref<!tpu.dma_semaphore, #tpu.memory_space<semaphore_mem>>)
      %dma_wait3A_52 = arith.constant 0 : i32
      %dma_wait3A_53 = tpu.memref_slice %arg15[%mul3A_8, %dma_wait3A_52] : memref<10000x16xf32, #tpu.memory_space<vmem_shared>> -> memref<625x16xf32, #tpu.memory_space<vmem_shared>>
      %dma_wait3A_54 = arith.constant 0 : i32
      %dma_wait3A_55 = tpu.memref_slice %arg3[%mul3A_6, %dma_wait3A_54] : memref<10000x16xf32, #tpu.memory_space<hbm>> -> memref<625x16xf32, #tpu.memory_space<hbm>>
      tpu.wait_dma2 semaphore(%run_scoped3A : memref<!tpu.dma_semaphore, #tpu.memory_space<semaphore_mem>>) src(%dma_wait3A_55 : memref<625x16xf32, #tpu.memory_space<hbm>>) dst(%dma_wait3A_53 : memref<625x16xf32, #tpu.memory_space<vmem_shared>>)
      tpu.yield
    }) : () -> ()
    "tpu.region"() ({
      %run_scoped3A = tpu.sem_alloc : memref<!tpu.dma_semaphore, #tpu.memory_space<semaphore_mem>>
      %dma_start3A_48 = arith.constant 0 : i32
      %dma_start3A_49 = arith.constant 0 : i32
      %dma_start3A_50 = tpu.memref_slice %arg4[%add3A, %dma_start3A_48, %dma_start3A_49] : memref<32x125x80xi32, #tpu.memory_space<hbm>> -> memref<1x125x80xi32, #tpu.memory_space<hbm>>
      %dma_start3A_51 = tpu.memref_squeeze %dma_start3A_50 : memref<1x125x80xi32, #tpu.memory_space<hbm>> -> memref<125x80xi32, #tpu.memory_space<hbm>>
      %dma_start3A_52 = arith.constant 0 : i32
      %dma_start3A_53 = arith.constant 0 : i32
      %dma_start3A_54 = tpu.memref_slice %arg4[%add3A, %dma_start3A_52, %dma_start3A_53] : memref<32x125x80xi32, #tpu.memory_space<hbm>> -> memref<1x125x80xi32, #tpu.memory_space<hbm>>
      %dma_start3A_55 = tpu.memref_squeeze %dma_start3A_54 : memref<1x125x80xi32, #tpu.memory_space<hbm>> -> memref<125x80xi32, #tpu.memory_space<hbm>>
      tpu.enqueue_dma source(%dma_start3A_55 : memref<125x80xi32, #tpu.memory_space<hbm>>) target(%arg7 : memref<125x80xi32, #tpu.memory_space<vmem>>) target_semaphore(%run_scoped3A : memref<!tpu.dma_semaphore, #tpu.memory_space<semaphore_mem>>)
      %dma_wait3A_56 = arith.constant 0 : i32
      %dma_wait3A_57 = arith.constant 0 : i32
      %dma_wait3A_58 = tpu.memref_slice %arg4[%add3A, %dma_wait3A_56, %dma_wait3A_57] : memref<32x125x80xi32, #tpu.memory_space<hbm>> -> memref<1x125x80xi32, #tpu.memory_space<hbm>>
      %dma_wait3A_59 = tpu.memref_squeeze %dma_wait3A_58 : memref<1x125x80xi32, #tpu.memory_space<hbm>> -> memref<125x80xi32, #tpu.memory_space<hbm>>
      %dma_wait3A_60 = arith.constant 0 : i32
      %dma_wait3A_61 = arith.constant 0 : i32
      %dma_wait3A_62 = tpu.memref_slice %arg4[%add3A, %dma_wait3A_60, %dma_wait3A_61] : memref<32x125x80xi32, #tpu.memory_space<hbm>> -> memref<1x125x80xi32, #tpu.memory_space<hbm>>
      %dma_wait3A_63 = tpu.memref_squeeze %dma_wait3A_62 : memref<1x125x80xi32, #tpu.memory_space<hbm>> -> memref<125x80xi32, #tpu.memory_space<hbm>>
      tpu.wait_dma2 semaphore(%run_scoped3A : memref<!tpu.dma_semaphore, #tpu.memory_space<semaphore_mem>>) src(%dma_wait3A_63 : memref<125x80xi32, #tpu.memory_space<hbm>>) dst(%arg7 : memref<125x80xi32, #tpu.memory_space<vmem>>)
      tpu.yield
    }) : () -> ()
    "tpu.region"() ({
      %run_scoped3A = tpu.sem_alloc : memref<!tpu.dma_semaphore, #tpu.memory_space<semaphore_mem>>
      %dma_start3A_48 = arith.constant 0 : i32
      %dma_start3A_49 = arith.constant 0 : i32
      %dma_start3A_50 = tpu.memref_slice %arg5[%add3A, %dma_start3A_48, %dma_start3A_49] : memref<32x125x80xi32, #tpu.memory_space<hbm>> -> memref<1x125x80xi32, #tpu.memory_space<hbm>>
      %dma_start3A_51 = tpu.memref_squeeze %dma_start3A_50 : memref<1x125x80xi32, #tpu.memory_space<hbm>> -> memref<125x80xi32, #tpu.memory_space<hbm>>
      %dma_start3A_52 = arith.constant 0 : i32
      %dma_start3A_53 = arith.constant 0 : i32
      %dma_start3A_54 = tpu.memref_slice %arg5[%add3A, %dma_start3A_52, %dma_start3A_53] : memref<32x125x80xi32, #tpu.memory_space<hbm>> -> memref<1x125x80xi32, #tpu.memory_space<hbm>>
      %dma_start3A_55 = tpu.memref_squeeze %dma_start3A_54 : memref<1x125x80xi32, #tpu.memory_space<hbm>> -> memref<125x80xi32, #tpu.memory_space<hbm>>
      tpu.enqueue_dma source(%dma_start3A_55 : memref<125x80xi32, #tpu.memory_space<hbm>>) target(%arg8 : memref<125x80xi32, #tpu.memory_space<vmem>>) target_semaphore(%run_scoped3A : memref<!tpu.dma_semaphore, #tpu.memory_space<semaphore_mem>>)
      %dma_wait3A_56 = arith.constant 0 : i32
      %dma_wait3A_57 = arith.constant 0 : i32
      %dma_wait3A_58 = tpu.memref_slice %arg5[%add3A, %dma_wait3A_56, %dma_wait3A_57] : memref<32x125x80xi32, #tpu.memory_space<hbm>> -> memref<1x125x80xi32, #tpu.memory_space<hbm>>
      %dma_wait3A_59 = tpu.memref_squeeze %dma_wait3A_58 : memref<1x125x80xi32, #tpu.memory_space<hbm>> -> memref<125x80xi32, #tpu.memory_space<hbm>>
      %dma_wait3A_60 = arith.constant 0 : i32
      %dma_wait3A_61 = arith.constant 0 : i32
      %dma_wait3A_62 = tpu.memref_slice %arg5[%add3A, %dma_wait3A_60, %dma_wait3A_61] : memref<32x125x80xi32, #tpu.memory_space<hbm>> -> memref<1x125x80xi32, #tpu.memory_space<hbm>>
      %dma_wait3A_63 = tpu.memref_squeeze %dma_wait3A_62 : memref<1x125x80xi32, #tpu.memory_space<hbm>> -> memref<125x80xi32, #tpu.memory_space<hbm>>
      tpu.wait_dma2 semaphore(%run_scoped3A : memref<!tpu.dma_semaphore, #tpu.memory_space<semaphore_mem>>) src(%dma_wait3A_63 : memref<125x80xi32, #tpu.memory_space<hbm>>) dst(%arg8 : memref<125x80xi32, #tpu.memory_space<vmem>>)
      tpu.yield
    }) : () -> ()
    %barrier3A = arith.constant 0 : index
    tpu.barrier barrier_id(%barrier3A)
    %mul3A_9 = arith.constant 1250 : i32
    %mul3A_10 = arith.muli %add3A, %mul3A_9 : i32
    %dma_start3A = arith.constant 0 : i32
    %dma_start3A_11 = arith.constant 0 : i32
    %dma_start3A_12 = tpu.memref_slice %arg7[%dma_start3A, %dma_start3A_11] : memref<125x80xi32, #tpu.memory_space<vmem>> -> memref<1x80xi32, #tpu.memory_space<vmem>>
    %dma_start3A_13 = tpu.memref_squeeze %dma_start3A_12 : memref<1x80xi32, #tpu.memory_space<vmem>> -> memref<80xi32, #tpu.memory_space<vmem>>
    %dma_start3A_14 = arith.constant 0 : i32
    %dma_start3A_15 = arith.constant 0 : i32
    %dma_start3A_16 = tpu.memref_slice %arg14[%dma_start3A_14, %dma_start3A_15] : memref<10000x16xf32, #tpu.memory_space<vmem_shared>> -> memref<10000x16xf32, #tpu.memory_space<vmem_shared>>
    tpu.enqueue_indirect_dma source(%dma_start3A_16 : memref<10000x16xf32, #tpu.memory_space<vmem_shared>>) target(%arg9 : memref<80x16xf32, #tpu.memory_space<vmem>>) offsets(%dma_start3A_13 : memref<80xi32, #tpu.memory_space<vmem>>) semaphore(%arg16 : memref<!tpu.dma_semaphore, #tpu.memory_space<semaphore_mem>>)
    %dma_start3A_17 = arith.constant 0 : i32
    %dma_start3A_18 = arith.constant 0 : i32
    %dma_start3A_19 = tpu.memref_slice %arg8[%dma_start3A_17, %dma_start3A_18] : memref<125x80xi32, #tpu.memory_space<vmem>> -> memref<1x80xi32, #tpu.memory_space<vmem>>
    %dma_start3A_20 = tpu.memref_squeeze %dma_start3A_19 : memref<1x80xi32, #tpu.memory_space<vmem>> -> memref<80xi32, #tpu.memory_space<vmem>>
    %dma_start3A_21 = arith.constant 0 : i32
    %dma_start3A_22 = arith.constant 0 : i32
    %dma_start3A_23 = tpu.memref_slice %arg15[%dma_start3A_21, %dma_start3A_22] : memref<10000x16xf32, #tpu.memory_space<vmem_shared>> -> memref<10000x16xf32, #tpu.memory_space<vmem_shared>>
    tpu.enqueue_indirect_dma source(%dma_start3A_23 : memref<10000x16xf32, #tpu.memory_space<vmem_shared>>) target(%arg10 : memref<80x16xf32, #tpu.memory_space<vmem>>) offsets(%dma_start3A_20 : memref<80xi32, #tpu.memory_space<vmem>>) semaphore(%arg17 : memref<!tpu.dma_semaphore, #tpu.memory_space<semaphore_mem>>)
    %scan3A = arith.constant 0 : i32
    %scan3A_24 = arith.constant 62 : i32
    %scan3A_25 = arith.addi %scan3A, %scan3A_24 : i32
    %scan3A_26 = arith.constant 1 : i32
    scf.for %scan3A_48 = %scan3A to %scan3A_25 step %scan3A_26  : i32 {
      %mul3A_49 = arith.constant 1 : i32
      %mul3A_50 = arith.muli %scan3A_48, %mul3A_49 : i32
      %add3A_51 = arith.constant 0 : i32
      %add3A_52 = arith.addi %add3A_51, %mul3A_50 : i32
      %mul3A_53 = arith.constant 2 : i32
      %mul3A_54 = arith.muli %mul3A_53, %add3A_52 : i32
      %add3A_55 = arith.constant 1 : i32
      %add3A_56 = arith.addi %mul3A_54, %add3A_55 : i32
      %dma_start3A_57 = arith.constant 0 : i32
      %dma_start3A_58 = tpu.memref_slice %arg7[%add3A_56, %dma_start3A_57] : memref<125x80xi32, #tpu.memory_space<vmem>> -> memref<1x80xi32, #tpu.memory_space<vmem>>
      %dma_start3A_59 = tpu.memref_squeeze %dma_start3A_58 : memref<1x80xi32, #tpu.memory_space<vmem>> -> memref<80xi32, #tpu.memory_space<vmem>>
      %dma_start3A_60 = arith.constant 0 : i32
      %dma_start3A_61 = arith.constant 0 : i32
      %dma_start3A_62 = tpu.memref_slice %arg14[%dma_start3A_60, %dma_start3A_61] : memref<10000x16xf32, #tpu.memory_space<vmem_shared>> -> memref<10000x16xf32, #tpu.memory_space<vmem_shared>>
      tpu.enqueue_indirect_dma source(%dma_start3A_62 : memref<10000x16xf32, #tpu.memory_space<vmem_shared>>) target(%arg11 : memref<80x16xf32, #tpu.memory_space<vmem>>) offsets(%dma_start3A_59 : memref<80xi32, #tpu.memory_space<vmem>>) semaphore(%arg18 : memref<!tpu.dma_semaphore, #tpu.memory_space<semaphore_mem>>)
      %dma_start3A_63 = arith.constant 0 : i32
      %dma_start3A_64 = tpu.memref_slice %arg8[%add3A_56, %dma_start3A_63] : memref<125x80xi32, #tpu.memory_space<vmem>> -> memref<1x80xi32, #tpu.memory_space<vmem>>
      %dma_start3A_65 = tpu.memref_squeeze %dma_start3A_64 : memref<1x80xi32, #tpu.memory_space<vmem>> -> memref<80xi32, #tpu.memory_space<vmem>>
      %dma_start3A_66 = arith.constant 0 : i32
      %dma_start3A_67 = arith.constant 0 : i32
      %dma_start3A_68 = tpu.memref_slice %arg15[%dma_start3A_66, %dma_start3A_67] : memref<10000x16xf32, #tpu.memory_space<vmem_shared>> -> memref<10000x16xf32, #tpu.memory_space<vmem_shared>>
      tpu.enqueue_indirect_dma source(%dma_start3A_68 : memref<10000x16xf32, #tpu.memory_space<vmem_shared>>) target(%arg12 : memref<80x16xf32, #tpu.memory_space<vmem>>) offsets(%dma_start3A_65 : memref<80xi32, #tpu.memory_space<vmem>>) semaphore(%arg19 : memref<!tpu.dma_semaphore, #tpu.memory_space<semaphore_mem>>)
      %mul3A_69 = arith.constant 2 : i32
      %mul3A_70 = arith.muli %mul3A_69, %add3A_52 : i32
      %dma_wait3A_71 = arith.constant 0 : i32
      %dma_wait3A_72 = tpu.memref_slice %arg7[%mul3A_70, %dma_wait3A_71] : memref<125x80xi32, #tpu.memory_space<vmem>> -> memref<1x80xi32, #tpu.memory_space<vmem>>
      %dma_wait3A_73 = tpu.memref_squeeze %dma_wait3A_72 : memref<1x80xi32, #tpu.memory_space<vmem>> -> memref<80xi32, #tpu.memory_space<vmem>>
      %dma_wait3A_74 = arith.constant 0 : i32
      %dma_wait3A_75 = arith.constant 0 : i32
      %dma_wait3A_76 = tpu.memref_slice %arg14[%dma_wait3A_74, %dma_wait3A_75] : memref<10000x16xf32, #tpu.memory_space<vmem_shared>> -> memref<10000x16xf32, #tpu.memory_space<vmem_shared>>
      tpu.wait_indirect_dma semaphore(%arg16 : memref<!tpu.dma_semaphore, #tpu.memory_space<semaphore_mem>>) src(%dma_wait3A_76 : memref<10000x16xf32, #tpu.memory_space<vmem_shared>>) dst(%arg9 : memref<80x16xf32, #tpu.memory_space<vmem>>)
      %dma_wait3A_77 = arith.constant 0 : i32
      %dma_wait3A_78 = tpu.memref_slice %arg8[%mul3A_70, %dma_wait3A_77] : memref<125x80xi32, #tpu.memory_space<vmem>> -> memref<1x80xi32, #tpu.memory_space<vmem>>
      %dma_wait3A_79 = tpu.memref_squeeze %dma_wait3A_78 : memref<1x80xi32, #tpu.memory_space<vmem>> -> memref<80xi32, #tpu.memory_space<vmem>>
      %dma_wait3A_80 = arith.constant 0 : i32
      %dma_wait3A_81 = arith.constant 0 : i32
      %dma_wait3A_82 = tpu.memref_slice %arg15[%dma_wait3A_80, %dma_wait3A_81] : memref<10000x16xf32, #tpu.memory_space<vmem_shared>> -> memref<10000x16xf32, #tpu.memory_space<vmem_shared>>
      tpu.wait_indirect_dma semaphore(%arg17 : memref<!tpu.dma_semaphore, #tpu.memory_space<semaphore_mem>>) src(%dma_wait3A_82 : memref<10000x16xf32, #tpu.memory_space<vmem_shared>>) dst(%arg10 : memref<80x16xf32, #tpu.memory_space<vmem>>)
      %scan3A_83 = arith.constant 0 : i32
      %scan3A_84 = arith.constant 10 : i32
      %scan3A_85 = arith.addi %scan3A_83, %scan3A_84 : i32
      %scan3A_86 = arith.constant 1 : i32
      scf.for %scan3A_131 = %scan3A_83 to %scan3A_85 step %scan3A_86  : i32 {
        %mul3A_132 = arith.constant 1 : i32
        %mul3A_133 = arith.muli %scan3A_131, %mul3A_132 : i32
        %add3A_134 = arith.constant 0 : i32
        %add3A_135 = arith.addi %add3A_134, %mul3A_133 : i32
        %mul3A_136 = arith.constant 8 : i32
        %mul3A_137 = arith.muli %add3A_135, %mul3A_136 : i32
        %add3A_138 = arith.constant 0 : i32
        %add3A_139 = arith.addi %mul3A_137, %add3A_138 : i32
        %get3A = arith.index_cast %add3A_139 : i32 to index
        %get3A_140 = arith.constant 0 : index
        %get3A_141 = tpu.vector_load %arg9[%get3A, %get3A_140] {strides = array<i32>} : memref<80x16xf32, #tpu.memory_space<vmem>>, vector<1x16xf32>,
        %get3A_142 = vector.shape_cast %get3A_141 : vector<1x16xf32> to vector<16xf32>
        %mul3A_143 = arith.constant 8 : i32
        %mul3A_144 = arith.muli %add3A_135, %mul3A_143 : i32
        %add3A_145 = arith.constant 0 : i32
        %add3A_146 = arith.addi %mul3A_144, %add3A_145 : i32
        %get3A_147 = arith.index_cast %add3A_146 : i32 to index
        %get3A_148 = arith.constant 0 : index
        %get3A_149 = tpu.vector_load %arg10[%get3A_147, %get3A_148] {strides = array<i32>} : memref<80x16xf32, #tpu.memory_space<vmem>>, vector<1x16xf32>,
        %get3A_150 = vector.shape_cast %get3A_149 : vector<1x16xf32> to vector<16xf32>
        %add3A_151 = arith.addf %get3A_142, %get3A_150 : vector<16xf32>
        %swap3A = arith.index_cast %add3A_135 : i32 to index
        %swap3A_152 = arith.constant 0 : index
        %swap3A_153 = tpu.vector_load %arg13[%swap3A, %swap3A_152] {strides = array<i32>} : memref<10x128xf32, #tpu.memory_space<vmem>>, vector<1x16xf32>,
        %swap3A_154 = vector.shape_cast %swap3A_153 : vector<1x16xf32> to vector<16xf32>
        %swap3A_155 = vector.shape_cast %add3A_151 : vector<16xf32> to vector<1x16xf32>
        tpu.vector_store %arg13[%swap3A, %swap3A_152], %swap3A_155 {strides = array<i32>} : memref<10x128xf32, #tpu.memory_space<vmem>>, vector<1x16xf32>,
        %mul3A_156 = arith.constant 8 : i32
        %mul3A_157 = arith.muli %add3A_135, %mul3A_156 : i32
        %add3A_158 = arith.constant 1 : i32
        %add3A_159 = arith.addi %mul3A_157, %add3A_158 : i32
        %get3A_160 = arith.index_cast %add3A_159 : i32 to index
        %get3A_161 = arith.constant 0 : index
        %get3A_162 = tpu.vector_load %arg9[%get3A_160, %get3A_161] {strides = array<i32>} : memref<80x16xf32, #tpu.memory_space<vmem>>, vector<1x16xf32>,
        %get3A_163 = vector.shape_cast %get3A_162 : vector<1x16xf32> to vector<16xf32>
        %mul3A_164 = arith.constant 8 : i32
        %mul3A_165 = arith.muli %add3A_135, %mul3A_164 : i32
        %add3A_166 = arith.constant 1 : i32
        %add3A_167 = arith.addi %mul3A_165, %add3A_166 : i32
        %get3A_168 = arith.index_cast %add3A_167 : i32 to index
        %get3A_169 = arith.constant 0 : index
        %get3A_170 = tpu.vector_load %arg10[%get3A_168, %get3A_169] {strides = array<i32>} : memref<80x16xf32, #tpu.memory_space<vmem>>, vector<1x16xf32>,
        %get3A_171 = vector.shape_cast %get3A_170 : vector<1x16xf32> to vector<16xf32>
        %add3A_172 = arith.addf %get3A_163, %get3A_171 : vector<16xf32>
        %swap3A_173 = arith.index_cast %add3A_135 : i32 to index
        %swap3A_174 = arith.constant 16 : index
        %swap3A_175 = tpu.vector_load %arg13[%swap3A_173, %swap3A_174] {strides = array<i32>} : memref<10x128xf32, #tpu.memory_space<vmem>>, vector<1x16xf32>,
        %swap3A_176 = vector.shape_cast %swap3A_175 : vector<1x16xf32> to vector<16xf32>
        %swap3A_177 = vector.shape_cast %add3A_172 : vector<16xf32> to vector<1x16xf32>
        tpu.vector_store %arg13[%swap3A_173, %swap3A_174], %swap3A_177 {strides = array<i32>} : memref<10x128xf32, #tpu.memory_space<vmem>>, vector<1x16xf32>,
        %mul3A_178 = arith.constant 8 : i32
        %mul3A_179 = arith.muli %add3A_135, %mul3A_178 : i32
        %add3A_180 = arith.constant 2 : i32
        %add3A_181 = arith.addi %mul3A_179, %add3A_180 : i32
        %get3A_182 = arith.index_cast %add3A_181 : i32 to index
        %get3A_183 = arith.constant 0 : index
        %get3A_184 = tpu.vector_load %arg9[%get3A_182, %get3A_183] {strides = array<i32>} : memref<80x16xf32, #tpu.memory_space<vmem>>, vector<1x16xf32>,
        %get3A_185 = vector.shape_cast %get3A_184 : vector<1x16xf32> to vector<16xf32>
        %mul3A_186 = arith.constant 8 : i32
        %mul3A_187 = arith.muli %add3A_135, %mul3A_186 : i32
        %add3A_188 = arith.constant 2 : i32
        %add3A_189 = arith.addi %mul3A_187, %add3A_188 : i32
        %get3A_190 = arith.index_cast %add3A_189 : i32 to index
        %get3A_191 = arith.constant 0 : index
        %get3A_192 = tpu.vector_load %arg10[%get3A_190, %get3A_191] {strides = array<i32>} : memref<80x16xf32, #tpu.memory_space<vmem>>, vector<1x16xf32>,
        %get3A_193 = vector.shape_cast %get3A_192 : vector<1x16xf32> to vector<16xf32>
        %add3A_194 = arith.addf %get3A_185, %get3A_193 : vector<16xf32>
        %swap3A_195 = arith.index_cast %add3A_135 : i32 to index
        %swap3A_196 = arith.constant 32 : index
        %swap3A_197 = tpu.vector_load %arg13[%swap3A_195, %swap3A_196] {strides = array<i32>} : memref<10x128xf32, #tpu.memory_space<vmem>>, vector<1x16xf32>,
        %swap3A_198 = vector.shape_cast %swap3A_197 : vector<1x16xf32> to vector<16xf32>
        %swap3A_199 = vector.shape_cast %add3A_194 : vector<16xf32> to vector<1x16xf32>
        tpu.vector_store %arg13[%swap3A_195, %swap3A_196], %swap3A_199 {strides = array<i32>} : memref<10x128xf32, #tpu.memory_space<vmem>>, vector<1x16xf32>,
        %mul3A_200 = arith.constant 8 : i32
        %mul3A_201 = arith.muli %add3A_135, %mul3A_200 : i32
        %add3A_202 = arith.constant 3 : i32
        %add3A_203 = arith.addi %mul3A_201, %add3A_202 : i32
        %get3A_204 = arith.index_cast %add3A_203 : i32 to index
        %get3A_205 = arith.constant 0 : index
        %get3A_206 = tpu.vector_load %arg9[%get3A_204, %get3A_205] {strides = array<i32>} : memref<80x16xf32, #tpu.memory_space<vmem>>, vector<1x16xf32>,
        %get3A_207 = vector.shape_cast %get3A_206 : vector<1x16xf32> to vector<16xf32>
        %mul3A_208 = arith.constant 8 : i32
        %mul3A_209 = arith.muli %add3A_135, %mul3A_208 : i32
        %add3A_210 = arith.constant 3 : i32
        %add3A_211 = arith.addi %mul3A_209, %add3A_210 : i32
        %get3A_212 = arith.index_cast %add3A_211 : i32 to index
        %get3A_213 = arith.constant 0 : index
        %get3A_214 = tpu.vector_load %arg10[%get3A_212, %get3A_213] {strides = array<i32>} : memref<80x16xf32, #tpu.memory_space<vmem>>, vector<1x16xf32>,
        %get3A_215 = vector.shape_cast %get3A_214 : vector<1x16xf32> to vector<16xf32>
        %add3A_216 = arith.addf %get3A_207, %get3A_215 : vector<16xf32>
        %swap3A_217 = arith.index_cast %add3A_135 : i32 to index
        %swap3A_218 = arith.constant 48 : index
        %swap3A_219 = tpu.vector_load %arg13[%swap3A_217, %swap3A_218] {strides = array<i32>} : memref<10x128xf32, #tpu.memory_space<vmem>>, vector<1x16xf32>,
        %swap3A_220 = vector.shape_cast %swap3A_219 : vector<1x16xf32> to vector<16xf32>
        %swap3A_221 = vector.shape_cast %add3A_216 : vector<16xf32> to vector<1x16xf32>
        tpu.vector_store %arg13[%swap3A_217, %swap3A_218], %swap3A_221 {strides = array<i32>} : memref<10x128xf32, #tpu.memory_space<vmem>>, vector<1x16xf32>,
        %mul3A_222 = arith.constant 8 : i32
        %mul3A_223 = arith.muli %add3A_135, %mul3A_222 : i32
        %add3A_224 = arith.constant 4 : i32
        %add3A_225 = arith.addi %mul3A_223, %add3A_224 : i32
        %get3A_226 = arith.index_cast %add3A_225 : i32 to index
        %get3A_227 = arith.constant 0 : index
        %get3A_228 = tpu.vector_load %arg9[%get3A_226, %get3A_227] {strides = array<i32>} : memref<80x16xf32, #tpu.memory_space<vmem>>, vector<1x16xf32>,
        %get3A_229 = vector.shape_cast %get3A_228 : vector<1x16xf32> to vector<16xf32>
        %mul3A_230 = arith.constant 8 : i32
        %mul3A_231 = arith.muli %add3A_135, %mul3A_230 : i32
        %add3A_232 = arith.constant 4 : i32
        %add3A_233 = arith.addi %mul3A_231, %add3A_232 : i32
        %get3A_234 = arith.index_cast %add3A_233 : i32 to index
        %get3A_235 = arith.constant 0 : index
        %get3A_236 = tpu.vector_load %arg10[%get3A_234, %get3A_235] {strides = array<i32>} : memref<80x16xf32, #tpu.memory_space<vmem>>, vector<1x16xf32>,
        %get3A_237 = vector.shape_cast %get3A_236 : vector<1x16xf32> to vector<16xf32>
        %add3A_238 = arith.addf %get3A_229, %get3A_237 : vector<16xf32>
        %swap3A_239 = arith.index_cast %add3A_135 : i32 to index
        %swap3A_240 = arith.constant 64 : index
        %swap3A_241 = tpu.vector_load %arg13[%swap3A_239, %swap3A_240] {strides = array<i32>} : memref<10x128xf32, #tpu.memory_space<vmem>>, vector<1x16xf32>,
        %swap3A_242 = vector.shape_cast %swap3A_241 : vector<1x16xf32> to vector<16xf32>
        %swap3A_243 = vector.shape_cast %add3A_238 : vector<16xf32> to vector<1x16xf32>
        tpu.vector_store %arg13[%swap3A_239, %swap3A_240], %swap3A_243 {strides = array<i32>} : memref<10x128xf32, #tpu.memory_space<vmem>>, vector<1x16xf32>,
        %mul3A_244 = arith.constant 8 : i32
        %mul3A_245 = arith.muli %add3A_135, %mul3A_244 : i32
        %add3A_246 = arith.constant 5 : i32
        %add3A_247 = arith.addi %mul3A_245, %add3A_246 : i32
        %get3A_248 = arith.index_cast %add3A_247 : i32 to index
        %get3A_249 = arith.constant 0 : index
        %get3A_250 = tpu.vector_load %arg9[%get3A_248, %get3A_249] {strides = array<i32>} : memref<80x16xf32, #tpu.memory_space<vmem>>, vector<1x16xf32>,
        %get3A_251 = vector.shape_cast %get3A_250 : vector<1x16xf32> to vector<16xf32>
        %mul3A_252 = arith.constant 8 : i32
        %mul3A_253 = arith.muli %add3A_135, %mul3A_252 : i32
        %add3A_254 = arith.constant 5 : i32
        %add3A_255 = arith.addi %mul3A_253, %add3A_254 : i32
        %get3A_256 = arith.index_cast %add3A_255 : i32 to index
        %get3A_257 = arith.constant 0 : index
        %get3A_258 = tpu.vector_load %arg10[%get3A_256, %get3A_257] {strides = array<i32>} : memref<80x16xf32, #tpu.memory_space<vmem>>, vector<1x16xf32>,
        %get3A_259 = vector.shape_cast %get3A_258 : vector<1x16xf32> to vector<16xf32>
        %add3A_260 = arith.addf %get3A_251, %get3A_259 : vector<16xf32>
        %swap3A_261 = arith.index_cast %add3A_135 : i32 to index
        %swap3A_262 = arith.constant 80 : index
        %swap3A_263 = tpu.vector_load %arg13[%swap3A_261, %swap3A_262] {strides = array<i32>} : memref<10x128xf32, #tpu.memory_space<vmem>>, vector<1x16xf32>,
        %swap3A_264 = vector.shape_cast %swap3A_263 : vector<1x16xf32> to vector<16xf32>
        %swap3A_265 = vector.shape_cast %add3A_260 : vector<16xf32> to vector<1x16xf32>
        tpu.vector_store %arg13[%swap3A_261, %swap3A_262], %swap3A_265 {strides = array<i32>} : memref<10x128xf32, #tpu.memory_space<vmem>>, vector<1x16xf32>,
        %mul3A_266 = arith.constant 8 : i32
        %mul3A_267 = arith.muli %add3A_135, %mul3A_266 : i32
        %add3A_268 = arith.constant 6 : i32
        %add3A_269 = arith.addi %mul3A_267, %add3A_268 : i32
        %get3A_270 = arith.index_cast %add3A_269 : i32 to index
        %get3A_271 = arith.constant 0 : index
        %get3A_272 = tpu.vector_load %arg9[%get3A_270, %get3A_271] {strides = array<i32>} : memref<80x16xf32, #tpu.memory_space<vmem>>, vector<1x16xf32>,
        %get3A_273 = vector.shape_cast %get3A_272 : vector<1x16xf32> to vector<16xf32>
        %mul3A_274 = arith.constant 8 : i32
        %mul3A_275 = arith.muli %add3A_135, %mul3A_274 : i32
        %add3A_276 = arith.constant 6 : i32
        %add3A_277 = arith.addi %mul3A_275, %add3A_276 : i32
        %get3A_278 = arith.index_cast %add3A_277 : i32 to index
        %get3A_279 = arith.constant 0 : index
        %get3A_280 = tpu.vector_load %arg10[%get3A_278, %get3A_279] {strides = array<i32>} : memref<80x16xf32, #tpu.memory_space<vmem>>, vector<1x16xf32>,
        %get3A_281 = vector.shape_cast %get3A_280 : vector<1x16xf32> to vector<16xf32>
        %add3A_282 = arith.addf %get3A_273, %get3A_281 : vector<16xf32>
        %swap3A_283 = arith.index_cast %add3A_135 : i32 to index
        %swap3A_284 = arith.constant 96 : index
        %swap3A_285 = tpu.vector_load %arg13[%swap3A_283, %swap3A_284] {strides = array<i32>} : memref<10x128xf32, #tpu.memory_space<vmem>>, vector<1x16xf32>,
        %swap3A_286 = vector.shape_cast %swap3A_285 : vector<1x16xf32> to vector<16xf32>
        %swap3A_287 = vector.shape_cast %add3A_282 : vector<16xf32> to vector<1x16xf32>
        tpu.vector_store %arg13[%swap3A_283, %swap3A_284], %swap3A_287 {strides = array<i32>} : memref<10x128xf32, #tpu.memory_space<vmem>>, vector<1x16xf32>,
        %mul3A_288 = arith.constant 8 : i32
        %mul3A_289 = arith.muli %add3A_135, %mul3A_288 : i32
        %add3A_290 = arith.constant 7 : i32
        %add3A_291 = arith.addi %mul3A_289, %add3A_290 : i32
        %get3A_292 = arith.index_cast %add3A_291 : i32 to index
        %get3A_293 = arith.constant 0 : index
        %get3A_294 = tpu.vector_load %arg9[%get3A_292, %get3A_293] {strides = array<i32>} : memref<80x16xf32, #tpu.memory_space<vmem>>, vector<1x16xf32>,
        %get3A_295 = vector.shape_cast %get3A_294 : vector<1x16xf32> to vector<16xf32>
        %mul3A_296 = arith.constant 8 : i32
        %mul3A_297 = arith.muli %add3A_135, %mul3A_296 : i32
        %add3A_298 = arith.constant 7 : i32
        %add3A_299 = arith.addi %mul3A_297, %add3A_298 : i32
        %get3A_300 = arith.index_cast %add3A_299 : i32 to index
        %get3A_301 = arith.constant 0 : index
        %get3A_302 = tpu.vector_load %arg10[%get3A_300, %get3A_301] {strides = array<i32>} : memref<80x16xf32, #tpu.memory_space<vmem>>, vector<1x16xf32>,
        %get3A_303 = vector.shape_cast %get3A_302 : vector<1x16xf32> to vector<16xf32>
        %add3A_304 = arith.addf %get3A_295, %get3A_303 : vector<16xf32>
        %swap3A_305 = arith.index_cast %add3A_135 : i32 to index
        %swap3A_306 = arith.constant 112 : index
        %swap3A_307 = tpu.vector_load %arg13[%swap3A_305, %swap3A_306] {strides = array<i32>} : memref<10x128xf32, #tpu.memory_space<vmem>>, vector<1x16xf32>,
        %swap3A_308 = vector.shape_cast %swap3A_307 : vector<1x16xf32> to vector<16xf32>
        %swap3A_309 = vector.shape_cast %add3A_304 : vector<16xf32> to vector<1x16xf32>
        tpu.vector_store %arg13[%swap3A_305, %swap3A_306], %swap3A_309 {strides = array<i32>} : memref<10x128xf32, #tpu.memory_space<vmem>>, vector<1x16xf32>,
      }
      %scan3A_87 = arith.constant 10 : i32
      %mul3A_88 = arith.constant 10 : i32
      %mul3A_89 = arith.muli %mul3A_70, %mul3A_88 : i32
      %add3A_90 = arith.addi %mul3A_10, %mul3A_89 : i32
      "tpu.region"() ({
        %run_scoped3A = tpu.sem_alloc : memref<!tpu.dma_semaphore, #tpu.memory_space<semaphore_mem>>
        %dma_start3A_131 = arith.constant 0 : i32
        %dma_start3A_132 = tpu.memref_slice %arg6[%add3A_90, %dma_start3A_131] : memref<40000x128xf32, #tpu.memory_space<hbm>> -> memref<10x128xf32, #tpu.memory_space<hbm>>
        %dma_start3A_133 = arith.constant 0 : i32
        %dma_start3A_134 = tpu.memref_slice %arg6[%add3A_90, %dma_start3A_133] : memref<40000x128xf32, #tpu.memory_space<hbm>> -> memref<10x128xf32, #tpu.memory_space<hbm>>
        tpu.enqueue_dma source(%arg13 : memref<10x128xf32, #tpu.memory_space<vmem>>) target(%dma_start3A_134 : memref<10x128xf32, #tpu.memory_space<hbm>>) target_semaphore(%run_scoped3A : memref<!tpu.dma_semaphore, #tpu.memory_space<semaphore_mem>>)
        %dma_wait3A_135 = arith.constant 0 : i32
        %dma_wait3A_136 = tpu.memref_slice %arg6[%add3A_90, %dma_wait3A_135] : memref<40000x128xf32, #tpu.memory_space<hbm>> -> memref<10x128xf32, #tpu.memory_space<hbm>>
        %dma_wait3A_137 = arith.constant 0 : i32
        %dma_wait3A_138 = tpu.memref_slice %arg6[%add3A_90, %dma_wait3A_137] : memref<40000x128xf32, #tpu.memory_space<hbm>> -> memref<10x128xf32, #tpu.memory_space<hbm>>
        tpu.wait_dma2 semaphore(%run_scoped3A : memref<!tpu.dma_semaphore, #tpu.memory_space<semaphore_mem>>) src(%arg13 : memref<10x128xf32, #tpu.memory_space<vmem>>) dst(%dma_wait3A_138 : memref<10x128xf32, #tpu.memory_space<hbm>>)
        tpu.yield
      }) : () -> ()
      %mul3A_91 = arith.constant 2 : i32
      %mul3A_92 = arith.muli %mul3A_91, %add3A_52 : i32
      %add3A_93 = arith.constant 2 : i32
      %add3A_94 = arith.addi %mul3A_92, %add3A_93 : i32
      %dma_start3A_95 = arith.constant 0 : i32
      %dma_start3A_96 = tpu.memref_slice %arg7[%add3A_94, %dma_start3A_95] : memref<125x80xi32, #tpu.memory_space<vmem>> -> memref<1x80xi32, #tpu.memory_space<vmem>>
      %dma_start3A_97 = tpu.memref_squeeze %dma_start3A_96 : memref<1x80xi32, #tpu.memory_space<vmem>> -> memref<80xi32, #tpu.memory_space<vmem>>
      %dma_start3A_98 = arith.constant 0 : i32
      %dma_start3A_99 = arith.constant 0 : i32
      %dma_start3A_100 = tpu.memref_slice %arg14[%dma_start3A_98, %dma_start3A_99] : memref<10000x16xf32, #tpu.memory_space<vmem_shared>> -> memref<10000x16xf32, #tpu.memory_space<vmem_shared>>
      tpu.enqueue_indirect_dma source(%dma_start3A_100 : memref<10000x16xf32, #tpu.memory_space<vmem_shared>>) target(%arg9 : memref<80x16xf32, #tpu.memory_space<vmem>>) offsets(%dma_start3A_97 : memref<80xi32, #tpu.memory_space<vmem>>) semaphore(%arg16 : memref<!tpu.dma_semaphore, #tpu.memory_space<semaphore_mem>>)
      %dma_start3A_101 = arith.constant 0 : i32
      %dma_start3A_102 = tpu.memref_slice %arg8[%add3A_94, %dma_start3A_101] : memref<125x80xi32, #tpu.memory_space<vmem>> -> memref<1x80xi32, #tpu.memory_space<vmem>>
      %dma_start3A_103 = tpu.memref_squeeze %dma_start3A_102 : memref<1x80xi32, #tpu.memory_space<vmem>> -> memref<80xi32, #tpu.memory_space<vmem>>
      %dma_start3A_104 = arith.constant 0 : i32
      %dma_start3A_105 = arith.constant 0 : i32
      %dma_start3A_106 = tpu.memref_slice %arg15[%dma_start3A_104, %dma_start3A_105] : memref<10000x16xf32, #tpu.memory_space<vmem_shared>> -> memref<10000x16xf32, #tpu.memory_space<vmem_shared>>
      tpu.enqueue_indirect_dma source(%dma_start3A_106 : memref<10000x16xf32, #tpu.memory_space<vmem_shared>>) target(%arg10 : memref<80x16xf32, #tpu.memory_space<vmem>>) offsets(%dma_start3A_103 : memref<80xi32, #tpu.memory_space<vmem>>) semaphore(%arg17 : memref<!tpu.dma_semaphore, #tpu.memory_space<semaphore_mem>>)
      %mul3A_107 = arith.constant 2 : i32
      %mul3A_108 = arith.muli %mul3A_107, %add3A_52 : i32
      %add3A_109 = arith.constant 1 : i32
      %add3A_110 = arith.addi %mul3A_108, %add3A_109 : i32
      %dma_wait3A_111 = arith.constant 0 : i32
      %dma_wait3A_112 = tpu.memref_slice %arg7[%add3A_110, %dma_wait3A_111] : memref<125x80xi32, #tpu.memory_space<vmem>> -> memref<1x80xi32, #tpu.memory_space<vmem>>
      %dma_wait3A_113 = tpu.memref_squeeze %dma_wait3A_112 : memref<1x80xi32, #tpu.memory_space<vmem>> -> memref<80xi32, #tpu.memory_space<vmem>>
      %dma_wait3A_114 = arith.constant 0 : i32
      %dma_wait3A_115 = arith.constant 0 : i32
      %dma_wait3A_116 = tpu.memref_slice %arg14[%dma_wait3A_114, %dma_wait3A_115] : memref<10000x16xf32, #tpu.memory_space<vmem_shared>> -> memref<10000x16xf32, #tpu.memory_space<vmem_shared>>
      tpu.wait_indirect_dma semaphore(%arg18 : memref<!tpu.dma_semaphore, #tpu.memory_space<semaphore_mem>>) src(%dma_wait3A_116 : memref<10000x16xf32, #tpu.memory_space<vmem_shared>>) dst(%arg11 : memref<80x16xf32, #tpu.memory_space<vmem>>)
      %dma_wait3A_117 = arith.constant 0 : i32
      %dma_wait3A_118 = tpu.memref_slice %arg8[%add3A_110, %dma_wait3A_117] : memref<125x80xi32, #tpu.memory_space<vmem>> -> memref<1x80xi32, #tpu.memory_space<vmem>>
      %dma_wait3A_119 = tpu.memref_squeeze %dma_wait3A_118 : memref<1x80xi32, #tpu.memory_space<vmem>> -> memref<80xi32, #tpu.memory_space<vmem>>
      %dma_wait3A_120 = arith.constant 0 : i32
      %dma_wait3A_121 = arith.constant 0 : i32
      %dma_wait3A_122 = tpu.memref_slice %arg15[%dma_wait3A_120, %dma_wait3A_121] : memref<10000x16xf32, #tpu.memory_space<vmem_shared>> -> memref<10000x16xf32, #tpu.memory_space<vmem_shared>>
      tpu.wait_indirect_dma semaphore(%arg19 : memref<!tpu.dma_semaphore, #tpu.memory_space<semaphore_mem>>) src(%dma_wait3A_122 : memref<10000x16xf32, #tpu.memory_space<vmem_shared>>) dst(%arg12 : memref<80x16xf32, #tpu.memory_space<vmem>>)
      %scan3A_123 = arith.constant 0 : i32
      %scan3A_124 = arith.constant 10 : i32
      %scan3A_125 = arith.addi %scan3A_123, %scan3A_124 : i32
      %scan3A_126 = arith.constant 1 : i32
      scf.for %scan3A_131 = %scan3A_123 to %scan3A_125 step %scan3A_126  : i32 {
        %mul3A_132 = arith.constant 1 : i32
        %mul3A_133 = arith.muli %scan3A_131, %mul3A_132 : i32
        %add3A_134 = arith.constant 0 : i32
        %add3A_135 = arith.addi %add3A_134, %mul3A_133 : i32
        %mul3A_136 = arith.constant 8 : i32
        %mul3A_137 = arith.muli %add3A_135, %mul3A_136 : i32
        %add3A_138 = arith.constant 0 : i32
        %add3A_139 = arith.addi %mul3A_137, %add3A_138 : i32
        %get3A = arith.index_cast %add3A_139 : i32 to index
        %get3A_140 = arith.constant 0 : index
        %get3A_141 = tpu.vector_load %arg11[%get3A, %get3A_140] {strides = array<i32>} : memref<80x16xf32, #tpu.memory_space<vmem>>, vector<1x16xf32>,
        %get3A_142 = vector.shape_cast %get3A_141 : vector<1x16xf32> to vector<16xf32>
        %mul3A_143 = arith.constant 8 : i32
        %mul3A_144 = arith.muli %add3A_135, %mul3A_143 : i32
        %add3A_145 = arith.constant 0 : i32
        %add3A_146 = arith.addi %mul3A_144, %add3A_145 : i32
        %get3A_147 = arith.index_cast %add3A_146 : i32 to index
        %get3A_148 = arith.constant 0 : index
        %get3A_149 = tpu.vector_load %arg12[%get3A_147, %get3A_148] {strides = array<i32>} : memref<80x16xf32, #tpu.memory_space<vmem>>, vector<1x16xf32>,
        %get3A_150 = vector.shape_cast %get3A_149 : vector<1x16xf32> to vector<16xf32>
        %add3A_151 = arith.addf %get3A_142, %get3A_150 : vector<16xf32>
        %swap3A = arith.index_cast %add3A_135 : i32 to index
        %swap3A_152 = arith.constant 0 : index
        %swap3A_153 = tpu.vector_load %arg13[%swap3A, %swap3A_152] {strides = array<i32>} : memref<10x128xf32, #tpu.memory_space<vmem>>, vector<1x16xf32>,
        %swap3A_154 = vector.shape_cast %swap3A_153 : vector<1x16xf32> to vector<16xf32>
        %swap3A_155 = vector.shape_cast %add3A_151 : vector<16xf32> to vector<1x16xf32>
        tpu.vector_store %arg13[%swap3A, %swap3A_152], %swap3A_155 {strides = array<i32>} : memref<10x128xf32, #tpu.memory_space<vmem>>, vector<1x16xf32>,
        %mul3A_156 = arith.constant 8 : i32
        %mul3A_157 = arith.muli %add3A_135, %mul3A_156 : i32
        %add3A_158 = arith.constant 1 : i32
        %add3A_159 = arith.addi %mul3A_157, %add3A_158 : i32
        %get3A_160 = arith.index_cast %add3A_159 : i32 to index
        %get3A_161 = arith.constant 0 : index
        %get3A_162 = tpu.vector_load %arg11[%get3A_160, %get3A_161] {strides = array<i32>} : memref<80x16xf32, #tpu.memory_space<vmem>>, vector<1x16xf32>,
        %get3A_163 = vector.shape_cast %get3A_162 : vector<1x16xf32> to vector<16xf32>
        %mul3A_164 = arith.constant 8 : i32
        %mul3A_165 = arith.muli %add3A_135, %mul3A_164 : i32
        %add3A_166 = arith.constant 1 : i32
        %add3A_167 = arith.addi %mul3A_165, %add3A_166 : i32
        %get3A_168 = arith.index_cast %add3A_167 : i32 to index
        %get3A_169 = arith.constant 0 : index
        %get3A_170 = tpu.vector_load %arg12[%get3A_168, %get3A_169] {strides = array<i32>} : memref<80x16xf32, #tpu.memory_space<vmem>>, vector<1x16xf32>,
        %get3A_171 = vector.shape_cast %get3A_170 : vector<1x16xf32> to vector<16xf32>
        %add3A_172 = arith.addf %get3A_163, %get3A_171 : vector<16xf32>
        %swap3A_173 = arith.index_cast %add3A_135 : i32 to index
        %swap3A_174 = arith.constant 16 : index
        %swap3A_175 = tpu.vector_load %arg13[%swap3A_173, %swap3A_174] {strides = array<i32>} : memref<10x128xf32, #tpu.memory_space<vmem>>, vector<1x16xf32>,
        %swap3A_176 = vector.shape_cast %swap3A_175 : vector<1x16xf32> to vector<16xf32>
        %swap3A_177 = vector.shape_cast %add3A_172 : vector<16xf32> to vector<1x16xf32>
        tpu.vector_store %arg13[%swap3A_173, %swap3A_174], %swap3A_177 {strides = array<i32>} : memref<10x128xf32, #tpu.memory_space<vmem>>, vector<1x16xf32>,
        %mul3A_178 = arith.constant 8 : i32
        %mul3A_179 = arith.muli %add3A_135, %mul3A_178 : i32
        %add3A_180 = arith.constant 2 : i32
        %add3A_181 = arith.addi %mul3A_179, %add3A_180 : i32
        %get3A_182 = arith.index_cast %add3A_181 : i32 to index
        %get3A_183 = arith.constant 0 : index
        %get3A_184 = tpu.vector_load %arg11[%get3A_182, %get3A_183] {strides = array<i32>} : memref<80x16xf32, #tpu.memory_space<vmem>>, vector<1x16xf32>,
        %get3A_185 = vector.shape_cast %get3A_184 : vector<1x16xf32> to vector<16xf32>
        %mul3A_186 = arith.constant 8 : i32
        %mul3A_187 = arith.muli %add3A_135, %mul3A_186 : i32
        %add3A_188 = arith.constant 2 : i32
        %add3A_189 = arith.addi %mul3A_187, %add3A_188 : i32
        %get3A_190 = arith.index_cast %add3A_189 : i32 to index
        %get3A_191 = arith.constant 0 : index
        %get3A_192 = tpu.vector_load %arg12[%get3A_190, %get3A_191] {strides = array<i32>} : memref<80x16xf32, #tpu.memory_space<vmem>>, vector<1x16xf32>,
        %get3A_193 = vector.shape_cast %get3A_192 : vector<1x16xf32> to vector<16xf32>
        %add3A_194 = arith.addf %get3A_185, %get3A_193 : vector<16xf32>
        %swap3A_195 = arith.index_cast %add3A_135 : i32 to index
        %swap3A_196 = arith.constant 32 : index
        %swap3A_197 = tpu.vector_load %arg13[%swap3A_195, %swap3A_196] {strides = array<i32>} : memref<10x128xf32, #tpu.memory_space<vmem>>, vector<1x16xf32>,
        %swap3A_198 = vector.shape_cast %swap3A_197 : vector<1x16xf32> to vector<16xf32>
        %swap3A_199 = vector.shape_cast %add3A_194 : vector<16xf32> to vector<1x16xf32>
        tpu.vector_store %arg13[%swap3A_195, %swap3A_196], %swap3A_199 {strides = array<i32>} : memref<10x128xf32, #tpu.memory_space<vmem>>, vector<1x16xf32>,
        %mul3A_200 = arith.constant 8 : i32
        %mul3A_201 = arith.muli %add3A_135, %mul3A_200 : i32
        %add3A_202 = arith.constant 3 : i32
        %add3A_203 = arith.addi %mul3A_201, %add3A_202 : i32
        %get3A_204 = arith.index_cast %add3A_203 : i32 to index
        %get3A_205 = arith.constant 0 : index
        %get3A_206 = tpu.vector_load %arg11[%get3A_204, %get3A_205] {strides = array<i32>} : memref<80x16xf32, #tpu.memory_space<vmem>>, vector<1x16xf32>,
        %get3A_207 = vector.shape_cast %get3A_206 : vector<1x16xf32> to vector<16xf32>
        %mul3A_208 = arith.constant 8 : i32
        %mul3A_209 = arith.muli %add3A_135, %mul3A_208 : i32
        %add3A_210 = arith.constant 3 : i32
        %add3A_211 = arith.addi %mul3A_209, %add3A_210 : i32
        %get3A_212 = arith.index_cast %add3A_211 : i32 to index
        %get3A_213 = arith.constant 0 : index
        %get3A_214 = tpu.vector_load %arg12[%get3A_212, %get3A_213] {strides = array<i32>} : memref<80x16xf32, #tpu.memory_space<vmem>>, vector<1x16xf32>,
        %get3A_215 = vector.shape_cast %get3A_214 : vector<1x16xf32> to vector<16xf32>
        %add3A_216 = arith.addf %get3A_207, %get3A_215 : vector<16xf32>
        %swap3A_217 = arith.index_cast %add3A_135 : i32 to index
        %swap3A_218 = arith.constant 48 : index
        %swap3A_219 = tpu.vector_load %arg13[%swap3A_217, %swap3A_218] {strides = array<i32>} : memref<10x128xf32, #tpu.memory_space<vmem>>, vector<1x16xf32>,
        %swap3A_220 = vector.shape_cast %swap3A_219 : vector<1x16xf32> to vector<16xf32>
        %swap3A_221 = vector.shape_cast %add3A_216 : vector<16xf32> to vector<1x16xf32>
        tpu.vector_store %arg13[%swap3A_217, %swap3A_218], %swap3A_221 {strides = array<i32>} : memref<10x128xf32, #tpu.memory_space<vmem>>, vector<1x16xf32>,
        %mul3A_222 = arith.constant 8 : i32
        %mul3A_223 = arith.muli %add3A_135, %mul3A_222 : i32
        %add3A_224 = arith.constant 4 : i32
        %add3A_225 = arith.addi %mul3A_223, %add3A_224 : i32
        %get3A_226 = arith.index_cast %add3A_225 : i32 to index
        %get3A_227 = arith.constant 0 : index
        %get3A_228 = tpu.vector_load %arg11[%get3A_226, %get3A_227] {strides = array<i32>} : memref<80x16xf32, #tpu.memory_space<vmem>>, vector<1x16xf32>,
        %get3A_229 = vector.shape_cast %get3A_228 : vector<1x16xf32> to vector<16xf32>
        %mul3A_230 = arith.constant 8 : i32
        %mul3A_231 = arith.muli %add3A_135, %mul3A_230 : i32
        %add3A_232 = arith.constant 4 : i32
        %add3A_233 = arith.addi %mul3A_231, %add3A_232 : i32
        %get3A_234 = arith.index_cast %add3A_233 : i32 to index
        %get3A_235 = arith.constant 0 : index
        %get3A_236 = tpu.vector_load %arg12[%get3A_234, %get3A_235] {strides = array<i32>} : memref<80x16xf32, #tpu.memory_space<vmem>>, vector<1x16xf32>,
        %get3A_237 = vector.shape_cast %get3A_236 : vector<1x16xf32> to vector<16xf32>
        %add3A_238 = arith.addf %get3A_229, %get3A_237 : vector<16xf32>
        %swap3A_239 = arith.index_cast %add3A_135 : i32 to index
        %swap3A_240 = arith.constant 64 : index
        %swap3A_241 = tpu.vector_load %arg13[%swap3A_239, %swap3A_240] {strides = array<i32>} : memref<10x128xf32, #tpu.memory_space<vmem>>, vector<1x16xf32>,
        %swap3A_242 = vector.shape_cast %swap3A_241 : vector<1x16xf32> to vector<16xf32>
        %swap3A_243 = vector.shape_cast %add3A_238 : vector<16xf32> to vector<1x16xf32>
        tpu.vector_store %arg13[%swap3A_239, %swap3A_240], %swap3A_243 {strides = array<i32>} : memref<10x128xf32, #tpu.memory_space<vmem>>, vector<1x16xf32>,
        %mul3A_244 = arith.constant 8 : i32
        %mul3A_245 = arith.muli %add3A_135, %mul3A_244 : i32
        %add3A_246 = arith.constant 5 : i32
        %add3A_247 = arith.addi %mul3A_245, %add3A_246 : i32
        %get3A_248 = arith.index_cast %add3A_247 : i32 to index
        %get3A_249 = arith.constant 0 : index
        %get3A_250 = tpu.vector_load %arg11[%get3A_248, %get3A_249] {strides = array<i32>} : memref<80x16xf32, #tpu.memory_space<vmem>>, vector<1x16xf32>,
        %get3A_251 = vector.shape_cast %get3A_250 : vector<1x16xf32> to vector<16xf32>
        %mul3A_252 = arith.constant 8 : i32
        %mul3A_253 = arith.muli %add3A_135, %mul3A_252 : i32
        %add3A_254 = arith.constant 5 : i32
        %add3A_255 = arith.addi %mul3A_253, %add3A_254 : i32
        %get3A_256 = arith.index_cast %add3A_255 : i32 to index
        %get3A_257 = arith.constant 0 : index
        %get3A_258 = tpu.vector_load %arg12[%get3A_256, %get3A_257] {strides = array<i32>} : memref<80x16xf32, #tpu.memory_space<vmem>>, vector<1x16xf32>,
        %get3A_259 = vector.shape_cast %get3A_258 : vector<1x16xf32> to vector<16xf32>
        %add3A_260 = arith.addf %get3A_251, %get3A_259 : vector<16xf32>
        %swap3A_261 = arith.index_cast %add3A_135 : i32 to index
        %swap3A_262 = arith.constant 80 : index
        %swap3A_263 = tpu.vector_load %arg13[%swap3A_261, %swap3A_262] {strides = array<i32>} : memref<10x128xf32, #tpu.memory_space<vmem>>, vector<1x16xf32>,
        %swap3A_264 = vector.shape_cast %swap3A_263 : vector<1x16xf32> to vector<16xf32>
        %swap3A_265 = vector.shape_cast %add3A_260 : vector<16xf32> to vector<1x16xf32>
        tpu.vector_store %arg13[%swap3A_261, %swap3A_262], %swap3A_265 {strides = array<i32>} : memref<10x128xf32, #tpu.memory_space<vmem>>, vector<1x16xf32>,
        %mul3A_266 = arith.constant 8 : i32
        %mul3A_267 = arith.muli %add3A_135, %mul3A_266 : i32
        %add3A_268 = arith.constant 6 : i32
        %add3A_269 = arith.addi %mul3A_267, %add3A_268 : i32
        %get3A_270 = arith.index_cast %add3A_269 : i32 to index
        %get3A_271 = arith.constant 0 : index
        %get3A_272 = tpu.vector_load %arg11[%get3A_270, %get3A_271] {strides = array<i32>} : memref<80x16xf32, #tpu.memory_space<vmem>>, vector<1x16xf32>,
        %get3A_273 = vector.shape_cast %get3A_272 : vector<1x16xf32> to vector<16xf32>
        %mul3A_274 = arith.constant 8 : i32
        %mul3A_275 = arith.muli %add3A_135, %mul3A_274 : i32
        %add3A_276 = arith.constant 6 : i32
        %add3A_277 = arith.addi %mul3A_275, %add3A_276 : i32
        %get3A_278 = arith.index_cast %add3A_277 : i32 to index
        %get3A_279 = arith.constant 0 : index
        %get3A_280 = tpu.vector_load %arg12[%get3A_278, %get3A_279] {strides = array<i32>} : memref<80x16xf32, #tpu.memory_space<vmem>>, vector<1x16xf32>,
        %get3A_281 = vector.shape_cast %get3A_280 : vector<1x16xf32> to vector<16xf32>
        %add3A_282 = arith.addf %get3A_273, %get3A_281 : vector<16xf32>
        %swap3A_283 = arith.index_cast %add3A_135 : i32 to index
        %swap3A_284 = arith.constant 96 : index
        %swap3A_285 = tpu.vector_load %arg13[%swap3A_283, %swap3A_284] {strides = array<i32>} : memref<10x128xf32, #tpu.memory_space<vmem>>, vector<1x16xf32>,
        %swap3A_286 = vector.shape_cast %swap3A_285 : vector<1x16xf32> to vector<16xf32>
        %swap3A_287 = vector.shape_cast %add3A_282 : vector<16xf32> to vector<1x16xf32>
        tpu.vector_store %arg13[%swap3A_283, %swap3A_284], %swap3A_287 {strides = array<i32>} : memref<10x128xf32, #tpu.memory_space<vmem>>, vector<1x16xf32>,
        %mul3A_288 = arith.constant 8 : i32
        %mul3A_289 = arith.muli %add3A_135, %mul3A_288 : i32
        %add3A_290 = arith.constant 7 : i32
        %add3A_291 = arith.addi %mul3A_289, %add3A_290 : i32
        %get3A_292 = arith.index_cast %add3A_291 : i32 to index
        %get3A_293 = arith.constant 0 : index
        %get3A_294 = tpu.vector_load %arg11[%get3A_292, %get3A_293] {strides = array<i32>} : memref<80x16xf32, #tpu.memory_space<vmem>>, vector<1x16xf32>,
        %get3A_295 = vector.shape_cast %get3A_294 : vector<1x16xf32> to vector<16xf32>
        %mul3A_296 = arith.constant 8 : i32
        %mul3A_297 = arith.muli %add3A_135, %mul3A_296 : i32
        %add3A_298 = arith.constant 7 : i32
        %add3A_299 = arith.addi %mul3A_297, %add3A_298 : i32
        %get3A_300 = arith.index_cast %add3A_299 : i32 to index
        %get3A_301 = arith.constant 0 : index
        %get3A_302 = tpu.vector_load %arg12[%get3A_300, %get3A_301] {strides = array<i32>} : memref<80x16xf32, #tpu.memory_space<vmem>>, vector<1x16xf32>,
        %get3A_303 = vector.shape_cast %get3A_302 : vector<1x16xf32> to vector<16xf32>
        %add3A_304 = arith.addf %get3A_295, %get3A_303 : vector<16xf32>
        %swap3A_305 = arith.index_cast %add3A_135 : i32 to index
        %swap3A_306 = arith.constant 112 : index
        %swap3A_307 = tpu.vector_load %arg13[%swap3A_305, %swap3A_306] {strides = array<i32>} : memref<10x128xf32, #tpu.memory_space<vmem>>, vector<1x16xf32>,
        %swap3A_308 = vector.shape_cast %swap3A_307 : vector<1x16xf32> to vector<16xf32>
        %swap3A_309 = vector.shape_cast %add3A_304 : vector<16xf32> to vector<1x16xf32>
        tpu.vector_store %arg13[%swap3A_305, %swap3A_306], %swap3A_309 {strides = array<i32>} : memref<10x128xf32, #tpu.memory_space<vmem>>, vector<1x16xf32>,
      }
      %scan3A_127 = arith.constant 10 : i32
      %mul3A_128 = arith.constant 10 : i32
      %mul3A_129 = arith.muli %add3A_110, %mul3A_128 : i32
      %add3A_130 = arith.addi %mul3A_10, %mul3A_129 : i32
      "tpu.region"() ({
        %run_scoped3A = tpu.sem_alloc : memref<!tpu.dma_semaphore, #tpu.memory_space<semaphore_mem>>
        %dma_start3A_131 = arith.constant 0 : i32
        %dma_start3A_132 = tpu.memref_slice %arg6[%add3A_130, %dma_start3A_131] : memref<40000x128xf32, #tpu.memory_space<hbm>> -> memref<10x128xf32, #tpu.memory_space<hbm>>
        %dma_start3A_133 = arith.constant 0 : i32
        %dma_start3A_134 = tpu.memref_slice %arg6[%add3A_130, %dma_start3A_133] : memref<40000x128xf32, #tpu.memory_space<hbm>> -> memref<10x128xf32, #tpu.memory_space<hbm>>
        tpu.enqueue_dma source(%arg13 : memref<10x128xf32, #tpu.memory_space<vmem>>) target(%dma_start3A_134 : memref<10x128xf32, #tpu.memory_space<hbm>>) target_semaphore(%run_scoped3A : memref<!tpu.dma_semaphore, #tpu.memory_space<semaphore_mem>>)
        %dma_wait3A_135 = arith.constant 0 : i32
        %dma_wait3A_136 = tpu.memref_slice %arg6[%add3A_130, %dma_wait3A_135] : memref<40000x128xf32, #tpu.memory_space<hbm>> -> memref<10x128xf32, #tpu.memory_space<hbm>>
        %dma_wait3A_137 = arith.constant 0 : i32
        %dma_wait3A_138 = tpu.memref_slice %arg6[%add3A_130, %dma_wait3A_137] : memref<40000x128xf32, #tpu.memory_space<hbm>> -> memref<10x128xf32, #tpu.memory_space<hbm>>
        tpu.wait_dma2 semaphore(%run_scoped3A : memref<!tpu.dma_semaphore, #tpu.memory_space<semaphore_mem>>) src(%arg13 : memref<10x128xf32, #tpu.memory_space<vmem>>) dst(%dma_wait3A_138 : memref<10x128xf32, #tpu.memory_space<hbm>>)
        tpu.yield
      }) : () -> ()
    }
    %scan3A_27 = arith.constant 62 : i32
    %dma_wait3A = arith.constant 124 : i32
    %dma_wait3A_28 = arith.constant 0 : i32
    %dma_wait3A_29 = tpu.memref_slice %arg7[%dma_wait3A, %dma_wait3A_28] : memref<125x80xi32, #tpu.memory_space<vmem>> -> memref<1x80xi32, #tpu.memory_space<vmem>>
    %dma_wait3A_30 = tpu.memref_squeeze %dma_wait3A_29 : memref<1x80xi32, #tpu.memory_space<vmem>> -> memref<80xi32, #tpu.memory_space<vmem>>
    %dma_wait3A_31 = arith.constant 0 : i32
    %dma_wait3A_32 = arith.constant 0 : i32
    %dma_wait3A_33 = tpu.memref_slice %arg14[%dma_wait3A_31, %dma_wait3A_32] : memref<10000x16xf32, #tpu.memory_space<vmem_shared>> -> memref<10000x16xf32, #tpu.memory_space<vmem_shared>>
    tpu.wait_indirect_dma semaphore(%arg16 : memref<!tpu.dma_semaphore, #tpu.memory_space<semaphore_mem>>) src(%dma_wait3A_33 : memref<10000x16xf32, #tpu.memory_space<vmem_shared>>) dst(%arg9 : memref<80x16xf32, #tpu.memory_space<vmem>>)
    %dma_wait3A_34 = arith.constant 124 : i32
    %dma_wait3A_35 = arith.constant 0 : i32
    %dma_wait3A_36 = tpu.memref_slice %arg8[%dma_wait3A_34, %dma_wait3A_35] : memref<125x80xi32, #tpu.memory_space<vmem>> -> memref<1x80xi32, #tpu.memory_space<vmem>>
    %dma_wait3A_37 = tpu.memref_squeeze %dma_wait3A_36 : memref<1x80xi32, #tpu.memory_space<vmem>> -> memref<80xi32, #tpu.memory_space<vmem>>
    %dma_wait3A_38 = arith.constant 0 : i32
    %dma_wait3A_39 = arith.constant 0 : i32
    %dma_wait3A_40 = tpu.memref_slice %arg15[%dma_wait3A_38, %dma_wait3A_39] : memref<10000x16xf32, #tpu.memory_space<vmem_shared>> -> memref<10000x16xf32, #tpu.memory_space<vmem_shared>>
    tpu.wait_indirect_dma semaphore(%arg17 : memref<!tpu.dma_semaphore, #tpu.memory_space<semaphore_mem>>) src(%dma_wait3A_40 : memref<10000x16xf32, #tpu.memory_space<vmem_shared>>) dst(%arg10 : memref<80x16xf32, #tpu.memory_space<vmem>>)
    %scan3A_41 = arith.constant 0 : i32
    %scan3A_42 = arith.constant 10 : i32
    %scan3A_43 = arith.addi %scan3A_41, %scan3A_42 : i32
    %scan3A_44 = arith.constant 1 : i32
    scf.for %scan3A_48 = %scan3A_41 to %scan3A_43 step %scan3A_44  : i32 {
      %mul3A_49 = arith.constant 1 : i32
      %mul3A_50 = arith.muli %scan3A_48, %mul3A_49 : i32
      %add3A_51 = arith.constant 0 : i32
      %add3A_52 = arith.addi %add3A_51, %mul3A_50 : i32
      %mul3A_53 = arith.constant 8 : i32
      %mul3A_54 = arith.muli %add3A_52, %mul3A_53 : i32
      %add3A_55 = arith.constant 0 : i32
      %add3A_56 = arith.addi %mul3A_54, %add3A_55 : i32
      %get3A = arith.index_cast %add3A_56 : i32 to index
      %get3A_57 = arith.constant 0 : index
      %get3A_58 = tpu.vector_load %arg9[%get3A, %get3A_57] {strides = array<i32>} : memref<80x16xf32, #tpu.memory_space<vmem>>, vector<1x16xf32>,
      %get3A_59 = vector.shape_cast %get3A_58 : vector<1x16xf32> to vector<16xf32>
      %mul3A_60 = arith.constant 8 : i32
      %mul3A_61 = arith.muli %add3A_52, %mul3A_60 : i32
      %add3A_62 = arith.constant 0 : i32
      %add3A_63 = arith.addi %mul3A_61, %add3A_62 : i32
      %get3A_64 = arith.index_cast %add3A_63 : i32 to index
      %get3A_65 = arith.constant 0 : index
      %get3A_66 = tpu.vector_load %arg10[%get3A_64, %get3A_65] {strides = array<i32>} : memref<80x16xf32, #tpu.memory_space<vmem>>, vector<1x16xf32>,
      %get3A_67 = vector.shape_cast %get3A_66 : vector<1x16xf32> to vector<16xf32>
      %add3A_68 = arith.addf %get3A_59, %get3A_67 : vector<16xf32>
      %swap3A = arith.index_cast %add3A_52 : i32 to index
      %swap3A_69 = arith.constant 0 : index
      %swap3A_70 = tpu.vector_load %arg13[%swap3A, %swap3A_69] {strides = array<i32>} : memref<10x128xf32, #tpu.memory_space<vmem>>, vector<1x16xf32>,
      %swap3A_71 = vector.shape_cast %swap3A_70 : vector<1x16xf32> to vector<16xf32>
      %swap3A_72 = vector.shape_cast %add3A_68 : vector<16xf32> to vector<1x16xf32>
      tpu.vector_store %arg13[%swap3A, %swap3A_69], %swap3A_72 {strides = array<i32>} : memref<10x128xf32, #tpu.memory_space<vmem>>, vector<1x16xf32>,
      %mul3A_73 = arith.constant 8 : i32
      %mul3A_74 = arith.muli %add3A_52, %mul3A_73 : i32
      %add3A_75 = arith.constant 1 : i32
      %add3A_76 = arith.addi %mul3A_74, %add3A_75 : i32
      %get3A_77 = arith.index_cast %add3A_76 : i32 to index
      %get3A_78 = arith.constant 0 : index
      %get3A_79 = tpu.vector_load %arg9[%get3A_77, %get3A_78] {strides = array<i32>} : memref<80x16xf32, #tpu.memory_space<vmem>>, vector<1x16xf32>,
      %get3A_80 = vector.shape_cast %get3A_79 : vector<1x16xf32> to vector<16xf32>
      %mul3A_81 = arith.constant 8 : i32
      %mul3A_82 = arith.muli %add3A_52, %mul3A_81 : i32
      %add3A_83 = arith.constant 1 : i32
      %add3A_84 = arith.addi %mul3A_82, %add3A_83 : i32
      %get3A_85 = arith.index_cast %add3A_84 : i32 to index
      %get3A_86 = arith.constant 0 : index
      %get3A_87 = tpu.vector_load %arg10[%get3A_85, %get3A_86] {strides = array<i32>} : memref<80x16xf32, #tpu.memory_space<vmem>>, vector<1x16xf32>,
      %get3A_88 = vector.shape_cast %get3A_87 : vector<1x16xf32> to vector<16xf32>
      %add3A_89 = arith.addf %get3A_80, %get3A_88 : vector<16xf32>
      %swap3A_90 = arith.index_cast %add3A_52 : i32 to index
      %swap3A_91 = arith.constant 16 : index
      %swap3A_92 = tpu.vector_load %arg13[%swap3A_90, %swap3A_91] {strides = array<i32>} : memref<10x128xf32, #tpu.memory_space<vmem>>, vector<1x16xf32>,
      %swap3A_93 = vector.shape_cast %swap3A_92 : vector<1x16xf32> to vector<16xf32>
      %swap3A_94 = vector.shape_cast %add3A_89 : vector<16xf32> to vector<1x16xf32>
      tpu.vector_store %arg13[%swap3A_90, %swap3A_91], %swap3A_94 {strides = array<i32>} : memref<10x128xf32, #tpu.memory_space<vmem>>, vector<1x16xf32>,
      %mul3A_95 = arith.constant 8 : i32
      %mul3A_96 = arith.muli %add3A_52, %mul3A_95 : i32
      %add3A_97 = arith.constant 2 : i32
      %add3A_98 = arith.addi %mul3A_96, %add3A_97 : i32
      %get3A_99 = arith.index_cast %add3A_98 : i32 to index
      %get3A_100 = arith.constant 0 : index
      %get3A_101 = tpu.vector_load %arg9[%get3A_99, %get3A_100] {strides = array<i32>} : memref<80x16xf32, #tpu.memory_space<vmem>>, vector<1x16xf32>,
      %get3A_102 = vector.shape_cast %get3A_101 : vector<1x16xf32> to vector<16xf32>
      %mul3A_103 = arith.constant 8 : i32
      %mul3A_104 = arith.muli %add3A_52, %mul3A_103 : i32
      %add3A_105 = arith.constant 2 : i32
      %add3A_106 = arith.addi %mul3A_104, %add3A_105 : i32
      %get3A_107 = arith.index_cast %add3A_106 : i32 to index
      %get3A_108 = arith.constant 0 : index
      %get3A_109 = tpu.vector_load %arg10[%get3A_107, %get3A_108] {strides = array<i32>} : memref<80x16xf32, #tpu.memory_space<vmem>>, vector<1x16xf32>,
      %get3A_110 = vector.shape_cast %get3A_109 : vector<1x16xf32> to vector<16xf32>
      %add3A_111 = arith.addf %get3A_102, %get3A_110 : vector<16xf32>
      %swap3A_112 = arith.index_cast %add3A_52 : i32 to index
      %swap3A_113 = arith.constant 32 : index
      %swap3A_114 = tpu.vector_load %arg13[%swap3A_112, %swap3A_113] {strides = array<i32>} : memref<10x128xf32, #tpu.memory_space<vmem>>, vector<1x16xf32>,
      %swap3A_115 = vector.shape_cast %swap3A_114 : vector<1x16xf32> to vector<16xf32>
      %swap3A_116 = vector.shape_cast %add3A_111 : vector<16xf32> to vector<1x16xf32>
      tpu.vector_store %arg13[%swap3A_112, %swap3A_113], %swap3A_116 {strides = array<i32>} : memref<10x128xf32, #tpu.memory_space<vmem>>, vector<1x16xf32>,
      %mul3A_117 = arith.constant 8 : i32
      %mul3A_118 = arith.muli %add3A_52, %mul3A_117 : i32
      %add3A_119 = arith.constant 3 : i32
      %add3A_120 = arith.addi %mul3A_118, %add3A_119 : i32
      %get3A_121 = arith.index_cast %add3A_120 : i32 to index
      %get3A_122 = arith.constant 0 : index
      %get3A_123 = tpu.vector_load %arg9[%get3A_121, %get3A_122] {strides = array<i32>} : memref<80x16xf32, #tpu.memory_space<vmem>>, vector<1x16xf32>,
      %get3A_124 = vector.shape_cast %get3A_123 : vector<1x16xf32> to vector<16xf32>
      %mul3A_125 = arith.constant 8 : i32
      %mul3A_126 = arith.muli %add3A_52, %mul3A_125 : i32
      %add3A_127 = arith.constant 3 : i32
      %add3A_128 = arith.addi %mul3A_126, %add3A_127 : i32
      %get3A_129 = arith.index_cast %add3A_128 : i32 to index
      %get3A_130 = arith.constant 0 : index
      %get3A_131 = tpu.vector_load %arg10[%get3A_129, %get3A_130] {strides = array<i32>} : memref<80x16xf32, #tpu.memory_space<vmem>>, vector<1x16xf32>,
      %get3A_132 = vector.shape_cast %get3A_131 : vector<1x16xf32> to vector<16xf32>
      %add3A_133 = arith.addf %get3A_124, %get3A_132 : vector<16xf32>
      %swap3A_134 = arith.index_cast %add3A_52 : i32 to index
      %swap3A_135 = arith.constant 48 : index
      %swap3A_136 = tpu.vector_load %arg13[%swap3A_134, %swap3A_135] {strides = array<i32>} : memref<10x128xf32, #tpu.memory_space<vmem>>, vector<1x16xf32>,
      %swap3A_137 = vector.shape_cast %swap3A_136 : vector<1x16xf32> to vector<16xf32>
      %swap3A_138 = vector.shape_cast %add3A_133 : vector<16xf32> to vector<1x16xf32>
      tpu.vector_store %arg13[%swap3A_134, %swap3A_135], %swap3A_138 {strides = array<i32>} : memref<10x128xf32, #tpu.memory_space<vmem>>, vector<1x16xf32>,
      %mul3A_139 = arith.constant 8 : i32
      %mul3A_140 = arith.muli %add3A_52, %mul3A_139 : i32
      %add3A_141 = arith.constant 4 : i32
      %add3A_142 = arith.addi %mul3A_140, %add3A_141 : i32
      %get3A_143 = arith.index_cast %add3A_142 : i32 to index
      %get3A_144 = arith.constant 0 : index
      %get3A_145 = tpu.vector_load %arg9[%get3A_143, %get3A_144] {strides = array<i32>} : memref<80x16xf32, #tpu.memory_space<vmem>>, vector<1x16xf32>,
      %get3A_146 = vector.shape_cast %get3A_145 : vector<1x16xf32> to vector<16xf32>
      %mul3A_147 = arith.constant 8 : i32
      %mul3A_148 = arith.muli %add3A_52, %mul3A_147 : i32
      %add3A_149 = arith.constant 4 : i32
      %add3A_150 = arith.addi %mul3A_148, %add3A_149 : i32
      %get3A_151 = arith.index_cast %add3A_150 : i32 to index
      %get3A_152 = arith.constant 0 : index
      %get3A_153 = tpu.vector_load %arg10[%get3A_151, %get3A_152] {strides = array<i32>} : memref<80x16xf32, #tpu.memory_space<vmem>>, vector<1x16xf32>,
      %get3A_154 = vector.shape_cast %get3A_153 : vector<1x16xf32> to vector<16xf32>
      %add3A_155 = arith.addf %get3A_146, %get3A_154 : vector<16xf32>
      %swap3A_156 = arith.index_cast %add3A_52 : i32 to index
      %swap3A_157 = arith.constant 64 : index
      %swap3A_158 = tpu.vector_load %arg13[%swap3A_156, %swap3A_157] {strides = array<i32>} : memref<10x128xf32, #tpu.memory_space<vmem>>, vector<1x16xf32>,
      %swap3A_159 = vector.shape_cast %swap3A_158 : vector<1x16xf32> to vector<16xf32>
      %swap3A_160 = vector.shape_cast %add3A_155 : vector<16xf32> to vector<1x16xf32>
      tpu.vector_store %arg13[%swap3A_156, %swap3A_157], %swap3A_160 {strides = array<i32>} : memref<10x128xf32, #tpu.memory_space<vmem>>, vector<1x16xf32>,
      %mul3A_161 = arith.constant 8 : i32
      %mul3A_162 = arith.muli %add3A_52, %mul3A_161 : i32
      %add3A_163 = arith.constant 5 : i32
      %add3A_164 = arith.addi %mul3A_162, %add3A_163 : i32
      %get3A_165 = arith.index_cast %add3A_164 : i32 to index
      %get3A_166 = arith.constant 0 : index
      %get3A_167 = tpu.vector_load %arg9[%get3A_165, %get3A_166] {strides = array<i32>} : memref<80x16xf32, #tpu.memory_space<vmem>>, vector<1x16xf32>,
      %get3A_168 = vector.shape_cast %get3A_167 : vector<1x16xf32> to vector<16xf32>
      %mul3A_169 = arith.constant 8 : i32
      %mul3A_170 = arith.muli %add3A_52, %mul3A_169 : i32
      %add3A_171 = arith.constant 5 : i32
      %add3A_172 = arith.addi %mul3A_170, %add3A_171 : i32
      %get3A_173 = arith.index_cast %add3A_172 : i32 to index
      %get3A_174 = arith.constant 0 : index
      %get3A_175 = tpu.vector_load %arg10[%get3A_173, %get3A_174] {strides = array<i32>} : memref<80x16xf32, #tpu.memory_space<vmem>>, vector<1x16xf32>,
      %get3A_176 = vector.shape_cast %get3A_175 : vector<1x16xf32> to vector<16xf32>
      %add3A_177 = arith.addf %get3A_168, %get3A_176 : vector<16xf32>
      %swap3A_178 = arith.index_cast %add3A_52 : i32 to index
      %swap3A_179 = arith.constant 80 : index
      %swap3A_180 = tpu.vector_load %arg13[%swap3A_178, %swap3A_179] {strides = array<i32>} : memref<10x128xf32, #tpu.memory_space<vmem>>, vector<1x16xf32>,
      %swap3A_181 = vector.shape_cast %swap3A_180 : vector<1x16xf32> to vector<16xf32>
      %swap3A_182 = vector.shape_cast %add3A_177 : vector<16xf32> to vector<1x16xf32>
      tpu.vector_store %arg13[%swap3A_178, %swap3A_179], %swap3A_182 {strides = array<i32>} : memref<10x128xf32, #tpu.memory_space<vmem>>, vector<1x16xf32>,
      %mul3A_183 = arith.constant 8 : i32
      %mul3A_184 = arith.muli %add3A_52, %mul3A_183 : i32
      %add3A_185 = arith.constant 6 : i32
      %add3A_186 = arith.addi %mul3A_184, %add3A_185 : i32
      %get3A_187 = arith.index_cast %add3A_186 : i32 to index
      %get3A_188 = arith.constant 0 : index
      %get3A_189 = tpu.vector_load %arg9[%get3A_187, %get3A_188] {strides = array<i32>} : memref<80x16xf32, #tpu.memory_space<vmem>>, vector<1x16xf32>,
      %get3A_190 = vector.shape_cast %get3A_189 : vector<1x16xf32> to vector<16xf32>
      %mul3A_191 = arith.constant 8 : i32
      %mul3A_192 = arith.muli %add3A_52, %mul3A_191 : i32
      %add3A_193 = arith.constant 6 : i32
      %add3A_194 = arith.addi %mul3A_192, %add3A_193 : i32
      %get3A_195 = arith.index_cast %add3A_194 : i32 to index
      %get3A_196 = arith.constant 0 : index
      %get3A_197 = tpu.vector_load %arg10[%get3A_195, %get3A_196] {strides = array<i32>} : memref<80x16xf32, #tpu.memory_space<vmem>>, vector<1x16xf32>,
      %get3A_198 = vector.shape_cast %get3A_197 : vector<1x16xf32> to vector<16xf32>
      %add3A_199 = arith.addf %get3A_190, %get3A_198 : vector<16xf32>
      %swap3A_200 = arith.index_cast %add3A_52 : i32 to index
      %swap3A_201 = arith.constant 96 : index
      %swap3A_202 = tpu.vector_load %arg13[%swap3A_200, %swap3A_201] {strides = array<i32>} : memref<10x128xf32, #tpu.memory_space<vmem>>, vector<1x16xf32>,
      %swap3A_203 = vector.shape_cast %swap3A_202 : vector<1x16xf32> to vector<16xf32>
      %swap3A_204 = vector.shape_cast %add3A_199 : vector<16xf32> to vector<1x16xf32>
      tpu.vector_store %arg13[%swap3A_200, %swap3A_201], %swap3A_204 {strides = array<i32>} : memref<10x128xf32, #tpu.memory_space<vmem>>, vector<1x16xf32>,
      %mul3A_205 = arith.constant 8 : i32
      %mul3A_206 = arith.muli %add3A_52, %mul3A_205 : i32
      %add3A_207 = arith.constant 7 : i32
      %add3A_208 = arith.addi %mul3A_206, %add3A_207 : i32
      %get3A_209 = arith.index_cast %add3A_208 : i32 to index
      %get3A_210 = arith.constant 0 : index
      %get3A_211 = tpu.vector_load %arg9[%get3A_209, %get3A_210] {strides = array<i32>} : memref<80x16xf32, #tpu.memory_space<vmem>>, vector<1x16xf32>,
      %get3A_212 = vector.shape_cast %get3A_211 : vector<1x16xf32> to vector<16xf32>
      %mul3A_213 = arith.constant 8 : i32
      %mul3A_214 = arith.muli %add3A_52, %mul3A_213 : i32
      %add3A_215 = arith.constant 7 : i32
      %add3A_216 = arith.addi %mul3A_214, %add3A_215 : i32
      %get3A_217 = arith.index_cast %add3A_216 : i32 to index
      %get3A_218 = arith.constant 0 : index
      %get3A_219 = tpu.vector_load %arg10[%get3A_217, %get3A_218] {strides = array<i32>} : memref<80x16xf32, #tpu.memory_space<vmem>>, vector<1x16xf32>,
      %get3A_220 = vector.shape_cast %get3A_219 : vector<1x16xf32> to vector<16xf32>
      %add3A_221 = arith.addf %get3A_212, %get3A_220 : vector<16xf32>
      %swap3A_222 = arith.index_cast %add3A_52 : i32 to index
      %swap3A_223 = arith.constant 112 : index
      %swap3A_224 = tpu.vector_load %arg13[%swap3A_222, %swap3A_223] {strides = array<i32>} : memref<10x128xf32, #tpu.memory_space<vmem>>, vector<1x16xf32>,
      %swap3A_225 = vector.shape_cast %swap3A_224 : vector<1x16xf32> to vector<16xf32>
      %swap3A_226 = vector.shape_cast %add3A_221 : vector<16xf32> to vector<1x16xf32>
      tpu.vector_store %arg13[%swap3A_222, %swap3A_223], %swap3A_226 {strides = array<i32>} : memref<10x128xf32, #tpu.memory_space<vmem>>, vector<1x16xf32>,
    }
    %scan3A_45 = arith.constant 10 : i32
    %add3A_46 = arith.constant 1240 : i32
    %add3A_47 = arith.addi %mul3A_10, %add3A_46 : i32
    "tpu.region"() ({
      %run_scoped3A = tpu.sem_alloc : memref<!tpu.dma_semaphore, #tpu.memory_space<semaphore_mem>>
      %dma_start3A_48 = arith.constant 0 : i32
      %dma_start3A_49 = tpu.memref_slice %arg6[%add3A_47, %dma_start3A_48] : memref<40000x128xf32, #tpu.memory_space<hbm>> -> memref<10x128xf32, #tpu.memory_space<hbm>>
      %dma_start3A_50 = arith.constant 0 : i32
      %dma_start3A_51 = tpu.memref_slice %arg6[%add3A_47, %dma_start3A_50] : memref<40000x128xf32, #tpu.memory_space<hbm>> -> memref<10x128xf32, #tpu.memory_space<hbm>>
      tpu.enqueue_dma source(%arg13 : memref<10x128xf32, #tpu.memory_space<vmem>>) target(%dma_start3A_51 : memref<10x128xf32, #tpu.memory_space<hbm>>) target_semaphore(%run_scoped3A : memref<!tpu.dma_semaphore, #tpu.memory_space<semaphore_mem>>)
      %dma_wait3A_52 = arith.constant 0 : i32
      %dma_wait3A_53 = tpu.memref_slice %arg6[%add3A_47, %dma_wait3A_52] : memref<40000x128xf32, #tpu.memory_space<hbm>> -> memref<10x128xf32, #tpu.memory_space<hbm>>
      %dma_wait3A_54 = arith.constant 0 : i32
      %dma_wait3A_55 = tpu.memref_slice %arg6[%add3A_47, %dma_wait3A_54] : memref<40000x128xf32, #tpu.memory_space<hbm>> -> memref<10x128xf32, #tpu.memory_space<hbm>>
      tpu.wait_dma2 semaphore(%run_scoped3A : memref<!tpu.dma_semaphore, #tpu.memory_space<semaphore_mem>>) src(%arg13 : memref<10x128xf32, #tpu.memory_space<vmem>>) dst(%dma_wait3A_55 : memref<10x128xf32, #tpu.memory_space<hbm>>)
      tpu.yield
    }) : () -> ()
    return
  }
}

#map = affine_map<(d0, d1) -> (0, 0)>
#map1 = affine_map<(d0, d1) -> (0, 0, 0)>
module attributes {stable_mosaic.version = 14 : i64} {
  func.func @k(%arg0: i32, %arg1: i32, %arg2: memref<320000x16xf32, #tpu.memory_space<hbm>>, %arg3: memref<4000x80xi32, #tpu.memory_space<hbm>>, %arg4: memref<4000x80xi32, #tpu.memory_space<hbm>>, %arg5: memref<2x10240x16xf32, #tpu.memory_space<hbm>>, %arg6: memref<2x10240x16xf32, #tpu.memory_space<hbm>>, %arg7: memref<125x80xi32, #tpu.memory_space<vmem>>, %arg8: memref<125x80xi32, #tpu.memory_space<vmem>>, %arg9: memref<80x16xf32, #tpu.memory_space<vmem>>, %arg10: memref<80x16xf32, #tpu.memory_space<vmem>>, %arg11: memref<128x16xf32, #tpu.memory_space<vmem>>, %arg12: memref<10240x16xf32, #tpu.memory_space<vmem_shared>>, %arg13: memref<10240x16xf32, #tpu.memory_space<vmem_shared>>, %arg14: memref<!tpu.dma_semaphore, #tpu.memory_space<semaphore_mem>>, %arg15: memref<!tpu.dma_semaphore, #tpu.memory_space<semaphore_mem>>, %arg16: memref<!tpu.dma_semaphore, #tpu.memory_space<semaphore_mem>>, %arg17: memref<!tpu.dma_semaphore, #tpu.memory_space<semaphore_mem>>) attributes {dimension_semantics = [#tpu.dimension_semantics<core_parallel>, #tpu.dimension_semantics<subcore_parallel>], iteration_bounds = array<i64: 2, 16>, scalar_prefetch = 0 : i64, scratch_operands = 11 : i64, tpu.core_type = #tpu.core_type<sc_vector_subcore>, window_params = [{transform_indices = #map}, {transform_indices = #map}, {transform_indices = #map}, {transform_indices = #map1}, {transform_indices = #map1}]} {
    %mul3A = arith.constant 2 : i32
    %mul3A_0 = arith.muli %arg1, %mul3A : i32
    %add3A = arith.addi %mul3A_0, %arg0 : i32
    %scan3A = arith.constant 0 : i32
    %scan3A_1 = arith.constant 128 : i32
    %scan3A_2 = arith.addi %scan3A, %scan3A_1 : i32
    %scan3A_3 = arith.constant 1 : i32
    scf.for %scan3A_68 = %scan3A to %scan3A_2 step %scan3A_3  : i32 {
      %mul3A_69 = arith.constant 1 : i32
      %mul3A_70 = arith.muli %scan3A_68, %mul3A_69 : i32
      %add3A_71 = arith.constant 0 : i32
      %add3A_72 = arith.addi %add3A_71, %mul3A_70 : i32
      %broadcast_in_dim3A = arith.constant 0.000000e+00 : f32
      %broadcast_in_dim3A_73 = vector.broadcast %broadcast_in_dim3A : f32 to vector<16xf32>
      %swap3A = arith.index_cast %add3A_72 : i32 to index
      %swap3A_74 = arith.constant 0 : index
      %swap3A_75 = tpu.vector_load %arg11[%swap3A, %swap3A_74] {strides = array<i32>} : memref<128x16xf32, #tpu.memory_space<vmem>>, vector<1x16xf32>,
      %swap3A_76 = vector.shape_cast %swap3A_75 : vector<1x16xf32> to vector<16xf32>
      %swap3A_77 = vector.shape_cast %broadcast_in_dim3A_73 : vector<16xf32> to vector<1x16xf32>
      tpu.vector_store %arg11[%swap3A, %swap3A_74], %swap3A_77 {strides = array<i32>} : memref<128x16xf32, #tpu.memory_space<vmem>>, vector<1x16xf32>,
    }
    %scan3A_4 = arith.constant 128 : i32
    %scan3A_5 = arith.constant 0 : i32
    %scan3A_6 = arith.constant 5 : i32
    %scan3A_7 = arith.addi %scan3A_5, %scan3A_6 : i32
    %scan3A_8 = arith.constant 1 : i32
    scf.for %scan3A_68 = %scan3A_5 to %scan3A_7 step %scan3A_8  : i32 {
      %mul3A_69 = arith.constant 1 : i32
      %mul3A_70 = arith.muli %scan3A_68, %mul3A_69 : i32
      %add3A_71 = arith.constant 0 : i32
      %add3A_72 = arith.addi %add3A_71, %mul3A_70 : i32
      %mul3A_73 = arith.constant 640 : i32
      %mul3A_74 = arith.muli %arg1, %mul3A_73 : i32
      %mul3A_75 = arith.constant 128 : i32
      %mul3A_76 = arith.muli %add3A_72, %mul3A_75 : i32
      %add3A_77 = arith.addi %mul3A_74, %mul3A_76 : i32
      "tpu.region"() ({
        %run_scoped3A = tpu.sem_alloc : memref<!tpu.dma_semaphore, #tpu.memory_space<semaphore_mem>>
        %dma_start3A_83 = arith.constant 0 : i32
        %dma_start3A_84 = tpu.memref_slice %arg12[%add3A_77, %dma_start3A_83] : memref<10240x16xf32, #tpu.memory_space<vmem_shared>> -> memref<128x16xf32, #tpu.memory_space<vmem_shared>>
        %dma_start3A_85 = arith.constant 0 : i32
        %dma_start3A_86 = tpu.memref_slice %arg12[%add3A_77, %dma_start3A_85] : memref<10240x16xf32, #tpu.memory_space<vmem_shared>> -> memref<128x16xf32, #tpu.memory_space<vmem_shared>>
        tpu.enqueue_dma source(%arg11 : memref<128x16xf32, #tpu.memory_space<vmem>>) target(%dma_start3A_86 : memref<128x16xf32, #tpu.memory_space<vmem_shared>>) target_semaphore(%run_scoped3A : memref<!tpu.dma_semaphore, #tpu.memory_space<semaphore_mem>>)
        %dma_wait3A_87 = arith.constant 0 : i32
        %dma_wait3A_88 = tpu.memref_slice %arg12[%add3A_77, %dma_wait3A_87] : memref<10240x16xf32, #tpu.memory_space<vmem_shared>> -> memref<128x16xf32, #tpu.memory_space<vmem_shared>>
        %dma_wait3A_89 = arith.constant 0 : i32
        %dma_wait3A_90 = tpu.memref_slice %arg12[%add3A_77, %dma_wait3A_89] : memref<10240x16xf32, #tpu.memory_space<vmem_shared>> -> memref<128x16xf32, #tpu.memory_space<vmem_shared>>
        tpu.wait_dma2 semaphore(%run_scoped3A : memref<!tpu.dma_semaphore, #tpu.memory_space<semaphore_mem>>) src(%arg11 : memref<128x16xf32, #tpu.memory_space<vmem>>) dst(%dma_wait3A_90 : memref<128x16xf32, #tpu.memory_space<vmem_shared>>)
        tpu.yield
      }) : () -> ()
      %mul3A_78 = arith.constant 640 : i32
      %mul3A_79 = arith.muli %arg1, %mul3A_78 : i32
      %mul3A_80 = arith.constant 128 : i32
      %mul3A_81 = arith.muli %add3A_72, %mul3A_80 : i32
      %add3A_82 = arith.addi %mul3A_79, %mul3A_81 : i32
      "tpu.region"() ({
        %run_scoped3A = tpu.sem_alloc : memref<!tpu.dma_semaphore, #tpu.memory_space<semaphore_mem>>
        %dma_start3A_83 = arith.constant 0 : i32
        %dma_start3A_84 = tpu.memref_slice %arg13[%add3A_82, %dma_start3A_83] : memref<10240x16xf32, #tpu.memory_space<vmem_shared>> -> memref<128x16xf32, #tpu.memory_space<vmem_shared>>
        %dma_start3A_85 = arith.constant 0 : i32
        %dma_start3A_86 = tpu.memref_slice %arg13[%add3A_82, %dma_start3A_85] : memref<10240x16xf32, #tpu.memory_space<vmem_shared>> -> memref<128x16xf32, #tpu.memory_space<vmem_shared>>
        tpu.enqueue_dma source(%arg11 : memref<128x16xf32, #tpu.memory_space<vmem>>) target(%dma_start3A_86 : memref<128x16xf32, #tpu.memory_space<vmem_shared>>) target_semaphore(%run_scoped3A : memref<!tpu.dma_semaphore, #tpu.memory_space<semaphore_mem>>)
        %dma_wait3A_87 = arith.constant 0 : i32
        %dma_wait3A_88 = tpu.memref_slice %arg13[%add3A_82, %dma_wait3A_87] : memref<10240x16xf32, #tpu.memory_space<vmem_shared>> -> memref<128x16xf32, #tpu.memory_space<vmem_shared>>
        %dma_wait3A_89 = arith.constant 0 : i32
        %dma_wait3A_90 = tpu.memref_slice %arg13[%add3A_82, %dma_wait3A_89] : memref<10240x16xf32, #tpu.memory_space<vmem_shared>> -> memref<128x16xf32, #tpu.memory_space<vmem_shared>>
        tpu.wait_dma2 semaphore(%run_scoped3A : memref<!tpu.dma_semaphore, #tpu.memory_space<semaphore_mem>>) src(%arg11 : memref<128x16xf32, #tpu.memory_space<vmem>>) dst(%dma_wait3A_90 : memref<128x16xf32, #tpu.memory_space<vmem_shared>>)
        tpu.yield
      }) : () -> ()
    }
    %scan3A_9 = arith.constant 5 : i32
    %mul3A_10 = arith.constant 125 : i32
    %mul3A_11 = arith.muli %add3A, %mul3A_10 : i32
    "tpu.region"() ({
      %run_scoped3A = tpu.sem_alloc : memref<!tpu.dma_semaphore, #tpu.memory_space<semaphore_mem>>
      %dma_start3A_68 = arith.constant 0 : i32
      %dma_start3A_69 = tpu.memref_slice %arg3[%mul3A_11, %dma_start3A_68] : memref<4000x80xi32, #tpu.memory_space<hbm>> -> memref<125x80xi32, #tpu.memory_space<hbm>>
      %dma_start3A_70 = arith.constant 0 : i32
      %dma_start3A_71 = tpu.memref_slice %arg3[%mul3A_11, %dma_start3A_70] : memref<4000x80xi32, #tpu.memory_space<hbm>> -> memref<125x80xi32, #tpu.memory_space<hbm>>
      tpu.enqueue_dma source(%dma_start3A_71 : memref<125x80xi32, #tpu.memory_space<hbm>>) target(%arg7 : memref<125x80xi32, #tpu.memory_space<vmem>>) target_semaphore(%run_scoped3A : memref<!tpu.dma_semaphore, #tpu.memory_space<semaphore_mem>>)
      %dma_wait3A_72 = arith.constant 0 : i32
      %dma_wait3A_73 = tpu.memref_slice %arg3[%mul3A_11, %dma_wait3A_72] : memref<4000x80xi32, #tpu.memory_space<hbm>> -> memref<125x80xi32, #tpu.memory_space<hbm>>
      %dma_wait3A_74 = arith.constant 0 : i32
      %dma_wait3A_75 = tpu.memref_slice %arg3[%mul3A_11, %dma_wait3A_74] : memref<4000x80xi32, #tpu.memory_space<hbm>> -> memref<125x80xi32, #tpu.memory_space<hbm>>
      tpu.wait_dma2 semaphore(%run_scoped3A : memref<!tpu.dma_semaphore, #tpu.memory_space<semaphore_mem>>) src(%dma_wait3A_75 : memref<125x80xi32, #tpu.memory_space<hbm>>) dst(%arg7 : memref<125x80xi32, #tpu.memory_space<vmem>>)
      tpu.yield
    }) : () -> ()
    %mul3A_12 = arith.constant 125 : i32
    %mul3A_13 = arith.muli %add3A, %mul3A_12 : i32
    "tpu.region"() ({
      %run_scoped3A = tpu.sem_alloc : memref<!tpu.dma_semaphore, #tpu.memory_space<semaphore_mem>>
      %dma_start3A_68 = arith.constant 0 : i32
      %dma_start3A_69 = tpu.memref_slice %arg4[%mul3A_13, %dma_start3A_68] : memref<4000x80xi32, #tpu.memory_space<hbm>> -> memref<125x80xi32, #tpu.memory_space<hbm>>
      %dma_start3A_70 = arith.constant 0 : i32
      %dma_start3A_71 = tpu.memref_slice %arg4[%mul3A_13, %dma_start3A_70] : memref<4000x80xi32, #tpu.memory_space<hbm>> -> memref<125x80xi32, #tpu.memory_space<hbm>>
      tpu.enqueue_dma source(%dma_start3A_71 : memref<125x80xi32, #tpu.memory_space<hbm>>) target(%arg8 : memref<125x80xi32, #tpu.memory_space<vmem>>) target_semaphore(%run_scoped3A : memref<!tpu.dma_semaphore, #tpu.memory_space<semaphore_mem>>)
      %dma_wait3A_72 = arith.constant 0 : i32
      %dma_wait3A_73 = tpu.memref_slice %arg4[%mul3A_13, %dma_wait3A_72] : memref<4000x80xi32, #tpu.memory_space<hbm>> -> memref<125x80xi32, #tpu.memory_space<hbm>>
      %dma_wait3A_74 = arith.constant 0 : i32
      %dma_wait3A_75 = tpu.memref_slice %arg4[%mul3A_13, %dma_wait3A_74] : memref<4000x80xi32, #tpu.memory_space<hbm>> -> memref<125x80xi32, #tpu.memory_space<hbm>>
      tpu.wait_dma2 semaphore(%run_scoped3A : memref<!tpu.dma_semaphore, #tpu.memory_space<semaphore_mem>>) src(%dma_wait3A_75 : memref<125x80xi32, #tpu.memory_space<hbm>>) dst(%arg8 : memref<125x80xi32, #tpu.memory_space<vmem>>)
      tpu.yield
    }) : () -> ()
    %barrier3A = arith.constant 0 : index
    tpu.barrier barrier_id(%barrier3A)
    %mul3A_14 = arith.constant 10000 : i32
    %mul3A_15 = arith.muli %add3A, %mul3A_14 : i32
    %add3A_16 = arith.constant 0 : i32
    %add3A_17 = arith.addi %mul3A_15, %add3A_16 : i32
    %dma_start3A = arith.constant 0 : i32
    %dma_start3A_18 = tpu.memref_slice %arg2[%add3A_17, %dma_start3A] : memref<320000x16xf32, #tpu.memory_space<hbm>> -> memref<80x16xf32, #tpu.memory_space<hbm>>
    %dma_start3A_19 = arith.constant 0 : i32
    %dma_start3A_20 = tpu.memref_slice %arg2[%add3A_17, %dma_start3A_19] : memref<320000x16xf32, #tpu.memory_space<hbm>> -> memref<80x16xf32, #tpu.memory_space<hbm>>
    tpu.enqueue_dma source(%dma_start3A_20 : memref<80x16xf32, #tpu.memory_space<hbm>>) target(%arg9 : memref<80x16xf32, #tpu.memory_space<vmem>>) target_semaphore(%arg14 : memref<!tpu.dma_semaphore, #tpu.memory_space<semaphore_mem>>)
    %scan3A_21 = arith.constant 0 : i32
    %scan3A_22 = arith.constant 62 : i32
    %scan3A_23 = arith.addi %scan3A_21, %scan3A_22 : i32
    %scan3A_24 = arith.constant 1 : i32
    scf.for %scan3A_68 = %scan3A_21 to %scan3A_23 step %scan3A_24  : i32 {
      %mul3A_69 = arith.constant 1 : i32
      %mul3A_70 = arith.muli %scan3A_68, %mul3A_69 : i32
      %add3A_71 = arith.constant 0 : i32
      %add3A_72 = arith.addi %add3A_71, %mul3A_70 : i32
      %mul3A_73 = arith.constant 2 : i32
      %mul3A_74 = arith.muli %mul3A_73, %add3A_72 : i32
      %add3A_75 = arith.constant 1 : i32
      %add3A_76 = arith.addi %mul3A_74, %add3A_75 : i32
      %mul3A_77 = arith.constant 80 : i32
      %mul3A_78 = arith.muli %add3A_76, %mul3A_77 : i32
      %add3A_79 = arith.addi %mul3A_15, %mul3A_78 : i32
      %dma_start3A_80 = arith.constant 0 : i32
      %dma_start3A_81 = tpu.memref_slice %arg2[%add3A_79, %dma_start3A_80] : memref<320000x16xf32, #tpu.memory_space<hbm>> -> memref<80x16xf32, #tpu.memory_space<hbm>>
      %dma_start3A_82 = arith.constant 0 : i32
      %dma_start3A_83 = tpu.memref_slice %arg2[%add3A_79, %dma_start3A_82] : memref<320000x16xf32, #tpu.memory_space<hbm>> -> memref<80x16xf32, #tpu.memory_space<hbm>>
      tpu.enqueue_dma source(%dma_start3A_83 : memref<80x16xf32, #tpu.memory_space<hbm>>) target(%arg10 : memref<80x16xf32, #tpu.memory_space<vmem>>) target_semaphore(%arg15 : memref<!tpu.dma_semaphore, #tpu.memory_space<semaphore_mem>>)
      %mul3A_84 = arith.constant 2 : i32
      %mul3A_85 = arith.muli %mul3A_84, %add3A_72 : i32
      %mul3A_86 = arith.constant 80 : i32
      %mul3A_87 = arith.muli %mul3A_85, %mul3A_86 : i32
      %add3A_88 = arith.addi %mul3A_15, %mul3A_87 : i32
      %dma_wait3A_89 = arith.constant 0 : i32
      %dma_wait3A_90 = tpu.memref_slice %arg2[%add3A_88, %dma_wait3A_89] : memref<320000x16xf32, #tpu.memory_space<hbm>> -> memref<80x16xf32, #tpu.memory_space<hbm>>
      %dma_wait3A_91 = arith.constant 0 : i32
      %dma_wait3A_92 = tpu.memref_slice %arg2[%add3A_88, %dma_wait3A_91] : memref<320000x16xf32, #tpu.memory_space<hbm>> -> memref<80x16xf32, #tpu.memory_space<hbm>>
      tpu.wait_dma2 semaphore(%arg14 : memref<!tpu.dma_semaphore, #tpu.memory_space<semaphore_mem>>) src(%dma_wait3A_92 : memref<80x16xf32, #tpu.memory_space<hbm>>) dst(%arg9 : memref<80x16xf32, #tpu.memory_space<vmem>>)
      %dma_start3A_93 = arith.constant 0 : i32
      %dma_start3A_94 = tpu.memref_slice %arg7[%mul3A_85, %dma_start3A_93] : memref<125x80xi32, #tpu.memory_space<vmem>> -> memref<1x80xi32, #tpu.memory_space<vmem>>
      %dma_start3A_95 = tpu.memref_squeeze %dma_start3A_94 : memref<1x80xi32, #tpu.memory_space<vmem>> -> memref<80xi32, #tpu.memory_space<vmem>>
      %dma_start3A_96 = arith.constant 0 : i32
      %dma_start3A_97 = arith.constant 0 : i32
      %dma_start3A_98 = tpu.memref_slice %arg12[%dma_start3A_96, %dma_start3A_97] : memref<10240x16xf32, #tpu.memory_space<vmem_shared>> -> memref<10240x16xf32, #tpu.memory_space<vmem_shared>>
      tpu.enqueue_indirect_dma source(%arg9 : memref<80x16xf32, #tpu.memory_space<vmem>>) target(%dma_start3A_98 : memref<10240x16xf32, #tpu.memory_space<vmem_shared>>) offsets(%dma_start3A_95 : memref<80xi32, #tpu.memory_space<vmem>>) semaphore(%arg16 : memref<!tpu.dma_semaphore, #tpu.memory_space<semaphore_mem>>) {add = true}
      %dma_start3A_99 = arith.constant 0 : i32
      %dma_start3A_100 = tpu.memref_slice %arg8[%mul3A_85, %dma_start3A_99] : memref<125x80xi32, #tpu.memory_space<vmem>> -> memref<1x80xi32, #tpu.memory_space<vmem>>
      %dma_start3A_101 = tpu.memref_squeeze %dma_start3A_100 : memref<1x80xi32, #tpu.memory_space<vmem>> -> memref<80xi32, #tpu.memory_space<vmem>>
      %dma_start3A_102 = arith.constant 0 : i32
      %dma_start3A_103 = arith.constant 0 : i32
      %dma_start3A_104 = tpu.memref_slice %arg13[%dma_start3A_102, %dma_start3A_103] : memref<10240x16xf32, #tpu.memory_space<vmem_shared>> -> memref<10240x16xf32, #tpu.memory_space<vmem_shared>>
      tpu.enqueue_indirect_dma source(%arg9 : memref<80x16xf32, #tpu.memory_space<vmem>>) target(%dma_start3A_104 : memref<10240x16xf32, #tpu.memory_space<vmem_shared>>) offsets(%dma_start3A_101 : memref<80xi32, #tpu.memory_space<vmem>>) semaphore(%arg17 : memref<!tpu.dma_semaphore, #tpu.memory_space<semaphore_mem>>) {add = true}
      %dma_wait3A_105 = arith.constant 0 : i32
      %dma_wait3A_106 = tpu.memref_slice %arg7[%mul3A_85, %dma_wait3A_105] : memref<125x80xi32, #tpu.memory_space<vmem>> -> memref<1x80xi32, #tpu.memory_space<vmem>>
      %dma_wait3A_107 = tpu.memref_squeeze %dma_wait3A_106 : memref<1x80xi32, #tpu.memory_space<vmem>> -> memref<80xi32, #tpu.memory_space<vmem>>
      %dma_wait3A_108 = arith.constant 0 : i32
      %dma_wait3A_109 = arith.constant 0 : i32
      %dma_wait3A_110 = tpu.memref_slice %arg12[%dma_wait3A_108, %dma_wait3A_109] : memref<10240x16xf32, #tpu.memory_space<vmem_shared>> -> memref<10240x16xf32, #tpu.memory_space<vmem_shared>>
      tpu.wait_indirect_dma semaphore(%arg16 : memref<!tpu.dma_semaphore, #tpu.memory_space<semaphore_mem>>) src(%arg9 : memref<80x16xf32, #tpu.memory_space<vmem>>) dst(%dma_wait3A_110 : memref<10240x16xf32, #tpu.memory_space<vmem_shared>>)
      %dma_wait3A_111 = arith.constant 0 : i32
      %dma_wait3A_112 = tpu.memref_slice %arg8[%mul3A_85, %dma_wait3A_111] : memref<125x80xi32, #tpu.memory_space<vmem>> -> memref<1x80xi32, #tpu.memory_space<vmem>>
      %dma_wait3A_113 = tpu.memref_squeeze %dma_wait3A_112 : memref<1x80xi32, #tpu.memory_space<vmem>> -> memref<80xi32, #tpu.memory_space<vmem>>
      %dma_wait3A_114 = arith.constant 0 : i32
      %dma_wait3A_115 = arith.constant 0 : i32
      %dma_wait3A_116 = tpu.memref_slice %arg13[%dma_wait3A_114, %dma_wait3A_115] : memref<10240x16xf32, #tpu.memory_space<vmem_shared>> -> memref<10240x16xf32, #tpu.memory_space<vmem_shared>>
      tpu.wait_indirect_dma semaphore(%arg17 : memref<!tpu.dma_semaphore, #tpu.memory_space<semaphore_mem>>) src(%arg9 : memref<80x16xf32, #tpu.memory_space<vmem>>) dst(%dma_wait3A_116 : memref<10240x16xf32, #tpu.memory_space<vmem_shared>>)
      %mul3A_117 = arith.constant 2 : i32
      %mul3A_118 = arith.muli %mul3A_117, %add3A_72 : i32
      %add3A_119 = arith.constant 2 : i32
      %add3A_120 = arith.addi %mul3A_118, %add3A_119 : i32
      %mul3A_121 = arith.constant 80 : i32
      %mul3A_122 = arith.muli %add3A_120, %mul3A_121 : i32
      %add3A_123 = arith.addi %mul3A_15, %mul3A_122 : i32
      %dma_start3A_124 = arith.constant 0 : i32
      %dma_start3A_125 = tpu.memref_slice %arg2[%add3A_123, %dma_start3A_124] : memref<320000x16xf32, #tpu.memory_space<hbm>> -> memref<80x16xf32, #tpu.memory_space<hbm>>
      %dma_start3A_126 = arith.constant 0 : i32
      %dma_start3A_127 = tpu.memref_slice %arg2[%add3A_123, %dma_start3A_126] : memref<320000x16xf32, #tpu.memory_space<hbm>> -> memref<80x16xf32, #tpu.memory_space<hbm>>
      tpu.enqueue_dma source(%dma_start3A_127 : memref<80x16xf32, #tpu.memory_space<hbm>>) target(%arg9 : memref<80x16xf32, #tpu.memory_space<vmem>>) target_semaphore(%arg14 : memref<!tpu.dma_semaphore, #tpu.memory_space<semaphore_mem>>)
      %mul3A_128 = arith.constant 2 : i32
      %mul3A_129 = arith.muli %mul3A_128, %add3A_72 : i32
      %add3A_130 = arith.constant 1 : i32
      %add3A_131 = arith.addi %mul3A_129, %add3A_130 : i32
      %mul3A_132 = arith.constant 80 : i32
      %mul3A_133 = arith.muli %add3A_131, %mul3A_132 : i32
      %add3A_134 = arith.addi %mul3A_15, %mul3A_133 : i32
      %dma_wait3A_135 = arith.constant 0 : i32
      %dma_wait3A_136 = tpu.memref_slice %arg2[%add3A_134, %dma_wait3A_135] : memref<320000x16xf32, #tpu.memory_space<hbm>> -> memref<80x16xf32, #tpu.memory_space<hbm>>
      %dma_wait3A_137 = arith.constant 0 : i32
      %dma_wait3A_138 = tpu.memref_slice %arg2[%add3A_134, %dma_wait3A_137] : memref<320000x16xf32, #tpu.memory_space<hbm>> -> memref<80x16xf32, #tpu.memory_space<hbm>>
      tpu.wait_dma2 semaphore(%arg15 : memref<!tpu.dma_semaphore, #tpu.memory_space<semaphore_mem>>) src(%dma_wait3A_138 : memref<80x16xf32, #tpu.memory_space<hbm>>) dst(%arg10 : memref<80x16xf32, #tpu.memory_space<vmem>>)
      %dma_start3A_139 = arith.constant 0 : i32
      %dma_start3A_140 = tpu.memref_slice %arg7[%add3A_131, %dma_start3A_139] : memref<125x80xi32, #tpu.memory_space<vmem>> -> memref<1x80xi32, #tpu.memory_space<vmem>>
      %dma_start3A_141 = tpu.memref_squeeze %dma_start3A_140 : memref<1x80xi32, #tpu.memory_space<vmem>> -> memref<80xi32, #tpu.memory_space<vmem>>
      %dma_start3A_142 = arith.constant 0 : i32
      %dma_start3A_143 = arith.constant 0 : i32
      %dma_start3A_144 = tpu.memref_slice %arg12[%dma_start3A_142, %dma_start3A_143] : memref<10240x16xf32, #tpu.memory_space<vmem_shared>> -> memref<10240x16xf32, #tpu.memory_space<vmem_shared>>
      tpu.enqueue_indirect_dma source(%arg10 : memref<80x16xf32, #tpu.memory_space<vmem>>) target(%dma_start3A_144 : memref<10240x16xf32, #tpu.memory_space<vmem_shared>>) offsets(%dma_start3A_141 : memref<80xi32, #tpu.memory_space<vmem>>) semaphore(%arg16 : memref<!tpu.dma_semaphore, #tpu.memory_space<semaphore_mem>>) {add = true}
      %dma_start3A_145 = arith.constant 0 : i32
      %dma_start3A_146 = tpu.memref_slice %arg8[%add3A_131, %dma_start3A_145] : memref<125x80xi32, #tpu.memory_space<vmem>> -> memref<1x80xi32, #tpu.memory_space<vmem>>
      %dma_start3A_147 = tpu.memref_squeeze %dma_start3A_146 : memref<1x80xi32, #tpu.memory_space<vmem>> -> memref<80xi32, #tpu.memory_space<vmem>>
      %dma_start3A_148 = arith.constant 0 : i32
      %dma_start3A_149 = arith.constant 0 : i32
      %dma_start3A_150 = tpu.memref_slice %arg13[%dma_start3A_148, %dma_start3A_149] : memref<10240x16xf32, #tpu.memory_space<vmem_shared>> -> memref<10240x16xf32, #tpu.memory_space<vmem_shared>>
      tpu.enqueue_indirect_dma source(%arg10 : memref<80x16xf32, #tpu.memory_space<vmem>>) target(%dma_start3A_150 : memref<10240x16xf32, #tpu.memory_space<vmem_shared>>) offsets(%dma_start3A_147 : memref<80xi32, #tpu.memory_space<vmem>>) semaphore(%arg17 : memref<!tpu.dma_semaphore, #tpu.memory_space<semaphore_mem>>) {add = true}
      %dma_wait3A_151 = arith.constant 0 : i32
      %dma_wait3A_152 = tpu.memref_slice %arg7[%add3A_131, %dma_wait3A_151] : memref<125x80xi32, #tpu.memory_space<vmem>> -> memref<1x80xi32, #tpu.memory_space<vmem>>
      %dma_wait3A_153 = tpu.memref_squeeze %dma_wait3A_152 : memref<1x80xi32, #tpu.memory_space<vmem>> -> memref<80xi32, #tpu.memory_space<vmem>>
      %dma_wait3A_154 = arith.constant 0 : i32
      %dma_wait3A_155 = arith.constant 0 : i32
      %dma_wait3A_156 = tpu.memref_slice %arg12[%dma_wait3A_154, %dma_wait3A_155] : memref<10240x16xf32, #tpu.memory_space<vmem_shared>> -> memref<10240x16xf32, #tpu.memory_space<vmem_shared>>
      tpu.wait_indirect_dma semaphore(%arg16 : memref<!tpu.dma_semaphore, #tpu.memory_space<semaphore_mem>>) src(%arg10 : memref<80x16xf32, #tpu.memory_space<vmem>>) dst(%dma_wait3A_156 : memref<10240x16xf32, #tpu.memory_space<vmem_shared>>)
      %dma_wait3A_157 = arith.constant 0 : i32
      %dma_wait3A_158 = tpu.memref_slice %arg8[%add3A_131, %dma_wait3A_157] : memref<125x80xi32, #tpu.memory_space<vmem>> -> memref<1x80xi32, #tpu.memory_space<vmem>>
      %dma_wait3A_159 = tpu.memref_squeeze %dma_wait3A_158 : memref<1x80xi32, #tpu.memory_space<vmem>> -> memref<80xi32, #tpu.memory_space<vmem>>
      %dma_wait3A_160 = arith.constant 0 : i32
      %dma_wait3A_161 = arith.constant 0 : i32
      %dma_wait3A_162 = tpu.memref_slice %arg13[%dma_wait3A_160, %dma_wait3A_161] : memref<10240x16xf32, #tpu.memory_space<vmem_shared>> -> memref<10240x16xf32, #tpu.memory_space<vmem_shared>>
      tpu.wait_indirect_dma semaphore(%arg17 : memref<!tpu.dma_semaphore, #tpu.memory_space<semaphore_mem>>) src(%arg10 : memref<80x16xf32, #tpu.memory_space<vmem>>) dst(%dma_wait3A_162 : memref<10240x16xf32, #tpu.memory_space<vmem_shared>>)
    }
    %scan3A_25 = arith.constant 62 : i32
    %add3A_26 = arith.constant 9920 : i32
    %add3A_27 = arith.addi %mul3A_15, %add3A_26 : i32
    %dma_wait3A = arith.constant 0 : i32
    %dma_wait3A_28 = tpu.memref_slice %arg2[%add3A_27, %dma_wait3A] : memref<320000x16xf32, #tpu.memory_space<hbm>> -> memref<80x16xf32, #tpu.memory_space<hbm>>
    %dma_wait3A_29 = arith.constant 0 : i32
    %dma_wait3A_30 = tpu.memref_slice %arg2[%add3A_27, %dma_wait3A_29] : memref<320000x16xf32, #tpu.memory_space<hbm>> -> memref<80x16xf32, #tpu.memory_space<hbm>>
    tpu.wait_dma2 semaphore(%arg14 : memref<!tpu.dma_semaphore, #tpu.memory_space<semaphore_mem>>) src(%dma_wait3A_30 : memref<80x16xf32, #tpu.memory_space<hbm>>) dst(%arg9 : memref<80x16xf32, #tpu.memory_space<vmem>>)
    %dma_start3A_31 = arith.constant 124 : i32
    %dma_start3A_32 = arith.constant 0 : i32
    %dma_start3A_33 = tpu.memref_slice %arg7[%dma_start3A_31, %dma_start3A_32] : memref<125x80xi32, #tpu.memory_space<vmem>> -> memref<1x80xi32, #tpu.memory_space<vmem>>
    %dma_start3A_34 = tpu.memref_squeeze %dma_start3A_33 : memref<1x80xi32, #tpu.memory_space<vmem>> -> memref<80xi32, #tpu.memory_space<vmem>>
    %dma_start3A_35 = arith.constant 0 : i32
    %dma_start3A_36 = arith.constant 0 : i32
    %dma_start3A_37 = tpu.memref_slice %arg12[%dma_start3A_35, %dma_start3A_36] : memref<10240x16xf32, #tpu.memory_space<vmem_shared>> -> memref<10240x16xf32, #tpu.memory_space<vmem_shared>>
    tpu.enqueue_indirect_dma source(%arg9 : memref<80x16xf32, #tpu.memory_space<vmem>>) target(%dma_start3A_37 : memref<10240x16xf32, #tpu.memory_space<vmem_shared>>) offsets(%dma_start3A_34 : memref<80xi32, #tpu.memory_space<vmem>>) semaphore(%arg16 : memref<!tpu.dma_semaphore, #tpu.memory_space<semaphore_mem>>) {add = true}
    %dma_start3A_38 = arith.constant 124 : i32
    %dma_start3A_39 = arith.constant 0 : i32
    %dma_start3A_40 = tpu.memref_slice %arg8[%dma_start3A_38, %dma_start3A_39] : memref<125x80xi32, #tpu.memory_space<vmem>> -> memref<1x80xi32, #tpu.memory_space<vmem>>
    %dma_start3A_41 = tpu.memref_squeeze %dma_start3A_40 : memref<1x80xi32, #tpu.memory_space<vmem>> -> memref<80xi32, #tpu.memory_space<vmem>>
    %dma_start3A_42 = arith.constant 0 : i32
    %dma_start3A_43 = arith.constant 0 : i32
    %dma_start3A_44 = tpu.memref_slice %arg13[%dma_start3A_42, %dma_start3A_43] : memref<10240x16xf32, #tpu.memory_space<vmem_shared>> -> memref<10240x16xf32, #tpu.memory_space<vmem_shared>>
    tpu.enqueue_indirect_dma source(%arg9 : memref<80x16xf32, #tpu.memory_space<vmem>>) target(%dma_start3A_44 : memref<10240x16xf32, #tpu.memory_space<vmem_shared>>) offsets(%dma_start3A_41 : memref<80xi32, #tpu.memory_space<vmem>>) semaphore(%arg17 : memref<!tpu.dma_semaphore, #tpu.memory_space<semaphore_mem>>) {add = true}
    %dma_wait3A_45 = arith.constant 124 : i32
    %dma_wait3A_46 = arith.constant 0 : i32
    %dma_wait3A_47 = tpu.memref_slice %arg7[%dma_wait3A_45, %dma_wait3A_46] : memref<125x80xi32, #tpu.memory_space<vmem>> -> memref<1x80xi32, #tpu.memory_space<vmem>>
    %dma_wait3A_48 = tpu.memref_squeeze %dma_wait3A_47 : memref<1x80xi32, #tpu.memory_space<vmem>> -> memref<80xi32, #tpu.memory_space<vmem>>
    %dma_wait3A_49 = arith.constant 0 : i32
    %dma_wait3A_50 = arith.constant 0 : i32
    %dma_wait3A_51 = tpu.memref_slice %arg12[%dma_wait3A_49, %dma_wait3A_50] : memref<10240x16xf32, #tpu.memory_space<vmem_shared>> -> memref<10240x16xf32, #tpu.memory_space<vmem_shared>>
    tpu.wait_indirect_dma semaphore(%arg16 : memref<!tpu.dma_semaphore, #tpu.memory_space<semaphore_mem>>) src(%arg9 : memref<80x16xf32, #tpu.memory_space<vmem>>) dst(%dma_wait3A_51 : memref<10240x16xf32, #tpu.memory_space<vmem_shared>>)
    %dma_wait3A_52 = arith.constant 124 : i32
    %dma_wait3A_53 = arith.constant 0 : i32
    %dma_wait3A_54 = tpu.memref_slice %arg8[%dma_wait3A_52, %dma_wait3A_53] : memref<125x80xi32, #tpu.memory_space<vmem>> -> memref<1x80xi32, #tpu.memory_space<vmem>>
    %dma_wait3A_55 = tpu.memref_squeeze %dma_wait3A_54 : memref<1x80xi32, #tpu.memory_space<vmem>> -> memref<80xi32, #tpu.memory_space<vmem>>
    %dma_wait3A_56 = arith.constant 0 : i32
    %dma_wait3A_57 = arith.constant 0 : i32
    %dma_wait3A_58 = tpu.memref_slice %arg13[%dma_wait3A_56, %dma_wait3A_57] : memref<10240x16xf32, #tpu.memory_space<vmem_shared>> -> memref<10240x16xf32, #tpu.memory_space<vmem_shared>>
    tpu.wait_indirect_dma semaphore(%arg17 : memref<!tpu.dma_semaphore, #tpu.memory_space<semaphore_mem>>) src(%arg9 : memref<80x16xf32, #tpu.memory_space<vmem>>) dst(%dma_wait3A_58 : memref<10240x16xf32, #tpu.memory_space<vmem_shared>>)
    %barrier3A_59 = arith.constant 0 : index
    tpu.barrier barrier_id(%barrier3A_59)
    %mul3A_60 = arith.constant 640 : i32
    %mul3A_61 = arith.muli %arg1, %mul3A_60 : i32
    %mul3A_62 = arith.constant 640 : i32
    %mul3A_63 = arith.muli %arg1, %mul3A_62 : i32
    "tpu.region"() ({
      %run_scoped3A = tpu.sem_alloc : memref<!tpu.dma_semaphore, #tpu.memory_space<semaphore_mem>>
      %dma_start3A_68 = arith.constant 0 : i32
      %dma_start3A_69 = tpu.memref_slice %arg5[%arg0, %mul3A_63, %dma_start3A_68] : memref<2x10240x16xf32, #tpu.memory_space<hbm>> -> memref<1x640x16xf32, #tpu.memory_space<hbm>>
      %dma_start3A_70 = tpu.memref_squeeze %dma_start3A_69 : memref<1x640x16xf32, #tpu.memory_space<hbm>> -> memref<640x16xf32, #tpu.memory_space<hbm>>
      %dma_start3A_71 = arith.constant 0 : i32
      %dma_start3A_72 = tpu.memref_slice %arg12[%mul3A_61, %dma_start3A_71] : memref<10240x16xf32, #tpu.memory_space<vmem_shared>> -> memref<640x16xf32, #tpu.memory_space<vmem_shared>>
      tpu.enqueue_dma source(%dma_start3A_72 : memref<640x16xf32, #tpu.memory_space<vmem_shared>>) target(%dma_start3A_70 : memref<640x16xf32, #tpu.memory_space<hbm>>) target_semaphore(%run_scoped3A : memref<!tpu.dma_semaphore, #tpu.memory_space<semaphore_mem>>)
      %dma_wait3A_73 = arith.constant 0 : i32
      %dma_wait3A_74 = tpu.memref_slice %arg5[%arg0, %mul3A_63, %dma_wait3A_73] : memref<2x10240x16xf32, #tpu.memory_space<hbm>> -> memref<1x640x16xf32, #tpu.memory_space<hbm>>
      %dma_wait3A_75 = tpu.memref_squeeze %dma_wait3A_74 : memref<1x640x16xf32, #tpu.memory_space<hbm>> -> memref<640x16xf32, #tpu.memory_space<hbm>>
      %dma_wait3A_76 = arith.constant 0 : i32
      %dma_wait3A_77 = tpu.memref_slice %arg12[%mul3A_61, %dma_wait3A_76] : memref<10240x16xf32, #tpu.memory_space<vmem_shared>> -> memref<640x16xf32, #tpu.memory_space<vmem_shared>>
      tpu.wait_dma2 semaphore(%run_scoped3A : memref<!tpu.dma_semaphore, #tpu.memory_space<semaphore_mem>>) src(%dma_wait3A_77 : memref<640x16xf32, #tpu.memory_space<vmem_shared>>) dst(%dma_wait3A_75 : memref<640x16xf32, #tpu.memory_space<hbm>>)
      tpu.yield
    }) : () -> ()
    %mul3A_64 = arith.constant 640 : i32
    %mul3A_65 = arith.muli %arg1, %mul3A_64 : i32
    %mul3A_66 = arith.constant 640 : i32
    %mul3A_67 = arith.muli %arg1, %mul3A_66 : i32
    "tpu.region"() ({
      %run_scoped3A = tpu.sem_alloc : memref<!tpu.dma_semaphore, #tpu.memory_space<semaphore_mem>>
      %dma_start3A_68 = arith.constant 0 : i32
      %dma_start3A_69 = tpu.memref_slice %arg6[%arg0, %mul3A_67, %dma_start3A_68] : memref<2x10240x16xf32, #tpu.memory_space<hbm>> -> memref<1x640x16xf32, #tpu.memory_space<hbm>>
      %dma_start3A_70 = tpu.memref_squeeze %dma_start3A_69 : memref<1x640x16xf32, #tpu.memory_space<hbm>> -> memref<640x16xf32, #tpu.memory_space<hbm>>
      %dma_start3A_71 = arith.constant 0 : i32
      %dma_start3A_72 = tpu.memref_slice %arg13[%mul3A_65, %dma_start3A_71] : memref<10240x16xf32, #tpu.memory_space<vmem_shared>> -> memref<640x16xf32, #tpu.memory_space<vmem_shared>>
      tpu.enqueue_dma source(%dma_start3A_72 : memref<640x16xf32, #tpu.memory_space<vmem_shared>>) target(%dma_start3A_70 : memref<640x16xf32, #tpu.memory_space<hbm>>) target_semaphore(%run_scoped3A : memref<!tpu.dma_semaphore, #tpu.memory_space<semaphore_mem>>)
      %dma_wait3A_73 = arith.constant 0 : i32
      %dma_wait3A_74 = tpu.memref_slice %arg6[%arg0, %mul3A_67, %dma_wait3A_73] : memref<2x10240x16xf32, #tpu.memory_space<hbm>> -> memref<1x640x16xf32, #tpu.memory_space<hbm>>
      %dma_wait3A_75 = tpu.memref_squeeze %dma_wait3A_74 : memref<1x640x16xf32, #tpu.memory_space<hbm>> -> memref<640x16xf32, #tpu.memory_space<hbm>>
      %dma_wait3A_76 = arith.constant 0 : i32
      %dma_wait3A_77 = tpu.memref_slice %arg13[%mul3A_65, %dma_wait3A_76] : memref<10240x16xf32, #tpu.memory_space<vmem_shared>> -> memref<640x16xf32, #tpu.memory_space<vmem_shared>>
      tpu.wait_dma2 semaphore(%run_scoped3A : memref<!tpu.dma_semaphore, #tpu.memory_space<semaphore_mem>>) src(%dma_wait3A_77 : memref<640x16xf32, #tpu.memory_space<vmem_shared>>) dst(%dma_wait3A_75 : memref<640x16xf32, #tpu.memory_space<hbm>>)
      tpu.yield
    }) : () -> ()
    return
  }
}

module attributes {stable_mosaic.version = 14 : i64} {
  func.func @_enc_node_body(%arg0: memref<1250x1024xf32, #tpu.memory_space<vmem>>, %arg1: memref<1024x128xf32, #tpu.memory_space<vmem>>, %arg2: memref<1x128xf32, #tpu.memory_space<vmem>>, %arg3: memref<128x128xf32, #tpu.memory_space<vmem>>, %arg4: memref<1x128xf32, #tpu.memory_space<vmem>>, %arg5: memref<128x128xf32, #tpu.memory_space<vmem>>, %arg6: memref<128x128xf32, #tpu.memory_space<vmem>>, %arg7: memref<1250x128xf32, #tpu.memory_space<vmem>>, %arg8: memref<1250x128xf32, #tpu.memory_space<vmem>>, %arg9: memref<1250x128xf32, #tpu.memory_space<vmem>>) attributes {dimension_semantics = [], scalar_prefetch = 0 : i64, scratch_operands = 0 : i64, tpu.core_type = #tpu.core_type<tc>} {
    %get3A = arith.constant 0 : index
    %get3A_0 = arith.constant 0 : index
    %get3A_1 = vector.load %arg0[%get3A, %get3A_0] : memref<1250x1024xf32, #tpu.memory_space<vmem>>, vector<1250x1024xf32>
    %get3A_2 = arith.constant 0 : index
    %get3A_3 = arith.constant 0 : index
    %get3A_4 = vector.load %arg1[%get3A_2, %get3A_3] : memref<1024x128xf32, #tpu.memory_space<vmem>>, vector<1024x128xf32>
    %dot_general3A = arith.constant dense<0.000000e+00> : vector<1250x128xf32>
    %dot_general3A_5 = tpu.matmul %get3A_1, %get3A_4, %dot_general3A {dimension_numbers = #tpu.dot_dimension_numbers<[1], [0], [0], [1], [0, 0, 1, 1], [], []>, transpose_lhs_hint = false} : vector<1250x1024xf32>, vector<1024x128xf32>, vector<1250x128xf32> -> vector<1250x128xf32>
    %get3A_6 = arith.constant 0 : index
    %get3A_7 = arith.constant 0 : index
    %get3A_8 = vector.load %arg2[%get3A_6, %get3A_7] : memref<1x128xf32, #tpu.memory_space<vmem>>, vector<1x128xf32>
    %add3A = vector.broadcast %get3A_8 : vector<1x128xf32> to vector<1250x128xf32>
    %add3A_9 = arith.addf %dot_general3A_5, %add3A : vector<1250x128xf32>
    %max3A = arith.constant 0.000000e+00 : f32
    %max3A_10 = vector.broadcast %max3A : f32 to vector<1250x128xf32>
    %max3A_11 = arith.maximumf %add3A_9, %max3A_10 : vector<1250x128xf32>
    %get3A_12 = arith.constant 0 : index
    %get3A_13 = arith.constant 0 : index
    %get3A_14 = vector.load %arg3[%get3A_12, %get3A_13] : memref<128x128xf32, #tpu.memory_space<vmem>>, vector<128x128xf32>
    %dot_general3A_15 = arith.constant dense<0.000000e+00> : vector<1250x128xf32>
    %dot_general3A_16 = tpu.matmul %max3A_11, %get3A_14, %dot_general3A_15 {dimension_numbers = #tpu.dot_dimension_numbers<[1], [0], [0], [1], [0, 0, 1, 1], [], []>, transpose_lhs_hint = false} : vector<1250x128xf32>, vector<128x128xf32>, vector<1250x128xf32> -> vector<1250x128xf32>
    %get3A_17 = arith.constant 0 : index
    %get3A_18 = arith.constant 0 : index
    %get3A_19 = vector.load %arg4[%get3A_17, %get3A_18] : memref<1x128xf32, #tpu.memory_space<vmem>>, vector<1x128xf32>
    %add3A_20 = vector.broadcast %get3A_19 : vector<1x128xf32> to vector<1250x128xf32>
    %add3A_21 = arith.addf %dot_general3A_16, %add3A_20 : vector<1250x128xf32>
    %swap3A = arith.constant 0 : index
    %swap3A_22 = arith.constant 0 : index
    %swap3A_23 = vector.load %arg7[%swap3A, %swap3A_22] : memref<1250x128xf32, #tpu.memory_space<vmem>>, vector<1250x128xf32>
    tpu.vector_store %arg7[%swap3A, %swap3A_22], %add3A_21 {strides = array<i32>} : memref<1250x128xf32, #tpu.memory_space<vmem>>, vector<1250x128xf32>,
    %get3A_24 = arith.constant 0 : index
    %get3A_25 = arith.constant 0 : index
    %get3A_26 = vector.load %arg5[%get3A_24, %get3A_25] : memref<128x128xf32, #tpu.memory_space<vmem>>, vector<128x128xf32>
    %dot_general3A_27 = arith.constant dense<0.000000e+00> : vector<1250x128xf32>
    %dot_general3A_28 = tpu.matmul %add3A_21, %get3A_26, %dot_general3A_27 {dimension_numbers = #tpu.dot_dimension_numbers<[1], [0], [0], [1], [0, 0, 1, 1], [], []>, transpose_lhs_hint = false} : vector<1250x128xf32>, vector<128x128xf32>, vector<1250x128xf32> -> vector<1250x128xf32>
    %swap3A_29 = arith.constant 0 : index
    %swap3A_30 = arith.constant 0 : index
    %swap3A_31 = vector.load %arg8[%swap3A_29, %swap3A_30] : memref<1250x128xf32, #tpu.memory_space<vmem>>, vector<1250x128xf32>
    tpu.vector_store %arg8[%swap3A_29, %swap3A_30], %dot_general3A_28 {strides = array<i32>} : memref<1250x128xf32, #tpu.memory_space<vmem>>, vector<1250x128xf32>,
    %get3A_32 = arith.constant 0 : index
    %get3A_33 = arith.constant 0 : index
    %get3A_34 = vector.load %arg6[%get3A_32, %get3A_33] : memref<128x128xf32, #tpu.memory_space<vmem>>, vector<128x128xf32>
    %dot_general3A_35 = arith.constant dense<0.000000e+00> : vector<1250x128xf32>
    %dot_general3A_36 = tpu.matmul %add3A_21, %get3A_34, %dot_general3A_35 {dimension_numbers = #tpu.dot_dimension_numbers<[1], [0], [0], [1], [0, 0, 1, 1], [], []>, transpose_lhs_hint = false} : vector<1250x128xf32>, vector<128x128xf32>, vector<1250x128xf32> -> vector<1250x128xf32>
    %swap3A_37 = arith.constant 0 : index
    %swap3A_38 = arith.constant 0 : index
    %swap3A_39 = vector.load %arg9[%swap3A_37, %swap3A_38] : memref<1250x128xf32, #tpu.memory_space<vmem>>, vector<1250x128xf32>
    tpu.vector_store %arg9[%swap3A_37, %swap3A_38], %dot_general3A_36 {strides = array<i32>} : memref<1250x128xf32, #tpu.memory_space<vmem>>, vector<1250x128xf32>,
    return
  }
}

module attributes {stable_mosaic.version = 14 : i64} {
  func.func @_enc_edge_step_body(%arg0: i32, %arg1: memref<16x32000xf32, #tpu.memory_space<vmem>>, %arg2: memref<4000x128xf32, #tpu.memory_space<vmem>>, %arg3: memref<128x128xf32, #tpu.memory_space<vmem>>, %arg4: memref<1x128xf32, #tpu.memory_space<vmem>>, %arg5: memref<128x128xf32, #tpu.memory_space<vmem>>, %arg6: memref<1x128xf32, #tpu.memory_space<vmem>>, %arg7: memref<128x128xf32, #tpu.memory_space<vmem>>, %arg8: memref<1x128xf32, #tpu.memory_space<vmem>>, %arg9: memref<128x128xf32, #tpu.memory_space<vmem>>, %arg10: memref<1x128xf32, #tpu.memory_space<vmem>>, %arg11: memref<4000x128xf32, #tpu.memory_space<vmem>>, %arg12: memref<4000x128xf32, #tpu.memory_space<vmem>>) attributes {dimension_semantics = [#tpu.dimension_semantics<parallel>], iteration_bounds = array<i64: 10>, scalar_prefetch = 0 : i64, scratch_operands = 0 : i64, tpu.core_type = #tpu.core_type<tc>, window_params = [{transform_indices = @transform_0, window_bounds = array<i64: 16, 32000>}, {transform_indices = @transform_1, window_bounds = array<i64: 4000, 128>}, {pipeline_mode = #tpu.pipeline_mode<synchronous>, transform_indices = @transform_2, window_bounds = array<i64: 128, 128>}, {pipeline_mode = #tpu.pipeline_mode<synchronous>, transform_indices = @transform_3, window_bounds = array<i64: 1, 128>}, {pipeline_mode = #tpu.pipeline_mode<synchronous>, transform_indices = @transform_4, window_bounds = array<i64: 128, 128>}, {pipeline_mode = #tpu.pipeline_mode<synchronous>, transform_indices = @transform_5, window_bounds = array<i64: 1, 128>}, {pipeline_mode = #tpu.pipeline_mode<synchronous>, transform_indices = @transform_6, window_bounds = array<i64: 128, 128>}, {pipeline_mode = #tpu.pipeline_mode<synchronous>, transform_indices = @transform_7, window_bounds = array<i64: 1, 128>}, {pipeline_mode = #tpu.pipeline_mode<synchronous>, transform_indices = @transform_8, window_bounds = array<i64: 128, 128>}, {pipeline_mode = #tpu.pipeline_mode<synchronous>, transform_indices = @transform_9, window_bounds = array<i64: 1, 128>}, {transform_indices = @transform_10, window_bounds = array<i64: 4000, 128>}, {transform_indices = @transform_11, window_bounds = array<i64: 4000, 128>}]} {
    %get3A = arith.constant 0 : index
    %get3A_0 = arith.constant 0 : index
    %get3A_1 = vector.load %arg1[%get3A, %get3A_0] : memref<16x32000xf32, #tpu.memory_space<vmem>>, vector<16x4000xf32>
    %transpose3A = tpu.transpose %get3A_1, [1, 0] : vector<16x4000xf32> -> vector<4000x16xf32>
    %get3A_2 = arith.constant 0 : index
    %get3A_3 = arith.constant 4000 : index
    %get3A_4 = vector.load %arg1[%get3A_2, %get3A_3] : memref<16x32000xf32, #tpu.memory_space<vmem>>, vector<16x4000xf32>
    %transpose3A_5 = tpu.transpose %get3A_4, [1, 0] : vector<16x4000xf32> -> vector<4000x16xf32>
    %get3A_6 = arith.constant 0 : index
    %get3A_7 = arith.constant 8000 : index
    %get3A_8 = vector.load %arg1[%get3A_6, %get3A_7] : memref<16x32000xf32, #tpu.memory_space<vmem>>, vector<16x4000xf32>
    %transpose3A_9 = tpu.transpose %get3A_8, [1, 0] : vector<16x4000xf32> -> vector<4000x16xf32>
    %get3A_10 = arith.constant 0 : index
    %get3A_11 = arith.constant 12000 : index
    %get3A_12 = vector.load %arg1[%get3A_10, %get3A_11] : memref<16x32000xf32, #tpu.memory_space<vmem>>, vector<16x4000xf32>
    %transpose3A_13 = tpu.transpose %get3A_12, [1, 0] : vector<16x4000xf32> -> vector<4000x16xf32>
    %get3A_14 = arith.constant 0 : index
    %get3A_15 = arith.constant 16000 : index
    %get3A_16 = vector.load %arg1[%get3A_14, %get3A_15] : memref<16x32000xf32, #tpu.memory_space<vmem>>, vector<16x4000xf32>
    %transpose3A_17 = tpu.transpose %get3A_16, [1, 0] : vector<16x4000xf32> -> vector<4000x16xf32>
    %get3A_18 = arith.constant 0 : index
    %get3A_19 = arith.constant 20000 : index
    %get3A_20 = vector.load %arg1[%get3A_18, %get3A_19] : memref<16x32000xf32, #tpu.memory_space<vmem>>, vector<16x4000xf32>
    %transpose3A_21 = tpu.transpose %get3A_20, [1, 0] : vector<16x4000xf32> -> vector<4000x16xf32>
    %get3A_22 = arith.constant 0 : index
    %get3A_23 = arith.constant 24000 : index
    %get3A_24 = vector.load %arg1[%get3A_22, %get3A_23] : memref<16x32000xf32, #tpu.memory_space<vmem>>, vector<16x4000xf32>
    %transpose3A_25 = tpu.transpose %get3A_24, [1, 0] : vector<16x4000xf32> -> vector<4000x16xf32>
    %get3A_26 = arith.constant 0 : index
    %get3A_27 = arith.constant 28000 : index
    %get3A_28 = vector.load %arg1[%get3A_26, %get3A_27] : memref<16x32000xf32, #tpu.memory_space<vmem>>, vector<16x4000xf32>
    %transpose3A_29 = tpu.transpose %get3A_28, [1, 0] : vector<16x4000xf32> -> vector<4000x16xf32>
    %concatenate3A = tpu.concatenate %transpose3A, %transpose3A_5, %transpose3A_9, %transpose3A_13, %transpose3A_17, %transpose3A_21, %transpose3A_25, %transpose3A_29 in 1 : vector<4000x16xf32>, vector<4000x16xf32>, vector<4000x16xf32>, vector<4000x16xf32>, vector<4000x16xf32>, vector<4000x16xf32>, vector<4000x16xf32>, vector<4000x16xf32> -> vector<4000x128xf32>
    %get3A_30 = arith.constant 0 : index
    %get3A_31 = arith.constant 0 : index
    %get3A_32 = vector.load %arg3[%get3A_30, %get3A_31] : memref<128x128xf32, #tpu.memory_space<vmem>>, vector<128x128xf32>
    %dot_general3A = arith.constant dense<0.000000e+00> : vector<4000x128xf32>
    %dot_general3A_33 = tpu.matmul %concatenate3A, %get3A_32, %dot_general3A {dimension_numbers = #tpu.dot_dimension_numbers<[1], [0], [0], [1], [0, 0, 1, 1], [], []>, transpose_lhs_hint = false} : vector<4000x128xf32>, vector<128x128xf32>, vector<4000x128xf32> -> vector<4000x128xf32>
    %get3A_34 = arith.constant 0 : index
    %get3A_35 = arith.constant 0 : index
    %get3A_36 = vector.load %arg4[%get3A_34, %get3A_35] : memref<1x128xf32, #tpu.memory_space<vmem>>, vector<1x128xf32>
    %add3A = vector.broadcast %get3A_36 : vector<1x128xf32> to vector<4000x128xf32>
    %add3A_37 = arith.addf %dot_general3A_33, %add3A : vector<4000x128xf32>
    %max3A = arith.constant 0.000000e+00 : f32
    %max3A_38 = vector.broadcast %max3A : f32 to vector<4000x128xf32>
    %max3A_39 = arith.maximumf %add3A_37, %max3A_38 : vector<4000x128xf32>
    %get3A_40 = arith.constant 0 : index
    %get3A_41 = arith.constant 0 : index
    %get3A_42 = vector.load %arg5[%get3A_40, %get3A_41] : memref<128x128xf32, #tpu.memory_space<vmem>>, vector<128x128xf32>
    %dot_general3A_43 = arith.constant dense<0.000000e+00> : vector<4000x128xf32>
    %dot_general3A_44 = tpu.matmul %max3A_39, %get3A_42, %dot_general3A_43 {dimension_numbers = #tpu.dot_dimension_numbers<[1], [0], [0], [1], [0, 0, 1, 1], [], []>, transpose_lhs_hint = false} : vector<4000x128xf32>, vector<128x128xf32>, vector<4000x128xf32> -> vector<4000x128xf32>
    %get3A_45 = arith.constant 0 : index
    %get3A_46 = arith.constant 0 : index
    %get3A_47 = vector.load %arg6[%get3A_45, %get3A_46] : memref<1x128xf32, #tpu.memory_space<vmem>>, vector<1x128xf32>
    %add3A_48 = vector.broadcast %get3A_47 : vector<1x128xf32> to vector<4000x128xf32>
    %add3A_49 = arith.addf %dot_general3A_44, %add3A_48 : vector<4000x128xf32>
    %get3A_50 = arith.constant 0 : index
    %get3A_51 = arith.constant 0 : index
    %get3A_52 = vector.load %arg2[%get3A_50, %get3A_51] : memref<4000x128xf32, #tpu.memory_space<vmem>>, vector<4000x128xf32>
    %get3A_53 = arith.constant 0 : index
    %get3A_54 = arith.constant 0 : index
    %get3A_55 = vector.load %arg7[%get3A_53, %get3A_54] : memref<128x128xf32, #tpu.memory_space<vmem>>, vector<128x128xf32>
    %dot_general3A_56 = arith.constant dense<0.000000e+00> : vector<4000x128xf32>
    %dot_general3A_57 = tpu.matmul %add3A_49, %get3A_55, %dot_general3A_56 {dimension_numbers = #tpu.dot_dimension_numbers<[1], [0], [0], [1], [0, 0, 1, 1], [], []>, transpose_lhs_hint = false} : vector<4000x128xf32>, vector<128x128xf32>, vector<4000x128xf32> -> vector<4000x128xf32>
    %add3A_58 = arith.addf %get3A_52, %dot_general3A_57 : vector<4000x128xf32>
    %get3A_59 = arith.constant 0 : index
    %get3A_60 = arith.constant 0 : index
    %get3A_61 = vector.load %arg8[%get3A_59, %get3A_60] : memref<1x128xf32, #tpu.memory_space<vmem>>, vector<1x128xf32>
    %add3A_62 = vector.broadcast %get3A_61 : vector<1x128xf32> to vector<4000x128xf32>
    %add3A_63 = arith.addf %add3A_58, %add3A_62 : vector<4000x128xf32>
    %max3A_64 = arith.constant 0.000000e+00 : f32
    %max3A_65 = vector.broadcast %max3A_64 : f32 to vector<4000x128xf32>
    %max3A_66 = arith.maximumf %add3A_63, %max3A_65 : vector<4000x128xf32>
    %get3A_67 = arith.constant 0 : index
    %get3A_68 = arith.constant 0 : index
    %get3A_69 = vector.load %arg9[%get3A_67, %get3A_68] : memref<128x128xf32, #tpu.memory_space<vmem>>, vector<128x128xf32>
    %dot_general3A_70 = arith.constant dense<0.000000e+00> : vector<4000x128xf32>
    %dot_general3A_71 = tpu.matmul %max3A_66, %get3A_69, %dot_general3A_70 {dimension_numbers = #tpu.dot_dimension_numbers<[1], [0], [0], [1], [0, 0, 1, 1], [], []>, transpose_lhs_hint = false} : vector<4000x128xf32>, vector<128x128xf32>, vector<4000x128xf32> -> vector<4000x128xf32>
    %get3A_72 = arith.constant 0 : index
    %get3A_73 = arith.constant 0 : index
    %get3A_74 = vector.load %arg10[%get3A_72, %get3A_73] : memref<1x128xf32, #tpu.memory_space<vmem>>, vector<1x128xf32>
    %add3A_75 = vector.broadcast %get3A_74 : vector<1x128xf32> to vector<4000x128xf32>
    %add3A_76 = arith.addf %dot_general3A_71, %add3A_75 : vector<4000x128xf32>
    %swap3A = arith.constant 0 : index
    %swap3A_77 = arith.constant 0 : index
    %swap3A_78 = vector.load %arg11[%swap3A, %swap3A_77] : memref<4000x128xf32, #tpu.memory_space<vmem>>, vector<4000x128xf32>
    tpu.vector_store %arg11[%swap3A, %swap3A_77], %add3A_76 {strides = array<i32>} : memref<4000x128xf32, #tpu.memory_space<vmem>>, vector<4000x128xf32>,
    %add3A_79 = arith.addf %add3A_49, %add3A_76 : vector<4000x128xf32>
    %swap3A_80 = arith.constant 0 : index
    %swap3A_81 = arith.constant 0 : index
    %swap3A_82 = vector.load %arg12[%swap3A_80, %swap3A_81] : memref<4000x128xf32, #tpu.memory_space<vmem>>, vector<4000x128xf32>
    tpu.vector_store %arg12[%swap3A_80, %swap3A_81], %add3A_79 {strides = array<i32>} : memref<4000x128xf32, #tpu.memory_space<vmem>>, vector<4000x128xf32>,
    return
  }
  func.func @transform_0(%arg0: i32) -> (i32, i32) {
    %c0_i32 = arith.constant 0 : i32
    %c0_i32_0 = arith.constant 0 : i32
    return %c0_i32, %arg0 : i32, i32
  }
  func.func @transform_1(%arg0: i32) -> (i32, i32) {
    %c0_i32 = arith.constant 0 : i32
    %c0_i32_0 = arith.constant 0 : i32
    return %arg0, %c0_i32 : i32, i32
  }
  func.func @transform_2(%arg0: i32) -> (i32, i32) {
    %c0_i32 = arith.constant 0 : i32
    %c0_i32_0 = arith.constant 0 : i32
    %c0_i32_1 = arith.constant 0 : i32
    return %c0_i32, %c0_i32_0 : i32, i32
  }
  func.func @transform_3(%arg0: i32) -> (i32, i32) {
    %c0_i32 = arith.constant 0 : i32
    %c0_i32_0 = arith.constant 0 : i32
    %c0_i32_1 = arith.constant 0 : i32
    return %c0_i32, %c0_i32_0 : i32, i32
  }
  func.func @transform_4(%arg0: i32) -> (i32, i32) {
    %c0_i32 = arith.constant 0 : i32
    %c0_i32_0 = arith.constant 0 : i32
    %c0_i32_1 = arith.constant 0 : i32
    return %c0_i32, %c0_i32_0 : i32, i32
  }
  func.func @transform_5(%arg0: i32) -> (i32, i32) {
    %c0_i32 = arith.constant 0 : i32
    %c0_i32_0 = arith.constant 0 : i32
    %c0_i32_1 = arith.constant 0 : i32
    return %c0_i32, %c0_i32_0 : i32, i32
  }
  func.func @transform_6(%arg0: i32) -> (i32, i32) {
    %c0_i32 = arith.constant 0 : i32
    %c0_i32_0 = arith.constant 0 : i32
    %c0_i32_1 = arith.constant 0 : i32
    return %c0_i32, %c0_i32_0 : i32, i32
  }
  func.func @transform_7(%arg0: i32) -> (i32, i32) {
    %c0_i32 = arith.constant 0 : i32
    %c0_i32_0 = arith.constant 0 : i32
    %c0_i32_1 = arith.constant 0 : i32
    return %c0_i32, %c0_i32_0 : i32, i32
  }
  func.func @transform_8(%arg0: i32) -> (i32, i32) {
    %c0_i32 = arith.constant 0 : i32
    %c0_i32_0 = arith.constant 0 : i32
    %c0_i32_1 = arith.constant 0 : i32
    return %c0_i32, %c0_i32_0 : i32, i32
  }
  func.func @transform_9(%arg0: i32) -> (i32, i32) {
    %c0_i32 = arith.constant 0 : i32
    %c0_i32_0 = arith.constant 0 : i32
    %c0_i32_1 = arith.constant 0 : i32
    return %c0_i32, %c0_i32_0 : i32, i32
  }
  func.func @transform_10(%arg0: i32) -> (i32, i32) {
    %c0_i32 = arith.constant 0 : i32
    %c0_i32_0 = arith.constant 0 : i32
    return %arg0, %c0_i32 : i32, i32
  }
  func.func @transform_11(%arg0: i32) -> (i32, i32) {
    %c0_i32 = arith.constant 0 : i32
    %c0_i32_0 = arith.constant 0 : i32
    return %arg0, %c0_i32 : i32, i32
  }
}

module attributes {stable_mosaic.version = 14 : i64} {
  func.func @_node_step_body(%arg0: memref<1250x128xf32, #tpu.memory_space<vmem>>, %arg1: memref<2x1280x128xf32, #tpu.memory_space<vmem>>, %arg2: memref<2x1280x128xf32, #tpu.memory_space<vmem>>, %arg3: memref<128x128xf32, #tpu.memory_space<vmem>>, %arg4: memref<128x128xf32, #tpu.memory_space<vmem>>, %arg5: memref<128x128xf32, #tpu.memory_space<vmem>>, %arg6: memref<1x128xf32, #tpu.memory_space<vmem>>, %arg7: memref<128x128xf32, #tpu.memory_space<vmem>>, %arg8: memref<1x128xf32, #tpu.memory_space<vmem>>, %arg9: memref<128x128xf32, #tpu.memory_space<vmem>>, %arg10: memref<128x128xf32, #tpu.memory_space<vmem>>, %arg11: memref<1250x128xf32, #tpu.memory_space<vmem>>, %arg12: memref<1250x128xf32, #tpu.memory_space<vmem>>, %arg13: memref<1250x128xf32, #tpu.memory_space<vmem>>) attributes {dimension_semantics = [], scalar_prefetch = 0 : i64, scratch_operands = 0 : i64, tpu.core_type = #tpu.core_type<tc>} {
    %get3A = arith.constant 0 : index
    %get3A_0 = arith.constant 0 : index
    %get3A_1 = arith.constant 0 : index
    %get3A_2 = vector.load %arg1[%get3A, %get3A_0, %get3A_1] : memref<2x1280x128xf32, #tpu.memory_space<vmem>>, vector<1x1250x128xf32>
    %get3A_3 = vector.shape_cast %get3A_2 : vector<1x1250x128xf32> to vector<1250x128xf32>
    %get3A_4 = arith.constant 1 : index
    %get3A_5 = arith.constant 0 : index
    %get3A_6 = arith.constant 0 : index
    %get3A_7 = vector.load %arg1[%get3A_4, %get3A_5, %get3A_6] : memref<2x1280x128xf32, #tpu.memory_space<vmem>>, vector<1x1250x128xf32>
    %get3A_8 = vector.shape_cast %get3A_7 : vector<1x1250x128xf32> to vector<1250x128xf32>
    %add3A = arith.addf %get3A_3, %get3A_8 : vector<1250x128xf32>
    %get3A_9 = arith.constant 0 : index
    %get3A_10 = arith.constant 0 : index
    %get3A_11 = arith.constant 0 : index
    %get3A_12 = vector.load %arg2[%get3A_9, %get3A_10, %get3A_11] : memref<2x1280x128xf32, #tpu.memory_space<vmem>>, vector<1x1250x128xf32>
    %get3A_13 = vector.shape_cast %get3A_12 : vector<1x1250x128xf32> to vector<1250x128xf32>
    %get3A_14 = arith.constant 1 : index
    %get3A_15 = arith.constant 0 : index
    %get3A_16 = arith.constant 0 : index
    %get3A_17 = vector.load %arg2[%get3A_14, %get3A_15, %get3A_16] : memref<2x1280x128xf32, #tpu.memory_space<vmem>>, vector<1x1250x128xf32>
    %get3A_18 = vector.shape_cast %get3A_17 : vector<1x1250x128xf32> to vector<1250x128xf32>
    %add3A_19 = arith.addf %get3A_13, %get3A_18 : vector<1250x128xf32>
    %get3A_20 = arith.constant 0 : index
    %get3A_21 = arith.constant 0 : index
    %get3A_22 = vector.load %arg0[%get3A_20, %get3A_21] : memref<1250x128xf32, #tpu.memory_space<vmem>>, vector<1250x128xf32>
    %get3A_23 = arith.constant 0 : index
    %get3A_24 = arith.constant 0 : index
    %get3A_25 = vector.load %arg3[%get3A_23, %get3A_24] : memref<128x128xf32, #tpu.memory_space<vmem>>, vector<128x128xf32>
    %dot_general3A = arith.constant dense<0.000000e+00> : vector<1250x128xf32>
    %dot_general3A_26 = tpu.matmul %get3A_22, %get3A_25, %dot_general3A {dimension_numbers = #tpu.dot_dimension_numbers<[1], [0], [0], [1], [0, 0, 1, 1], [], []>, transpose_lhs_hint = false} : vector<1250x128xf32>, vector<128x128xf32>, vector<1250x128xf32> -> vector<1250x128xf32>
    %get3A_27 = arith.constant 0 : index
    %get3A_28 = arith.constant 0 : index
    %get3A_29 = vector.load %arg4[%get3A_27, %get3A_28] : memref<128x128xf32, #tpu.memory_space<vmem>>, vector<128x128xf32>
    %dot_general3A_30 = arith.constant dense<0.000000e+00> : vector<1250x128xf32>
    %dot_general3A_31 = tpu.matmul %add3A, %get3A_29, %dot_general3A_30 {dimension_numbers = #tpu.dot_dimension_numbers<[1], [0], [0], [1], [0, 0, 1, 1], [], []>, transpose_lhs_hint = false} : vector<1250x128xf32>, vector<128x128xf32>, vector<1250x128xf32> -> vector<1250x128xf32>
    %add3A_32 = arith.addf %dot_general3A_26, %dot_general3A_31 : vector<1250x128xf32>
    %get3A_33 = arith.constant 0 : index
    %get3A_34 = arith.constant 0 : index
    %get3A_35 = vector.load %arg5[%get3A_33, %get3A_34] : memref<128x128xf32, #tpu.memory_space<vmem>>, vector<128x128xf32>
    %dot_general3A_36 = arith.constant dense<0.000000e+00> : vector<1250x128xf32>
    %dot_general3A_37 = tpu.matmul %add3A_19, %get3A_35, %dot_general3A_36 {dimension_numbers = #tpu.dot_dimension_numbers<[1], [0], [0], [1], [0, 0, 1, 1], [], []>, transpose_lhs_hint = false} : vector<1250x128xf32>, vector<128x128xf32>, vector<1250x128xf32> -> vector<1250x128xf32>
    %add3A_38 = arith.addf %add3A_32, %dot_general3A_37 : vector<1250x128xf32>
    %get3A_39 = arith.constant 0 : index
    %get3A_40 = arith.constant 0 : index
    %get3A_41 = vector.load %arg6[%get3A_39, %get3A_40] : memref<1x128xf32, #tpu.memory_space<vmem>>, vector<1x128xf32>
    %add3A_42 = vector.broadcast %get3A_41 : vector<1x128xf32> to vector<1250x128xf32>
    %add3A_43 = arith.addf %add3A_38, %add3A_42 : vector<1250x128xf32>
    %max3A = arith.constant 0.000000e+00 : f32
    %max3A_44 = vector.broadcast %max3A : f32 to vector<1250x128xf32>
    %max3A_45 = arith.maximumf %add3A_43, %max3A_44 : vector<1250x128xf32>
    %get3A_46 = arith.constant 0 : index
    %get3A_47 = arith.constant 0 : index
    %get3A_48 = vector.load %arg0[%get3A_46, %get3A_47] : memref<1250x128xf32, #tpu.memory_space<vmem>>, vector<1250x128xf32>
    %get3A_49 = arith.constant 0 : index
    %get3A_50 = arith.constant 0 : index
    %get3A_51 = vector.load %arg7[%get3A_49, %get3A_50] : memref<128x128xf32, #tpu.memory_space<vmem>>, vector<128x128xf32>
    %dot_general3A_52 = arith.constant dense<0.000000e+00> : vector<1250x128xf32>
    %dot_general3A_53 = tpu.matmul %max3A_45, %get3A_51, %dot_general3A_52 {dimension_numbers = #tpu.dot_dimension_numbers<[1], [0], [0], [1], [0, 0, 1, 1], [], []>, transpose_lhs_hint = false} : vector<1250x128xf32>, vector<128x128xf32>, vector<1250x128xf32> -> vector<1250x128xf32>
    %add3A_54 = arith.addf %get3A_48, %dot_general3A_53 : vector<1250x128xf32>
    %get3A_55 = arith.constant 0 : index
    %get3A_56 = arith.constant 0 : index
    %get3A_57 = vector.load %arg8[%get3A_55, %get3A_56] : memref<1x128xf32, #tpu.memory_space<vmem>>, vector<1x128xf32>
    %add3A_58 = vector.broadcast %get3A_57 : vector<1x128xf32> to vector<1250x128xf32>
    %add3A_59 = arith.addf %add3A_54, %add3A_58 : vector<1250x128xf32>
    %swap3A = arith.constant 0 : index
    %swap3A_60 = arith.constant 0 : index
    %swap3A_61 = vector.load %arg11[%swap3A, %swap3A_60] : memref<1250x128xf32, #tpu.memory_space<vmem>>, vector<1250x128xf32>
    tpu.vector_store %arg11[%swap3A, %swap3A_60], %add3A_59 {strides = array<i32>} : memref<1250x128xf32, #tpu.memory_space<vmem>>, vector<1250x128xf32>,
    %get3A_62 = arith.constant 0 : index
    %get3A_63 = arith.constant 0 : index
    %get3A_64 = vector.load %arg9[%get3A_62, %get3A_63] : memref<128x128xf32, #tpu.memory_space<vmem>>, vector<128x128xf32>
    %dot_general3A_65 = arith.constant dense<0.000000e+00> : vector<1250x128xf32>
    %dot_general3A_66 = tpu.matmul %add3A_59, %get3A_64, %dot_general3A_65 {dimension_numbers = #tpu.dot_dimension_numbers<[1], [0], [0], [1], [0, 0, 1, 1], [], []>, transpose_lhs_hint = false} : vector<1250x128xf32>, vector<128x128xf32>, vector<1250x128xf32> -> vector<1250x128xf32>
    %swap3A_67 = arith.constant 0 : index
    %swap3A_68 = arith.constant 0 : index
    %swap3A_69 = vector.load %arg12[%swap3A_67, %swap3A_68] : memref<1250x128xf32, #tpu.memory_space<vmem>>, vector<1250x128xf32>
    tpu.vector_store %arg12[%swap3A_67, %swap3A_68], %dot_general3A_66 {strides = array<i32>} : memref<1250x128xf32, #tpu.memory_space<vmem>>, vector<1250x128xf32>,
    %get3A_70 = arith.constant 0 : index
    %get3A_71 = arith.constant 0 : index
    %get3A_72 = vector.load %arg10[%get3A_70, %get3A_71] : memref<128x128xf32, #tpu.memory_space<vmem>>, vector<128x128xf32>
    %dot_general3A_73 = arith.constant dense<0.000000e+00> : vector<1250x128xf32>
    %dot_general3A_74 = tpu.matmul %add3A_59, %get3A_72, %dot_general3A_73 {dimension_numbers = #tpu.dot_dimension_numbers<[1], [0], [0], [1], [0, 0, 1, 1], [], []>, transpose_lhs_hint = false} : vector<1250x128xf32>, vector<128x128xf32>, vector<1250x128xf32> -> vector<1250x128xf32>
    %swap3A_75 = arith.constant 0 : index
    %swap3A_76 = arith.constant 0 : index
    %swap3A_77 = vector.load %arg13[%swap3A_75, %swap3A_76] : memref<1250x128xf32, #tpu.memory_space<vmem>>, vector<1250x128xf32>
    tpu.vector_store %arg13[%swap3A_75, %swap3A_76], %dot_general3A_74 {strides = array<i32>} : memref<1250x128xf32, #tpu.memory_space<vmem>>, vector<1250x128xf32>,
    return
  }
}

module attributes {stable_mosaic.version = 14 : i64} {
  func.func @_edge_last_body(%arg0: i32, %arg1: memref<4000x128xf32, #tpu.memory_space<vmem>>, %arg2: memref<4000x128xf32, #tpu.memory_space<vmem>>, %arg3: memref<128x128xf32, #tpu.memory_space<vmem>>, %arg4: memref<1x128xf32, #tpu.memory_space<vmem>>, %arg5: memref<128x128xf32, #tpu.memory_space<vmem>>, %arg6: memref<1x128xf32, #tpu.memory_space<vmem>>, %arg7: memref<4000x128xf32, #tpu.memory_space<vmem>>) attributes {dimension_semantics = [#tpu.dimension_semantics<parallel>], iteration_bounds = array<i64: 10>, scalar_prefetch = 0 : i64, scratch_operands = 0 : i64, tpu.core_type = #tpu.core_type<tc>, window_params = [{transform_indices = @transform_0, window_bounds = array<i64: 4000, 128>}, {transform_indices = @transform_1, window_bounds = array<i64: 4000, 128>}, {pipeline_mode = #tpu.pipeline_mode<synchronous>, transform_indices = @transform_2, window_bounds = array<i64: 128, 128>}, {pipeline_mode = #tpu.pipeline_mode<synchronous>, transform_indices = @transform_3, window_bounds = array<i64: 1, 128>}, {pipeline_mode = #tpu.pipeline_mode<synchronous>, transform_indices = @transform_4, window_bounds = array<i64: 128, 128>}, {pipeline_mode = #tpu.pipeline_mode<synchronous>, transform_indices = @transform_5, window_bounds = array<i64: 1, 128>}, {transform_indices = @transform_6, window_bounds = array<i64: 4000, 128>}]} {
    %get3A = arith.constant 0 : index
    %get3A_0 = arith.constant 0 : index
    %get3A_1 = vector.load %arg1[%get3A, %get3A_0] : memref<4000x128xf32, #tpu.memory_space<vmem>>, vector<4000x128xf32>
    %get3A_2 = arith.constant 0 : index
    %get3A_3 = arith.constant 0 : index
    %get3A_4 = vector.load %arg2[%get3A_2, %get3A_3] : memref<4000x128xf32, #tpu.memory_space<vmem>>, vector<4000x128xf32>
    %get3A_5 = arith.constant 0 : index
    %get3A_6 = arith.constant 0 : index
    %get3A_7 = vector.load %arg3[%get3A_5, %get3A_6] : memref<128x128xf32, #tpu.memory_space<vmem>>, vector<128x128xf32>
    %dot_general3A = arith.constant dense<0.000000e+00> : vector<4000x128xf32>
    %dot_general3A_8 = tpu.matmul %get3A_4, %get3A_7, %dot_general3A {dimension_numbers = #tpu.dot_dimension_numbers<[1], [0], [0], [1], [0, 0, 1, 1], [], []>, transpose_lhs_hint = false} : vector<4000x128xf32>, vector<128x128xf32>, vector<4000x128xf32> -> vector<4000x128xf32>
    %add3A = arith.addf %get3A_1, %dot_general3A_8 : vector<4000x128xf32>
    %get3A_9 = arith.constant 0 : index
    %get3A_10 = arith.constant 0 : index
    %get3A_11 = vector.load %arg4[%get3A_9, %get3A_10] : memref<1x128xf32, #tpu.memory_space<vmem>>, vector<1x128xf32>
    %add3A_12 = vector.broadcast %get3A_11 : vector<1x128xf32> to vector<4000x128xf32>
    %add3A_13 = arith.addf %add3A, %add3A_12 : vector<4000x128xf32>
    %max3A = arith.constant 0.000000e+00 : f32
    %max3A_14 = vector.broadcast %max3A : f32 to vector<4000x128xf32>
    %max3A_15 = arith.maximumf %add3A_13, %max3A_14 : vector<4000x128xf32>
    %get3A_16 = arith.constant 0 : index
    %get3A_17 = arith.constant 0 : index
    %get3A_18 = vector.load %arg5[%get3A_16, %get3A_17] : memref<128x128xf32, #tpu.memory_space<vmem>>, vector<128x128xf32>
    %dot_general3A_19 = arith.constant dense<0.000000e+00> : vector<4000x128xf32>
    %dot_general3A_20 = tpu.matmul %max3A_15, %get3A_18, %dot_general3A_19 {dimension_numbers = #tpu.dot_dimension_numbers<[1], [0], [0], [1], [0, 0, 1, 1], [], []>, transpose_lhs_hint = false} : vector<4000x128xf32>, vector<128x128xf32>, vector<4000x128xf32> -> vector<4000x128xf32>
    %get3A_21 = arith.constant 0 : index
    %get3A_22 = arith.constant 0 : index
    %get3A_23 = vector.load %arg6[%get3A_21, %get3A_22] : memref<1x128xf32, #tpu.memory_space<vmem>>, vector<1x128xf32>
    %add3A_24 = vector.broadcast %get3A_23 : vector<1x128xf32> to vector<4000x128xf32>
    %add3A_25 = arith.addf %dot_general3A_20, %add3A_24 : vector<4000x128xf32>
    %swap3A = arith.constant 0 : index
    %swap3A_26 = arith.constant 0 : index
    %swap3A_27 = vector.load %arg7[%swap3A, %swap3A_26] : memref<4000x128xf32, #tpu.memory_space<vmem>>, vector<4000x128xf32>
    tpu.vector_store %arg7[%swap3A, %swap3A_26], %add3A_25 {strides = array<i32>} : memref<4000x128xf32, #tpu.memory_space<vmem>>, vector<4000x128xf32>,
    return
  }
  func.func @transform_0(%arg0: i32) -> (i32, i32) {
    %c0_i32 = arith.constant 0 : i32
    %c0_i32_0 = arith.constant 0 : i32
    return %arg0, %c0_i32 : i32, i32
  }
  func.func @transform_1(%arg0: i32) -> (i32, i32) {
    %c0_i32 = arith.constant 0 : i32
    %c0_i32_0 = arith.constant 0 : i32
    return %arg0, %c0_i32 : i32, i32
  }
  func.func @transform_2(%arg0: i32) -> (i32, i32) {
    %c0_i32 = arith.constant 0 : i32
    %c0_i32_0 = arith.constant 0 : i32
    %c0_i32_1 = arith.constant 0 : i32
    return %c0_i32, %c0_i32_0 : i32, i32
  }
  func.func @transform_3(%arg0: i32) -> (i32, i32) {
    %c0_i32 = arith.constant 0 : i32
    %c0_i32_0 = arith.constant 0 : i32
    %c0_i32_1 = arith.constant 0 : i32
    return %c0_i32, %c0_i32_0 : i32, i32
  }
  func.func @transform_4(%arg0: i32) -> (i32, i32) {
    %c0_i32 = arith.constant 0 : i32
    %c0_i32_0 = arith.constant 0 : i32
    %c0_i32_1 = arith.constant 0 : i32
    return %c0_i32, %c0_i32_0 : i32, i32
  }
  func.func @transform_5(%arg0: i32) -> (i32, i32) {
    %c0_i32 = arith.constant 0 : i32
    %c0_i32_0 = arith.constant 0 : i32
    %c0_i32_1 = arith.constant 0 : i32
    return %c0_i32, %c0_i32_0 : i32, i32
  }
  func.func @transform_6(%arg0: i32) -> (i32, i32) {
    %c0_i32 = arith.constant 0 : i32
    %c0_i32_0 = arith.constant 0 : i32
    return %arg0, %c0_i32 : i32, i32
  }
}

module attributes {stable_mosaic.version = 14 : i64} {
  func.func @_node_dec_body(%arg0: memref<1250x128xf32, #tpu.memory_space<vmem>>, %arg1: memref<2x1280x128xf32, #tpu.memory_space<vmem>>, %arg2: memref<2x1280x128xf32, #tpu.memory_space<vmem>>, %arg3: memref<128x128xf32, #tpu.memory_space<vmem>>, %arg4: memref<128x128xf32, #tpu.memory_space<vmem>>, %arg5: memref<128x128xf32, #tpu.memory_space<vmem>>, %arg6: memref<1x128xf32, #tpu.memory_space<vmem>>, %arg7: memref<128x128xf32, #tpu.memory_space<vmem>>, %arg8: memref<1x128xf32, #tpu.memory_space<vmem>>, %arg9: memref<128x128xf32, #tpu.memory_space<vmem>>, %arg10: memref<1x128xf32, #tpu.memory_space<vmem>>, %arg11: memref<128x1024xf32, #tpu.memory_space<vmem>>, %arg12: memref<1x1024xf32, #tpu.memory_space<vmem>>, %arg13: memref<1250x1024xf32, #tpu.memory_space<vmem>>, %arg14: memref<1250x1024xf32, #tpu.memory_space<vmem>>) attributes {dimension_semantics = [], scalar_prefetch = 0 : i64, scratch_operands = 0 : i64, tpu.core_type = #tpu.core_type<tc>} {
    %get3A = arith.constant 0 : index
    %get3A_0 = arith.constant 0 : index
    %get3A_1 = arith.constant 0 : index
    %get3A_2 = vector.load %arg1[%get3A, %get3A_0, %get3A_1] : memref<2x1280x128xf32, #tpu.memory_space<vmem>>, vector<1x1250x128xf32>
    %get3A_3 = vector.shape_cast %get3A_2 : vector<1x1250x128xf32> to vector<1250x128xf32>
    %get3A_4 = arith.constant 1 : index
    %get3A_5 = arith.constant 0 : index
    %get3A_6 = arith.constant 0 : index
    %get3A_7 = vector.load %arg1[%get3A_4, %get3A_5, %get3A_6] : memref<2x1280x128xf32, #tpu.memory_space<vmem>>, vector<1x1250x128xf32>
    %get3A_8 = vector.shape_cast %get3A_7 : vector<1x1250x128xf32> to vector<1250x128xf32>
    %add3A = arith.addf %get3A_3, %get3A_8 : vector<1250x128xf32>
    %get3A_9 = arith.constant 0 : index
    %get3A_10 = arith.constant 0 : index
    %get3A_11 = arith.constant 0 : index
    %get3A_12 = vector.load %arg2[%get3A_9, %get3A_10, %get3A_11] : memref<2x1280x128xf32, #tpu.memory_space<vmem>>, vector<1x1250x128xf32>
    %get3A_13 = vector.shape_cast %get3A_12 : vector<1x1250x128xf32> to vector<1250x128xf32>
    %get3A_14 = arith.constant 1 : index
    %get3A_15 = arith.constant 0 : index
    %get3A_16 = arith.constant 0 : index
    %get3A_17 = vector.load %arg2[%get3A_14, %get3A_15, %get3A_16] : memref<2x1280x128xf32, #tpu.memory_space<vmem>>, vector<1x1250x128xf32>
    %get3A_18 = vector.shape_cast %get3A_17 : vector<1x1250x128xf32> to vector<1250x128xf32>
    %add3A_19 = arith.addf %get3A_13, %get3A_18 : vector<1250x128xf32>
    %get3A_20 = arith.constant 0 : index
    %get3A_21 = arith.constant 0 : index
    %get3A_22 = vector.load %arg0[%get3A_20, %get3A_21] : memref<1250x128xf32, #tpu.memory_space<vmem>>, vector<1250x128xf32>
    %get3A_23 = arith.constant 0 : index
    %get3A_24 = arith.constant 0 : index
    %get3A_25 = vector.load %arg3[%get3A_23, %get3A_24] : memref<128x128xf32, #tpu.memory_space<vmem>>, vector<128x128xf32>
    %dot_general3A = arith.constant dense<0.000000e+00> : vector<1250x128xf32>
    %dot_general3A_26 = tpu.matmul %get3A_22, %get3A_25, %dot_general3A {dimension_numbers = #tpu.dot_dimension_numbers<[1], [0], [0], [1], [0, 0, 1, 1], [], []>, transpose_lhs_hint = false} : vector<1250x128xf32>, vector<128x128xf32>, vector<1250x128xf32> -> vector<1250x128xf32>
    %get3A_27 = arith.constant 0 : index
    %get3A_28 = arith.constant 0 : index
    %get3A_29 = vector.load %arg4[%get3A_27, %get3A_28] : memref<128x128xf32, #tpu.memory_space<vmem>>, vector<128x128xf32>
    %dot_general3A_30 = arith.constant dense<0.000000e+00> : vector<1250x128xf32>
    %dot_general3A_31 = tpu.matmul %add3A, %get3A_29, %dot_general3A_30 {dimension_numbers = #tpu.dot_dimension_numbers<[1], [0], [0], [1], [0, 0, 1, 1], [], []>, transpose_lhs_hint = false} : vector<1250x128xf32>, vector<128x128xf32>, vector<1250x128xf32> -> vector<1250x128xf32>
    %add3A_32 = arith.addf %dot_general3A_26, %dot_general3A_31 : vector<1250x128xf32>
    %get3A_33 = arith.constant 0 : index
    %get3A_34 = arith.constant 0 : index
    %get3A_35 = vector.load %arg5[%get3A_33, %get3A_34] : memref<128x128xf32, #tpu.memory_space<vmem>>, vector<128x128xf32>
    %dot_general3A_36 = arith.constant dense<0.000000e+00> : vector<1250x128xf32>
    %dot_general3A_37 = tpu.matmul %add3A_19, %get3A_35, %dot_general3A_36 {dimension_numbers = #tpu.dot_dimension_numbers<[1], [0], [0], [1], [0, 0, 1, 1], [], []>, transpose_lhs_hint = false} : vector<1250x128xf32>, vector<128x128xf32>, vector<1250x128xf32> -> vector<1250x128xf32>
    %add3A_38 = arith.addf %add3A_32, %dot_general3A_37 : vector<1250x128xf32>
    %get3A_39 = arith.constant 0 : index
    %get3A_40 = arith.constant 0 : index
    %get3A_41 = vector.load %arg6[%get3A_39, %get3A_40] : memref<1x128xf32, #tpu.memory_space<vmem>>, vector<1x128xf32>
    %add3A_42 = vector.broadcast %get3A_41 : vector<1x128xf32> to vector<1250x128xf32>
    %add3A_43 = arith.addf %add3A_38, %add3A_42 : vector<1250x128xf32>
    %max3A = arith.constant 0.000000e+00 : f32
    %max3A_44 = vector.broadcast %max3A : f32 to vector<1250x128xf32>
    %max3A_45 = arith.maximumf %add3A_43, %max3A_44 : vector<1250x128xf32>
    %get3A_46 = arith.constant 0 : index
    %get3A_47 = arith.constant 0 : index
    %get3A_48 = vector.load %arg0[%get3A_46, %get3A_47] : memref<1250x128xf32, #tpu.memory_space<vmem>>, vector<1250x128xf32>
    %get3A_49 = arith.constant 0 : index
    %get3A_50 = arith.constant 0 : index
    %get3A_51 = vector.load %arg7[%get3A_49, %get3A_50] : memref<128x128xf32, #tpu.memory_space<vmem>>, vector<128x128xf32>
    %dot_general3A_52 = arith.constant dense<0.000000e+00> : vector<1250x128xf32>
    %dot_general3A_53 = tpu.matmul %max3A_45, %get3A_51, %dot_general3A_52 {dimension_numbers = #tpu.dot_dimension_numbers<[1], [0], [0], [1], [0, 0, 1, 1], [], []>, transpose_lhs_hint = false} : vector<1250x128xf32>, vector<128x128xf32>, vector<1250x128xf32> -> vector<1250x128xf32>
    %add3A_54 = arith.addf %get3A_48, %dot_general3A_53 : vector<1250x128xf32>
    %get3A_55 = arith.constant 0 : index
    %get3A_56 = arith.constant 0 : index
    %get3A_57 = vector.load %arg8[%get3A_55, %get3A_56] : memref<1x128xf32, #tpu.memory_space<vmem>>, vector<1x128xf32>
    %add3A_58 = vector.broadcast %get3A_57 : vector<1x128xf32> to vector<1250x128xf32>
    %add3A_59 = arith.addf %add3A_54, %add3A_58 : vector<1250x128xf32>
    %get3A_60 = arith.constant 0 : index
    %get3A_61 = arith.constant 0 : index
    %get3A_62 = vector.load %arg9[%get3A_60, %get3A_61] : memref<128x128xf32, #tpu.memory_space<vmem>>, vector<128x128xf32>
    %dot_general3A_63 = arith.constant dense<0.000000e+00> : vector<1250x128xf32>
    %dot_general3A_64 = tpu.matmul %add3A_59, %get3A_62, %dot_general3A_63 {dimension_numbers = #tpu.dot_dimension_numbers<[1], [0], [0], [1], [0, 0, 1, 1], [], []>, transpose_lhs_hint = false} : vector<1250x128xf32>, vector<128x128xf32>, vector<1250x128xf32> -> vector<1250x128xf32>
    %get3A_65 = arith.constant 0 : index
    %get3A_66 = arith.constant 0 : index
    %get3A_67 = vector.load %arg10[%get3A_65, %get3A_66] : memref<1x128xf32, #tpu.memory_space<vmem>>, vector<1x128xf32>
    %add3A_68 = vector.broadcast %get3A_67 : vector<1x128xf32> to vector<1250x128xf32>
    %add3A_69 = arith.addf %dot_general3A_64, %add3A_68 : vector<1250x128xf32>
    %max3A_70 = arith.constant 0.000000e+00 : f32
    %max3A_71 = vector.broadcast %max3A_70 : f32 to vector<1250x128xf32>
    %max3A_72 = arith.maximumf %add3A_69, %max3A_71 : vector<1250x128xf32>
    %get3A_73 = arith.constant 0 : index
    %get3A_74 = arith.constant 0 : index
    %get3A_75 = vector.load %arg11[%get3A_73, %get3A_74] : memref<128x1024xf32, #tpu.memory_space<vmem>>, vector<128x1024xf32>
    %dot_general3A_76 = arith.constant dense<0.000000e+00> : vector<1250x1024xf32>
    %dot_general3A_77 = tpu.matmul %max3A_72, %get3A_75, %dot_general3A_76 {dimension_numbers = #tpu.dot_dimension_numbers<[1], [0], [0], [1], [0, 0, 1, 1], [], []>, transpose_lhs_hint = false} : vector<1250x128xf32>, vector<128x1024xf32>, vector<1250x1024xf32> -> vector<1250x1024xf32>
    %get3A_78 = arith.constant 0 : index
    %get3A_79 = arith.constant 0 : index
    %get3A_80 = vector.load %arg12[%get3A_78, %get3A_79] : memref<1x1024xf32, #tpu.memory_space<vmem>>, vector<1x1024xf32>
    %add3A_81 = vector.broadcast %get3A_80 : vector<1x1024xf32> to vector<1250x1024xf32>
    %add3A_82 = arith.addf %dot_general3A_77, %add3A_81 : vector<1250x1024xf32>
    %get3A_83 = arith.constant 0 : index
    %get3A_84 = arith.constant 0 : index
    %get3A_85 = vector.load %arg13[%get3A_83, %get3A_84] : memref<1250x1024xf32, #tpu.memory_space<vmem>>, vector<1250x1024xf32>
    %add3A_86 = arith.addf %add3A_82, %get3A_85 : vector<1250x1024xf32>
    %swap3A = arith.constant 0 : index
    %swap3A_87 = arith.constant 0 : index
    %swap3A_88 = vector.load %arg14[%swap3A, %swap3A_87] : memref<1250x1024xf32, #tpu.memory_space<vmem>>, vector<1250x1024xf32>
    tpu.vector_store %arg14[%swap3A, %swap3A_87], %add3A_86 {strides = array<i32>} : memref<1250x1024xf32, #tpu.memory_space<vmem>>, vector<1250x1024xf32>,
    return
  }
}

</mosaic_0001>

<sc_bundles>
// kernel: kernel.11.cloned.1.call-start
scs
__scs_entry_jumppad:
0x0: {  	(pc) =	sbr.rel $0x88, $3  }
0x1: {  	(tag) =	ssettag $0x0;
	lr =	simm.s32 $0x1  }
0x2: {  	[smem:$0x3F80] =	sst lr;
	_ =	strace $0xD0000000  }
0x3: {  	_ = 	snop  }
0x4: {  	_ = 	snop  }
0x5: {  	_ = 	snop  }
0x6: {  	_ = 	snop  }
0x7: {  	_ = 	snop  }
__scs_overlays_trampoline_lowered:
0x8: {  	[smem:$0x3F8F] =	sst s0  }
0x9: {  	[smem:$0x3F90] =	sst s1  }
0xa: {  	[smem:$0x3F91] =	sst s2  }
0xb: {  	[smem:$0x3F92] =	sst s3  }
0xc: {  	[smem:$0x3F93] =	sst s4  }
0xd: {  	[smem:$0x3F94] =	sst s5  }
0xe: {  	[smem:$0x3F95] =	sst s6  }
0xf: {  	[smem:$0x3F96] =	sst s7  }
0x10: {  	[smem:$0x3F97] =	sst s8  }
0x11: {  	[smem:$0x3F98] =	sst s9;
	s0 =	simm.s32 @!p0 $0x0  }
0x12: {  	s1 =	sld [smem:$0x3F7E];
	s0 =	simm.s32 @p0 $0x1  }
0x13: {  	[smem:$0x3F99] =	sst s0;
	s0 =	simm.s32 @!p1 $0x0  }
0x14: {  	s2 =	sld [smem:$0x3F7D];
	s0 =	simm.s32 @p1 $0x1  }
0x15: {  	[smem:$0x3F9A] =	sst s0;
	s0 =	simm.s32 @!p2 $0x0  }
0x16: {  	s3 =	sld [smem:$0x3FDB];
	s0 =	simm.s32 @p2 $0x1  }
0x17: {  	s4 =	simm.s32 $0x1BF5;
	[smem:$0x3F9C] =	sst s0  }
0x18: {  	s0 =	sld [smem:$0x3F7F];
	_ =	swait.ge [sflag:s4], $0x0  }
0x19: {  	s7 =	sld [smem:$0x3F80]  }
0x1a: {  	s8 =	sadd.s32 $0xFFFFE003, lr  }
0x1b: {  	s9 =	sadd.s32 $0xFFFFFEF7, lr;
	s5 =	simm.s32 $0xFFFFFFFF;
	p2 =	slt.u32 s8, $0xFFFFF086  }
0x1c: {  	p1 =	slt.u32 s9, $0xF7A;
	s5 =	simm.s32 @!p2 $0x0  }
0x1d: {  	s5 =	simm.s32 @p1 $0x1;
	p0 =	seq.s32 s7, s2  }
0x1e: {  	s7 =	smul.u32 @!p0 $0xF7A, s2;
	p2 =	seq.s32 @!p0 s5, $0x0  }
0x1f: {  	s9 =	smul.u32 $0xF7A, s1;
	s8 =	simm.s32 @!p0 $0x1BF5;
	p2 =	por !p2, p0  }
0x20: {  	[sflag:s8] =	ssyncset.s32 @!p0 $0xFFFFF086;
	s6 =	sadd.s32 @!p0 s3, s7;
	s7 =	simm.s32 @!p0 $0x108  }
0x21: {  	s3 =	sadd.s32 s3, s9;
	s6 =	sadd.s32 @!p0 $0x88, s6;
	s7 =	simm.s32 @p2 $0x1082  }
0x22: {  	[simem:s7], [sflag:s8] =	dma.local @!p0 [hbm:s6], $0xF7A  }
0x23: {  	s9 =	sor.u32 $0xD0000000, s2;
	s6 =	simm.s32 $0x108;
	_ =	swait.ge @!p0 [sflag:s8], $0x0  }
0x24: {  	s3 =	sadd.s32 $0x88, s3;
	s6 =	simm.s32 @!p1 $0x1082;
	[sflag:s4] =	ssyncset.s32 $0xFFFFF086  }
0x25: {  	[simem:s6], [sflag:s4] =	dma.local [hbm:s3], $0xF7A  }
0x26: {  	[smem:$0x3F80] =	sst s1;
	(tag) =	ssettag s2;
	_ =	strace s9  }
0x27: {  	s1 =	sld [smem:$0x3F90]  }
0x28: {  	s2 =	sld [smem:$0x3F91]  }
0x29: {  	s4 =	sld [smem:$0x3F93]  }
0x2a: {  	p0 =	seq.s32 s5, $0x0;
	s5 =	sld [smem:$0x3F94]  }
0x2b: {  	s6 =	sld [smem:$0x3F95]  }
0x2c: {  	s7 =	sld [smem:$0x3F96]  }
0x2d: {  	s3 =	simm.s32 $0x108;
	s8 =	sld [smem:$0x3F97]  }
0x2e: {  	s3 =	simm.s32 @!p0 $0x1082;
	s9 =	sld [smem:$0x3F98]  }
0x2f: {  	lr =	sadd.s32 s0, s3;
	s0 =	sld [smem:$0x3F8F]  }
0x30: {  	s3 =	sld [smem:$0x3F92]  }
0x31: {  	[smem:$0x3F9B] =	sst s10  }
0x32: {  	s10 =	sld [smem:$0x3F99];
	_ =	sdelay $0x3  }
0x33: {  	p0 =	seq.s32 s10, $0x1;
	s10 =	sld [smem:$0x3F9B];
	_ =	sdelay $0x3  }
0x34: {  	[smem:$0x3F9B] =	sst s10  }
0x35: {  	s10 =	sld [smem:$0x3F9A];
	_ =	sdelay $0x3  }
0x36: {  	p1 =	seq.s32 s10, $0x1;
	s10 =	sld [smem:$0x3F9B];
	_ =	sdelay $0x3  }
0x37: {  	[smem:$0x3F9B] =	sst s10  }
0x38: {  	s10 =	sld [smem:$0x3F9C]  }
0x39: {  	_ = 	snop;
	(pc) =	sbr.ind lr, $3  }
0x3a: {  	_ = 	snop  }
0x3b: {  	_ = 	snop  }
0x3c: {  	p2 =	seq.s32 s10, $0x1;
	s10 =	sld [smem:$0x3F9B]  }
0x3d: {  	_ =	shalt  }
0x3e: {  	_ =	shalt  }
0x3f: {  	_ =	shalt  }
0x40: {  	_ =	shalt  }
0x41: {  	_ =	shalt  }
0x42: {  	_ =	shalt  }
0x43: {  	_ =	shalt  }
0x44: {  	_ =	shalt  }
0x45: {  	_ =	shalt  }
0x46: {  	_ =	shalt  }
0x47: {  	_ =	shalt  }
0x48: {  	_ =	shalt  }
0x49: {  	_ =	shalt  }
0x4a: {  	_ =	shalt  }
0x4b: {  	_ =	shalt  }
0x4c: {  	_ =	shalt  }
0x4d: {  	_ =	shalt  }
0x4e: {  	_ =	shalt  }
0x4f: {  	_ =	shalt  }
0x50: {  	_ =	shalt  }
0x51: {  	_ =	shalt  }
0x52: {  	_ =	shalt  }
0x53: {  	_ =	shalt  }
0x54: {  	_ =	shalt  }
0x55: {  	_ =	shalt  }
0x56: {  	_ =	shalt  }
0x57: {  	_ =	shalt  }
0x58: {  	_ =	shalt  }
0x59: {  	_ =	shalt  }
0x5a: {  	_ =	shalt  }
0x5b: {  	_ =	shalt  }
0x5c: {  	_ =	shalt  }
0x5d: {  	_ =	shalt  }
0x5e: {  	_ =	shalt  }
0x5f: {  	_ =	shalt  }
0x60: {  	_ =	shalt  }
0x61: {  	_ =	shalt  }
0x62: {  	_ =	shalt  }
0x63: {  	_ =	shalt  }
0x64: {  	_ =	shalt  }
0x65: {  	_ =	shalt  }
0x66: {  	_ =	shalt  }
0x67: {  	_ =	shalt  }
0x68: {  	_ =	shalt  }
0x69: {  	_ =	shalt  }
0x6a: {  	_ =	shalt  }
0x6b: {  	_ =	shalt  }
0x6c: {  	_ =	shalt  }
0x6d: {  	_ =	shalt  }
0x6e: {  	_ =	shalt  }
0x6f: {  	_ =	shalt  }
0x70: {  	_ =	shalt  }
0x71: {  	_ =	shalt  }
0x72: {  	_ =	shalt  }
0x73: {  	_ =	shalt  }
0x74: {  	_ =	shalt  }
0x75: {  	_ =	shalt  }
0x76: {  	_ =	shalt  }
0x77: {  	_ =	shalt  }
0x78: {  	_ =	shalt  }
0x79: {  	_ =	shalt  }
0x7a: {  	_ =	shalt  }
0x7b: {  	_ =	shalt  }
0x7c: {  	_ =	shalt  }
0x7d: {  	_ =	shalt  }
0x7e: {  	_ =	shalt  }
0x7f: {  	_ =	shalt  }
0x80: {  	_ =	shalt  }
0x81: {  	_ =	shalt  }
0x82: {  	_ =	shalt  }
0x83: {  	_ =	shalt  }
0x84: {  	_ =	shalt  }
0x85: {  	_ =	shalt  }
0x86: {  	_ =	shalt  }
0x87: {  	_ =	shalt  }
.Lfunc_end0:
.L_simem_size_0:
called_computation_lowered:
.L_overlay_start_0:
0x88: {  	s2 =	sld [smem:$0x3FD9]  }
0x89: {  	s3 =	sld [smem:$0x3FFE];
	_ =	sdelay $0x1  }
0x8a: {  	s1 =	srdreg.scid  }
0x8b: {  	s0 =	sand.u32 $0x1, s1  }
0x8c: {  	s17 =	sshll.u32 s0, $0xA;
	s2 =	sadd.s32 s3, s2  }
0x8d: {  	s2 =	sadd.s32 s2, s17  }
0x8e: {  	[smem:$0x3FA7] =	sst s2  }
0x8f: {  	_ = 	snop  }
0x90: {  	s2 =	sld [smem:$0x3FD0];
	(tm) =	ssettm $0x1  }
0x91: {  	s18 =	sld [smem:$0x3FFB];
	_ =	sdelay $0x3  }
0x92: {  	_ =	strace s18  }
0x93: {  	s3 =	sld [smem:$0x3FFC];
	_ =	sdelay $0x3  }
0x94: {  	_ =	strace s3  }
0x95: {  	s3 =	sld [smem:$0x3FFD];
	_ =	sdelay $0x3  }
0x96: {  	_ =	strace s3  }
0x97: {  	_ =	strace $0x8FFFFFFF  }
0x98: {  	s19 =	sld [smem:$0x3FDB];
	_ =	sdelay $0x1  }
0x99: {  	s4 =	simm.s32 $_scs_section_size  }
0x9a: {  	s5 =	simm.s32 $_size__tile_overlayer_lowered;
	s6 =	simm.s32 $_tile_overlayer_lowered  }
0x9b: {  	s22 =	simm.s32 $0x1BFF;
	s21 =	sshll.u32 s6, $0x1;
	s3 =	sadd.s32 s4, s19  }
0x9c: {  	s7 =	simm.s32 $0x0;
	s20 =	sshll.u32 s5, $0x1;
	s5 =	sadd.s32 s21, s3  }
0x9d: {  	[timem:s7], [sflag:s22] =	dma.local [hbm:s5], s20  }
0x9e: {  	_ =	swait.ge [sflag:s22], s20  }
0x9f: {  	s4 =	ssub.s32 $0x0, s20;
	[sflag:s22] =	ssyncset.done $0x0  }
0xa0: {  	[sflag:s22] =	ssyncadd.s32 s4;
	_ =	sdelay $0x1  }
0xa1: {  	s23 =	simm.s32 $0x1B8B  }
0xa2: {  	_ =	swait.ge [sflag:s23], $0x1  }
0xa3: {  	[sflag:s23] =	ssyncset.done $0x0  }
0xa4: {  	s25 =	simm.s32 $0x1B8E;
	s24 =	sld [smem:$0x3FFE];
	[sflag:s23] =	ssyncadd.s32 $0xFFFFFFFF  }
0xa5: {  	s26 =	simm.s32 $execute0_lowered;
	[smem:$0x3FD2] =	sst s25  }
0xa6: {  	s5 =	sshll.u32 s26, $0x1;
	_ =	strace $0x80000046;
	[dreg:$0x1] =	wrdreg $0xFFFFFFFF  }
0xa7: {  	s28 =	simm.s32 $_size_execute0_lowered;
	s3 =	sadd.s32 s3, s5;
	[dreg:$0x0] =	wrdreg $0x0  }
0xa8: {  	s5 =	sshll.u32 s28, $0x1;
	[dreg:$0x2] =	wrdreg s3  }
0xa9: {  	[dreg:$0x3] =	wrdreg s5  }
0xaa: {  	[dreg:$0x4] =	wrdreg $0xC0  }
0xab: {  	_ =	task [dreg:s7], $0x5FFFF  }
0xac: {  	[dreg:$0x1] =	wrdreg $0xFFFFFFFF  }
0xad: {  	[dreg:$0x0] =	wrdreg $0x60  }
0xae: {  	[dreg:$0x2] =	wrdreg s2  }
0xaf: {  	[dreg:$0x3] =	wrdreg s24  }
0xb0: {  	[dreg:$0x4] =	wrdreg $0x67200  }
0xb1: {  	[dreg:$0x5] =	wrdreg $0x8E300  }
0xb2: {  	[dreg:$0x6] =	wrdreg $0x9  }
0xb3: {  	_ =	task.clear_ibuf [dreg:s7], $0x7FFFF;
	_ =	strace $0x90000046  }
0xb4: {  	s29 =	simm.s32 $0x9;
	_ =	strace $0x80000048  }
0xb5: {  	_ =	swait.ge [sflag:s29], $0x1  }
0xb6: {  	[sflag:s29] =	ssyncadd.s32 $0xFFFFFFFF  }
0xb7: {  	_ =	strace $0x90000048  }
0xb8: {  	_ =	sfence  }
0xb9: {  	s30 =	sld [smem:$0x0];
	_ =	sdelay $0x2  }
0xba: {  	s31 =	sshll.u32 s1, $0xD;
	s1 =	sshrl.u32 s1, $0x2  }
0xbb: {  	s3 =	sand.u32 $0x4000, s31;
	s1 =	sadd.s32 s1, s30  }
0xbc: {  	s0 =	sor.u32 s3, s0;
	s1 =	sshll.u32 s1, $0x11  }
0xbd: {  	s0 =	sor.u32 s1, s0  }
0xbe: {  	s0 =	sadd.s32 $0x8F2B, s0  }
0xbf: {  	[sflag:s0] =	ssyncadd.remote.s32 $0x1  }
0xc0: {  	_ =	sfence.sel $0xFFFF  }
0xc1: {  	[dreg:$0x0] =	wrdreg $0xFFFFFFFF;
	(pc) =	sbr.abs _section_cstart, $3  }
0xc2: {  	[dreg:$0x1] =	wrdreg $0xFFFFFFFF  }
0xc3: {  	_ =	task.clear_ibuf [dreg:s7], $0x2FFFF;
	_ =	strace $0x9FFFFFFF  }
0xc4: {  	(tm) =	ssettm $0x7FFFFFFF  }
0xc5: {  	_ =	shalt  }
tec
execute0_lowered:
.L_overlay_start_1:
0x0: {  	(tag) =	ssettag $0x1  }
0x1: {  	s0 =	rddreg [dreg:$0x0]  }
0x2: {  	s1 =	rddreg [dreg:$0x1]  }
0x3: {  	s2 =	rddreg [dreg:$0x2]  }
0x4: {  	s3 =	rddreg [dreg:$0x3];
	s15 =	stileid.u32  }
0x5: {  	s4 =	srdreg.scid;
	s17 =	simm.s32 $0x2710;
	s18 =	simm.s32 $0x50  }
0x6: {  	s19 =	simm.s32 $0x4E20;
	s20 =	simm.s32 $0x5320;
	s21 =	simm.s32 $0x5820  }
0x7: {  	s22 =	simm.s32 $0x5D20;
	s23 =	simm.s32 $0x1;
	s28 =	simm.s32 $0x4  }
0x8: {  	s29 =	simm.s32 $0x0;
	s6 =	sand.u32 $0x1, s4;
	s5 =	sshll.u32 s15, $0x1  }
0x9: {  	s4 =	simm.s32 $0x0;
	s7 =	smul.u32 $0x2710, s15;
	s26 =	sshll.u32 s15, $0x6  }
0xa: {  	s15 =	simm.s32 $0x5;
	s8 =	sor.u32 s6, s5;
	[smem:$0x7FF] =	sst s4  }
0xb: {  	s10 =	ssub.s32 $0x2, s6;
	s6 =	sadd.s32 $0x3E600, s1;
	s5 =	smul.u32 $0x4E2, s8  }
0xc: {  	_ =	strace $0x80000047;
	s9 =	sshrl.u32 s7, $0x3;
	s13 =	sshrl.u32 s10, $0x1  }
0xd: {  	s25 =	smul.u32 $0x27100, s8;
	s14 =	sadd.s32 s7, s2;
	s8 =	sor.u32 $0x1C05, s26  }
0xe: {  	s30 =	sadd.s32 s7, s3;
	s26 =	simm.s32 $0x3;
	s11 =	sadd.s32 s9, s1  }
0xf: {  	s24 =	ssub.s32 s10, s13;
	s0 =	sadd.s32 s0, s9;
	s14 =	sshrl.u32 s14, $0x3  }
0x10: {  	s16 =	sshrl.u32 s30, $0x3;
	s12 =	sadd.s32 s5, s1;
	[dreg:$0x5] =	wrdreg s0  }
0x11: {  	s31 =	sshrl.u32 s25, $0x3;
	s9 =	sadd.s32 $0x39600, s11;
	s13 =	smax.u32 s24, $0x1  }
0x12: {  	s24 =	simm.s32 $0x2;
	s25 =	simm.s32 $0x6220;
	s7 =	sadd.s32 s6, s31  }
0x13: {  	s10 =	sadd.s32 $0x25A00, s12;
	s11 =	sadd.s32 $0x2F800, s12;
	s12 =	sadd.s32 $0x4D80, s7  }
.LBB2_1:
0x14: {  	s0 =	rddreg [dreg:$0x5]  }
0x15: {  	[spmem:s14], [sflag:s8] =	dma.local [hbm:s0], $0x4E2  }
0x16: {  	_ =	swait.ge [sflag:s15], $0x4E2  }
0x17: {  	[sflag:s15] =	ssyncset.done $0x0  }
0x18: {  	[sflag:s15] =	ssyncadd.s32 $0xFFFFFB1E  }
0x19: {  	[spmem:s16], [sflag:s8] =	dma.local [hbm:s9], $0x4E2  }
0x1a: {  	_ =	swait.ge [sflag:s15], $0x4E2  }
0x1b: {  	[sflag:s15] =	ssyncset.done $0x0  }
0x1c: {  	[sflag:s15] =	ssyncadd.s32 $0xFFFFFB1E  }
0x1d: {  	[tilespmem:s4], [sflag:$0x5] =	stream.linear.gather [hbm4b:s10+s4], $0x2710, $0x38;
	[tilespmem:$0xB540] =	vst v63  }
0x1e: {  	_ =	swait.ge [sflag:s15], $0x2710  }
0x1f: {  	[sflag:s15] =	ssyncset.done $0x0  }
0x20: {  	[sflag:s15] =	ssyncadd.s32 $0xFFFFD8F0  }
0x21: {  	[tilespmem:s17], [sflag:$0x5] =	stream.linear.gather [hbm4b:s11+s4], $0x2710, $0x38;
	[tilespmem:$0xB540] =	vst v63  }
0x22: {  	_ =	swait.ge [sflag:s15], $0x2710  }
0x23: {  	[sflag:s15] =	ssyncset.done $0x0  }
0x24: {  	[sflag:s15] =	ssyncadd.s32 $0xFFFFD8F0  }
0x25: {  	[bflag:$0x0] =	sbarrier.arrive $0xFFFF  }
0x26: {  	[tilespmem:s19], [sflag:$0x1] =	stream.indirect.gather [spmem:s2], $0x10, s4, s18, $0xb8;
	[tilespmem:$0xB540] =	vst v63  }
0x27: {  	s30 =	simm.s32 $0x0  }
0x28: {  	[tilespmem:s20], [sflag:$0x2] =	stream.indirect.gather [spmem:s3], $0x10, s17, s18, $0xb8;
	[tilespmem:$0xB540] =	vst v63  }
.LBB2_2:
0x29: {  	s31 =	sshllo.u32 s30, $0x1  }
0x2a: {  	s0 =	smul.u32 $0x50, s31;
	_ =	sdelay $0x1  }
0x2b: {  	[tilespmem:s21], [sflag:$0x3] =	stream.indirect.gather [spmem:s2], $0x10, s0, s18, $0xb8;
	[tilespmem:$0xB540] =	vst v63  }
0x2c: {  	s0 =	sadd.s32 $0x2710, s0  }
0x2d: {  	[tilespmem:s22], [sflag:$0x4] =	stream.indirect.gather [spmem:s3], $0x10, s0, s18, $0xb8;
	[tilespmem:$0xB540] =	vst v63  }
0x2e: {  	_ =	swait.ge [sflag:s23], $0x500  }
0x2f: {  	[sflag:s23] =	ssyncset.done $0x0  }
0x30: {  	[sflag:s23] =	ssyncadd.s32 $0xFFFFFB00  }
0x31: {  	_ =	swait.ge [sflag:s24], $0x500  }
0x32: {  	[sflag:s24] =	ssyncset.done $0x0  }
0x33: {  	s0 =	simm.s32 $0x0;
	[sflag:s24] =	ssyncadd.s32 $0xFFFFFB00  }
0x34: {  	v0 =	vld [tilespmem:s0+$0x4E90]  }
0x35: {  	v1 =	vld [tilespmem:s0+$0x5390]  }
0x36: {  	v2 =	vld [tilespmem:s0+$0x4E20]  }
0x37: {  	v3 =	vld [tilespmem:s0+$0x5320]  }
0x38: {  	v4 =	vld [tilespmem:s0+$0x4E30]  }
0x39: {  	v5 =	vld [tilespmem:s0+$0x5330]  }
0x3a: {  	v6 =	vld [tilespmem:s0+$0x4E40]  }
0x3b: {  	v7 =	vld [tilespmem:s0+$0x4E50]  }
0x3c: {  	v0 =	vadd.f32 v1, v0;
	v1 =	vld [tilespmem:s0+$0x5340]  }
0x3d: {  	v8 =	vld [tilespmem:s0+$0x5350]  }
0x3e: {  	v9 =	vld [tilespmem:s0+$0x5360];
	v2 =	vadd.f32 v3, v2  }
0x3f: {  	[tilespmem:s0+$0x6290] =	vst v0;
	v0 =	vadd.f32 v5, v4;
	v5 =	vld [tilespmem:s0+$0x4E60]  }
0x40: {  	v3 =	vld [tilespmem:s0+$0x5370];
	[tilespmem:s0+$0x6220] =	vst v2  }
0x41: {  	v2 =	vld [tilespmem:s0+$0x4E70];
	[tilespmem:s0+$0x6230] =	vst v0;
	v0 =	vadd.f32 v1, v6  }
0x42: {  	v4 =	vld [tilespmem:s0+$0x5380];
	v6 =	vadd.f32 v8, v7  }
0x43: {  	s1 =	simm.s32 $0x80;
	[tilespmem:s0+$0x6240] =	vst v0;
	v0 =	vld [tilespmem:s0+$0x4E80]  }
0x44: {  	s7 =	simm.s32 $0x400;
	v5 =	vadd.f32 v9, v5;
	v1 =	vld [tilespmem:s1+$0x4E90];
	[tilespmem:s0+$0x6250] =	vst v6  }
.LBB2_3:
0x45: {  	p0 =	sne.s32 s7, $0x1200;
	v6 =	vld [tilespmem:s1+$0x5390]  }
0x46: {  	v7 =	vld [tilespmem:s1+$0x4E20];
	[tilespmem:s0+$0x6260] =	vst v5;
	v2 =	vadd.f32 v3, v2  }
0x47: {  	v3 =	vld [tilespmem:s1+$0x5320]  }
0x48: {  	v5 =	vld [tilespmem:s1+$0x4E30];
	[tilespmem:s0+$0x6270] =	vst v2;
	v0 =	vadd.f32 v4, v0  }
0x49: {  	v2 =	vld [tilespmem:s1+$0x5330]  }
0x4a: {  	v4 =	vld [tilespmem:s1+$0x4E40];
	v1 =	vadd.f32 v6, v1;
	[tilespmem:s0+$0x6280] =	vst v0;
	s0 =	smov.u32 s1  }
0x4b: {  	v0 =	vld [tilespmem:s0+$0x5340]  }
0x4c: {  	v3 =	vadd.f32 v3, v7;
	v6 =	vld [tilespmem:s0+$0x4E50];
	[tilespmem:s0+$0x6290] =	vst v1  }
0x4d: {  	v1 =	vld [tilespmem:s0+$0x5350]  }
0x4e: {  	[tilespmem:s0+$0x6220] =	vst v3;
	v2 =	vadd.f32 v2, v5;
	v5 =	vld [tilespmem:s0+$0x4E60]  }
0x4f: {  	v7 =	vld [tilespmem:s0+$0x5360]  }
.Ltmp0:
0x50: {  	[tilespmem:s0+$0x6230] =	vst v2;
	v0 =	vadd.f32 v0, v4;
	v2 =	vld [tilespmem:s0+$0x4E70];
	(pc) =	sbr.rel @p0 .LBB2_3-.Ltmp0, $4  }
0x51: {  	v3 =	vld [tilespmem:s0+$0x5370]  }
0x52: {  	[tilespmem:s0+$0x6240] =	vst v0;
	v6 =	vadd.f32 v1, v6;
	v0 =	vld [tilespmem:s0+$0x4E80]  }
0x53: {  	s1 =	sshra.s32 s7, $0x2;
	v4 =	vld [tilespmem:s0+$0x5380]  }
0x54: {  	s7 =	sadd.s32 $0x200, s7;
	v1 =	vld [tilespmem:s1+$0x4E90];
	[tilespmem:s0+$0x6250] =	vst v6;
	v5 =	vadd.f32 v7, v5  }
0x55: {  	v6 =	vld [tilespmem:s1+$0x5390]  }
0x56: {  	v7 =	vld [tilespmem:s1+$0x4E20];
	[tilespmem:s0+$0x6260] =	vst v5;
	v2 =	vadd.f32 v3, v2  }
0x57: {  	v3 =	vld [tilespmem:s1+$0x5320]  }
0x58: {  	v5 =	vld [tilespmem:s1+$0x4E30];
	[tilespmem:s0+$0x6270] =	vst v2;
	v0 =	vadd.f32 v4, v0  }
0x59: {  	v2 =	vld [tilespmem:s1+$0x5330]  }
0x5a: {  	v4 =	vld [tilespmem:s1+$0x4E40];
	[tilespmem:s0+$0x6280] =	vst v0  }
0x5b: {  	v0 =	vadd.f32 v6, v1;
	v1 =	vld [tilespmem:s1+$0x5340]  }
0x5c: {  	v6 =	vld [tilespmem:s1+$0x4E50]  }
0x5d: {  	v3 =	vadd.f32 v3, v7;
	[tilespmem:s1+$0x6290] =	vst v0;
	v0 =	vld [tilespmem:s1+$0x5350]  }
0x5e: {  	v7 =	vld [tilespmem:s1+$0x5380]  }
0x5f: {  	[tilespmem:s1+$0x6220] =	vst v3;
	v2 =	vadd.f32 v2, v5;
	v3 =	vld [tilespmem:s1+$0x4E60]  }
0x60: {  	v5 =	vld [tilespmem:s1+$0x5360]  }
0x61: {  	[tilespmem:s1+$0x6230] =	vst v2;
	v1 =	vadd.f32 v1, v4;
	v2 =	vld [tilespmem:s1+$0x4E70]  }
0x62: {  	v4 =	vld [tilespmem:s1+$0x5370]  }
0x63: {  	[tilespmem:s1+$0x6240] =	vst v1;
	v1 =	vld [tilespmem:s1+$0x4E80];
	_ =	sdelay $0x1  }
0x64: {  	v0 =	vadd.f32 v0, v6  }
0x65: {  	s7 =	smul.u32 $0x14, s30;
	v3 =	vadd.f32 v5, v3  }
0x66: {  	[tilespmem:s1+$0x6250] =	vst v0;
	v0 =	vadd.f32 v4, v2  }
0x67: {  	s0 =	sadd.s32 s5, s7;
	[tilespmem:s1+$0x6260] =	vst v3;
	v1 =	vadd.f32 v7, v1  }
0x68: {  	s0 =	sshll.u32 s0, $0x4;
	[tilespmem:s1+$0x6270] =	vst v0  }
0x69: {  	s7 =	simm.s32 $0x0;
	s0 =	sadd.s32 s6, s0;
	[tilespmem:s1+$0x6280] =	vst v1  }
0x6a: {  	[hbm4b:s0+s7] =	stream.linear.scatter [tilespmem:s25], [sflag:$0x5], $0x500, $0x38;
	[tilespmem:$0xB540] =	vst v63  }
0x6b: {  	s0 =	smul.u32 $0xA0, s30;
	_ =	swait.ge [sflag:s15], $0x500  }
0x6c: {  	[sflag:s15] =	ssyncset.done $0x0  }
0x6d: {  	s7 =	sadd.s32 $0xA0, s0;
	[sflag:s15] =	ssyncadd.s32 $0xFFFFFB00  }
0x6e: {  	[tilespmem:s19], [sflag:$0x1] =	stream.indirect.gather [spmem:s2], $0x10, s7, s18, $0xb8;
	[tilespmem:$0xB540] =	vst v63  }
0x6f: {  	s0 =	sadd.s32 $0x27B0, s0  }
0x70: {  	[tilespmem:s20], [sflag:$0x2] =	stream.indirect.gather [spmem:s3], $0x10, s0, s18, $0xb8;
	[tilespmem:$0xB540] =	vst v63  }
0x71: {  	_ =	swait.ge [sflag:s26], $0x500  }
0x72: {  	[sflag:s26] =	ssyncset.done $0x0  }
0x73: {  	[sflag:s26] =	ssyncadd.s32 $0xFFFFFB00  }
0x74: {  	_ =	swait.ge [sflag:s28], $0x500  }
0x75: {  	[sflag:s28] =	ssyncset.done $0x0  }
0x76: {  	s0 =	simm.s32 $0x0;
	[sflag:s28] =	ssyncadd.s32 $0xFFFFFB00  }
0x77: {  	v0 =	vld [tilespmem:s0+$0x5890]  }
0x78: {  	v1 =	vld [tilespmem:s0+$0x5D90]  }
0x79: {  	v2 =	vld [tilespmem:s0+$0x5820]  }
0x7a: {  	v3 =	vld [tilespmem:s0+$0x5D20]  }
0x7b: {  	v4 =	vld [tilespmem:s0+$0x5830]  }
0x7c: {  	v5 =	vld [tilespmem:s0+$0x5D30]  }
0x7d: {  	v6 =	vld [tilespmem:s0+$0x5840]  }
0x7e: {  	v7 =	vld [tilespmem:s0+$0x5850]  }
0x7f: {  	v0 =	vadd.f32 v1, v0;
	v1 =	vld [tilespmem:s0+$0x5D40]  }
0x80: {  	v8 =	vld [tilespmem:s0+$0x5D50]  }
0x81: {  	v9 =	vld [tilespmem:s0+$0x5D60];
	v2 =	vadd.f32 v3, v2  }
0x82: {  	[tilespmem:s0+$0x6290] =	vst v0;
	v0 =	vadd.f32 v5, v4;
	v5 =	vld [tilespmem:s0+$0x5860]  }
0x83: {  	v3 =	vld [tilespmem:s0+$0x5D70];
	[tilespmem:s0+$0x6220] =	vst v2  }
0x84: {  	v2 =	vld [tilespmem:s0+$0x5870];
	[tilespmem:s0+$0x6230] =	vst v0;
	v0 =	vadd.f32 v1, v6  }
0x85: {  	v4 =	vld [tilespmem:s0+$0x5D80];
	v6 =	vadd.f32 v8, v7  }
0x86: {  	s1 =	simm.s32 $0x80;
	[tilespmem:s0+$0x6240] =	vst v0;
	v0 =	vld [tilespmem:s0+$0x5880]  }
0x87: {  	s7 =	simm.s32 $0x400;
	v5 =	vadd.f32 v9, v5;
	v1 =	vld [tilespmem:s1+$0x5890];
	[tilespmem:s0+$0x6250] =	vst v6  }
.LBB2_5:
0x88: {  	p0 =	sne.s32 s7, $0x1200;
	v6 =	vld [tilespmem:s1+$0x5D90]  }
0x89: {  	v7 =	vld [tilespmem:s1+$0x5820];
	[tilespmem:s0+$0x6260] =	vst v5;
	v2 =	vadd.f32 v3, v2  }
0x8a: {  	v3 =	vld [tilespmem:s1+$0x5D20]  }
0x8b: {  	v5 =	vld [tilespmem:s1+$0x5830];
	[tilespmem:s0+$0x6270] =	vst v2;
	v0 =	vadd.f32 v4, v0  }
0x8c: {  	v2 =	vld [tilespmem:s1+$0x5D30]  }
0x8d: {  	v4 =	vld [tilespmem:s1+$0x5840];
	v1 =	vadd.f32 v6, v1;
	[tilespmem:s0+$0x6280] =	vst v0;
	s0 =	smov.u32 s1  }
0x8e: {  	v0 =	vld [tilespmem:s0+$0x5D40]  }
0x8f: {  	v3 =	vadd.f32 v3, v7;
	v6 =	vld [tilespmem:s0+$0x5850];
	[tilespmem:s0+$0x6290] =	vst v1  }
0x90: {  	v1 =	vld [tilespmem:s0+$0x5D50]  }
0x91: {  	[tilespmem:s0+$0x6220] =	vst v3;
	v2 =	vadd.f32 v2, v5;
	v5 =	vld [tilespmem:s0+$0x5860]  }
0x92: {  	v7 =	vld [tilespmem:s0+$0x5D60]  }
.Ltmp1:
0x93: {  	[tilespmem:s0+$0x6230] =	vst v2;
	v0 =	vadd.f32 v0, v4;
	v2 =	vld [tilespmem:s0+$0x5870];
	(pc) =	sbr.rel @p0 .LBB2_5-.Ltmp1, $4  }
0x94: {  	v3 =	vld [tilespmem:s0+$0x5D70]  }
0x95: {  	[tilespmem:s0+$0x6240] =	vst v0;
	v6 =	vadd.f32 v1, v6;
	v0 =	vld [tilespmem:s0+$0x5880]  }
0x96: {  	s1 =	sshra.s32 s7, $0x2;
	v4 =	vld [tilespmem:s0+$0x5D80]  }
0x97: {  	s7 =	sadd.s32 $0x200, s7;
	v1 =	vld [tilespmem:s1+$0x5890];
	[tilespmem:s0+$0x6250] =	vst v6;
	v5 =	vadd.f32 v7, v5  }
0x98: {  	v6 =	vld [tilespmem:s1+$0x5D90]  }
0x99: {  	v7 =	vld [tilespmem:s1+$0x5820];
	[tilespmem:s0+$0x6260] =	vst v5;
	v2 =	vadd.f32 v3, v2  }
0x9a: {  	v51 =	vld [tilespmem:s1+$0x5D20]  }
0x9b: {  	v5 =	vld [tilespmem:s1+$0x5830];
	[tilespmem:s0+$0x6270] =	vst v2;
	v0 =	vadd.f32 v4, v0  }
0x9c: {  	v2 =	vld [tilespmem:s1+$0x5D30]  }
0x9d: {  	v52 =	vld [tilespmem:s1+$0x5840];
	[tilespmem:s0+$0x6280] =	vst v0  }
0x9e: {  	v54 =	vld [tilespmem:s1+$0x5D40]  }
0x9f: {  	v55 =	vld [tilespmem:s1+$0x5850]  }
0xa0: {  	v56 =	vld [tilespmem:s1+$0x5D50]  }
0xa1: {  	v57 =	vld [tilespmem:s1+$0x5860]  }
0xa2: {  	v58 =	vld [tilespmem:s1+$0x5D60]  }
0xa3: {  	v59 =	vld [tilespmem:s1+$0x5870]  }
0xa4: {  	v53 =	vadd.f32 v6, v1;
	v60 =	vld [tilespmem:s1+$0x5D70]  }
0xa5: {  	v61 =	vld [tilespmem:s1+$0x5880];
	v3 =	vadd.f32 v51, v7  }
0xa6: {  	v62 =	vld [tilespmem:s1+$0x5D80];
	[tilespmem:s1+$0x6290] =	vst v53;
	v2 =	vadd.f32 v2, v5  }
0xa7: {  	[tilespmem:s1+$0x6220] =	vst v3;
	v1 =	vadd.f32 v54, v52  }
0xa8: {  	s31 =	smul.u32 $0xA, s31;
	[tilespmem:s1+$0x6230] =	vst v2;
	v0 =	vadd.f32 v56, v55  }
0xa9: {  	v3 =	vadd.f32 v58, v57;
	[tilespmem:s1+$0x6240] =	vst v1  }
0xaa: {  	s0 =	sadd.s32 s5, s31;
	v63 =	vadd.f32 v60, v59;
	[tilespmem:s1+$0x6250] =	vst v0  }
0xab: {  	s30 =	sadd.s32 $0x1, s30;
	s0 =	sshll.u32 s0, $0x4;
	[tilespmem:s1+$0x6260] =	vst v3;
	v1 =	vadd.f32 v62, v61  }
0xac: {  	p0 =	sne.s32 s30, $0x3E;
	s0 =	sand.u32 $0x1FFFFFE0, s0;
	[tilespmem:s1+$0x6270] =	vst v63  }
.Ltmp2:
0xad: {  	s0 =	sadd.s32 s6, s0;
	[tilespmem:s1+$0x6280] =	vst v1;
	(pc) =	sbr.rel @p0 .LBB2_2-.Ltmp2, $4  }
0xae: {  	[hbm4b:s0+s4] =	stream.linear.scatter [tilespmem:s25], [sflag:$0x5], $0x500, $0x38;
	[tilespmem:$0xB540] =	vst v63  }
0xaf: {  	_ =	swait.ge [sflag:s15], $0x500  }
0xb0: {  	[sflag:s15] =	ssyncset.done $0x0  }
0xb1: {  	[sflag:s15] =	ssyncadd.s32 $0xFFFFFB00  }
0xb2: {  	_ =	swait.ge [sflag:s23], $0x500  }
0xb3: {  	[sflag:s23] =	ssyncset.done $0x0  }
0xb4: {  	[sflag:s23] =	ssyncadd.s32 $0xFFFFFB00  }
0xb5: {  	_ =	swait.ge [sflag:s24], $0x500  }
0xb6: {  	[sflag:s24] =	ssyncset.done $0x0  }
0xb7: {  	s0 =	simm.s32 $0x0;
	[sflag:s24] =	ssyncadd.s32 $0xFFFFFB00  }
0xb8: {  	v0 =	vld [tilespmem:s0+$0x4E90]  }
0xb9: {  	v1 =	vld [tilespmem:s0+$0x5390]  }
0xba: {  	v2 =	vld [tilespmem:s0+$0x4E20]  }
0xbb: {  	v3 =	vld [tilespmem:s0+$0x5320]  }
0xbc: {  	v4 =	vld [tilespmem:s0+$0x4E30]  }
0xbd: {  	v5 =	vld [tilespmem:s0+$0x5330]  }
0xbe: {  	v6 =	vld [tilespmem:s0+$0x4E40]  }
0xbf: {  	v7 =	vld [tilespmem:s0+$0x4E50]  }
0xc0: {  	v0 =	vadd.f32 v1, v0;
	v1 =	vld [tilespmem:s0+$0x5340]  }
0xc1: {  	v8 =	vld [tilespmem:s0+$0x5350]  }
0xc2: {  	v9 =	vld [tilespmem:s0+$0x5360];
	v2 =	vadd.f32 v3, v2  }
0xc3: {  	[tilespmem:s0+$0x6290] =	vst v0;
	v0 =	vadd.f32 v5, v4;
	v5 =	vld [tilespmem:s0+$0x4E60]  }
0xc4: {  	v3 =	vld [tilespmem:s0+$0x5370];
	[tilespmem:s0+$0x6220] =	vst v2  }
0xc5: {  	v2 =	vld [tilespmem:s0+$0x4E70];
	[tilespmem:s0+$0x6230] =	vst v0;
	v0 =	vadd.f32 v1, v6  }
0xc6: {  	v4 =	vld [tilespmem:s0+$0x5380];
	v6 =	vadd.f32 v8, v7  }
0xc7: {  	s1 =	simm.s32 $0x80;
	[tilespmem:s0+$0x6240] =	vst v0;
	v0 =	vld [tilespmem:s0+$0x4E80]  }
0xc8: {  	s7 =	simm.s32 $0x400;
	v5 =	vadd.f32 v9, v5;
	v1 =	vld [tilespmem:s1+$0x4E90];
	[tilespmem:s0+$0x6250] =	vst v6  }
.LBB2_8:
0xc9: {  	p0 =	sne.s32 s7, $0x1200;
	v6 =	vld [tilespmem:s1+$0x5390]  }
0xca: {  	v7 =	vld [tilespmem:s1+$0x4E20];
	[tilespmem:s0+$0x6260] =	vst v5;
	v2 =	vadd.f32 v3, v2  }
0xcb: {  	v3 =	vld [tilespmem:s1+$0x5320]  }
0xcc: {  	v5 =	vld [tilespmem:s1+$0x4E30];
	[tilespmem:s0+$0x6270] =	vst v2;
	v0 =	vadd.f32 v4, v0  }
0xcd: {  	v2 =	vld [tilespmem:s1+$0x5330]  }
0xce: {  	v4 =	vld [tilespmem:s1+$0x4E40];
	v1 =	vadd.f32 v6, v1;
	[tilespmem:s0+$0x6280] =	vst v0;
	s0 =	smov.u32 s1  }
0xcf: {  	v0 =	vld [tilespmem:s0+$0x5340]  }
0xd0: {  	v3 =	vadd.f32 v3, v7;
	v6 =	vld [tilespmem:s0+$0x4E50];
	[tilespmem:s0+$0x6290] =	vst v1  }
0xd1: {  	v1 =	vld [tilespmem:s0+$0x5350]  }
0xd2: {  	[tilespmem:s0+$0x6220] =	vst v3;
	v2 =	vadd.f32 v2, v5;
	v5 =	vld [tilespmem:s0+$0x4E60]  }
0xd3: {  	v7 =	vld [tilespmem:s0+$0x5360]  }
.Ltmp3:
0xd4: {  	[tilespmem:s0+$0x6230] =	vst v2;
	v0 =	vadd.f32 v0, v4;
	v2 =	vld [tilespmem:s0+$0x4E70];
	(pc) =	sbr.rel @p0 .LBB2_8-.Ltmp3, $4  }
0xd5: {  	v3 =	vld [tilespmem:s0+$0x5370]  }
0xd6: {  	[tilespmem:s0+$0x6240] =	vst v0;
	v6 =	vadd.f32 v1, v6;
	v0 =	vld [tilespmem:s0+$0x4E80]  }
0xd7: {  	s1 =	sshra.s32 s7, $0x2;
	v4 =	vld [tilespmem:s0+$0x5380]  }
0xd8: {  	s7 =	sadd.s32 $0x200, s7;
	v1 =	vld [tilespmem:s1+$0x4E90];
	[tilespmem:s0+$0x6250] =	vst v6;
	v5 =	vadd.f32 v7, v5  }
0xd9: {  	v6 =	vld [tilespmem:s1+$0x5390]  }
0xda: {  	v7 =	vld [tilespmem:s1+$0x4E20];
	[tilespmem:s0+$0x6260] =	vst v5;
	v2 =	vadd.f32 v3, v2  }
0xdb: {  	v51 =	vld [tilespmem:s1+$0x5320]  }
0xdc: {  	v5 =	vld [tilespmem:s1+$0x4E30];
	[tilespmem:s0+$0x6270] =	vst v2;
	v0 =	vadd.f32 v4, v0  }
0xdd: {  	v2 =	vld [tilespmem:s1+$0x5330]  }
0xde: {  	v52 =	vld [tilespmem:s1+$0x4E40];
	[tilespmem:s0+$0x6280] =	vst v0  }
0xdf: {  	v54 =	vld [tilespmem:s1+$0x5340]  }
0xe0: {  	v55 =	vld [tilespmem:s1+$0x4E50]  }
0xe1: {  	v56 =	vld [tilespmem:s1+$0x5350]  }
0xe2: {  	v57 =	vld [tilespmem:s1+$0x4E60]  }
0xe3: {  	v58 =	vld [tilespmem:s1+$0x5360]  }
0xe4: {  	v59 =	vld [tilespmem:s1+$0x4E70]  }
0xe5: {  	v53 =	vadd.f32 v6, v1;
	v60 =	vld [tilespmem:s1+$0x5370]  }
0xe6: {  	v61 =	vld [tilespmem:s1+$0x4E80];
	v3 =	vadd.f32 v51, v7  }
0xe7: {  	v62 =	vld [tilespmem:s1+$0x5380];
	[tilespmem:s1+$0x6290] =	vst v53;
	v2 =	vadd.f32 v2, v5  }
0xe8: {  	[tilespmem:s1+$0x6220] =	vst v3;
	v1 =	vadd.f32 v54, v52  }
0xe9: {  	[tilespmem:s1+$0x6230] =	vst v2;
	v0 =	vadd.f32 v56, v55  }
0xea: {  	v3 =	vadd.f32 v58, v57;
	[tilespmem:s1+$0x6240] =	vst v1  }
0xeb: {  	v63 =	vadd.f32 v60, v59;
	[tilespmem:s1+$0x6250] =	vst v0  }
0xec: {  	s29 =	sadd.s32 $0x1, s29;
	[tilespmem:s1+$0x6260] =	vst v3;
	v1 =	vadd.f32 v62, v61  }
0xed: {  	p0 =	sne.s32 s29, s13;
	[tilespmem:s1+$0x6270] =	vst v63  }
.Ltmp4:
0xee: {  	[tilespmem:s1+$0x6280] =	vst v1;
	(pc) =	sbr.rel @p0 .LBB2_1-.Ltmp4, $4  }
0xef: {  	[hbm4b:s12+s4] =	stream.linear.scatter [tilespmem:s25], [sflag:$0x5], $0x500, $0x38;
	[tilespmem:$0xB540] =	vst v63  }
0xf0: {  	_ =	swait.ge [sflag:s15], $0x500  }
0xf1: {  	[sflag:s15] =	ssyncset.done $0x0  }
0xf2: {  	[sflag:s15] =	ssyncadd.s32 $0xFFFFFB00  }
0xf3: {  	_ =	sfence.sel $0x180000  }
0xf4: {  	[bflag:$0x0] =	sbarrier.arrive $0xFFFF  }
0xf5: {  	_ =	strace $0x90000047  }
0xf6: {  	s0 =	stileid.u32;
	[bflag:$0x2] =	sbarrier.arrive $0xFFFF  }
0xf7: {  	p0 =	sne.s32 s0, $0x0;
	s0 =	rddreg [dreg:$0x4]  }
0xf8: {  	s0 =	sadd.s32 @!p0 $0x100000, s0  }
0xf9: {  	[sflag:s0] =	ssyncadd.tile.s32 @!p0 $0x1;
	_ =	shalt  }
.Lfunc_end2:
_tile_overlayer_lowered:
.L_overlay_start_2:
0xfa: {  	(tag) =	ssettag $0x2  }
0xfb: {  	s0 =	rddreg [dreg:$0x0];
	s2 =	stileid.u32  }
0xfc: {  	s1 =	rddreg [dreg:$0x1];
	p0 =	sne.s32 s2, $0x0  }
0xfd: {  	s3 =	rddreg [dreg:$0x2];
	[bflag:$0x3] =	sbarrier.arrive $0xFFFF;
	s2 =	simm.s32 @!p0 $0x1C05  }
0xfe: {  	[timem:s3], [sflag:s2] =	dma.local @!p0 [hbm:s0], s1  }
0xff: {  	s0 =	simm.s32 @!p0 $0x5  }
0x100: {  	_ =	swait.ge @!p0 [sflag:s0], s1  }
0x101: {  	s1 =	ssub.s32 @!p0 $0x0, s1;
	[sflag:s0] =	ssyncset.done @!p0 $0x0  }
0x102: {  	[sflag:s0] =	ssyncadd.s32 @!p0 s1  }
0x103: {  	[bflag:$0x3] =	sbarrier.arrive $0xFFFF  }
0x104: {  	_ =	shalt  }

// kernel: kernel.14.cloned.1.call-start
scs
__scs_entry_jumppad:
0x0: {  	(pc) =	sbr.rel $0x88, $3  }
0x1: {  	(tag) =	ssettag $0x0;
	lr =	simm.s32 $0x1  }
0x2: {  	[smem:$0x3F80] =	sst lr;
	_ =	strace $0xD0000000  }
0x3: {  	_ = 	snop  }
0x4: {  	_ = 	snop  }
0x5: {  	_ = 	snop  }
0x6: {  	_ = 	snop  }
0x7: {  	_ = 	snop  }
__scs_overlays_trampoline_lowered:
0x8: {  	[smem:$0x3F8F] =	sst s0  }
0x9: {  	[smem:$0x3F90] =	sst s1  }
0xa: {  	[smem:$0x3F91] =	sst s2  }
0xb: {  	[smem:$0x3F92] =	sst s3  }
0xc: {  	[smem:$0x3F93] =	sst s4  }
0xd: {  	[smem:$0x3F94] =	sst s5  }
0xe: {  	[smem:$0x3F95] =	sst s6  }
0xf: {  	[smem:$0x3F96] =	sst s7  }
0x10: {  	[smem:$0x3F97] =	sst s8  }
0x11: {  	[smem:$0x3F98] =	sst s9;
	s0 =	simm.s32 @!p0 $0x0  }
0x12: {  	s1 =	sld [smem:$0x3F7E];
	s0 =	simm.s32 @p0 $0x1  }
0x13: {  	[smem:$0x3F99] =	sst s0;
	s0 =	simm.s32 @!p1 $0x0  }
0x14: {  	s2 =	sld [smem:$0x3F7D];
	s0 =	simm.s32 @p1 $0x1  }
0x15: {  	[smem:$0x3F9A] =	sst s0;
	s0 =	simm.s32 @!p2 $0x0  }
0x16: {  	s3 =	sld [smem:$0x3FDB];
	s0 =	simm.s32 @p2 $0x1  }
0x17: {  	s4 =	simm.s32 $0x1BF5;
	[smem:$0x3F9C] =	sst s0  }
0x18: {  	s0 =	sld [smem:$0x3F7F];
	_ =	swait.ge [sflag:s4], $0x0  }
0x19: {  	s7 =	sld [smem:$0x3F80]  }
0x1a: {  	s8 =	sadd.s32 $0xFFFFE003, lr  }
0x1b: {  	s9 =	sadd.s32 $0xFFFFFEF7, lr;
	s5 =	simm.s32 $0xFFFFFFFF;
	p2 =	slt.u32 s8, $0xFFFFF086  }
0x1c: {  	p1 =	slt.u32 s9, $0xF7A;
	s5 =	simm.s32 @!p2 $0x0  }
0x1d: {  	s5 =	simm.s32 @p1 $0x1;
	p0 =	seq.s32 s7, s2  }
0x1e: {  	s7 =	smul.u32 @!p0 $0xF7A, s2;
	p2 =	seq.s32 @!p0 s5, $0x0  }
0x1f: {  	s9 =	smul.u32 $0xF7A, s1;
	s8 =	simm.s32 @!p0 $0x1BF5;
	p2 =	por !p2, p0  }
0x20: {  	[sflag:s8] =	ssyncset.s32 @!p0 $0xFFFFF086;
	s6 =	sadd.s32 @!p0 s3, s7;
	s7 =	simm.s32 @!p0 $0x108  }
0x21: {  	s3 =	sadd.s32 s3, s9;
	s6 =	sadd.s32 @!p0 $0x88, s6;
	s7 =	simm.s32 @p2 $0x1082  }
0x22: {  	[simem:s7], [sflag:s8] =	dma.local @!p0 [hbm:s6], $0xF7A  }
0x23: {  	s9 =	sor.u32 $0xD0000000, s2;
	s6 =	simm.s32 $0x108;
	_ =	swait.ge @!p0 [sflag:s8], $0x0  }
0x24: {  	s3 =	sadd.s32 $0x88, s3;
	s6 =	simm.s32 @!p1 $0x1082;
	[sflag:s4] =	ssyncset.s32 $0xFFFFF086  }
0x25: {  	[simem:s6], [sflag:s4] =	dma.local [hbm:s3], $0xF7A  }
0x26: {  	[smem:$0x3F80] =	sst s1;
	(tag) =	ssettag s2;
	_ =	strace s9  }
0x27: {  	s1 =	sld [smem:$0x3F90]  }
0x28: {  	s2 =	sld [smem:$0x3F91]  }
0x29: {  	s4 =	sld [smem:$0x3F93]  }
0x2a: {  	p0 =	seq.s32 s5, $0x0;
	s5 =	sld [smem:$0x3F94]  }
0x2b: {  	s6 =	sld [smem:$0x3F95]  }
0x2c: {  	s7 =	sld [smem:$0x3F96]  }
0x2d: {  	s3 =	simm.s32 $0x108;
	s8 =	sld [smem:$0x3F97]  }
0x2e: {  	s3 =	simm.s32 @!p0 $0x1082;
	s9 =	sld [smem:$0x3F98]  }
0x2f: {  	lr =	sadd.s32 s0, s3;
	s0 =	sld [smem:$0x3F8F]  }
0x30: {  	s3 =	sld [smem:$0x3F92]  }
0x31: {  	[smem:$0x3F9B] =	sst s10  }
0x32: {  	s10 =	sld [smem:$0x3F99];
	_ =	sdelay $0x3  }
0x33: {  	p0 =	seq.s32 s10, $0x1;
	s10 =	sld [smem:$0x3F9B];
	_ =	sdelay $0x3  }
0x34: {  	[smem:$0x3F9B] =	sst s10  }
0x35: {  	s10 =	sld [smem:$0x3F9A];
	_ =	sdelay $0x3  }
0x36: {  	p1 =	seq.s32 s10, $0x1;
	s10 =	sld [smem:$0x3F9B];
	_ =	sdelay $0x3  }
0x37: {  	[smem:$0x3F9B] =	sst s10  }
0x38: {  	s10 =	sld [smem:$0x3F9C]  }
0x39: {  	_ = 	snop;
	(pc) =	sbr.ind lr, $3  }
0x3a: {  	_ = 	snop  }
0x3b: {  	_ = 	snop  }
0x3c: {  	p2 =	seq.s32 s10, $0x1;
	s10 =	sld [smem:$0x3F9B]  }
0x3d: {  	_ =	shalt  }
0x3e: {  	_ =	shalt  }
0x3f: {  	_ =	shalt  }
0x40: {  	_ =	shalt  }
0x41: {  	_ =	shalt  }
0x42: {  	_ =	shalt  }
0x43: {  	_ =	shalt  }
0x44: {  	_ =	shalt  }
0x45: {  	_ =	shalt  }
0x46: {  	_ =	shalt  }
0x47: {  	_ =	shalt  }
0x48: {  	_ =	shalt  }
0x49: {  	_ =	shalt  }
0x4a: {  	_ =	shalt  }
0x4b: {  	_ =	shalt  }
0x4c: {  	_ =	shalt  }
0x4d: {  	_ =	shalt  }
0x4e: {  	_ =	shalt  }
0x4f: {  	_ =	shalt  }
0x50: {  	_ =	shalt  }
0x51: {  	_ =	shalt  }
0x52: {  	_ =	shalt  }
0x53: {  	_ =	shalt  }
0x54: {  	_ =	shalt  }
0x55: {  	_ =	shalt  }
0x56: {  	_ =	shalt  }
0x57: {  	_ =	shalt  }
0x58: {  	_ =	shalt  }
0x59: {  	_ =	shalt  }
0x5a: {  	_ =	shalt  }
0x5b: {  	_ =	shalt  }
0x5c: {  	_ =	shalt  }
0x5d: {  	_ =	shalt  }
0x5e: {  	_ =	shalt  }
0x5f: {  	_ =	shalt  }
0x60: {  	_ =	shalt  }
0x61: {  	_ =	shalt  }
0x62: {  	_ =	shalt  }
0x63: {  	_ =	shalt  }
0x64: {  	_ =	shalt  }
0x65: {  	_ =	shalt  }
0x66: {  	_ =	shalt  }
0x67: {  	_ =	shalt  }
0x68: {  	_ =	shalt  }
0x69: {  	_ =	shalt  }
0x6a: {  	_ =	shalt  }
0x6b: {  	_ =	shalt  }
0x6c: {  	_ =	shalt  }
0x6d: {  	_ =	shalt  }
0x6e: {  	_ =	shalt  }
0x6f: {  	_ =	shalt  }
0x70: {  	_ =	shalt  }
0x71: {  	_ =	shalt  }
0x72: {  	_ =	shalt  }
0x73: {  	_ =	shalt  }
0x74: {  	_ =	shalt  }
0x75: {  	_ =	shalt  }
0x76: {  	_ =	shalt  }
0x77: {  	_ =	shalt  }
0x78: {  	_ =	shalt  }
0x79: {  	_ =	shalt  }
0x7a: {  	_ =	shalt  }
0x7b: {  	_ =	shalt  }
0x7c: {  	_ =	shalt  }
0x7d: {  	_ =	shalt  }
0x7e: {  	_ =	shalt  }
0x7f: {  	_ =	shalt  }
0x80: {  	_ =	shalt  }
0x81: {  	_ =	shalt  }
0x82: {  	_ =	shalt  }
0x83: {  	_ =	shalt  }
0x84: {  	_ =	shalt  }
0x85: {  	_ =	shalt  }
0x86: {  	_ =	shalt  }
0x87: {  	_ =	shalt  }
.Lfunc_end0:
.L_simem_size_0:
called_computation.1_lowered:
.L_overlay_start_0:
0x88: {  	s2 =	sld [smem:$0x3FD9]  }
0x89: {  	s3 =	sld [smem:$0x3FFE];
	_ =	sdelay $0x1  }
0x8a: {  	s1 =	srdreg.scid  }
0x8b: {  	s0 =	sand.u32 $0x1, s1  }
0x8c: {  	s17 =	sshll.u32 s0, $0xA;
	s2 =	sadd.s32 s3, s2  }
0x8d: {  	s2 =	sadd.s32 s2, s17  }
0x8e: {  	[smem:$0x3FA7] =	sst s2  }
0x8f: {  	_ = 	snop  }
0x90: {  	s2 =	sld [smem:$0x3FD0];
	(tm) =	ssettm $0x1  }
0x91: {  	s18 =	sld [smem:$0x3FFB];
	_ =	sdelay $0x3  }
0x92: {  	_ =	strace s18  }
0x93: {  	s3 =	sld [smem:$0x3FFC];
	_ =	sdelay $0x3  }
0x94: {  	_ =	strace s3  }
0x95: {  	s3 =	sld [smem:$0x3FFD];
	_ =	sdelay $0x3  }
0x96: {  	_ =	strace s3  }
0x97: {  	_ =	strace $0x8FFFFFFF  }
0x98: {  	s19 =	sld [smem:$0x3FDB];
	_ =	sdelay $0x1  }
0x99: {  	s4 =	simm.s32 $_scs_section_size  }
0x9a: {  	s5 =	simm.s32 $_size__tile_overlayer_lowered;
	s6 =	simm.s32 $_tile_overlayer_lowered  }
0x9b: {  	s22 =	simm.s32 $0x1BFF;
	s21 =	sshll.u32 s6, $0x1;
	s3 =	sadd.s32 s4, s19  }
0x9c: {  	s7 =	simm.s32 $0x0;
	s20 =	sshll.u32 s5, $0x1;
	s5 =	sadd.s32 s21, s3  }
0x9d: {  	[timem:s7], [sflag:s22] =	dma.local [hbm:s5], s20  }
0x9e: {  	_ =	swait.ge [sflag:s22], s20  }
0x9f: {  	s4 =	ssub.s32 $0x0, s20;
	[sflag:s22] =	ssyncset.done $0x0  }
0xa0: {  	[sflag:s22] =	ssyncadd.s32 s4;
	_ =	sdelay $0x1  }
0xa1: {  	s23 =	simm.s32 $0x1B8B  }
0xa2: {  	_ =	swait.ge [sflag:s23], $0x1  }
0xa3: {  	[sflag:s23] =	ssyncset.done $0x0  }
0xa4: {  	s25 =	simm.s32 $0x1B8E;
	s24 =	sld [smem:$0x3FFE];
	[sflag:s23] =	ssyncadd.s32 $0xFFFFFFFF  }
0xa5: {  	s26 =	simm.s32 $execute0_lowered;
	[smem:$0x3FD2] =	sst s25  }
0xa6: {  	s5 =	sshll.u32 s26, $0x1;
	_ =	strace $0x80000049;
	[dreg:$0x1] =	wrdreg $0xFFFFFFFF  }
0xa7: {  	s28 =	simm.s32 $_size_execute0_lowered;
	s3 =	sadd.s32 s3, s5;
	[dreg:$0x0] =	wrdreg $0x0  }
0xa8: {  	s5 =	sshll.u32 s28, $0x1;
	[dreg:$0x2] =	wrdreg s3  }
0xa9: {  	[dreg:$0x3] =	wrdreg s5  }
0xaa: {  	[dreg:$0x4] =	wrdreg $0xC0  }
0xab: {  	_ =	task [dreg:s7], $0x5FFFF  }
0xac: {  	[dreg:$0x1] =	wrdreg $0xFFFFFFFF  }
0xad: {  	[dreg:$0x0] =	wrdreg $0x60  }
0xae: {  	[dreg:$0x2] =	wrdreg s24  }
0xaf: {  	[dreg:$0x3] =	wrdreg s2  }
0xb0: {  	[dreg:$0x4] =	wrdreg $0x60200  }
0xb1: {  	[dreg:$0x5] =	wrdreg $0x88200  }
0xb2: {  	[dreg:$0x6] =	wrdreg $0x9  }
0xb3: {  	_ =	task.clear_ibuf [dreg:s7], $0x7FFFF;
	_ =	strace $0x90000049  }
0xb4: {  	s29 =	simm.s32 $0x9;
	_ =	strace $0x8000004B  }
0xb5: {  	_ =	swait.ge [sflag:s29], $0x1  }
0xb6: {  	[sflag:s29] =	ssyncadd.s32 $0xFFFFFFFF  }
0xb7: {  	_ =	strace $0x9000004B  }
0xb8: {  	_ =	sfence  }
0xb9: {  	s30 =	sld [smem:$0x0];
	_ =	sdelay $0x2  }
0xba: {  	s31 =	sshll.u32 s1, $0xD;
	s1 =	sshrl.u32 s1, $0x2  }
0xbb: {  	s3 =	sand.u32 $0x4000, s31;
	s1 =	sadd.s32 s1, s30  }
0xbc: {  	s0 =	sor.u32 s3, s0;
	s1 =	sshll.u32 s1, $0x11  }
0xbd: {  	s0 =	sor.u32 s1, s0  }
0xbe: {  	s0 =	sadd.s32 $0x8F2B, s0  }
0xbf: {  	[sflag:s0] =	ssyncadd.remote.s32 $0x1  }
0xc0: {  	_ =	sfence.sel $0xFFFF  }
0xc1: {  	[dreg:$0x0] =	wrdreg $0xFFFFFFFF;
	(pc) =	sbr.abs _section_cstart, $3  }
0xc2: {  	[dreg:$0x1] =	wrdreg $0xFFFFFFFF  }
0xc3: {  	_ =	task.clear_ibuf [dreg:s7], $0x2FFFF;
	_ =	strace $0x9FFFFFFF  }
0xc4: {  	(tm) =	ssettm $0x7FFFFFFF  }
0xc5: {  	_ =	shalt  }
tec
execute0_lowered:
.L_overlay_start_1:
0x0: {  	(tag) =	ssettag $0x1  }
0x1: {  	s0 =	rddreg [dreg:$0x0]  }
0x2: {  	s1 =	rddreg [dreg:$0x1]  }
0x3: {  	s2 =	rddreg [dreg:$0x2]  }
0x4: {  	s3 =	rddreg [dreg:$0x3];
	s5 =	srdreg.scid  }
0x5: {  	s13 =	stileid.u32;
	s4 =	simm.s32 $0x0;
	s28 =	simm.s32 $0x1  }
0x6: {  	s29 =	simm.s32 $0x50;
	s30 =	simm.s32 $0x3;
	s6 =	smul.u32 $0x2800, s13  }
0x7: {  	s31 =	simm.s32 $0x4;
	s5 =	sand.u32 $0x1, s5;
	s21 =	smul.u32 $0x4E20, s13  }
0x8: {  	[smem:$0x7FF] =	sst s4;
	s7 =	sshll.u32 s13, $0x1;
	s8 =	smul.u32 $0x28000, s5  }
0x9: {  	s7 =	sor.u32 s5, s7;
	s10 =	ssub.s32 $0x2, s5;
	s5 =	smul.u32 $0x2710, s5  }
0xa: {  	s20 =	sadd.s32 $0x39600, s0;
	_ =	strace $0x8000004A;
	s9 =	smul.u32 $0x4E2, s7  }
0xb: {  	s11 =	sshrl.u32 s10, $0x1;
	s7 =	smul.u32 $0x4E20, s7;
	s22 =	sadd.s32 $0x800, s6  }
0xc: {  	s23 =	sadd.s32 $0x1000, s6;
	s25 =	sadd.s32 $0x1800, s6;
	s26 =	sadd.s32 $0x2000, s6  }
0xd: {  	s8 =	sadd.s32 s6, s8;
	s12 =	ssub.s32 s10, s11;
	s11 =	sadd.s32 s6, s3  }
0xe: {  	s24 =	sadd.s32 s22, s2;
	s14 =	sadd.s32 s22, s3;
	s15 =	sadd.s32 s23, s2  }
0xf: {  	s16 =	sadd.s32 s23, s3;
	s17 =	sadd.s32 s25, s2;
	s23 =	simm.s32 $0x5820  }
0x10: {  	s8 =	sshrl.u32 s8, $0x3;
	s7 =	sadd.s32 s20, s7;
	[dreg:$0xb] =	wrdreg s24  }
0x11: {  	s9 =	sadd.s32 s9, s0;
	s19 =	smax.u32 s12, $0x1;
	[dreg:$0x7] =	wrdreg s7  }
0x12: {  	s24 =	simm.s32 $0x5;
	s18 =	sadd.s32 $0x25A00, s9;
	[dreg:$0xa] =	wrdreg s19  }
0x13: {  	s0 =	sadd.s32 s8, s0;
	s9 =	sadd.s32 $0x2F800, s9;
	[dreg:$0x5] =	wrdreg s18  }
0x14: {  	s1 =	sadd.s32 s1, s8;
	s19 =	sadd.s32 s26, s2;
	[dreg:$0x6] =	wrdreg s9  }
0x15: {  	[dreg:$0x8] =	wrdreg s1;
	s9 =	sadd.s32 s6, s2;
	s0 =	sadd.s32 $0x9A00, s0  }
0x16: {  	s18 =	sadd.s32 s25, s3;
	[dreg:$0x9] =	wrdreg s0;
	s0 =	sadd.s32 s5, s21  }
0x17: {  	s25 =	simm.s32 $0x4E20;
	s1 =	simm.s32 $0x0;
	s0 =	sshll.u32 s0, $0x1  }
0x18: {  	s0 =	sadd.s32 s20, s0;
	s20 =	sadd.s32 s26, s3;
	s26 =	simm.s32 $0x5320  }
0x19: {  	v0 =	vimm.f32 $0.0e+00;
	s21 =	sadd.s32 $0x140, s0;
	s22 =	sadd.s32 $0xA0, s0;
	s0 =	simm.s32 $0x2  }
.LBB2_1:
0x1a: {  	s5 =	simm.s32 $0x40;
	s6 =	simm.s32 $0x0  }
.LBB2_2:
0x1b: {  	p0 =	sne.s32 s5, $0x1FC0;
	[tilespmem:s6+$0x5820] =	vst v0;
	s6 =	smov.u32 s5;
	s5 =	sadd.s32 $0x40, s5  }
.Ltmp0:
0x1c: {  	(pc) =	sbr.rel @p0 .LBB2_2-.Ltmp0, $2  }
0x1d: {  	_ =	sdelay $0x2  }
0x1e: {  	s6 =	sshra.s32 s6, $0x2  }
0x1f: {  	[tilespmem:s6+$0x5820] =	vst v0  }
0x20: {  	[spmem:s9] =	stream.linear.scatter [tilespmem:s23], [sflag:$0x5], $0x800, $0x38;
	[tilespmem:$0xB020] =	vst v63  }
0x21: {  	_ =	swait.ge [sflag:s24], $0x800  }
0x22: {  	[sflag:s24] =	ssyncset.done $0x0  }
0x23: {  	[sflag:s24] =	ssyncadd.s32 $0xFFFFF800  }
0x24: {  	[spmem:s11] =	stream.linear.scatter [tilespmem:s23], [sflag:$0x5], $0x800, $0x38;
	[tilespmem:$0xB020] =	vst v63  }
0x25: {  	_ =	swait.ge [sflag:s24], $0x800  }
0x26: {  	[sflag:s24] =	ssyncset.done $0x0  }
0x27: {  	s5 =	rddreg [dreg:$0xb];
	[sflag:s24] =	ssyncadd.s32 $0xFFFFF800  }
0x28: {  	[spmem:s5] =	stream.linear.scatter [tilespmem:s23], [sflag:$0x5], $0x800, $0x38;
	[tilespmem:$0xB020] =	vst v63  }
0x29: {  	_ =	swait.ge [sflag:s24], $0x800  }
0x2a: {  	[sflag:s24] =	ssyncset.done $0x0  }
0x2b: {  	[sflag:s24] =	ssyncadd.s32 $0xFFFFF800  }
0x2c: {  	[spmem:s14] =	stream.linear.scatter [tilespmem:s23], [sflag:$0x5], $0x800, $0x38;
	[tilespmem:$0xB020] =	vst v63  }
0x2d: {  	_ =	swait.ge [sflag:s24], $0x800  }
0x2e: {  	[sflag:s24] =	ssyncset.done $0x0  }
0x2f: {  	[sflag:s24] =	ssyncadd.s32 $0xFFFFF800  }
0x30: {  	[spmem:s15] =	stream.linear.scatter [tilespmem:s23], [sflag:$0x5], $0x800, $0x38;
	[tilespmem:$0xB020] =	vst v63  }
0x31: {  	_ =	swait.ge [sflag:s24], $0x800  }
0x32: {  	[sflag:s24] =	ssyncset.done $0x0  }
0x33: {  	[sflag:s24] =	ssyncadd.s32 $0xFFFFF800  }
0x34: {  	[spmem:s16] =	stream.linear.scatter [tilespmem:s23], [sflag:$0x5], $0x800, $0x38;
	[tilespmem:$0xB020] =	vst v63  }
0x35: {  	_ =	swait.ge [sflag:s24], $0x800  }
0x36: {  	[sflag:s24] =	ssyncset.done $0x0  }
0x37: {  	[sflag:s24] =	ssyncadd.s32 $0xFFFFF800  }
0x38: {  	[spmem:s17] =	stream.linear.scatter [tilespmem:s23], [sflag:$0x5], $0x800, $0x38;
	[tilespmem:$0xB020] =	vst v63  }
0x39: {  	_ =	swait.ge [sflag:s24], $0x800  }
0x3a: {  	[sflag:s24] =	ssyncset.done $0x0  }
0x3b: {  	[sflag:s24] =	ssyncadd.s32 $0xFFFFF800  }
0x3c: {  	[spmem:s18] =	stream.linear.scatter [tilespmem:s23], [sflag:$0x5], $0x800, $0x38;
	[tilespmem:$0xB020] =	vst v63  }
0x3d: {  	_ =	swait.ge [sflag:s24], $0x800  }
0x3e: {  	[sflag:s24] =	ssyncset.done $0x0  }
0x3f: {  	[sflag:s24] =	ssyncadd.s32 $0xFFFFF800  }
0x40: {  	[spmem:s19] =	stream.linear.scatter [tilespmem:s23], [sflag:$0x5], $0x800, $0x38;
	[tilespmem:$0xB020] =	vst v63  }
0x41: {  	_ =	swait.ge [sflag:s24], $0x800  }
0x42: {  	[sflag:s24] =	ssyncset.done $0x0  }
0x43: {  	[sflag:s24] =	ssyncadd.s32 $0xFFFFF800  }
0x44: {  	[spmem:s20] =	stream.linear.scatter [tilespmem:s23], [sflag:$0x5], $0x800, $0x38;
	[tilespmem:$0xB020] =	vst v63  }
0x45: {  	_ =	swait.ge [sflag:s24], $0x800  }
0x46: {  	[sflag:s24] =	ssyncset.done $0x0  }
0x47: {  	s5 =	simm.s32 $0x0;
	s10 =	rddreg [dreg:$0x5];
	[sflag:s24] =	ssyncadd.s32 $0xFFFFF800  }
0x48: {  	[tilespmem:s5], [sflag:$0x5] =	stream.linear.gather [hbm4b:s10+s5], $0x2710, $0x38;
	[tilespmem:$0xB020] =	vst v63  }
0x49: {  	_ =	swait.ge [sflag:s24], $0x2710  }
0x4a: {  	[sflag:s24] =	ssyncset.done $0x0  }
0x4b: {  	s12 =	simm.s32 $0x2710;
	s7 =	rddreg [dreg:$0x6];
	[sflag:s24] =	ssyncadd.s32 $0xFFFFD8F0  }
0x4c: {  	[tilespmem:s12], [sflag:$0x5] =	stream.linear.gather [hbm4b:s7+s5], $0x2710, $0x38;
	[tilespmem:$0xB020] =	vst v63  }
0x4d: {  	_ =	swait.ge [sflag:s24], $0x2710  }
0x4e: {  	[sflag:s24] =	ssyncset.done $0x0  }
0x4f: {  	[sflag:s24] =	ssyncadd.s32 $0xFFFFD8F0  }
0x50: {  	[bflag:$0x0] =	sbarrier.arrive $0xFFFF  }
0x51: {  	s13 =	rddreg [dreg:$0x7]  }
0x52: {  	[tilespmem:s25], [sflag:$0x1] =	stream.linear.gather [hbm4b:s13+s5], $0x500, $0x38;
	[tilespmem:$0xB020] =	vst v63  }
0x53: {  	s8 =	sadd.s32 $0x0, s22  }
0x54: {  	[tilespmem:s26], [sflag:$0x2] =	stream.linear.gather [hbm4b:s8+s4], $0x500, $0x38;
	[tilespmem:$0xB020] =	vst v63  }
0x55: {  	_ =	swait.ge [sflag:s28], $0x500  }
0x56: {  	[sflag:s28] =	ssyncset.done $0x0  }
0x57: {  	[sflag:s28] =	ssyncadd.s32 $0xFFFFFB00  }
0x58: {  	[spmem:s2] =	stream.indirect.scatter.add.f32 [tilespmem:s25], [sflag:$0x3], $0x10, s5, s29, $0xb8;
	[tilespmem:$0xB020] =	vst v63  }
0x59: {  	_ = 	snop  }
0x5a: {  	[spmem:s3] =	stream.indirect.scatter.add.f32 [tilespmem:s25], [sflag:$0x4], $0x10, s12, s29, $0xb8;
	[tilespmem:$0xB020] =	vst v63  }
0x5b: {  	_ =	swait.ge [sflag:s30], $0x500  }
0x5c: {  	[sflag:s30] =	ssyncset.done $0x0  }
0x5d: {  	[sflag:s30] =	ssyncadd.s32 $0xFFFFFB00  }
0x5e: {  	_ =	swait.ge [sflag:s31], $0x500  }
0x5f: {  	[sflag:s31] =	ssyncset.done $0x0  }
0x60: {  	s10 =	sadd.s32 $0x0, s21;
	[sflag:s31] =	ssyncadd.s32 $0xFFFFFB00  }
0x61: {  	[tilespmem:s25], [sflag:$0x1] =	stream.linear.gather [hbm4b:s10+s4], $0x500, $0x38;
	[tilespmem:$0xB020] =	vst v63  }
0x62: {  	_ =	swait.ge [sflag:s0], $0x500  }
0x63: {  	[sflag:s0] =	ssyncset.done $0x0  }
0x64: {  	s12 =	simm.s32 $0x50;
	[sflag:s0] =	ssyncadd.s32 $0xFFFFFB00  }
0x65: {  	[spmem:s2] =	stream.indirect.scatter.add.f32 [tilespmem:s26], [sflag:$0x3], $0x10, s12, s29, $0xb8;
	[tilespmem:$0xB020] =	vst v63  }
0x66: {  	s13 =	simm.s32 $0x2760  }
0x67: {  	[spmem:s3] =	stream.indirect.scatter.add.f32 [tilespmem:s26], [sflag:$0x4], $0x10, s13, s29, $0xb8;
	[tilespmem:$0xB020] =	vst v63  }
0x68: {  	_ =	swait.ge [sflag:s30], $0x500  }
0x69: {  	[sflag:s30] =	ssyncset.done $0x0  }
0x6a: {  	[sflag:s30] =	ssyncadd.s32 $0xFFFFFB00  }
0x6b: {  	s6 =	simm.s32 $0xA0;
	s7 =	simm.s32 $0x140;
	_ =	swait.ge [sflag:s31], $0x500  }
0x6c: {  	s8 =	simm.s32 $0x280;
	s5 =	simm.s32 $0x27B0;
	[sflag:s31] =	ssyncset.done $0x0  }
.LBB2_4:
0x6d: {  	s10 =	sadd.s32 s7, s22  }
0x6e: {  	[sflag:s31] =	ssyncadd.s32 $0xFFFFFB00;
	s12 =	smov.u32 s8;
	s13 =	sadd.s32 $0x140, s8  }
0x6f: {  	[tilespmem:s26], [sflag:$0x2] =	stream.linear.gather [hbm4b:s10+s4], $0x500, $0x38;
	[tilespmem:$0xB020] =	vst v63  }
0x70: {  	p0 =	sne.s32 s8, $0x4C40;
	_ =	swait.ge [sflag:s28], $0x500  }
0x71: {  	[sflag:s28] =	ssyncset.done $0x0  }
0x72: {  	[sflag:s28] =	ssyncadd.s32 $0xFFFFFB00  }
0x73: {  	[spmem:s2] =	stream.indirect.scatter.add.f32 [tilespmem:s25], [sflag:$0x3], $0x10, s6, s29, $0xb8;
	[tilespmem:$0xB020] =	vst v63  }
0x74: {  	_ = 	snop  }
0x75: {  	[spmem:s3] =	stream.indirect.scatter.add.f32 [tilespmem:s25], [sflag:$0x4], $0x10, s5, s29, $0xb8;
	[tilespmem:$0xB020] =	vst v63  }
0x76: {  	_ =	swait.ge [sflag:s30], $0x500  }
0x77: {  	[sflag:s30] =	ssyncset.done $0x0  }
0x78: {  	[sflag:s30] =	ssyncadd.s32 $0xFFFFFB00  }
0x79: {  	_ =	swait.ge [sflag:s31], $0x500  }
0x7a: {  	[sflag:s31] =	ssyncset.done $0x0  }
0x7b: {  	s8 =	sadd.s32 s7, s21;
	s7 =	smov.u32 s12;
	[sflag:s31] =	ssyncadd.s32 $0xFFFFFB00  }
0x7c: {  	[tilespmem:s25], [sflag:$0x1] =	stream.linear.gather [hbm4b:s8+s4], $0x500, $0x38;
	[tilespmem:$0xB020] =	vst v63  }
0x7d: {  	_ =	swait.ge [sflag:s0], $0x500  }
0x7e: {  	[sflag:s0] =	ssyncset.done $0x0  }
0x7f: {  	s8 =	sadd.s32 $0x50, s6;
	[sflag:s0] =	ssyncadd.s32 $0xFFFFFB00  }
0x80: {  	[spmem:s2] =	stream.indirect.scatter.add.f32 [tilespmem:s26], [sflag:$0x3], $0x10, s8, s29, $0xb8;
	[tilespmem:$0xB020] =	vst v63  }
0x81: {  	s8 =	sadd.s32 $0x50, s5  }
0x82: {  	[spmem:s3] =	stream.indirect.scatter.add.f32 [tilespmem:s26], [sflag:$0x4], $0x10, s8, s29, $0xb8;
	[tilespmem:$0xB020] =	vst v63  }
.Ltmp1:
0x83: {  	_ =	swait.ge [sflag:s30], $0x500;
	(pc) =	sbr.rel @p0 .LBB2_4-.Ltmp1, $4  }
0x84: {  	[sflag:s30] =	ssyncset.done $0x0  }
0x85: {  	[sflag:s30] =	ssyncadd.s32 $0xFFFFFB00  }
0x86: {  	s6 =	sadd.s32 $0xA0, s6;
	_ =	swait.ge [sflag:s31], $0x500  }
0x87: {  	s5 =	sadd.s32 $0xA0, s5;
	s8 =	smov.u32 s13;
	[sflag:s31] =	ssyncset.done $0x0  }
0x88: {  	s8 =	sadd.s32 s7, s22;
	[sflag:s31] =	ssyncadd.s32 $0xFFFFFB00  }
0x89: {  	[tilespmem:s26], [sflag:$0x2] =	stream.linear.gather [hbm4b:s8+s4], $0x500, $0x38;
	[tilespmem:$0xB020] =	vst v63  }
0x8a: {  	_ =	swait.ge [sflag:s28], $0x500  }
0x8b: {  	[sflag:s28] =	ssyncset.done $0x0  }
0x8c: {  	[sflag:s28] =	ssyncadd.s32 $0xFFFFFB00  }
0x8d: {  	[spmem:s2] =	stream.indirect.scatter.add.f32 [tilespmem:s25], [sflag:$0x3], $0x10, s6, s29, $0xb8;
	[tilespmem:$0xB020] =	vst v63  }
0x8e: {  	_ = 	snop  }
0x8f: {  	[spmem:s3] =	stream.indirect.scatter.add.f32 [tilespmem:s25], [sflag:$0x4], $0x10, s5, s29, $0xb8;
	[tilespmem:$0xB020] =	vst v63  }
0x90: {  	_ =	swait.ge [sflag:s30], $0x500  }
0x91: {  	[sflag:s30] =	ssyncset.done $0x0  }
0x92: {  	[sflag:s30] =	ssyncadd.s32 $0xFFFFFB00  }
0x93: {  	_ =	swait.ge [sflag:s31], $0x500  }
0x94: {  	[sflag:s31] =	ssyncset.done $0x0  }
0x95: {  	s13 =	sadd.s32 s7, s21;
	[sflag:s31] =	ssyncadd.s32 $0xFFFFFB00  }
0x96: {  	[tilespmem:s25], [sflag:$0x1] =	stream.linear.gather [hbm4b:s13+s4], $0x500, $0x38;
	[tilespmem:$0xB020] =	vst v63  }
0x97: {  	_ =	swait.ge [sflag:s0], $0x500  }
0x98: {  	[sflag:s0] =	ssyncset.done $0x0  }
0x99: {  	s8 =	sadd.s32 $0x50, s6;
	[sflag:s0] =	ssyncadd.s32 $0xFFFFFB00  }
0x9a: {  	[spmem:s2] =	stream.indirect.scatter.add.f32 [tilespmem:s26], [sflag:$0x3], $0x10, s8, s29, $0xb8;
	[tilespmem:$0xB020] =	vst v63  }
0x9b: {  	s10 =	sadd.s32 $0x50, s5  }
0x9c: {  	[spmem:s3] =	stream.indirect.scatter.add.f32 [tilespmem:s26], [sflag:$0x4], $0x10, s10, s29, $0xb8;
	[tilespmem:$0xB020] =	vst v63  }
0x9d: {  	_ =	swait.ge [sflag:s30], $0x500  }
0x9e: {  	[sflag:s30] =	ssyncset.done $0x0  }
0x9f: {  	[sflag:s30] =	ssyncadd.s32 $0xFFFFFB00  }
0xa0: {  	_ =	swait.ge [sflag:s31], $0x500  }
0xa1: {  	[sflag:s31] =	ssyncset.done $0x0  }
0xa2: {  	[sflag:s31] =	ssyncadd.s32 $0xFFFFFB00  }
0xa3: {  	_ =	swait.ge [sflag:s28], $0x500  }
0xa4: {  	[sflag:s28] =	ssyncset.done $0x0  }
0xa5: {  	s12 =	simm.s32 $0x26C0;
	[sflag:s28] =	ssyncadd.s32 $0xFFFFFB00  }
0xa6: {  	[spmem:s2] =	stream.indirect.scatter.add.f32 [tilespmem:s25], [sflag:$0x3], $0x10, s12, s29, $0xb8;
	[tilespmem:$0xB020] =	vst v63  }
0xa7: {  	s13 =	simm.s32 $0x4DD0  }
0xa8: {  	[spmem:s3] =	stream.indirect.scatter.add.f32 [tilespmem:s25], [sflag:$0x4], $0x10, s13, s29, $0xb8;
	[tilespmem:$0xB020] =	vst v63  }
0xa9: {  	_ =	swait.ge [sflag:s30], $0x500  }
0xaa: {  	[sflag:s30] =	ssyncset.done $0x0  }
0xab: {  	[sflag:s30] =	ssyncadd.s32 $0xFFFFFB00  }
0xac: {  	_ =	swait.ge [sflag:s31], $0x500  }
0xad: {  	[sflag:s31] =	ssyncset.done $0x0  }
0xae: {  	s6 =	stileid.u32;
	[sflag:s31] =	ssyncadd.s32 $0xFFFFFB00  }
0xaf: {  	s5 =	sshll.u32 s6, $0x6;
	[bflag:$0x0] =	sbarrier.arrive $0xFFFF  }
0xb0: {  	s7 =	sshrl.u32 s9, $0x3;
	s5 =	sor.u32 $0x1C05, s5;
	s8 =	rddreg [dreg:$0x8]  }
0xb1: {  	[hbm:s8], [sflag:s5] =	dma.local [spmem:s7], $0x500  }
0xb2: {  	_ =	swait.ge [sflag:s24], $0x500  }
0xb3: {  	[sflag:s24] =	ssyncset.done $0x0  }
0xb4: {  	s10 =	sshrl.u32 s11, $0x3;
	s12 =	rddreg [dreg:$0x9];
	[sflag:s24] =	ssyncadd.s32 $0xFFFFFB00  }
0xb5: {  	[hbm:s12], [sflag:s5] =	dma.local [spmem:s10], $0x500  }
0xb6: {  	_ =	swait.ge [sflag:s24], $0x500  }
0xb7: {  	s1 =	sadd.s32 $0x1, s1;
	s13 =	rddreg [dreg:$0xa]  }
0xb8: {  	p0 =	sne.s32 s1, s13  }
.Ltmp2:
0xb9: {  	_ = 	snop;
	(pc) =	sbr.rel @p0 .LBB2_1-.Ltmp2, $3  }
0xba: {  	_ =	sdelay $0x1  }
0xbb: {  	[sflag:s24] =	ssyncset.done $0x0  }
0xbc: {  	[sflag:s24] =	ssyncadd.s32 $0xFFFFFB00  }
0xbd: {  	_ =	sfence.sel $0x180000  }
0xbe: {  	[bflag:$0x0] =	sbarrier.arrive $0xFFFF  }
0xbf: {  	_ =	strace $0x9000004A  }
0xc0: {  	s0 =	stileid.u32;
	[bflag:$0x2] =	sbarrier.arrive $0xFFFF  }
0xc1: {  	p0 =	sne.s32 s0, $0x0;
	s0 =	rddreg [dreg:$0x4]  }
0xc2: {  	s0 =	sadd.s32 @!p0 $0x100000, s0  }
0xc3: {  	[sflag:s0] =	ssyncadd.tile.s32 @!p0 $0x1;
	_ =	shalt  }
.Lfunc_end2:
_tile_overlayer_lowered:
.L_overlay_start_2:
0xc4: {  	(tag) =	ssettag $0x2  }
0xc5: {  	s0 =	rddreg [dreg:$0x0];
	s2 =	stileid.u32  }
0xc6: {  	s1 =	rddreg [dreg:$0x1];
	p0 =	sne.s32 s2, $0x0  }
0xc7: {  	s3 =	rddreg [dreg:$0x2];
	[bflag:$0x3] =	sbarrier.arrive $0xFFFF;
	s2 =	simm.s32 @!p0 $0x1C05  }
0xc8: {  	[timem:s3], [sflag:s2] =	dma.local @!p0 [hbm:s0], s1  }
0xc9: {  	s0 =	simm.s32 @!p0 $0x5  }
0xca: {  	_ =	swait.ge @!p0 [sflag:s0], s1  }
0xcb: {  	s1 =	ssub.s32 @!p0 $0x0, s1;
	[sflag:s0] =	ssyncset.done @!p0 $0x0  }
0xcc: {  	[sflag:s0] =	ssyncadd.s32 @!p0 s1  }
0xcd: {  	[bflag:$0x3] =	sbarrier.arrive $0xFFFF  }
0xce: {  	_ =	shalt  }

// kernel: kernel.17.cloned.1.call-start
scs
__scs_entry_jumppad:
0x0: {  	(pc) =	sbr.rel $0x88, $3  }
0x1: {  	(tag) =	ssettag $0x0;
	lr =	simm.s32 $0x1  }
0x2: {  	[smem:$0x3F80] =	sst lr;
	_ =	strace $0xD0000000  }
0x3: {  	_ = 	snop  }
0x4: {  	_ = 	snop  }
0x5: {  	_ = 	snop  }
0x6: {  	_ = 	snop  }
0x7: {  	_ = 	snop  }
__scs_overlays_trampoline_lowered:
0x8: {  	[smem:$0x3F8F] =	sst s0  }
0x9: {  	[smem:$0x3F90] =	sst s1  }
0xa: {  	[smem:$0x3F91] =	sst s2  }
0xb: {  	[smem:$0x3F92] =	sst s3  }
0xc: {  	[smem:$0x3F93] =	sst s4  }
0xd: {  	[smem:$0x3F94] =	sst s5  }
0xe: {  	[smem:$0x3F95] =	sst s6  }
0xf: {  	[smem:$0x3F96] =	sst s7  }
0x10: {  	[smem:$0x3F97] =	sst s8  }
0x11: {  	[smem:$0x3F98] =	sst s9;
	s0 =	simm.s32 @!p0 $0x0  }
0x12: {  	s1 =	sld [smem:$0x3F7E];
	s0 =	simm.s32 @p0 $0x1  }
0x13: {  	[smem:$0x3F99] =	sst s0;
	s0 =	simm.s32 @!p1 $0x0  }
0x14: {  	s2 =	sld [smem:$0x3F7D];
	s0 =	simm.s32 @p1 $0x1  }
0x15: {  	[smem:$0x3F9A] =	sst s0;
	s0 =	simm.s32 @!p2 $0x0  }
0x16: {  	s3 =	sld [smem:$0x3FDB];
	s0 =	simm.s32 @p2 $0x1  }
0x17: {  	s4 =	simm.s32 $0x1BF5;
	[smem:$0x3F9C] =	sst s0  }
0x18: {  	s0 =	sld [smem:$0x3F7F];
	_ =	swait.ge [sflag:s4], $0x0  }
0x19: {  	s7 =	sld [smem:$0x3F80]  }
0x1a: {  	s8 =	sadd.s32 $0xFFFFE003, lr  }
0x1b: {  	s9 =	sadd.s32 $0xFFFFFEF7, lr;
	s5 =	simm.s32 $0xFFFFFFFF;
	p2 =	slt.u32 s8, $0xFFFFF086  }
0x1c: {  	p1 =	slt.u32 s9, $0xF7A;
	s5 =	simm.s32 @!p2 $0x0  }
0x1d: {  	s5 =	simm.s32 @p1 $0x1;
	p0 =	seq.s32 s7, s2  }
0x1e: {  	s7 =	smul.u32 @!p0 $0xF7A, s2;
	p2 =	seq.s32 @!p0 s5, $0x0  }
0x1f: {  	s9 =	smul.u32 $0xF7A, s1;
	s8 =	simm.s32 @!p0 $0x1BF5;
	p2 =	por !p2, p0  }
0x20: {  	[sflag:s8] =	ssyncset.s32 @!p0 $0xFFFFF086;
	s6 =	sadd.s32 @!p0 s3, s7;
	s7 =	simm.s32 @!p0 $0x108  }
0x21: {  	s3 =	sadd.s32 s3, s9;
	s6 =	sadd.s32 @!p0 $0x88, s6;
	s7 =	simm.s32 @p2 $0x1082  }
0x22: {  	[simem:s7], [sflag:s8] =	dma.local @!p0 [hbm:s6], $0xF7A  }
0x23: {  	s9 =	sor.u32 $0xD0000000, s2;
	s6 =	simm.s32 $0x108;
	_ =	swait.ge @!p0 [sflag:s8], $0x0  }
0x24: {  	s3 =	sadd.s32 $0x88, s3;
	s6 =	simm.s32 @!p1 $0x1082;
	[sflag:s4] =	ssyncset.s32 $0xFFFFF086  }
0x25: {  	[simem:s6], [sflag:s4] =	dma.local [hbm:s3], $0xF7A  }
0x26: {  	[smem:$0x3F80] =	sst s1;
	(tag) =	ssettag s2;
	_ =	strace s9  }
0x27: {  	s1 =	sld [smem:$0x3F90]  }
0x28: {  	s2 =	sld [smem:$0x3F91]  }
0x29: {  	s4 =	sld [smem:$0x3F93]  }
0x2a: {  	p0 =	seq.s32 s5, $0x0;
	s5 =	sld [smem:$0x3F94]  }
0x2b: {  	s6 =	sld [smem:$0x3F95]  }
0x2c: {  	s7 =	sld [smem:$0x3F96]  }
0x2d: {  	s3 =	simm.s32 $0x108;
	s8 =	sld [smem:$0x3F97]  }
0x2e: {  	s3 =	simm.s32 @!p0 $0x1082;
	s9 =	sld [smem:$0x3F98]  }
0x2f: {  	lr =	sadd.s32 s0, s3;
	s0 =	sld [smem:$0x3F8F]  }
0x30: {  	s3 =	sld [smem:$0x3F92]  }
0x31: {  	[smem:$0x3F9B] =	sst s10  }
0x32: {  	s10 =	sld [smem:$0x3F99];
	_ =	sdelay $0x3  }
0x33: {  	p0 =	seq.s32 s10, $0x1;
	s10 =	sld [smem:$0x3F9B];
	_ =	sdelay $0x3  }
0x34: {  	[smem:$0x3F9B] =	sst s10  }
0x35: {  	s10 =	sld [smem:$0x3F9A];
	_ =	sdelay $0x3  }
0x36: {  	p1 =	seq.s32 s10, $0x1;
	s10 =	sld [smem:$0x3F9B];
	_ =	sdelay $0x3  }
0x37: {  	[smem:$0x3F9B] =	sst s10  }
0x38: {  	s10 =	sld [smem:$0x3F9C]  }
0x39: {  	_ = 	snop;
	(pc) =	sbr.ind lr, $3  }
0x3a: {  	_ = 	snop  }
0x3b: {  	_ = 	snop  }
0x3c: {  	p2 =	seq.s32 s10, $0x1;
	s10 =	sld [smem:$0x3F9B]  }
0x3d: {  	_ =	shalt  }
0x3e: {  	_ =	shalt  }
0x3f: {  	_ =	shalt  }
0x40: {  	_ =	shalt  }
0x41: {  	_ =	shalt  }
0x42: {  	_ =	shalt  }
0x43: {  	_ =	shalt  }
0x44: {  	_ =	shalt  }
0x45: {  	_ =	shalt  }
0x46: {  	_ =	shalt  }
0x47: {  	_ =	shalt  }
0x48: {  	_ =	shalt  }
0x49: {  	_ =	shalt  }
0x4a: {  	_ =	shalt  }
0x4b: {  	_ =	shalt  }
0x4c: {  	_ =	shalt  }
0x4d: {  	_ =	shalt  }
0x4e: {  	_ =	shalt  }
0x4f: {  	_ =	shalt  }
0x50: {  	_ =	shalt  }
0x51: {  	_ =	shalt  }
0x52: {  	_ =	shalt  }
0x53: {  	_ =	shalt  }
0x54: {  	_ =	shalt  }
0x55: {  	_ =	shalt  }
0x56: {  	_ =	shalt  }
0x57: {  	_ =	shalt  }
0x58: {  	_ =	shalt  }
0x59: {  	_ =	shalt  }
0x5a: {  	_ =	shalt  }
0x5b: {  	_ =	shalt  }
0x5c: {  	_ =	shalt  }
0x5d: {  	_ =	shalt  }
0x5e: {  	_ =	shalt  }
0x5f: {  	_ =	shalt  }
0x60: {  	_ =	shalt  }
0x61: {  	_ =	shalt  }
0x62: {  	_ =	shalt  }
0x63: {  	_ =	shalt  }
0x64: {  	_ =	shalt  }
0x65: {  	_ =	shalt  }
0x66: {  	_ =	shalt  }
0x67: {  	_ =	shalt  }
0x68: {  	_ =	shalt  }
0x69: {  	_ =	shalt  }
0x6a: {  	_ =	shalt  }
0x6b: {  	_ =	shalt  }
0x6c: {  	_ =	shalt  }
0x6d: {  	_ =	shalt  }
0x6e: {  	_ =	shalt  }
0x6f: {  	_ =	shalt  }
0x70: {  	_ =	shalt  }
0x71: {  	_ =	shalt  }
0x72: {  	_ =	shalt  }
0x73: {  	_ =	shalt  }
0x74: {  	_ =	shalt  }
0x75: {  	_ =	shalt  }
0x76: {  	_ =	shalt  }
0x77: {  	_ =	shalt  }
0x78: {  	_ =	shalt  }
0x79: {  	_ =	shalt  }
0x7a: {  	_ =	shalt  }
0x7b: {  	_ =	shalt  }
0x7c: {  	_ =	shalt  }
0x7d: {  	_ =	shalt  }
0x7e: {  	_ =	shalt  }
0x7f: {  	_ =	shalt  }
0x80: {  	_ =	shalt  }
0x81: {  	_ =	shalt  }
0x82: {  	_ =	shalt  }
0x83: {  	_ =	shalt  }
0x84: {  	_ =	shalt  }
0x85: {  	_ =	shalt  }
0x86: {  	_ =	shalt  }
0x87: {  	_ =	shalt  }
.Lfunc_end0:
.L_simem_size_0:
called_computation.2_lowered:
.L_overlay_start_0:
0x88: {  	s2 =	sld [smem:$0x3FD9]  }
0x89: {  	s3 =	sld [smem:$0x3FFE];
	_ =	sdelay $0x1  }
0x8a: {  	s1 =	srdreg.scid  }
0x8b: {  	s0 =	sand.u32 $0x1, s1  }
0x8c: {  	s17 =	sshll.u32 s0, $0xA;
	s2 =	sadd.s32 s3, s2  }
0x8d: {  	s2 =	sadd.s32 s2, s17  }
0x8e: {  	[smem:$0x3FA7] =	sst s2  }
0x8f: {  	_ = 	snop  }
0x90: {  	s2 =	sld [smem:$0x3FD0];
	(tm) =	ssettm $0x1  }
0x91: {  	s18 =	sld [smem:$0x3FFB];
	_ =	sdelay $0x3  }
0x92: {  	_ =	strace s18  }
0x93: {  	s3 =	sld [smem:$0x3FFC];
	_ =	sdelay $0x3  }
0x94: {  	_ =	strace s3  }
0x95: {  	s3 =	sld [smem:$0x3FFD];
	_ =	sdelay $0x3  }
0x96: {  	_ =	strace s3  }
0x97: {  	_ =	strace $0x8FFFFFFF  }
0x98: {  	s19 =	sld [smem:$0x3FDB];
	_ =	sdelay $0x1  }
0x99: {  	s4 =	simm.s32 $_scs_section_size  }
0x9a: {  	s5 =	simm.s32 $_size__tile_overlayer_lowered;
	s6 =	simm.s32 $_tile_overlayer_lowered  }
0x9b: {  	s22 =	simm.s32 $0x1BFF;
	s21 =	sshll.u32 s6, $0x1;
	s3 =	sadd.s32 s4, s19  }
0x9c: {  	s7 =	simm.s32 $0x0;
	s20 =	sshll.u32 s5, $0x1;
	s5 =	sadd.s32 s21, s3  }
0x9d: {  	[timem:s7], [sflag:s22] =	dma.local [hbm:s5], s20  }
0x9e: {  	_ =	swait.ge [sflag:s22], s20  }
0x9f: {  	s4 =	ssub.s32 $0x0, s20;
	[sflag:s22] =	ssyncset.done $0x0  }
0xa0: {  	[sflag:s22] =	ssyncadd.s32 s4;
	_ =	sdelay $0x1  }
0xa1: {  	s23 =	simm.s32 $0x1B8B  }
0xa2: {  	_ =	swait.ge [sflag:s23], $0x1  }
0xa3: {  	[sflag:s23] =	ssyncset.done $0x0  }
0xa4: {  	s25 =	simm.s32 $0x1B8E;
	s24 =	sld [smem:$0x3FFE];
	[sflag:s23] =	ssyncadd.s32 $0xFFFFFFFF  }
0xa5: {  	s26 =	simm.s32 $execute0_lowered;
	[smem:$0x3FD2] =	sst s25  }
0xa6: {  	s5 =	sshll.u32 s26, $0x1;
	_ =	strace $0x8000004C;
	[dreg:$0x1] =	wrdreg $0xFFFFFFFF  }
0xa7: {  	s28 =	simm.s32 $_size_execute0_lowered;
	s3 =	sadd.s32 s3, s5;
	[dreg:$0x0] =	wrdreg $0x0  }
0xa8: {  	s5 =	sshll.u32 s28, $0x1;
	[dreg:$0x2] =	wrdreg s3  }
0xa9: {  	[dreg:$0x3] =	wrdreg s5  }
0xaa: {  	[dreg:$0x4] =	wrdreg $0xC0  }
0xab: {  	_ =	task [dreg:s7], $0x5FFFF  }
0xac: {  	[dreg:$0x1] =	wrdreg $0xFFFFFFFF  }
0xad: {  	[dreg:$0x0] =	wrdreg $0x60  }
0xae: {  	[dreg:$0x2] =	wrdreg s2  }
0xaf: {  	[dreg:$0x3] =	wrdreg s24  }
0xb0: {  	[dreg:$0x4] =	wrdreg $0x67200  }
0xb1: {  	[dreg:$0x5] =	wrdreg $0x8E300  }
0xb2: {  	[dreg:$0x6] =	wrdreg $0x9  }
0xb3: {  	_ =	task.clear_ibuf [dreg:s7], $0x7FFFF;
	_ =	strace $0x9000004C  }
0xb4: {  	s29 =	simm.s32 $0x9;
	_ =	strace $0x8000004E  }
0xb5: {  	_ =	swait.ge [sflag:s29], $0x1  }
0xb6: {  	[sflag:s29] =	ssyncadd.s32 $0xFFFFFFFF  }
0xb7: {  	_ =	strace $0x9000004E  }
0xb8: {  	_ =	sfence  }
0xb9: {  	s30 =	sld [smem:$0x0];
	_ =	sdelay $0x2  }
0xba: {  	s31 =	sshll.u32 s1, $0xD;
	s1 =	sshrl.u32 s1, $0x2  }
0xbb: {  	s3 =	sand.u32 $0x4000, s31;
	s1 =	sadd.s32 s1, s30  }
0xbc: {  	s0 =	sor.u32 s3, s0;
	s1 =	sshll.u32 s1, $0x11  }
0xbd: {  	s0 =	sor.u32 s1, s0  }
0xbe: {  	s0 =	sadd.s32 $0x8F2B, s0  }
0xbf: {  	[sflag:s0] =	ssyncadd.remote.s32 $0x1  }
0xc0: {  	_ =	sfence.sel $0xFFFF  }
0xc1: {  	[dreg:$0x0] =	wrdreg $0xFFFFFFFF;
	(pc) =	sbr.abs _section_cstart, $3  }
0xc2: {  	[dreg:$0x1] =	wrdreg $0xFFFFFFFF  }
0xc3: {  	_ =	task.clear_ibuf [dreg:s7], $0x2FFFF;
	_ =	strace $0x9FFFFFFF  }
0xc4: {  	(tm) =	ssettm $0x7FFFFFFF  }
0xc5: {  	_ =	shalt  }
tec
execute0_lowered:
.L_overlay_start_1:
0x0: {  	(tag) =	ssettag $0x1  }
0x1: {  	s0 =	rddreg [dreg:$0x0]  }
0x2: {  	s1 =	rddreg [dreg:$0x1]  }
0x3: {  	s2 =	rddreg [dreg:$0x2]  }
0x4: {  	s3 =	rddreg [dreg:$0x3];
	s15 =	stileid.u32  }
0x5: {  	s4 =	srdreg.scid;
	s17 =	simm.s32 $0x2710;
	s18 =	simm.s32 $0x50  }
0x6: {  	s19 =	simm.s32 $0x4E20;
	s20 =	simm.s32 $0x5320;
	s21 =	simm.s32 $0x5820  }
0x7: {  	s22 =	simm.s32 $0x5D20;
	s23 =	simm.s32 $0x1;
	s28 =	simm.s32 $0x4  }
0x8: {  	s29 =	simm.s32 $0x0;
	s6 =	sand.u32 $0x1, s4;
	s5 =	sshll.u32 s15, $0x1  }
0x9: {  	s4 =	simm.s32 $0x0;
	s7 =	smul.u32 $0x2710, s15;
	s26 =	sshll.u32 s15, $0x6  }
0xa: {  	s15 =	simm.s32 $0x5;
	s8 =	sor.u32 s6, s5;
	[smem:$0x7FF] =	sst s4  }
0xb: {  	s10 =	ssub.s32 $0x2, s6;
	s6 =	sadd.s32 $0x39600, s1;
	s5 =	smul.u32 $0x4E2, s8  }
0xc: {  	_ =	strace $0x8000004D;
	s9 =	sshrl.u32 s7, $0x3;
	s13 =	sshrl.u32 s10, $0x1  }
0xd: {  	s25 =	smul.u32 $0x27100, s8;
	s14 =	sadd.s32 s7, s2;
	s8 =	sor.u32 $0x1C05, s26  }
0xe: {  	s30 =	sadd.s32 s7, s3;
	s26 =	simm.s32 $0x3;
	s11 =	sadd.s32 s9, s1  }
0xf: {  	s24 =	ssub.s32 s10, s13;
	s0 =	sadd.s32 s0, s9;
	s14 =	sshrl.u32 s14, $0x3  }
0x10: {  	s16 =	sshrl.u32 s30, $0x3;
	s12 =	sadd.s32 s5, s1;
	[dreg:$0x5] =	wrdreg s0  }
0x11: {  	s31 =	sshrl.u32 s25, $0x3;
	s9 =	sadd.s32 $0x9A00, s11;
	s13 =	smax.u32 s24, $0x1  }
0x12: {  	s24 =	simm.s32 $0x2;
	s25 =	simm.s32 $0x6220;
	s7 =	sadd.s32 s6, s31  }
0x13: {  	s10 =	sadd.s32 $0x25A00, s12;
	s11 =	sadd.s32 $0x2F800, s12;
	s12 =	sadd.s32 $0x4D80, s7  }
.LBB2_1:
0x14: {  	s0 =	rddreg [dreg:$0x5]  }
0x15: {  	[spmem:s14], [sflag:s8] =	dma.local [hbm:s0], $0x4E2  }
0x16: {  	_ =	swait.ge [sflag:s15], $0x4E2  }
0x17: {  	[sflag:s15] =	ssyncset.done $0x0  }
0x18: {  	[sflag:s15] =	ssyncadd.s32 $0xFFFFFB1E  }
0x19: {  	[spmem:s16], [sflag:s8] =	dma.local [hbm:s9], $0x4E2  }
0x1a: {  	_ =	swait.ge [sflag:s15], $0x4E2  }
0x1b: {  	[sflag:s15] =	ssyncset.done $0x0  }
0x1c: {  	[sflag:s15] =	ssyncadd.s32 $0xFFFFFB1E  }
0x1d: {  	[tilespmem:s4], [sflag:$0x5] =	stream.linear.gather [hbm4b:s10+s4], $0x2710, $0x38;
	[tilespmem:$0xB540] =	vst v63  }
0x1e: {  	_ =	swait.ge [sflag:s15], $0x2710  }
0x1f: {  	[sflag:s15] =	ssyncset.done $0x0  }
0x20: {  	[sflag:s15] =	ssyncadd.s32 $0xFFFFD8F0  }
0x21: {  	[tilespmem:s17], [sflag:$0x5] =	stream.linear.gather [hbm4b:s11+s4], $0x2710, $0x38;
	[tilespmem:$0xB540] =	vst v63  }
0x22: {  	_ =	swait.ge [sflag:s15], $0x2710  }
0x23: {  	[sflag:s15] =	ssyncset.done $0x0  }
0x24: {  	[sflag:s15] =	ssyncadd.s32 $0xFFFFD8F0  }
0x25: {  	[bflag:$0x0] =	sbarrier.arrive $0xFFFF  }
0x26: {  	[tilespmem:s19], [sflag:$0x1] =	stream.indirect.gather [spmem:s2], $0x10, s4, s18, $0xb8;
	[tilespmem:$0xB540] =	vst v63  }
0x27: {  	s30 =	simm.s32 $0x0  }
0x28: {  	[tilespmem:s20], [sflag:$0x2] =	stream.indirect.gather [spmem:s3], $0x10, s17, s18, $0xb8;
	[tilespmem:$0xB540] =	vst v63  }
.LBB2_2:
0x29: {  	s31 =	sshllo.u32 s30, $0x1  }
0x2a: {  	s0 =	smul.u32 $0x50, s31;
	_ =	sdelay $0x1  }
0x2b: {  	[tilespmem:s21], [sflag:$0x3] =	stream.indirect.gather [spmem:s2], $0x10, s0, s18, $0xb8;
	[tilespmem:$0xB540] =	vst v63  }
0x2c: {  	s0 =	sadd.s32 $0x2710, s0  }
0x2d: {  	[tilespmem:s22], [sflag:$0x4] =	stream.indirect.gather [spmem:s3], $0x10, s0, s18, $0xb8;
	[tilespmem:$0xB540] =	vst v63  }
0x2e: {  	_ =	swait.ge [sflag:s23], $0x500  }
0x2f: {  	[sflag:s23] =	ssyncset.done $0x0  }
0x30: {  	[sflag:s23] =	ssyncadd.s32 $0xFFFFFB00  }
0x31: {  	_ =	swait.ge [sflag:s24], $0x500  }
0x32: {  	[sflag:s24] =	ssyncset.done $0x0  }
0x33: {  	s0 =	simm.s32 $0x0;
	[sflag:s24] =	ssyncadd.s32 $0xFFFFFB00  }
0x34: {  	v0 =	vld [tilespmem:s0+$0x4E90]  }
0x35: {  	v1 =	vld [tilespmem:s0+$0x5390]  }
0x36: {  	v2 =	vld [tilespmem:s0+$0x4E20]  }
0x37: {  	v3 =	vld [tilespmem:s0+$0x5320]  }
0x38: {  	v4 =	vld [tilespmem:s0+$0x4E30]  }
0x39: {  	v5 =	vld [tilespmem:s0+$0x5330]  }
0x3a: {  	v6 =	vld [tilespmem:s0+$0x4E40]  }
0x3b: {  	v7 =	vld [tilespmem:s0+$0x4E50]  }
0x3c: {  	v0 =	vadd.f32 v1, v0;
	v1 =	vld [tilespmem:s0+$0x5340]  }
0x3d: {  	v8 =	vld [tilespmem:s0+$0x5350]  }
0x3e: {  	v9 =	vld [tilespmem:s0+$0x5360];
	v2 =	vadd.f32 v3, v2  }
0x3f: {  	[tilespmem:s0+$0x6290] =	vst v0;
	v0 =	vadd.f32 v5, v4;
	v5 =	vld [tilespmem:s0+$0x4E60]  }
0x40: {  	v3 =	vld [tilespmem:s0+$0x5370];
	[tilespmem:s0+$0x6220] =	vst v2  }
0x41: {  	v2 =	vld [tilespmem:s0+$0x4E70];
	[tilespmem:s0+$0x6230] =	vst v0;
	v0 =	vadd.f32 v1, v6  }
0x42: {  	v4 =	vld [tilespmem:s0+$0x5380];
	v6 =	vadd.f32 v8, v7  }
0x43: {  	s1 =	simm.s32 $0x80;
	[tilespmem:s0+$0x6240] =	vst v0;
	v0 =	vld [tilespmem:s0+$0x4E80]  }
0x44: {  	s7 =	simm.s32 $0x400;
	v5 =	vadd.f32 v9, v5;
	v1 =	vld [tilespmem:s1+$0x4E90];
	[tilespmem:s0+$0x6250] =	vst v6  }
.LBB2_3:
0x45: {  	p0 =	sne.s32 s7, $0x1200;
	v6 =	vld [tilespmem:s1+$0x5390]  }
0x46: {  	v7 =	vld [tilespmem:s1+$0x4E20];
	[tilespmem:s0+$0x6260] =	vst v5;
	v2 =	vadd.f32 v3, v2  }
0x47: {  	v3 =	vld [tilespmem:s1+$0x5320]  }
0x48: {  	v5 =	vld [tilespmem:s1+$0x4E30];
	[tilespmem:s0+$0x6270] =	vst v2;
	v0 =	vadd.f32 v4, v0  }
0x49: {  	v2 =	vld [tilespmem:s1+$0x5330]  }
0x4a: {  	v4 =	vld [tilespmem:s1+$0x4E40];
	v1 =	vadd.f32 v6, v1;
	[tilespmem:s0+$0x6280] =	vst v0;
	s0 =	smov.u32 s1  }
0x4b: {  	v0 =	vld [tilespmem:s0+$0x5340]  }
0x4c: {  	v3 =	vadd.f32 v3, v7;
	v6 =	vld [tilespmem:s0+$0x4E50];
	[tilespmem:s0+$0x6290] =	vst v1  }
0x4d: {  	v1 =	vld [tilespmem:s0+$0x5350]  }
0x4e: {  	[tilespmem:s0+$0x6220] =	vst v3;
	v2 =	vadd.f32 v2, v5;
	v5 =	vld [tilespmem:s0+$0x4E60]  }
0x4f: {  	v7 =	vld [tilespmem:s0+$0x5360]  }
.Ltmp0:
0x50: {  	[tilespmem:s0+$0x6230] =	vst v2;
	v0 =	vadd.f32 v0, v4;
	v2 =	vld [tilespmem:s0+$0x4E70];
	(pc) =	sbr.rel @p0 .LBB2_3-.Ltmp0, $4  }
0x51: {  	v3 =	vld [tilespmem:s0+$0x5370]  }
0x52: {  	[tilespmem:s0+$0x6240] =	vst v0;
	v6 =	vadd.f32 v1, v6;
	v0 =	vld [tilespmem:s0+$0x4E80]  }
0x53: {  	s1 =	sshra.s32 s7, $0x2;
	v4 =	vld [tilespmem:s0+$0x5380]  }
0x54: {  	s7 =	sadd.s32 $0x200, s7;
	v1 =	vld [tilespmem:s1+$0x4E90];
	[tilespmem:s0+$0x6250] =	vst v6;
	v5 =	vadd.f32 v7, v5  }
0x55: {  	v6 =	vld [tilespmem:s1+$0x5390]  }
0x56: {  	v7 =	vld [tilespmem:s1+$0x4E20];
	[tilespmem:s0+$0x6260] =	vst v5;
	v2 =	vadd.f32 v3, v2  }
0x57: {  	v3 =	vld [tilespmem:s1+$0x5320]  }
0x58: {  	v5 =	vld [tilespmem:s1+$0x4E30];
	[tilespmem:s0+$0x6270] =	vst v2;
	v0 =	vadd.f32 v4, v0  }
0x59: {  	v2 =	vld [tilespmem:s1+$0x5330]  }
0x5a: {  	v4 =	vld [tilespmem:s1+$0x4E40];
	[tilespmem:s0+$0x6280] =	vst v0  }
0x5b: {  	v0 =	vadd.f32 v6, v1;
	v1 =	vld [tilespmem:s1+$0x5340]  }
0x5c: {  	v6 =	vld [tilespmem:s1+$0x4E50]  }
0x5d: {  	v3 =	vadd.f32 v3, v7;
	[tilespmem:s1+$0x6290] =	vst v0;
	v0 =	vld [tilespmem:s1+$0x5350]  }
0x5e: {  	v7 =	vld [tilespmem:s1+$0x5380]  }
0x5f: {  	[tilespmem:s1+$0x6220] =	vst v3;
	v2 =	vadd.f32 v2, v5;
	v3 =	vld [tilespmem:s1+$0x4E60]  }
0x60: {  	v5 =	vld [tilespmem:s1+$0x5360]  }
0x61: {  	[tilespmem:s1+$0x6230] =	vst v2;
	v1 =	vadd.f32 v1, v4;
	v2 =	vld [tilespmem:s1+$0x4E70]  }
0x62: {  	v4 =	vld [tilespmem:s1+$0x5370]  }
0x63: {  	[tilespmem:s1+$0x6240] =	vst v1;
	v1 =	vld [tilespmem:s1+$0x4E80];
	_ =	sdelay $0x1  }
0x64: {  	v0 =	vadd.f32 v0, v6  }
0x65: {  	s7 =	smul.u32 $0x14, s30;
	v3 =	vadd.f32 v5, v3  }
0x66: {  	[tilespmem:s1+$0x6250] =	vst v0;
	v0 =	vadd.f32 v4, v2  }
0x67: {  	s0 =	sadd.s32 s5, s7;
	[tilespmem:s1+$0x6260] =	vst v3;
	v1 =	vadd.f32 v7, v1  }
0x68: {  	s0 =	sshll.u32 s0, $0x4;
	[tilespmem:s1+$0x6270] =	vst v0  }
0x69: {  	s7 =	simm.s32 $0x0;
	s0 =	sadd.s32 s6, s0;
	[tilespmem:s1+$0x6280] =	vst v1  }
0x6a: {  	[hbm4b:s0+s7] =	stream.linear.scatter [tilespmem:s25], [sflag:$0x5], $0x500, $0x38;
	[tilespmem:$0xB540] =	vst v63  }
0x6b: {  	s0 =	smul.u32 $0xA0, s30;
	_ =	swait.ge [sflag:s15], $0x500  }
0x6c: {  	[sflag:s15] =	ssyncset.done $0x0  }
0x6d: {  	s7 =	sadd.s32 $0xA0, s0;
	[sflag:s15] =	ssyncadd.s32 $0xFFFFFB00  }
0x6e: {  	[tilespmem:s19], [sflag:$0x1] =	stream.indirect.gather [spmem:s2], $0x10, s7, s18, $0xb8;
	[tilespmem:$0xB540] =	vst v63  }
0x6f: {  	s0 =	sadd.s32 $0x27B0, s0  }
0x70: {  	[tilespmem:s20], [sflag:$0x2] =	stream.indirect.gather [spmem:s3], $0x10, s0, s18, $0xb8;
	[tilespmem:$0xB540] =	vst v63  }
0x71: {  	_ =	swait.ge [sflag:s26], $0x500  }
0x72: {  	[sflag:s26] =	ssyncset.done $0x0  }
0x73: {  	[sflag:s26] =	ssyncadd.s32 $0xFFFFFB00  }
0x74: {  	_ =	swait.ge [sflag:s28], $0x500  }
0x75: {  	[sflag:s28] =	ssyncset.done $0x0  }
0x76: {  	s0 =	simm.s32 $0x0;
	[sflag:s28] =	ssyncadd.s32 $0xFFFFFB00  }
0x77: {  	v0 =	vld [tilespmem:s0+$0x5890]  }
0x78: {  	v1 =	vld [tilespmem:s0+$0x5D90]  }
0x79: {  	v2 =	vld [tilespmem:s0+$0x5820]  }
0x7a: {  	v3 =	vld [tilespmem:s0+$0x5D20]  }
0x7b: {  	v4 =	vld [tilespmem:s0+$0x5830]  }
0x7c: {  	v5 =	vld [tilespmem:s0+$0x5D30]  }
0x7d: {  	v6 =	vld [tilespmem:s0+$0x5840]  }
0x7e: {  	v7 =	vld [tilespmem:s0+$0x5850]  }
0x7f: {  	v0 =	vadd.f32 v1, v0;
	v1 =	vld [tilespmem:s0+$0x5D40]  }
0x80: {  	v8 =	vld [tilespmem:s0+$0x5D50]  }
0x81: {  	v9 =	vld [tilespmem:s0+$0x5D60];
	v2 =	vadd.f32 v3, v2  }
0x82: {  	[tilespmem:s0+$0x6290] =	vst v0;
	v0 =	vadd.f32 v5, v4;
	v5 =	vld [tilespmem:s0+$0x5860]  }
0x83: {  	v3 =	vld [tilespmem:s0+$0x5D70];
	[tilespmem:s0+$0x6220] =	vst v2  }
0x84: {  	v2 =	vld [tilespmem:s0+$0x5870];
	[tilespmem:s0+$0x6230] =	vst v0;
	v0 =	vadd.f32 v1, v6  }
0x85: {  	v4 =	vld [tilespmem:s0+$0x5D80];
	v6 =	vadd.f32 v8, v7  }
0x86: {  	s1 =	simm.s32 $0x80;
	[tilespmem:s0+$0x6240] =	vst v0;
	v0 =	vld [tilespmem:s0+$0x5880]  }
0x87: {  	s7 =	simm.s32 $0x400;
	v5 =	vadd.f32 v9, v5;
	v1 =	vld [tilespmem:s1+$0x5890];
	[tilespmem:s0+$0x6250] =	vst v6  }
.LBB2_5:
0x88: {  	p0 =	sne.s32 s7, $0x1200;
	v6 =	vld [tilespmem:s1+$0x5D90]  }
0x89: {  	v7 =	vld [tilespmem:s1+$0x5820];
	[tilespmem:s0+$0x6260] =	vst v5;
	v2 =	vadd.f32 v3, v2  }
0x8a: {  	v3 =	vld [tilespmem:s1+$0x5D20]  }
0x8b: {  	v5 =	vld [tilespmem:s1+$0x5830];
	[tilespmem:s0+$0x6270] =	vst v2;
	v0 =	vadd.f32 v4, v0  }
0x8c: {  	v2 =	vld [tilespmem:s1+$0x5D30]  }
0x8d: {  	v4 =	vld [tilespmem:s1+$0x5840];
	v1 =	vadd.f32 v6, v1;
	[tilespmem:s0+$0x6280] =	vst v0;
	s0 =	smov.u32 s1  }
0x8e: {  	v0 =	vld [tilespmem:s0+$0x5D40]  }
0x8f: {  	v3 =	vadd.f32 v3, v7;
	v6 =	vld [tilespmem:s0+$0x5850];
	[tilespmem:s0+$0x6290] =	vst v1  }
0x90: {  	v1 =	vld [tilespmem:s0+$0x5D50]  }
0x91: {  	[tilespmem:s0+$0x6220] =	vst v3;
	v2 =	vadd.f32 v2, v5;
	v5 =	vld [tilespmem:s0+$0x5860]  }
0x92: {  	v7 =	vld [tilespmem:s0+$0x5D60]  }
.Ltmp1:
0x93: {  	[tilespmem:s0+$0x6230] =	vst v2;
	v0 =	vadd.f32 v0, v4;
	v2 =	vld [tilespmem:s0+$0x5870];
	(pc) =	sbr.rel @p0 .LBB2_5-.Ltmp1, $4  }
0x94: {  	v3 =	vld [tilespmem:s0+$0x5D70]  }
0x95: {  	[tilespmem:s0+$0x6240] =	vst v0;
	v6 =	vadd.f32 v1, v6;
	v0 =	vld [tilespmem:s0+$0x5880]  }
0x96: {  	s1 =	sshra.s32 s7, $0x2;
	v4 =	vld [tilespmem:s0+$0x5D80]  }
0x97: {  	s7 =	sadd.s32 $0x200, s7;
	v1 =	vld [tilespmem:s1+$0x5890];
	[tilespmem:s0+$0x6250] =	vst v6;
	v5 =	vadd.f32 v7, v5  }
0x98: {  	v6 =	vld [tilespmem:s1+$0x5D90]  }
0x99: {  	v7 =	vld [tilespmem:s1+$0x5820];
	[tilespmem:s0+$0x6260] =	vst v5;
	v2 =	vadd.f32 v3, v2  }
0x9a: {  	v51 =	vld [tilespmem:s1+$0x5D20]  }
0x9b: {  	v5 =	vld [tilespmem:s1+$0x5830];
	[tilespmem:s0+$0x6270] =	vst v2;
	v0 =	vadd.f32 v4, v0  }
0x9c: {  	v2 =	vld [tilespmem:s1+$0x5D30]  }
0x9d: {  	v52 =	vld [tilespmem:s1+$0x5840];
	[tilespmem:s0+$0x6280] =	vst v0  }
0x9e: {  	v54 =	vld [tilespmem:s1+$0x5D40]  }
0x9f: {  	v55 =	vld [tilespmem:s1+$0x5850]  }
0xa0: {  	v56 =	vld [tilespmem:s1+$0x5D50]  }
0xa1: {  	v57 =	vld [tilespmem:s1+$0x5860]  }
0xa2: {  	v58 =	vld [tilespmem:s1+$0x5D60]  }
0xa3: {  	v59 =	vld [tilespmem:s1+$0x5870]  }
0xa4: {  	v53 =	vadd.f32 v6, v1;
	v60 =	vld [tilespmem:s1+$0x5D70]  }
0xa5: {  	v61 =	vld [tilespmem:s1+$0x5880];
	v3 =	vadd.f32 v51, v7  }
0xa6: {  	v62 =	vld [tilespmem:s1+$0x5D80];
	[tilespmem:s1+$0x6290] =	vst v53;
	v2 =	vadd.f32 v2, v5  }
0xa7: {  	[tilespmem:s1+$0x6220] =	vst v3;
	v1 =	vadd.f32 v54, v52  }
0xa8: {  	s31 =	smul.u32 $0xA, s31;
	[tilespmem:s1+$0x6230] =	vst v2;
	v0 =	vadd.f32 v56, v55  }
0xa9: {  	v3 =	vadd.f32 v58, v57;
	[tilespmem:s1+$0x6240] =	vst v1  }
0xaa: {  	s0 =	sadd.s32 s5, s31;
	v63 =	vadd.f32 v60, v59;
	[tilespmem:s1+$0x6250] =	vst v0  }
0xab: {  	s30 =	sadd.s32 $0x1, s30;
	s0 =	sshll.u32 s0, $0x4;
	[tilespmem:s1+$0x6260] =	vst v3;
	v1 =	vadd.f32 v62, v61  }
0xac: {  	p0 =	sne.s32 s30, $0x3E;
	s0 =	sand.u32 $0x1FFFFFE0, s0;
	[tilespmem:s1+$0x6270] =	vst v63  }
.Ltmp2:
0xad: {  	s0 =	sadd.s32 s6, s0;
	[tilespmem:s1+$0x6280] =	vst v1;
	(pc) =	sbr.rel @p0 .LBB2_2-.Ltmp2, $4  }
0xae: {  	[hbm4b:s0+s4] =	stream.linear.scatter [tilespmem:s25], [sflag:$0x5], $0x500, $0x38;
	[tilespmem:$0xB540] =	vst v63  }
0xaf: {  	_ =	swait.ge [sflag:s15], $0x500  }
0xb0: {  	[sflag:s15] =	ssyncset.done $0x0  }
0xb1: {  	[sflag:s15] =	ssyncadd.s32 $0xFFFFFB00  }
0xb2: {  	_ =	swait.ge [sflag:s23], $0x500  }
0xb3: {  	[sflag:s23] =	ssyncset.done $0x0  }
0xb4: {  	[sflag:s23] =	ssyncadd.s32 $0xFFFFFB00  }
0xb5: {  	_ =	swait.ge [sflag:s24], $0x500  }
0xb6: {  	[sflag:s24] =	ssyncset.done $0x0  }
0xb7: {  	s0 =	simm.s32 $0x0;
	[sflag:s24] =	ssyncadd.s32 $0xFFFFFB00  }
0xb8: {  	v0 =	vld [tilespmem:s0+$0x4E90]  }
0xb9: {  	v1 =	vld [tilespmem:s0+$0x5390]  }
0xba: {  	v2 =	vld [tilespmem:s0+$0x4E20]  }
0xbb: {  	v3 =	vld [tilespmem:s0+$0x5320]  }
0xbc: {  	v4 =	vld [tilespmem:s0+$0x4E30]  }
0xbd: {  	v5 =	vld [tilespmem:s0+$0x5330]  }
0xbe: {  	v6 =	vld [tilespmem:s0+$0x4E40]  }
0xbf: {  	v7 =	vld [tilespmem:s0+$0x4E50]  }
0xc0: {  	v0 =	vadd.f32 v1, v0;
	v1 =	vld [tilespmem:s0+$0x5340]  }
0xc1: {  	v8 =	vld [tilespmem:s0+$0x5350]  }
0xc2: {  	v9 =	vld [tilespmem:s0+$0x5360];
	v2 =	vadd.f32 v3, v2  }
0xc3: {  	[tilespmem:s0+$0x6290] =	vst v0;
	v0 =	vadd.f32 v5, v4;
	v5 =	vld [tilespmem:s0+$0x4E60]  }
0xc4: {  	v3 =	vld [tilespmem:s0+$0x5370];
	[tilespmem:s0+$0x6220] =	vst v2  }
0xc5: {  	v2 =	vld [tilespmem:s0+$0x4E70];
	[tilespmem:s0+$0x6230] =	vst v0;
	v0 =	vadd.f32 v1, v6  }
0xc6: {  	v4 =	vld [tilespmem:s0+$0x5380];
	v6 =	vadd.f32 v8, v7  }
0xc7: {  	s1 =	simm.s32 $0x80;
	[tilespmem:s0+$0x6240] =	vst v0;
	v0 =	vld [tilespmem:s0+$0x4E80]  }
0xc8: {  	s7 =	simm.s32 $0x400;
	v5 =	vadd.f32 v9, v5;
	v1 =	vld [tilespmem:s1+$0x4E90];
	[tilespmem:s0+$0x6250] =	vst v6  }
.LBB2_8:
0xc9: {  	p0 =	sne.s32 s7, $0x1200;
	v6 =	vld [tilespmem:s1+$0x5390]  }
0xca: {  	v7 =	vld [tilespmem:s1+$0x4E20];
	[tilespmem:s0+$0x6260] =	vst v5;
	v2 =	vadd.f32 v3, v2  }
0xcb: {  	v3 =	vld [tilespmem:s1+$0x5320]  }
0xcc: {  	v5 =	vld [tilespmem:s1+$0x4E30];
	[tilespmem:s0+$0x6270] =	vst v2;
	v0 =	vadd.f32 v4, v0  }
0xcd: {  	v2 =	vld [tilespmem:s1+$0x5330]  }
0xce: {  	v4 =	vld [tilespmem:s1+$0x4E40];
	v1 =	vadd.f32 v6, v1;
	[tilespmem:s0+$0x6280] =	vst v0;
	s0 =	smov.u32 s1  }
0xcf: {  	v0 =	vld [tilespmem:s0+$0x5340]  }
0xd0: {  	v3 =	vadd.f32 v3, v7;
	v6 =	vld [tilespmem:s0+$0x4E50];
	[tilespmem:s0+$0x6290] =	vst v1  }
0xd1: {  	v1 =	vld [tilespmem:s0+$0x5350]  }
0xd2: {  	[tilespmem:s0+$0x6220] =	vst v3;
	v2 =	vadd.f32 v2, v5;
	v5 =	vld [tilespmem:s0+$0x4E60]  }
0xd3: {  	v7 =	vld [tilespmem:s0+$0x5360]  }
.Ltmp3:
0xd4: {  	[tilespmem:s0+$0x6230] =	vst v2;
	v0 =	vadd.f32 v0, v4;
	v2 =	vld [tilespmem:s0+$0x4E70];
	(pc) =	sbr.rel @p0 .LBB2_8-.Ltmp3, $4  }
0xd5: {  	v3 =	vld [tilespmem:s0+$0x5370]  }
0xd6: {  	[tilespmem:s0+$0x6240] =	vst v0;
	v6 =	vadd.f32 v1, v6;
	v0 =	vld [tilespmem:s0+$0x4E80]  }
0xd7: {  	s1 =	sshra.s32 s7, $0x2;
	v4 =	vld [tilespmem:s0+$0x5380]  }
0xd8: {  	s7 =	sadd.s32 $0x200, s7;
	v1 =	vld [tilespmem:s1+$0x4E90];
	[tilespmem:s0+$0x6250] =	vst v6;
	v5 =	vadd.f32 v7, v5  }
0xd9: {  	v6 =	vld [tilespmem:s1+$0x5390]  }
0xda: {  	v7 =	vld [tilespmem:s1+$0x4E20];
	[tilespmem:s0+$0x6260] =	vst v5;
	v2 =	vadd.f32 v3, v2  }
0xdb: {  	v51 =	vld [tilespmem:s1+$0x5320]  }
0xdc: {  	v5 =	vld [tilespmem:s1+$0x4E30];
	[tilespmem:s0+$0x6270] =	vst v2;
	v0 =	vadd.f32 v4, v0  }
0xdd: {  	v2 =	vld [tilespmem:s1+$0x5330]  }
0xde: {  	v52 =	vld [tilespmem:s1+$0x4E40];
	[tilespmem:s0+$0x6280] =	vst v0  }
0xdf: {  	v54 =	vld [tilespmem:s1+$0x5340]  }
0xe0: {  	v55 =	vld [tilespmem:s1+$0x4E50]  }
0xe1: {  	v56 =	vld [tilespmem:s1+$0x5350]  }
0xe2: {  	v57 =	vld [tilespmem:s1+$0x4E60]  }
0xe3: {  	v58 =	vld [tilespmem:s1+$0x5360]  }
0xe4: {  	v59 =	vld [tilespmem:s1+$0x4E70]  }
0xe5: {  	v53 =	vadd.f32 v6, v1;
	v60 =	vld [tilespmem:s1+$0x5370]  }
0xe6: {  	v61 =	vld [tilespmem:s1+$0x4E80];
	v3 =	vadd.f32 v51, v7  }
0xe7: {  	v62 =	vld [tilespmem:s1+$0x5380];
	[tilespmem:s1+$0x6290] =	vst v53;
	v2 =	vadd.f32 v2, v5  }
0xe8: {  	[tilespmem:s1+$0x6220] =	vst v3;
	v1 =	vadd.f32 v54, v52  }
0xe9: {  	[tilespmem:s1+$0x6230] =	vst v2;
	v0 =	vadd.f32 v56, v55  }
0xea: {  	v3 =	vadd.f32 v58, v57;
	[tilespmem:s1+$0x6240] =	vst v1  }
0xeb: {  	v63 =	vadd.f32 v60, v59;
	[tilespmem:s1+$0x6250] =	vst v0  }
0xec: {  	s29 =	sadd.s32 $0x1, s29;
	[tilespmem:s1+$0x6260] =	vst v3;
	v1 =	vadd.f32 v62, v61  }
0xed: {  	p0 =	sne.s32 s29, s13;
	[tilespmem:s1+$0x6270] =	vst v63  }
.Ltmp4:
0xee: {  	[tilespmem:s1+$0x6280] =	vst v1;
	(pc) =	sbr.rel @p0 .LBB2_1-.Ltmp4, $4  }
0xef: {  	[hbm4b:s12+s4] =	stream.linear.scatter [tilespmem:s25], [sflag:$0x5], $0x500, $0x38;
	[tilespmem:$0xB540] =	vst v63  }
0xf0: {  	_ =	swait.ge [sflag:s15], $0x500  }
0xf1: {  	[sflag:s15] =	ssyncset.done $0x0  }
0xf2: {  	[sflag:s15] =	ssyncadd.s32 $0xFFFFFB00  }
0xf3: {  	_ =	sfence.sel $0x180000  }
0xf4: {  	[bflag:$0x0] =	sbarrier.arrive $0xFFFF  }
0xf5: {  	_ =	strace $0x9000004D  }
0xf6: {  	s0 =	stileid.u32;
	[bflag:$0x2] =	sbarrier.arrive $0xFFFF  }
0xf7: {  	p0 =	sne.s32 s0, $0x0;
	s0 =	rddreg [dreg:$0x4]  }
0xf8: {  	s0 =	sadd.s32 @!p0 $0x100000, s0  }
0xf9: {  	[sflag:s0] =	ssyncadd.tile.s32 @!p0 $0x1;
	_ =	shalt  }
.Lfunc_end2:
_tile_overlayer_lowered:
.L_overlay_start_2:
0xfa: {  	(tag) =	ssettag $0x2  }
0xfb: {  	s0 =	rddreg [dreg:$0x0];
	s2 =	stileid.u32  }
0xfc: {  	s1 =	rddreg [dreg:$0x1];
	p0 =	sne.s32 s2, $0x0  }
0xfd: {  	s3 =	rddreg [dreg:$0x2];
	[bflag:$0x3] =	sbarrier.arrive $0xFFFF;
	s2 =	simm.s32 @!p0 $0x1C05  }
0xfe: {  	[timem:s3], [sflag:s2] =	dma.local @!p0 [hbm:s0], s1  }
0xff: {  	s0 =	simm.s32 @!p0 $0x5  }
0x100: {  	_ =	swait.ge @!p0 [sflag:s0], s1  }
0x101: {  	s1 =	ssub.s32 @!p0 $0x0, s1;
	[sflag:s0] =	ssyncset.done @!p0 $0x0  }
0x102: {  	[sflag:s0] =	ssyncadd.s32 @!p0 s1  }
0x103: {  	[bflag:$0x3] =	sbarrier.arrive $0xFFFF  }
0x104: {  	_ =	shalt  }

// kernel: kernel.20.cloned.1.call-start
scs
__scs_entry_jumppad:
0x0: {  	(pc) =	sbr.rel $0x88, $3  }
0x1: {  	(tag) =	ssettag $0x0;
	lr =	simm.s32 $0x1  }
0x2: {  	[smem:$0x3F80] =	sst lr;
	_ =	strace $0xD0000000  }
0x3: {  	_ = 	snop  }
0x4: {  	_ = 	snop  }
0x5: {  	_ = 	snop  }
0x6: {  	_ = 	snop  }
0x7: {  	_ = 	snop  }
__scs_overlays_trampoline_lowered:
0x8: {  	[smem:$0x3F8F] =	sst s0  }
0x9: {  	[smem:$0x3F90] =	sst s1  }
0xa: {  	[smem:$0x3F91] =	sst s2  }
0xb: {  	[smem:$0x3F92] =	sst s3  }
0xc: {  	[smem:$0x3F93] =	sst s4  }
0xd: {  	[smem:$0x3F94] =	sst s5  }
0xe: {  	[smem:$0x3F95] =	sst s6  }
0xf: {  	[smem:$0x3F96] =	sst s7  }
0x10: {  	[smem:$0x3F97] =	sst s8  }
0x11: {  	[smem:$0x3F98] =	sst s9;
	s0 =	simm.s32 @!p0 $0x0  }
0x12: {  	s1 =	sld [smem:$0x3F7E];
	s0 =	simm.s32 @p0 $0x1  }
0x13: {  	[smem:$0x3F99] =	sst s0;
	s0 =	simm.s32 @!p1 $0x0  }
0x14: {  	s2 =	sld [smem:$0x3F7D];
	s0 =	simm.s32 @p1 $0x1  }
0x15: {  	[smem:$0x3F9A] =	sst s0;
	s0 =	simm.s32 @!p2 $0x0  }
0x16: {  	s3 =	sld [smem:$0x3FDB];
	s0 =	simm.s32 @p2 $0x1  }
0x17: {  	s4 =	simm.s32 $0x1BF5;
	[smem:$0x3F9C] =	sst s0  }
0x18: {  	s0 =	sld [smem:$0x3F7F];
	_ =	swait.ge [sflag:s4], $0x0  }
0x19: {  	s7 =	sld [smem:$0x3F80]  }
0x1a: {  	s8 =	sadd.s32 $0xFFFFE003, lr  }
0x1b: {  	s9 =	sadd.s32 $0xFFFFFEF7, lr;
	s5 =	simm.s32 $0xFFFFFFFF;
	p2 =	slt.u32 s8, $0xFFFFF086  }
0x1c: {  	p1 =	slt.u32 s9, $0xF7A;
	s5 =	simm.s32 @!p2 $0x0  }
0x1d: {  	s5 =	simm.s32 @p1 $0x1;
	p0 =	seq.s32 s7, s2  }
0x1e: {  	s7 =	smul.u32 @!p0 $0xF7A, s2;
	p2 =	seq.s32 @!p0 s5, $0x0  }
0x1f: {  	s9 =	smul.u32 $0xF7A, s1;
	s8 =	simm.s32 @!p0 $0x1BF5;
	p2 =	por !p2, p0  }
0x20: {  	[sflag:s8] =	ssyncset.s32 @!p0 $0xFFFFF086;
	s6 =	sadd.s32 @!p0 s3, s7;
	s7 =	simm.s32 @!p0 $0x108  }
0x21: {  	s3 =	sadd.s32 s3, s9;
	s6 =	sadd.s32 @!p0 $0x88, s6;
	s7 =	simm.s32 @p2 $0x1082  }
0x22: {  	[simem:s7], [sflag:s8] =	dma.local @!p0 [hbm:s6], $0xF7A  }
0x23: {  	s9 =	sor.u32 $0xD0000000, s2;
	s6 =	simm.s32 $0x108;
	_ =	swait.ge @!p0 [sflag:s8], $0x0  }
0x24: {  	s3 =	sadd.s32 $0x88, s3;
	s6 =	simm.s32 @!p1 $0x1082;
	[sflag:s4] =	ssyncset.s32 $0xFFFFF086  }
0x25: {  	[simem:s6], [sflag:s4] =	dma.local [hbm:s3], $0xF7A  }
0x26: {  	[smem:$0x3F80] =	sst s1;
	(tag) =	ssettag s2;
	_ =	strace s9  }
0x27: {  	s1 =	sld [smem:$0x3F90]  }
0x28: {  	s2 =	sld [smem:$0x3F91]  }
0x29: {  	s4 =	sld [smem:$0x3F93]  }
0x2a: {  	p0 =	seq.s32 s5, $0x0;
	s5 =	sld [smem:$0x3F94]  }
0x2b: {  	s6 =	sld [smem:$0x3F95]  }
0x2c: {  	s7 =	sld [smem:$0x3F96]  }
0x2d: {  	s3 =	simm.s32 $0x108;
	s8 =	sld [smem:$0x3F97]  }
0x2e: {  	s3 =	simm.s32 @!p0 $0x1082;
	s9 =	sld [smem:$0x3F98]  }
0x2f: {  	lr =	sadd.s32 s0, s3;
	s0 =	sld [smem:$0x3F8F]  }
0x30: {  	s3 =	sld [smem:$0x3F92]  }
0x31: {  	[smem:$0x3F9B] =	sst s10  }
0x32: {  	s10 =	sld [smem:$0x3F99];
	_ =	sdelay $0x3  }
0x33: {  	p0 =	seq.s32 s10, $0x1;
	s10 =	sld [smem:$0x3F9B];
	_ =	sdelay $0x3  }
0x34: {  	[smem:$0x3F9B] =	sst s10  }
0x35: {  	s10 =	sld [smem:$0x3F9A];
	_ =	sdelay $0x3  }
0x36: {  	p1 =	seq.s32 s10, $0x1;
	s10 =	sld [smem:$0x3F9B];
	_ =	sdelay $0x3  }
0x37: {  	[smem:$0x3F9B] =	sst s10  }
0x38: {  	s10 =	sld [smem:$0x3F9C]  }
0x39: {  	_ = 	snop;
	(pc) =	sbr.ind lr, $3  }
0x3a: {  	_ = 	snop  }
0x3b: {  	_ = 	snop  }
0x3c: {  	p2 =	seq.s32 s10, $0x1;
	s10 =	sld [smem:$0x3F9B]  }
0x3d: {  	_ =	shalt  }
0x3e: {  	_ =	shalt  }
0x3f: {  	_ =	shalt  }
0x40: {  	_ =	shalt  }
0x41: {  	_ =	shalt  }
0x42: {  	_ =	shalt  }
0x43: {  	_ =	shalt  }
0x44: {  	_ =	shalt  }
0x45: {  	_ =	shalt  }
0x46: {  	_ =	shalt  }
0x47: {  	_ =	shalt  }
0x48: {  	_ =	shalt  }
0x49: {  	_ =	shalt  }
0x4a: {  	_ =	shalt  }
0x4b: {  	_ =	shalt  }
0x4c: {  	_ =	shalt  }
0x4d: {  	_ =	shalt  }
0x4e: {  	_ =	shalt  }
0x4f: {  	_ =	shalt  }
0x50: {  	_ =	shalt  }
0x51: {  	_ =	shalt  }
0x52: {  	_ =	shalt  }
0x53: {  	_ =	shalt  }
0x54: {  	_ =	shalt  }
0x55: {  	_ =	shalt  }
0x56: {  	_ =	shalt  }
0x57: {  	_ =	shalt  }
0x58: {  	_ =	shalt  }
0x59: {  	_ =	shalt  }
0x5a: {  	_ =	shalt  }
0x5b: {  	_ =	shalt  }
0x5c: {  	_ =	shalt  }
0x5d: {  	_ =	shalt  }
0x5e: {  	_ =	shalt  }
0x5f: {  	_ =	shalt  }
0x60: {  	_ =	shalt  }
0x61: {  	_ =	shalt  }
0x62: {  	_ =	shalt  }
0x63: {  	_ =	shalt  }
0x64: {  	_ =	shalt  }
0x65: {  	_ =	shalt  }
0x66: {  	_ =	shalt  }
0x67: {  	_ =	shalt  }
0x68: {  	_ =	shalt  }
0x69: {  	_ =	shalt  }
0x6a: {  	_ =	shalt  }
0x6b: {  	_ =	shalt  }
0x6c: {  	_ =	shalt  }
0x6d: {  	_ =	shalt  }
0x6e: {  	_ =	shalt  }
0x6f: {  	_ =	shalt  }
0x70: {  	_ =	shalt  }
0x71: {  	_ =	shalt  }
0x72: {  	_ =	shalt  }
0x73: {  	_ =	shalt  }
0x74: {  	_ =	shalt  }
0x75: {  	_ =	shalt  }
0x76: {  	_ =	shalt  }
0x77: {  	_ =	shalt  }
0x78: {  	_ =	shalt  }
0x79: {  	_ =	shalt  }
0x7a: {  	_ =	shalt  }
0x7b: {  	_ =	shalt  }
0x7c: {  	_ =	shalt  }
0x7d: {  	_ =	shalt  }
0x7e: {  	_ =	shalt  }
0x7f: {  	_ =	shalt  }
0x80: {  	_ =	shalt  }
0x81: {  	_ =	shalt  }
0x82: {  	_ =	shalt  }
0x83: {  	_ =	shalt  }
0x84: {  	_ =	shalt  }
0x85: {  	_ =	shalt  }
0x86: {  	_ =	shalt  }
0x87: {  	_ =	shalt  }
.Lfunc_end0:
.L_simem_size_0:
called_computation.3_lowered:
.L_overlay_start_0:
0x88: {  	s2 =	sld [smem:$0x3FD9]  }
0x89: {  	s3 =	sld [smem:$0x3FFE];
	_ =	sdelay $0x1  }
0x8a: {  	s1 =	srdreg.scid  }
0x8b: {  	s0 =	sand.u32 $0x1, s1  }
0x8c: {  	s17 =	sshll.u32 s0, $0xA;
	s2 =	sadd.s32 s3, s2  }
0x8d: {  	s2 =	sadd.s32 s2, s17  }
0x8e: {  	[smem:$0x3FA7] =	sst s2  }
0x8f: {  	_ = 	snop  }
0x90: {  	s2 =	sld [smem:$0x3FD0];
	(tm) =	ssettm $0x1  }
0x91: {  	s18 =	sld [smem:$0x3FFB];
	_ =	sdelay $0x3  }
0x92: {  	_ =	strace s18  }
0x93: {  	s3 =	sld [smem:$0x3FFC];
	_ =	sdelay $0x3  }
0x94: {  	_ =	strace s3  }
0x95: {  	s3 =	sld [smem:$0x3FFD];
	_ =	sdelay $0x3  }
0x96: {  	_ =	strace s3  }
0x97: {  	_ =	strace $0x8FFFFFFF  }
0x98: {  	s19 =	sld [smem:$0x3FDB];
	_ =	sdelay $0x1  }
0x99: {  	s4 =	simm.s32 $_scs_section_size  }
0x9a: {  	s5 =	simm.s32 $_size__tile_overlayer_lowered;
	s6 =	simm.s32 $_tile_overlayer_lowered  }
0x9b: {  	s22 =	simm.s32 $0x1BFF;
	s21 =	sshll.u32 s6, $0x1;
	s3 =	sadd.s32 s4, s19  }
0x9c: {  	s7 =	simm.s32 $0x0;
	s20 =	sshll.u32 s5, $0x1;
	s5 =	sadd.s32 s21, s3  }
0x9d: {  	[timem:s7], [sflag:s22] =	dma.local [hbm:s5], s20  }
0x9e: {  	_ =	swait.ge [sflag:s22], s20  }
0x9f: {  	s4 =	ssub.s32 $0x0, s20;
	[sflag:s22] =	ssyncset.done $0x0  }
0xa0: {  	[sflag:s22] =	ssyncadd.s32 s4;
	_ =	sdelay $0x1  }
0xa1: {  	s23 =	simm.s32 $0x1B8B  }
0xa2: {  	_ =	swait.ge [sflag:s23], $0x1  }
0xa3: {  	[sflag:s23] =	ssyncset.done $0x0  }
0xa4: {  	s25 =	simm.s32 $0x1B8E;
	s24 =	sld [smem:$0x3FFE];
	[sflag:s23] =	ssyncadd.s32 $0xFFFFFFFF  }
0xa5: {  	s26 =	simm.s32 $execute0_lowered;
	[smem:$0x3FD2] =	sst s25  }
0xa6: {  	s5 =	sshll.u32 s26, $0x1;
	_ =	strace $0x8000004F;
	[dreg:$0x1] =	wrdreg $0xFFFFFFFF  }
0xa7: {  	s28 =	simm.s32 $_size_execute0_lowered;
	s3 =	sadd.s32 s3, s5;
	[dreg:$0x0] =	wrdreg $0x0  }
0xa8: {  	s5 =	sshll.u32 s28, $0x1;
	[dreg:$0x2] =	wrdreg s3  }
0xa9: {  	[dreg:$0x3] =	wrdreg s5  }
0xaa: {  	[dreg:$0x4] =	wrdreg $0xC0  }
0xab: {  	_ =	task [dreg:s7], $0x5FFFF  }
0xac: {  	[dreg:$0x1] =	wrdreg $0xFFFFFFFF  }
0xad: {  	[dreg:$0x0] =	wrdreg $0x60  }
0xae: {  	[dreg:$0x2] =	wrdreg s24  }
0xaf: {  	[dreg:$0x3] =	wrdreg s2  }
0xb0: {  	[dreg:$0x4] =	wrdreg $0x60200  }
0xb1: {  	[dreg:$0x5] =	wrdreg $0x88200  }
0xb2: {  	[dreg:$0x6] =	wrdreg $0x9  }
0xb3: {  	_ =	task.clear_ibuf [dreg:s7], $0x7FFFF;
	_ =	strace $0x9000004F  }
0xb4: {  	s29 =	simm.s32 $0x9;
	_ =	strace $0x80000051  }
0xb5: {  	_ =	swait.ge [sflag:s29], $0x1  }
0xb6: {  	[sflag:s29] =	ssyncadd.s32 $0xFFFFFFFF  }
0xb7: {  	_ =	strace $0x90000051  }
0xb8: {  	_ =	sfence  }
0xb9: {  	s30 =	sld [smem:$0x0];
	_ =	sdelay $0x2  }
0xba: {  	s31 =	sshll.u32 s1, $0xD;
	s1 =	sshrl.u32 s1, $0x2  }
0xbb: {  	s3 =	sand.u32 $0x4000, s31;
	s1 =	sadd.s32 s1, s30  }
0xbc: {  	s0 =	sor.u32 s3, s0;
	s1 =	sshll.u32 s1, $0x11  }
0xbd: {  	s0 =	sor.u32 s1, s0  }
0xbe: {  	s0 =	sadd.s32 $0x8F2B, s0  }
0xbf: {  	[sflag:s0] =	ssyncadd.remote.s32 $0x1  }
0xc0: {  	_ =	sfence.sel $0xFFFF  }
0xc1: {  	[dreg:$0x0] =	wrdreg $0xFFFFFFFF;
	(pc) =	sbr.abs _section_cstart, $3  }
0xc2: {  	[dreg:$0x1] =	wrdreg $0xFFFFFFFF  }
0xc3: {  	_ =	task.clear_ibuf [dreg:s7], $0x2FFFF;
	_ =	strace $0x9FFFFFFF  }
0xc4: {  	(tm) =	ssettm $0x7FFFFFFF  }
0xc5: {  	_ =	shalt  }
tec
execute0_lowered:
.L_overlay_start_1:
0x0: {  	(tag) =	ssettag $0x1  }
0x1: {  	s0 =	rddreg [dreg:$0x0]  }
0x2: {  	s1 =	rddreg [dreg:$0x1]  }
0x3: {  	s2 =	rddreg [dreg:$0x2]  }
0x4: {  	s3 =	rddreg [dreg:$0x3];
	s5 =	srdreg.scid  }
0x5: {  	s13 =	stileid.u32;
	s4 =	simm.s32 $0x0;
	s28 =	simm.s32 $0x1  }
0x6: {  	s29 =	simm.s32 $0x50;
	s30 =	simm.s32 $0x3;
	s6 =	smul.u32 $0x2800, s13  }
0x7: {  	s31 =	simm.s32 $0x4;
	s5 =	sand.u32 $0x1, s5;
	s21 =	smul.u32 $0x4E20, s13  }
0x8: {  	[smem:$0x7FF] =	sst s4;
	s7 =	sshll.u32 s13, $0x1;
	s8 =	smul.u32 $0x28000, s5  }
0x9: {  	s7 =	sor.u32 s5, s7;
	s10 =	ssub.s32 $0x2, s5;
	s5 =	smul.u32 $0x2710, s5  }
0xa: {  	s20 =	sadd.s32 $0x39600, s0;
	_ =	strace $0x80000050;
	s9 =	smul.u32 $0x4E2, s7  }
0xb: {  	s11 =	sshrl.u32 s10, $0x1;
	s7 =	smul.u32 $0x4E20, s7;
	s22 =	sadd.s32 $0x800, s6  }
0xc: {  	s23 =	sadd.s32 $0x1000, s6;
	s25 =	sadd.s32 $0x1800, s6;
	s26 =	sadd.s32 $0x2000, s6  }
0xd: {  	s8 =	sadd.s32 s6, s8;
	s12 =	ssub.s32 s10, s11;
	s11 =	sadd.s32 s6, s3  }
0xe: {  	s24 =	sadd.s32 s22, s2;
	s14 =	sadd.s32 s22, s3;
	s15 =	sadd.s32 s23, s2  }
0xf: {  	s16 =	sadd.s32 s23, s3;
	s17 =	sadd.s32 s25, s2;
	s23 =	simm.s32 $0x5820  }
0x10: {  	s8 =	sshrl.u32 s8, $0x3;
	s7 =	sadd.s32 s20, s7;
	[dreg:$0xb] =	wrdreg s24  }
0x11: {  	s9 =	sadd.s32 s9, s0;
	s19 =	smax.u32 s12, $0x1;
	[dreg:$0x7] =	wrdreg s7  }
0x12: {  	s24 =	simm.s32 $0x5;
	s18 =	sadd.s32 $0x25A00, s9;
	[dreg:$0xa] =	wrdreg s19  }
0x13: {  	s0 =	sadd.s32 s8, s0;
	s9 =	sadd.s32 $0x2F800, s9;
	[dreg:$0x5] =	wrdreg s18  }
0x14: {  	s1 =	sadd.s32 s1, s8;
	s19 =	sadd.s32 s26, s2;
	[dreg:$0x6] =	wrdreg s9  }
0x15: {  	[dreg:$0x8] =	wrdreg s1;
	s9 =	sadd.s32 s6, s2;
	s0 =	sadd.s32 $0x9A00, s0  }
0x16: {  	s18 =	sadd.s32 s25, s3;
	[dreg:$0x9] =	wrdreg s0;
	s0 =	sadd.s32 s5, s21  }
0x17: {  	s25 =	simm.s32 $0x4E20;
	s1 =	simm.s32 $0x0;
	s0 =	sshll.u32 s0, $0x1  }
0x18: {  	s0 =	sadd.s32 s20, s0;
	s20 =	sadd.s32 s26, s3;
	s26 =	simm.s32 $0x5320  }
0x19: {  	v0 =	vimm.f32 $0.0e+00;
	s21 =	sadd.s32 $0x140, s0;
	s22 =	sadd.s32 $0xA0, s0;
	s0 =	simm.s32 $0x2  }
.LBB2_1:
0x1a: {  	s5 =	simm.s32 $0x40;
	s6 =	simm.s32 $0x0  }
.LBB2_2:
0x1b: {  	p0 =	sne.s32 s5, $0x1FC0;
	[tilespmem:s6+$0x5820] =	vst v0;
	s6 =	smov.u32 s5;
	s5 =	sadd.s32 $0x40, s5  }
.Ltmp0:
0x1c: {  	(pc) =	sbr.rel @p0 .LBB2_2-.Ltmp0, $2  }
0x1d: {  	_ =	sdelay $0x2  }
0x1e: {  	s6 =	sshra.s32 s6, $0x2  }
0x1f: {  	[tilespmem:s6+$0x5820] =	vst v0  }
0x20: {  	[spmem:s9] =	stream.linear.scatter [tilespmem:s23], [sflag:$0x5], $0x800, $0x38;
	[tilespmem:$0xB020] =	vst v63  }
0x21: {  	_ =	swait.ge [sflag:s24], $0x800  }
0x22: {  	[sflag:s24] =	ssyncset.done $0x0  }
0x23: {  	[sflag:s24] =	ssyncadd.s32 $0xFFFFF800  }
0x24: {  	[spmem:s11] =	stream.linear.scatter [tilespmem:s23], [sflag:$0x5], $0x800, $0x38;
	[tilespmem:$0xB020] =	vst v63  }
0x25: {  	_ =	swait.ge [sflag:s24], $0x800  }
0x26: {  	[sflag:s24] =	ssyncset.done $0x0  }
0x27: {  	s5 =	rddreg [dreg:$0xb];
	[sflag:s24] =	ssyncadd.s32 $0xFFFFF800  }
0x28: {  	[spmem:s5] =	stream.linear.scatter [tilespmem:s23], [sflag:$0x5], $0x800, $0x38;
	[tilespmem:$0xB020] =	vst v63  }
0x29: {  	_ =	swait.ge [sflag:s24], $0x800  }
0x2a: {  	[sflag:s24] =	ssyncset.done $0x0  }
0x2b: {  	[sflag:s24] =	ssyncadd.s32 $0xFFFFF800  }
0x2c: {  	[spmem:s14] =	stream.linear.scatter [tilespmem:s23], [sflag:$0x5], $0x800, $0x38;
	[tilespmem:$0xB020] =	vst v63  }
0x2d: {  	_ =	swait.ge [sflag:s24], $0x800  }
0x2e: {  	[sflag:s24] =	ssyncset.done $0x0  }
0x2f: {  	[sflag:s24] =	ssyncadd.s32 $0xFFFFF800  }
0x30: {  	[spmem:s15] =	stream.linear.scatter [tilespmem:s23], [sflag:$0x5], $0x800, $0x38;
	[tilespmem:$0xB020] =	vst v63  }
0x31: {  	_ =	swait.ge [sflag:s24], $0x800  }
0x32: {  	[sflag:s24] =	ssyncset.done $0x0  }
0x33: {  	[sflag:s24] =	ssyncadd.s32 $0xFFFFF800  }
0x34: {  	[spmem:s16] =	stream.linear.scatter [tilespmem:s23], [sflag:$0x5], $0x800, $0x38;
	[tilespmem:$0xB020] =	vst v63  }
0x35: {  	_ =	swait.ge [sflag:s24], $0x800  }
0x36: {  	[sflag:s24] =	ssyncset.done $0x0  }
0x37: {  	[sflag:s24] =	ssyncadd.s32 $0xFFFFF800  }
0x38: {  	[spmem:s17] =	stream.linear.scatter [tilespmem:s23], [sflag:$0x5], $0x800, $0x38;
	[tilespmem:$0xB020] =	vst v63  }
0x39: {  	_ =	swait.ge [sflag:s24], $0x800  }
0x3a: {  	[sflag:s24] =	ssyncset.done $0x0  }
0x3b: {  	[sflag:s24] =	ssyncadd.s32 $0xFFFFF800  }
0x3c: {  	[spmem:s18] =	stream.linear.scatter [tilespmem:s23], [sflag:$0x5], $0x800, $0x38;
	[tilespmem:$0xB020] =	vst v63  }
0x3d: {  	_ =	swait.ge [sflag:s24], $0x800  }
0x3e: {  	[sflag:s24] =	ssyncset.done $0x0  }
0x3f: {  	[sflag:s24] =	ssyncadd.s32 $0xFFFFF800  }
0x40: {  	[spmem:s19] =	stream.linear.scatter [tilespmem:s23], [sflag:$0x5], $0x800, $0x38;
	[tilespmem:$0xB020] =	vst v63  }
0x41: {  	_ =	swait.ge [sflag:s24], $0x800  }
0x42: {  	[sflag:s24] =	ssyncset.done $0x0  }
0x43: {  	[sflag:s24] =	ssyncadd.s32 $0xFFFFF800  }
0x44: {  	[spmem:s20] =	stream.linear.scatter [tilespmem:s23], [sflag:$0x5], $0x800, $0x38;
	[tilespmem:$0xB020] =	vst v63  }
0x45: {  	_ =	swait.ge [sflag:s24], $0x800  }
0x46: {  	[sflag:s24] =	ssyncset.done $0x0  }
0x47: {  	s5 =	simm.s32 $0x0;
	s10 =	rddreg [dreg:$0x5];
	[sflag:s24] =	ssyncadd.s32 $0xFFFFF800  }
0x48: {  	[tilespmem:s5], [sflag:$0x5] =	stream.linear.gather [hbm4b:s10+s5], $0x2710, $0x38;
	[tilespmem:$0xB020] =	vst v63  }
0x49: {  	_ =	swait.ge [sflag:s24], $0x2710  }
0x4a: {  	[sflag:s24] =	ssyncset.done $0x0  }
0x4b: {  	s12 =	simm.s32 $0x2710;
	s7 =	rddreg [dreg:$0x6];
	[sflag:s24] =	ssyncadd.s32 $0xFFFFD8F0  }
0x4c: {  	[tilespmem:s12], [sflag:$0x5] =	stream.linear.gather [hbm4b:s7+s5], $0x2710, $0x38;
	[tilespmem:$0xB020] =	vst v63  }
0x4d: {  	_ =	swait.ge [sflag:s24], $0x2710  }
0x4e: {  	[sflag:s24] =	ssyncset.done $0x0  }
0x4f: {  	[sflag:s24] =	ssyncadd.s32 $0xFFFFD8F0  }
0x50: {  	[bflag:$0x0] =	sbarrier.arrive $0xFFFF  }
0x51: {  	s13 =	rddreg [dreg:$0x7]  }
0x52: {  	[tilespmem:s25], [sflag:$0x1] =	stream.linear.gather [hbm4b:s13+s5], $0x500, $0x38;
	[tilespmem:$0xB020] =	vst v63  }
0x53: {  	s8 =	sadd.s32 $0x0, s22  }
0x54: {  	[tilespmem:s26], [sflag:$0x2] =	stream.linear.gather [hbm4b:s8+s4], $0x500, $0x38;
	[tilespmem:$0xB020] =	vst v63  }
0x55: {  	_ =	swait.ge [sflag:s28], $0x500  }
0x56: {  	[sflag:s28] =	ssyncset.done $0x0  }
0x57: {  	[sflag:s28] =	ssyncadd.s32 $0xFFFFFB00  }
0x58: {  	[spmem:s2] =	stream.indirect.scatter.add.f32 [tilespmem:s25], [sflag:$0x3], $0x10, s5, s29, $0xb8;
	[tilespmem:$0xB020] =	vst v63  }
0x59: {  	_ = 	snop  }
0x5a: {  	[spmem:s3] =	stream.indirect.scatter.add.f32 [tilespmem:s25], [sflag:$0x4], $0x10, s12, s29, $0xb8;
	[tilespmem:$0xB020] =	vst v63  }
0x5b: {  	_ =	swait.ge [sflag:s30], $0x500  }
0x5c: {  	[sflag:s30] =	ssyncset.done $0x0  }
0x5d: {  	[sflag:s30] =	ssyncadd.s32 $0xFFFFFB00  }
0x5e: {  	_ =	swait.ge [sflag:s31], $0x500  }
0x5f: {  	[sflag:s31] =	ssyncset.done $0x0  }
0x60: {  	s10 =	sadd.s32 $0x0, s21;
	[sflag:s31] =	ssyncadd.s32 $0xFFFFFB00  }
0x61: {  	[tilespmem:s25], [sflag:$0x1] =	stream.linear.gather [hbm4b:s10+s4], $0x500, $0x38;
	[tilespmem:$0xB020] =	vst v63  }
0x62: {  	_ =	swait.ge [sflag:s0], $0x500  }
0x63: {  	[sflag:s0] =	ssyncset.done $0x0  }
0x64: {  	s12 =	simm.s32 $0x50;
	[sflag:s0] =	ssyncadd.s32 $0xFFFFFB00  }
0x65: {  	[spmem:s2] =	stream.indirect.scatter.add.f32 [tilespmem:s26], [sflag:$0x3], $0x10, s12, s29, $0xb8;
	[tilespmem:$0xB020] =	vst v63  }
0x66: {  	s13 =	simm.s32 $0x2760  }
0x67: {  	[spmem:s3] =	stream.indirect.scatter.add.f32 [tilespmem:s26], [sflag:$0x4], $0x10, s13, s29, $0xb8;
	[tilespmem:$0xB020] =	vst v63  }
0x68: {  	_ =	swait.ge [sflag:s30], $0x500  }
0x69: {  	[sflag:s30] =	ssyncset.done $0x0  }
0x6a: {  	[sflag:s30] =	ssyncadd.s32 $0xFFFFFB00  }
0x6b: {  	s6 =	simm.s32 $0xA0;
	s7 =	simm.s32 $0x140;
	_ =	swait.ge [sflag:s31], $0x500  }
0x6c: {  	s8 =	simm.s32 $0x280;
	s5 =	simm.s32 $0x27B0;
	[sflag:s31] =	ssyncset.done $0x0  }
.LBB2_4:
0x6d: {  	s10 =	sadd.s32 s7, s22  }
0x6e: {  	[sflag:s31] =	ssyncadd.s32 $0xFFFFFB00;
	s12 =	smov.u32 s8;
	s13 =	sadd.s32 $0x140, s8  }
0x6f: {  	[tilespmem:s26], [sflag:$0x2] =	stream.linear.gather [hbm4b:s10+s4], $0x500, $0x38;
	[tilespmem:$0xB020] =	vst v63  }
0x70: {  	p0 =	sne.s32 s8, $0x4C40;
	_ =	swait.ge [sflag:s28], $0x500  }
0x71: {  	[sflag:s28] =	ssyncset.done $0x0  }
0x72: {  	[sflag:s28] =	ssyncadd.s32 $0xFFFFFB00  }
0x73: {  	[spmem:s2] =	stream.indirect.scatter.add.f32 [tilespmem:s25], [sflag:$0x3], $0x10, s6, s29, $0xb8;
	[tilespmem:$0xB020] =	vst v63  }
0x74: {  	_ = 	snop  }
0x75: {  	[spmem:s3] =	stream.indirect.scatter.add.f32 [tilespmem:s25], [sflag:$0x4], $0x10, s5, s29, $0xb8;
	[tilespmem:$0xB020] =	vst v63  }
0x76: {  	_ =	swait.ge [sflag:s30], $0x500  }
0x77: {  	[sflag:s30] =	ssyncset.done $0x0  }
0x78: {  	[sflag:s30] =	ssyncadd.s32 $0xFFFFFB00  }
0x79: {  	_ =	swait.ge [sflag:s31], $0x500  }
0x7a: {  	[sflag:s31] =	ssyncset.done $0x0  }
0x7b: {  	s8 =	sadd.s32 s7, s21;
	s7 =	smov.u32 s12;
	[sflag:s31] =	ssyncadd.s32 $0xFFFFFB00  }
0x7c: {  	[tilespmem:s25], [sflag:$0x1] =	stream.linear.gather [hbm4b:s8+s4], $0x500, $0x38;
	[tilespmem:$0xB020] =	vst v63  }
0x7d: {  	_ =	swait.ge [sflag:s0], $0x500  }
0x7e: {  	[sflag:s0] =	ssyncset.done $0x0  }
0x7f: {  	s8 =	sadd.s32 $0x50, s6;
	[sflag:s0] =	ssyncadd.s32 $0xFFFFFB00  }
0x80: {  	[spmem:s2] =	stream.indirect.scatter.add.f32 [tilespmem:s26], [sflag:$0x3], $0x10, s8, s29, $0xb8;
	[tilespmem:$0xB020] =	vst v63  }
0x81: {  	s8 =	sadd.s32 $0x50, s5  }
0x82: {  	[spmem:s3] =	stream.indirect.scatter.add.f32 [tilespmem:s26], [sflag:$0x4], $0x10, s8, s29, $0xb8;
	[tilespmem:$0xB020] =	vst v63  }
.Ltmp1:
0x83: {  	_ =	swait.ge [sflag:s30], $0x500;
	(pc) =	sbr.rel @p0 .LBB2_4-.Ltmp1, $4  }
0x84: {  	[sflag:s30] =	ssyncset.done $0x0  }
0x85: {  	[sflag:s30] =	ssyncadd.s32 $0xFFFFFB00  }
0x86: {  	s6 =	sadd.s32 $0xA0, s6;
	_ =	swait.ge [sflag:s31], $0x500  }
0x87: {  	s5 =	sadd.s32 $0xA0, s5;
	s8 =	smov.u32 s13;
	[sflag:s31] =	ssyncset.done $0x0  }
0x88: {  	s8 =	sadd.s32 s7, s22;
	[sflag:s31] =	ssyncadd.s32 $0xFFFFFB00  }
0x89: {  	[tilespmem:s26], [sflag:$0x2] =	stream.linear.gather [hbm4b:s8+s4], $0x500, $0x38;
	[tilespmem:$0xB020] =	vst v63  }
0x8a: {  	_ =	swait.ge [sflag:s28], $0x500  }
0x8b: {  	[sflag:s28] =	ssyncset.done $0x0  }
0x8c: {  	[sflag:s28] =	ssyncadd.s32 $0xFFFFFB00  }
0x8d: {  	[spmem:s2] =	stream.indirect.scatter.add.f32 [tilespmem:s25], [sflag:$0x3], $0x10, s6, s29, $0xb8;
	[tilespmem:$0xB020] =	vst v63  }
0x8e: {  	_ = 	snop  }
0x8f: {  	[spmem:s3] =	stream.indirect.scatter.add.f32 [tilespmem:s25], [sflag:$0x4], $0x10, s5, s29, $0xb8;
	[tilespmem:$0xB020] =	vst v63  }
0x90: {  	_ =	swait.ge [sflag:s30], $0x500  }
0x91: {  	[sflag:s30] =	ssyncset.done $0x0  }
0x92: {  	[sflag:s30] =	ssyncadd.s32 $0xFFFFFB00  }
0x93: {  	_ =	swait.ge [sflag:s31], $0x500  }
0x94: {  	[sflag:s31] =	ssyncset.done $0x0  }
0x95: {  	s13 =	sadd.s32 s7, s21;
	[sflag:s31] =	ssyncadd.s32 $0xFFFFFB00  }
0x96: {  	[tilespmem:s25], [sflag:$0x1] =	stream.linear.gather [hbm4b:s13+s4], $0x500, $0x38;
	[tilespmem:$0xB020] =	vst v63  }
0x97: {  	_ =	swait.ge [sflag:s0], $0x500  }
0x98: {  	[sflag:s0] =	ssyncset.done $0x0  }
0x99: {  	s8 =	sadd.s32 $0x50, s6;
	[sflag:s0] =	ssyncadd.s32 $0xFFFFFB00  }
0x9a: {  	[spmem:s2] =	stream.indirect.scatter.add.f32 [tilespmem:s26], [sflag:$0x3], $0x10, s8, s29, $0xb8;
	[tilespmem:$0xB020] =	vst v63  }
0x9b: {  	s10 =	sadd.s32 $0x50, s5  }
0x9c: {  	[spmem:s3] =	stream.indirect.scatter.add.f32 [tilespmem:s26], [sflag:$0x4], $0x10, s10, s29, $0xb8;
	[tilespmem:$0xB020] =	vst v63  }
0x9d: {  	_ =	swait.ge [sflag:s30], $0x500  }
0x9e: {  	[sflag:s30] =	ssyncset.done $0x0  }
0x9f: {  	[sflag:s30] =	ssyncadd.s32 $0xFFFFFB00  }
0xa0: {  	_ =	swait.ge [sflag:s31], $0x500  }
0xa1: {  	[sflag:s31] =	ssyncset.done $0x0  }
0xa2: {  	[sflag:s31] =	ssyncadd.s32 $0xFFFFFB00  }
0xa3: {  	_ =	swait.ge [sflag:s28], $0x500  }
0xa4: {  	[sflag:s28] =	ssyncset.done $0x0  }
0xa5: {  	s12 =	simm.s32 $0x26C0;
	[sflag:s28] =	ssyncadd.s32 $0xFFFFFB00  }
0xa6: {  	[spmem:s2] =	stream.indirect.scatter.add.f32 [tilespmem:s25], [sflag:$0x3], $0x10, s12, s29, $0xb8;
	[tilespmem:$0xB020] =	vst v63  }
0xa7: {  	s13 =	simm.s32 $0x4DD0  }
0xa8: {  	[spmem:s3] =	stream.indirect.scatter.add.f32 [tilespmem:s25], [sflag:$0x4], $0x10, s13, s29, $0xb8;
	[tilespmem:$0xB020] =	vst v63  }
0xa9: {  	_ =	swait.ge [sflag:s30], $0x500  }
0xaa: {  	[sflag:s30] =	ssyncset.done $0x0  }
0xab: {  	[sflag:s30] =	ssyncadd.s32 $0xFFFFFB00  }
0xac: {  	_ =	swait.ge [sflag:s31], $0x500  }
0xad: {  	[sflag:s31] =	ssyncset.done $0x0  }
0xae: {  	s6 =	stileid.u32;
	[sflag:s31] =	ssyncadd.s32 $0xFFFFFB00  }
0xaf: {  	s5 =	sshll.u32 s6, $0x6;
	[bflag:$0x0] =	sbarrier.arrive $0xFFFF  }
0xb0: {  	s7 =	sshrl.u32 s9, $0x3;
	s5 =	sor.u32 $0x1C05, s5;
	s8 =	rddreg [dreg:$0x8]  }
0xb1: {  	[hbm:s8], [sflag:s5] =	dma.local [spmem:s7], $0x500  }
0xb2: {  	_ =	swait.ge [sflag:s24], $0x500  }
0xb3: {  	[sflag:s24] =	ssyncset.done $0x0  }
0xb4: {  	s10 =	sshrl.u32 s11, $0x3;
	s12 =	rddreg [dreg:$0x9];
	[sflag:s24] =	ssyncadd.s32 $0xFFFFFB00  }
0xb5: {  	[hbm:s12], [sflag:s5] =	dma.local [spmem:s10], $0x500  }
0xb6: {  	_ =	swait.ge [sflag:s24], $0x500  }
0xb7: {  	s1 =	sadd.s32 $0x1, s1;
	s13 =	rddreg [dreg:$0xa]  }
0xb8: {  	p0 =	sne.s32 s1, s13  }
.Ltmp2:
0xb9: {  	_ = 	snop;
	(pc) =	sbr.rel @p0 .LBB2_1-.Ltmp2, $3  }
0xba: {  	_ =	sdelay $0x1  }
0xbb: {  	[sflag:s24] =	ssyncset.done $0x0  }
0xbc: {  	[sflag:s24] =	ssyncadd.s32 $0xFFFFFB00  }
0xbd: {  	_ =	sfence.sel $0x180000  }
0xbe: {  	[bflag:$0x0] =	sbarrier.arrive $0xFFFF  }
0xbf: {  	_ =	strace $0x90000050  }
0xc0: {  	s0 =	stileid.u32;
	[bflag:$0x2] =	sbarrier.arrive $0xFFFF  }
0xc1: {  	p0 =	sne.s32 s0, $0x0;
	s0 =	rddreg [dreg:$0x4]  }
0xc2: {  	s0 =	sadd.s32 @!p0 $0x100000, s0  }
0xc3: {  	[sflag:s0] =	ssyncadd.tile.s32 @!p0 $0x1;
	_ =	shalt  }
.Lfunc_end2:
_tile_overlayer_lowered:
.L_overlay_start_2:
0xc4: {  	(tag) =	ssettag $0x2  }
0xc5: {  	s0 =	rddreg [dreg:$0x0];
	s2 =	stileid.u32  }
0xc6: {  	s1 =	rddreg [dreg:$0x1];
	p0 =	sne.s32 s2, $0x0  }
0xc7: {  	s3 =	rddreg [dreg:$0x2];
	[bflag:$0x3] =	sbarrier.arrive $0xFFFF;
	s2 =	simm.s32 @!p0 $0x1C05  }
0xc8: {  	[timem:s3], [sflag:s2] =	dma.local @!p0 [hbm:s0], s1  }
0xc9: {  	s0 =	simm.s32 @!p0 $0x5  }
0xca: {  	_ =	swait.ge @!p0 [sflag:s0], s1  }
0xcb: {  	s1 =	ssub.s32 @!p0 $0x0, s1;
	[sflag:s0] =	ssyncset.done @!p0 $0x0  }
0xcc: {  	[sflag:s0] =	ssyncadd.s32 @!p0 s1  }
0xcd: {  	[bflag:$0x3] =	sbarrier.arrive $0xFFFF  }
0xce: {  	_ =	shalt  }

</sc_bundles>
